<compile_context>
chip_gen: v7x
topology: tpu7x:2x2x1
jax: 0.10.2.dev20260603
libtpu: 0.0.44.dev20260713+nightly
codegen_flags: <defaults>
</compile_context>

<pallas_src>
import functools

import jax
import jax.numpy as jnp
from jax import lax
from jax.experimental import pallas as pl
from jax.experimental.pallas import tpu as pltpu
from jax.experimental.pallas import tpu_sc as plsc

_N = 10000
_D = 128
_E = 320000
_G = 64
_NC = 2
_NS = 16
_NW = _NC * _NS
_DH = _D // _NC
_EPT = _E // _NS
_CH = 128
_EIT = 160
_EPP = _EIT * _CH
_NBF = 4
_NGR = _EIT // _NBF
_NPAR = 3
_NTR = 16
_RCH = 100
_NRC = _N // _RCH
_RIT = -(-_NRC // _NS)

_BR = 1000
_NB = _N // _BR
_EPS = 1e-5


def _sc_agg(zt, src, dst):
    mesh = plsc.VectorSubcoreMesh(core_axis_name="c", subcore_axis_name="s",
                                  num_cores=_NC, num_subcores=_NS)

    @functools.partial(
        pl.kernel, mesh=mesh,
        compiler_params=pltpu.CompilerParams(use_tc_tiling_on_sc=False),
        out_type=jax.ShapeDtypeStruct((_NC * _N, _DH), jnp.float32),
        scratch_types=[
            pltpu.VMEM((_NPAR, _NBF * _CH), jnp.int32),
            pltpu.VMEM((_NPAR, _NBF, _CH), jnp.int32),
            pltpu.VMEM((_NBF, _CH, _DH), jnp.float32),
            pltpu.VMEM((_RCH, _DH), jnp.float32),
            pltpu.VMEM_SHARED((_N + _NTR, _DH), jnp.float32),
            pltpu.VMEM_SHARED((_N, _DH), jnp.float32),
            pltpu.SemaphoreType.DMA((_NPAR,)),
            pltpu.SemaphoreType.DMA((_NBF,)),
            pltpu.SemaphoreType.DMA((_NBF,)),
        ],
    )
    def k(zt_hbm, src_hbm, dst_hbm, out_hbm, sidx, didx, rows_v,
          buf_v, agg_sh, z_sh, isem, gsem, ssem):
        c = lax.axis_index("c")
        s = lax.axis_index("s")
        zc = zt_hbm.at[c]

        def issue_idx(g, par):
            off = g * _NBF * _CH
            pltpu.async_copy(src_hbm.at[pl.ds(s * _EPP + off, _NBF * _CH)],
                             sidx.at[par], isem.at[par])
            pltpu.async_copy(dst_hbm.at[pl.ds(s * _EIT + g * _NBF, _NBF)],
                             didx.at[par], isem.at[par])

        def wait_idx(par):
            pltpu.make_async_copy(src_hbm.at[pl.ds(0, _NBF * _CH)],
                                  sidx.at[par], isem.at[par]).wait()
            pltpu.make_async_copy(dst_hbm.at[pl.ds(0, _NBF)],
                                  didx.at[par], isem.at[par]).wait()

        def ibody(i, carry):
            idx = s + _NS * i

            @pl.when(idx < _NRC)
            def _():
                r0 = idx * _RCH
                pltpu.sync_copy(zc.at[pl.ds(r0, _RCH)], buf_v)
                pltpu.sync_copy(buf_v, agg_sh.at[pl.ds(r0, _RCH)])
                pltpu.sync_copy(buf_v, z_sh.at[pl.ds(r0, _RCH)])
            return carry
        lax.fori_loop(0, _RIT, ibody, 0)
        plsc.subcore_barrier()

        def issue_gather(par, slot, b):
            pltpu.async_copy(
                z_sh.at[sidx.at[par].at[pl.ds(slot * _CH, _CH)]],
                rows_v.at[b], gsem.at[b])

        def wait_gather(b):
            pltpu.make_async_copy(z_sh.at[sidx.at[0].at[pl.ds(0, _CH)]],
                                  rows_v.at[b], gsem.at[b]).wait()

        def issue_scatter(par, slot, b):
            pltpu.async_copy(rows_v.at[b], agg_sh.at[didx.at[par].at[slot]],
                             ssem.at[b], add=True)

        def wait_scatter(b):
            pltpu.make_async_copy(rows_v.at[b], agg_sh.at[didx.at[0].at[0]],
                                  ssem.at[b]).wait()

        issue_idx(0, 0)
        issue_idx(1, 1)
        issue_idx(2, 2)
        wait_idx(0)
        for b in range(_NBF):
            issue_gather(0, b, b)
        wait_gather(0)
        issue_scatter(0, 0, 0)
        wait_idx(1)
        for b in range(1, _NBF):
            wait_gather(b)
            issue_scatter(0, b, b)
            wait_scatter(b - 1)
            issue_gather(1, b - 1, b - 1)

        def ebody(g, carry):
            par = g % _NPAR
            parn = (g + 1) % _NPAR

            wait_gather(0)
            issue_scatter(par, 0, 0)
            wait_scatter(_NBF - 1)
            issue_gather(par, _NBF - 1, _NBF - 1)

            @pl.when(g < _NGR - 2)
            def _():
                issue_idx(g + 2, (g + 2) % _NPAR)

            @pl.when(g < _NGR - 1)
            def _():
                wait_idx(parn)

            for b in range(1, _NBF):
                wait_gather(b)
                issue_scatter(par, b, b)
                wait_scatter(b - 1)
                issue_gather(parn, b - 1, b - 1)
            return carry
        lax.fori_loop(1, _NGR - 1, ebody, 0)

        parl = (_NGR - 1) % _NPAR
        wait_gather(0)
        issue_scatter(parl, 0, 0)
        wait_scatter(_NBF - 1)
        issue_gather(parl, _NBF - 1, _NBF - 1)
        for b in range(1, _NBF):
            wait_gather(b)
            issue_scatter(parl, b, b)
        for b in range(_NBF):
            wait_scatter(b)
        plsc.subcore_barrier()

        def obody(i, carry):
            idx = s + _NS * i

            @pl.when(idx < _NRC)
            def _():
                r0 = idx * _RCH
                pltpu.sync_copy(agg_sh.at[pl.ds(r0, _RCH)], buf_v)
                pltpu.sync_copy(buf_v, out_hbm.at[pl.ds(c * _N + r0, _RCH)])
            return carry
        lax.fori_loop(0, _RIT, obody, 0)

    return k(zt, src, dst).reshape(_NC, _N, _DH)


def _dot(a, b):
    return lax.dot_general(a, b, (((1,), (1,)), ((), ())),
                           preferred_element_type=jnp.float32)


def _bn_coeffs(st, g_ref, be_ref):
    mu = st[0:1, :] * (1.0 / _N)
    var = st[1:2, :] * (1.0 / _N) - mu * mu
    inv = lax.rsqrt(var + _EPS)
    scale = g_ref[...] * inv
    shift = be_ref[...] - mu * scale
    return scale, shift


def _stats(x):
    return jnp.concatenate([jnp.sum(x, axis=0, keepdims=True),
                            jnp.sum(x * x, axis=0, keepdims=True)], axis=0)


def _layer_body(p_ref, w1_ref, b1_ref, g1_ref, be1_ref, w2_ref, b2_ref,
                go_ref, bo_ref, batch_ref, z_ref, zt_ref, gp_ref,
                h_scr, t_scr, st1, st2):
    ph = pl.program_id(0)
    i = pl.program_id(1)
    rows = pl.ds(i * _BR, _BR)

    @pl.when(jnp.logical_and(ph == 0, i == 0))
    def _():
        st1[...] = jnp.zeros_like(st1)
        st2[...] = jnp.zeros_like(st2)
        gp_ref[...] = jnp.zeros_like(gp_ref)

    @pl.when(ph == 0)
    def _():
        a = jnp.concatenate([p_ref[0], p_ref[1]], axis=1)
        h = _dot(a, w1_ref[...]) + b1_ref[...]
        h_scr[rows, :] = h
        st1[...] += _stats(h)

    @pl.when(ph == 1)
    def _():
        scale, shift = _bn_coeffs(st1[...], g1_ref, be1_ref)
        hn = jnp.maximum(h_scr[rows, :] * scale + shift, 0.0)
        t = jnp.maximum(_dot(hn, w2_ref[...]) + b2_ref[...], 0.0)
        t_scr[rows, :] = t
        st2[...] += _stats(t)

    @pl.when(ph == 2)
    def _():
        scale, shift = _bn_coeffs(st2[...], go_ref, bo_ref)
        z = t_scr[rows, :] * scale + shift
        z_ref[...] = z
        zt_ref[0] = z[:, :_DH]
        zt_ref[1] = z[:, _DH:]
        b = batch_ref[0]
        onehot = (lax.broadcasted_iota(jnp.int32, (_G, _BR), 0) == b
                  ).astype(jnp.float32)
        gp_ref[...] += lax.dot_general(onehot, z, (((1,), (0,)), ((), ())),
                                       preferred_element_type=jnp.float32)


def _layer(p, w1, b1, g1, be1, w2, b2, go, bo, batch3):
    cparam = pl.BlockSpec((1, _D), lambda ph, i: (0, 0))
    return pl.pallas_call(
        _layer_body,
        grid=(3, _NB),
        in_specs=[
            pl.BlockSpec((_NC, _BR, _DH),
                         lambda ph, i: (0, i * (ph == 0), 0)),
            pl.BlockSpec((_D, _D), lambda ph, i: (0, 0)),
            cparam, cparam, cparam,
            pl.BlockSpec((_D, _D), lambda ph, i: (0, 0)),
            cparam, cparam, cparam,
            pl.BlockSpec((1, 1, _BR), lambda ph, i: (i * (ph == 2), 0, 0)),
        ],
        out_specs=[
            pl.BlockSpec((_BR, _D), lambda ph, i: (i * (ph == 2), 0)),
            pl.BlockSpec((_NC, _BR, _DH),
                         lambda ph, i: (0, i * (ph == 2), 0)),
            pl.BlockSpec((_G, _D), lambda ph, i: (0, 0)),
        ],
        out_shape=[
            jax.ShapeDtypeStruct((_N, _D), jnp.float32),
            jax.ShapeDtypeStruct((_NC, _N, _DH), jnp.float32),
            jax.ShapeDtypeStruct((_G, _D), jnp.float32),
        ],
        scratch_shapes=[
            pltpu.VMEM((_N, _D), jnp.float32),
            pltpu.VMEM((_N, _D), jnp.float32),
            pltpu.VMEM((2, _D), jnp.float32),
            pltpu.VMEM((2, _D), jnp.float32),
        ],
    )(p, w1, b1, g1, be1, w2, b2, go, bo, batch3)


def kernel(x, edge_index, batch,
           W1_0, b1_0, g1_0, be1_0, W2_0, b2_0, go_0, bo_0,
           W1_1, b1_1, g1_1, be1_1, W2_1, b2_1, go_1, bo_1):
    pad = _EPP - _EPT
    src = jnp.pad(edge_index[0].reshape(_NS, _EPT),
                  ((0, 0), (0, pad))).reshape(_NS * _EPP)
    dst = jnp.pad(edge_index[1].reshape(_NS, _EPT), ((0, 0), (0, pad)),
                  constant_values=_N).reshape(_NS * _EIT, _CH)
    batch3 = batch.reshape(_NB, 1, _BR)
    params = [(W1_0, b1_0, g1_0, be1_0, W2_0, b2_0, go_0, bo_0),
              (W1_1, b1_1, g1_1, be1_1, W2_1, b2_1, go_1, bo_1)]

    zt = jnp.moveaxis(x.reshape(_N, _NC, _DH), 1, 0)
    zs, gs = [], []
    for (W1, b1, g1, be1, W2, b2, go, bo) in params:
        p = _sc_agg(zt, src, dst)
        z, zt, g = _layer(p, W1, b1.reshape(1, _D), g1.reshape(1, _D),
                          be1.reshape(1, _D), W2, b2.reshape(1, _D),
                          go.reshape(1, _D), bo.reshape(1, _D), batch3)
        zs.append(z)
        gs.append(g)

    return jnp.concatenate(zs, axis=1), jnp.concatenate(gs, axis=1)

# --- scband reference (transcript-rebuilt; emitter-appended) ---
"""Pipeline reference for scband-gconv-65644280152909 (READ-ONLY COPY).

The authoritative reference and input builder live on the scoring server;
editing this copy changes nothing except your own understanding.
"""

import jax, jax.numpy as jnp
import numpy as np

N_NODES = 10000
N_EDGES = 320000
D_IN = 128
D_H = 128
N_GRAPHS = 64
NUM_LAYERS = 2


def setup_inputs(seed: int = 0) -> dict:
    key = jax.random.key(seed)
    ks = jax.random.split(key, 32)
    inp = {}
    inp['x'] = jax.random.normal(ks[0], (N_NODES, D_IN), dtype=jnp.float32)
    inp['edge_index'] = jax.random.randint(ks[1], (2, N_EDGES), 0, N_NODES, dtype=jnp.int32)
    inp['batch'] = jnp.sort(jax.random.randint(ks[2], (N_NODES,), 0, N_GRAPHS, dtype=jnp.int32))
    i = 3
    for l in range(NUM_LAYERS):
        din = D_IN if l == 0 else D_H
        inp[f'W1_{l}'] = jax.random.normal(ks[i], (D_H, din), dtype=jnp.float32) * 0.05; i += 1
        inp[f'b1_{l}'] = jnp.zeros((D_H,), dtype=jnp.float32)
        inp[f'g1_{l}'] = jnp.ones((D_H,), dtype=jnp.float32)
        inp[f'be1_{l}'] = jnp.zeros((D_H,), dtype=jnp.float32)
        inp[f'W2_{l}'] = jax.random.normal(ks[i], (D_H, D_H), dtype=jnp.float32) * 0.05; i += 1
        inp[f'b2_{l}'] = jnp.zeros((D_H,), dtype=jnp.float32)
        inp[f'go_{l}'] = jnp.ones((D_H,), dtype=jnp.float32)
        inp[f'bo_{l}'] = jnp.zeros((D_H,), dtype=jnp.float32)
    return inp


def _bn(h, gamma, beta, eps=1e-5):
    mu = jnp.mean(h, axis=0)
    var = jnp.mean((h - mu) ** 2, axis=0)
    return (h - mu) / jnp.sqrt(var + eps) * gamma + beta


def _gin_layer(z, edge_index, W1, b1, g1, be1, W2, b2):
    src = edge_index[0]
    dst = edge_index[1]
    agg = jnp.zeros_like(z).at[dst].add(z[src])
    h = (1.0 + 0.0) * z + agg  # eps = 0 (GINConv default)
    h = h @ W1.T + b1
    h = jax.nn.relu(_bn(h, g1, be1))
    h = h @ W2.T + b2
    return h


def reference(x, edge_index, batch,
              W1_0, b1_0, g1_0, be1_0, W2_0, b2_0, go_0, bo_0,
              W1_1, b1_1, g1_1, be1_1, W2_1, b2_1, go_1, bo_1):
    params = [(W1_0, b1_0, g1_0, be1_0, W2_0, b2_0, go_0, bo_0),
              (W1_1, b1_1, g1_1, be1_1, W2_1, b2_1, go_1, bo_1)]
    z = x
    zs = []
    for (W1, b1, g1, be1, W2, b2, go, bo) in params:
        z = _gin_layer(z, edge_index, W1, b1, g1, be1, W2, b2)
        z = jax.nn.relu(z)
        z = _bn(z, go, bo)
        zs.append(z)
    gs = [jax.ops.segment_sum(zz, batch, num_segments=N_GRAPHS) for zz in zs]
    z_out = jnp.concatenate(zs, axis=1)
    g_out = jnp.concatenate(gs, axis=1)
    return (z_out, g_out)

if __name__ == "__main__":
    import jax
    _d = setup_inputs()
    print(jax.jit(kernel)(*tuple(_d.values())))

</pallas_src>

<mosaic_0001>
#map = affine_map<(d0, d1) -> (0, 0, 0)>
#map1 = affine_map<(d0, d1) -> (0)>
#map2 = affine_map<(d0, d1) -> (0, 0)>
module attributes {stable_mosaic.version = 14 : i64} {
  func.func @k(%arg0: i32, %arg1: i32, %arg2: memref<2x10000x64xf32, #tpu.memory_space<hbm>>, %arg3: memref<327680xi32, #tpu.memory_space<hbm>>, %arg4: memref<2560x128xi32, #tpu.memory_space<hbm>>, %arg5: memref<20000x64xf32, #tpu.memory_space<hbm>>, %arg6: memref<3x512xi32, #tpu.memory_space<vmem>>, %arg7: memref<3x4x128xi32, #tpu.memory_space<vmem>>, %arg8: memref<4x128x64xf32, #tpu.memory_space<vmem>>, %arg9: memref<100x64xf32, #tpu.memory_space<vmem>>, %arg10: memref<10016x64xf32, #tpu.memory_space<vmem_shared>>, %arg11: memref<10000x64xf32, #tpu.memory_space<vmem_shared>>, %arg12: memref<3x!tpu.dma_semaphore, #tpu.memory_space<semaphore_mem>>, %arg13: memref<4x!tpu.dma_semaphore, #tpu.memory_space<semaphore_mem>>, %arg14: memref<4x!tpu.dma_semaphore, #tpu.memory_space<semaphore_mem>>) attributes {dimension_semantics = [#tpu.dimension_semantics<core_parallel>, #tpu.dimension_semantics<subcore_parallel>], iteration_bounds = array<i64: 2, 16>, scalar_prefetch = 0 : i64, scratch_operands = 9 : i64, tpu.core_type = #tpu.core_type<sc_vector_subcore>, window_params = [{transform_indices = #map}, {transform_indices = #map1}, {transform_indices = #map2}, {transform_indices = #map2}]} {
    %scan3A = arith.constant 0 : i32
    %scan3A_0 = arith.constant 0 : i32
    %scan3A_1 = arith.constant 7 : i32
    %scan3A_2 = arith.addi %scan3A_0, %scan3A_1 : i32
    %scan3A_3 = arith.constant 1 : i32
    scf.for %scan3A_778 = %scan3A_0 to %scan3A_2 step %scan3A_3  : i32 {
      %mul3A_779 = arith.constant 16 : i32
      %mul3A_780 = arith.muli %mul3A_779, %scan3A_778 : i32
      %add3A_781 = arith.addi %arg1, %mul3A_780 : i32
      %lt3A = arith.constant 100 : i32
      %lt3A_782 = arith.cmpi slt, %add3A_781, %lt3A : i32
      %convert_element_type3A = arith.extui %lt3A_782 : i1 to i32
      %cond3A = arith.constant 0 : i32
      %cond3A_783 = arith.cmpi ne, %convert_element_type3A, %cond3A : i32
      scf.if %cond3A_783 {
        %mul3A_784 = arith.constant 100 : i32
        %mul3A_785 = arith.muli %add3A_781, %mul3A_784 : i32
        "tpu.region"() ({
          %run_scoped3A = tpu.sem_alloc : memref<!tpu.dma_semaphore, #tpu.memory_space<semaphore_mem>>
          %dma_start3A_786 = arith.constant 0 : i32
          %dma_start3A_787 = arith.constant 0 : i32
          %dma_start3A_788 = tpu.memref_slice %arg2[%arg0, %dma_start3A_786, %dma_start3A_787] : memref<2x10000x64xf32, #tpu.memory_space<hbm>> -> memref<1x10000x64xf32, #tpu.memory_space<hbm>>
          %dma_start3A_789 = tpu.memref_squeeze %dma_start3A_788 : memref<1x10000x64xf32, #tpu.memory_space<hbm>> -> memref<10000x64xf32, #tpu.memory_space<hbm>>
          %dma_start3A_790 = arith.constant 0 : i32
          %dma_start3A_791 = tpu.memref_slice %dma_start3A_789[%mul3A_785, %dma_start3A_790] : memref<10000x64xf32, #tpu.memory_space<hbm>> -> memref<100x64xf32, #tpu.memory_space<hbm>>
          %dma_start3A_792 = arith.constant 0 : i32
          %dma_start3A_793 = arith.constant 0 : i32
          %dma_start3A_794 = tpu.memref_slice %arg2[%arg0, %dma_start3A_792, %dma_start3A_793] : memref<2x10000x64xf32, #tpu.memory_space<hbm>> -> memref<1x10000x64xf32, #tpu.memory_space<hbm>>
          %dma_start3A_795 = tpu.memref_squeeze %dma_start3A_794 : memref<1x10000x64xf32, #tpu.memory_space<hbm>> -> memref<10000x64xf32, #tpu.memory_space<hbm>>
          %dma_start3A_796 = arith.constant 0 : i32
          %dma_start3A_797 = tpu.memref_slice %dma_start3A_795[%mul3A_785, %dma_start3A_796] : memref<10000x64xf32, #tpu.memory_space<hbm>> -> memref<100x64xf32, #tpu.memory_space<hbm>>
          tpu.enqueue_dma source(%dma_start3A_797 : memref<100x64xf32, #tpu.memory_space<hbm>>) target(%arg9 : memref<100x64xf32, #tpu.memory_space<vmem>>) target_semaphore(%run_scoped3A : memref<!tpu.dma_semaphore, #tpu.memory_space<semaphore_mem>>)
          %dma_wait3A_798 = arith.constant 0 : i32
          %dma_wait3A_799 = arith.constant 0 : i32
          %dma_wait3A_800 = tpu.memref_slice %arg2[%arg0, %dma_wait3A_798, %dma_wait3A_799] : memref<2x10000x64xf32, #tpu.memory_space<hbm>> -> memref<1x10000x64xf32, #tpu.memory_space<hbm>>
          %dma_wait3A_801 = tpu.memref_squeeze %dma_wait3A_800 : memref<1x10000x64xf32, #tpu.memory_space<hbm>> -> memref<10000x64xf32, #tpu.memory_space<hbm>>
          %dma_wait3A_802 = arith.constant 0 : i32
          %dma_wait3A_803 = tpu.memref_slice %dma_wait3A_801[%mul3A_785, %dma_wait3A_802] : memref<10000x64xf32, #tpu.memory_space<hbm>> -> memref<100x64xf32, #tpu.memory_space<hbm>>
          %dma_wait3A_804 = arith.constant 0 : i32
          %dma_wait3A_805 = arith.constant 0 : i32
          %dma_wait3A_806 = tpu.memref_slice %arg2[%arg0, %dma_wait3A_804, %dma_wait3A_805] : memref<2x10000x64xf32, #tpu.memory_space<hbm>> -> memref<1x10000x64xf32, #tpu.memory_space<hbm>>
          %dma_wait3A_807 = tpu.memref_squeeze %dma_wait3A_806 : memref<1x10000x64xf32, #tpu.memory_space<hbm>> -> memref<10000x64xf32, #tpu.memory_space<hbm>>
          %dma_wait3A_808 = arith.constant 0 : i32
          %dma_wait3A_809 = tpu.memref_slice %dma_wait3A_807[%mul3A_785, %dma_wait3A_808] : memref<10000x64xf32, #tpu.memory_space<hbm>> -> memref<100x64xf32, #tpu.memory_space<hbm>>
          tpu.wait_dma2 semaphore(%run_scoped3A : memref<!tpu.dma_semaphore, #tpu.memory_space<semaphore_mem>>) src(%dma_wait3A_809 : memref<100x64xf32, #tpu.memory_space<hbm>>) dst(%arg9 : memref<100x64xf32, #tpu.memory_space<vmem>>)
          tpu.yield
        }) : () -> ()
        "tpu.region"() ({
          %run_scoped3A = tpu.sem_alloc : memref<!tpu.dma_semaphore, #tpu.memory_space<semaphore_mem>>
          %dma_start3A_786 = arith.constant 0 : i32
          %dma_start3A_787 = tpu.memref_slice %arg10[%mul3A_785, %dma_start3A_786] : memref<10016x64xf32, #tpu.memory_space<vmem_shared>> -> memref<100x64xf32, #tpu.memory_space<vmem_shared>>
          %dma_start3A_788 = arith.constant 0 : i32
          %dma_start3A_789 = tpu.memref_slice %arg10[%mul3A_785, %dma_start3A_788] : memref<10016x64xf32, #tpu.memory_space<vmem_shared>> -> memref<100x64xf32, #tpu.memory_space<vmem_shared>>
          tpu.enqueue_dma source(%arg9 : memref<100x64xf32, #tpu.memory_space<vmem>>) target(%dma_start3A_789 : memref<100x64xf32, #tpu.memory_space<vmem_shared>>) target_semaphore(%run_scoped3A : memref<!tpu.dma_semaphore, #tpu.memory_space<semaphore_mem>>)
          %dma_wait3A_790 = arith.constant 0 : i32
          %dma_wait3A_791 = tpu.memref_slice %arg10[%mul3A_785, %dma_wait3A_790] : memref<10016x64xf32, #tpu.memory_space<vmem_shared>> -> memref<100x64xf32, #tpu.memory_space<vmem_shared>>
          %dma_wait3A_792 = arith.constant 0 : i32
          %dma_wait3A_793 = tpu.memref_slice %arg10[%mul3A_785, %dma_wait3A_792] : memref<10016x64xf32, #tpu.memory_space<vmem_shared>> -> memref<100x64xf32, #tpu.memory_space<vmem_shared>>
          tpu.wait_dma2 semaphore(%run_scoped3A : memref<!tpu.dma_semaphore, #tpu.memory_space<semaphore_mem>>) src(%arg9 : memref<100x64xf32, #tpu.memory_space<vmem>>) dst(%dma_wait3A_793 : memref<100x64xf32, #tpu.memory_space<vmem_shared>>)
          tpu.yield
        }) : () -> ()
        "tpu.region"() ({
          %run_scoped3A = tpu.sem_alloc : memref<!tpu.dma_semaphore, #tpu.memory_space<semaphore_mem>>
          %dma_start3A_786 = arith.constant 0 : i32
          %dma_start3A_787 = tpu.memref_slice %arg11[%mul3A_785, %dma_start3A_786] : memref<10000x64xf32, #tpu.memory_space<vmem_shared>> -> memref<100x64xf32, #tpu.memory_space<vmem_shared>>
          %dma_start3A_788 = arith.constant 0 : i32
          %dma_start3A_789 = tpu.memref_slice %arg11[%mul3A_785, %dma_start3A_788] : memref<10000x64xf32, #tpu.memory_space<vmem_shared>> -> memref<100x64xf32, #tpu.memory_space<vmem_shared>>
          tpu.enqueue_dma source(%arg9 : memref<100x64xf32, #tpu.memory_space<vmem>>) target(%dma_start3A_789 : memref<100x64xf32, #tpu.memory_space<vmem_shared>>) target_semaphore(%run_scoped3A : memref<!tpu.dma_semaphore, #tpu.memory_space<semaphore_mem>>)
          %dma_wait3A_790 = arith.constant 0 : i32
          %dma_wait3A_791 = tpu.memref_slice %arg11[%mul3A_785, %dma_wait3A_790] : memref<10000x64xf32, #tpu.memory_space<vmem_shared>> -> memref<100x64xf32, #tpu.memory_space<vmem_shared>>
          %dma_wait3A_792 = arith.constant 0 : i32
          %dma_wait3A_793 = tpu.memref_slice %arg11[%mul3A_785, %dma_wait3A_792] : memref<10000x64xf32, #tpu.memory_space<vmem_shared>> -> memref<100x64xf32, #tpu.memory_space<vmem_shared>>
          tpu.wait_dma2 semaphore(%run_scoped3A : memref<!tpu.dma_semaphore, #tpu.memory_space<semaphore_mem>>) src(%arg9 : memref<100x64xf32, #tpu.memory_space<vmem>>) dst(%dma_wait3A_793 : memref<100x64xf32, #tpu.memory_space<vmem_shared>>)
          tpu.yield
        }) : () -> ()
      } else {
      }
    }
    %scan3A_4 = arith.constant 7 : i32
    %barrier3A = arith.constant 0 : index
    tpu.barrier barrier_id(%barrier3A)
    %mul3A = arith.constant 20480 : i32
    %mul3A_5 = arith.muli %arg1, %mul3A : i32
    %add3A = arith.constant 0 : i32
    %add3A_6 = arith.addi %mul3A_5, %add3A : i32
    %dma_start3A = arith.constant 0 : i32
    %dma_start3A_7 = arith.constant 0 : i32
    %dma_start3A_8 = arith.constant 0 : i32
    %dma_start3A_9 = tpu.memref_slice %arg6[%dma_start3A, %dma_start3A_8] : memref<3x512xi32, #tpu.memory_space<vmem>> -> memref<1x512xi32, #tpu.memory_space<vmem>>
    %dma_start3A_10 = tpu.memref_squeeze %dma_start3A_9 : memref<1x512xi32, #tpu.memory_space<vmem>> -> memref<512xi32, #tpu.memory_space<vmem>>
    %dma_start3A_11 = tpu.memref_slice %arg3[%add3A_6] : memref<327680xi32, #tpu.memory_space<hbm>> -> memref<512xi32, #tpu.memory_space<hbm>>
    %dma_start3A_12 = tpu.memref_slice %arg12[%dma_start3A_7] : memref<3x!tpu.dma_semaphore, #tpu.memory_space<semaphore_mem>> -> memref<1x!tpu.dma_semaphore, #tpu.memory_space<semaphore_mem>>
    %dma_start3A_13 = tpu.memref_squeeze %dma_start3A_12 : memref<1x!tpu.dma_semaphore, #tpu.memory_space<semaphore_mem>> -> memref<!tpu.dma_semaphore, #tpu.memory_space<semaphore_mem>>
    %dma_start3A_14 = arith.constant 0 : i32
    %dma_start3A_15 = tpu.memref_slice %arg6[%dma_start3A, %dma_start3A_14] : memref<3x512xi32, #tpu.memory_space<vmem>> -> memref<1x512xi32, #tpu.memory_space<vmem>>
    %dma_start3A_16 = tpu.memref_squeeze %dma_start3A_15 : memref<1x512xi32, #tpu.memory_space<vmem>> -> memref<512xi32, #tpu.memory_space<vmem>>
    %dma_start3A_17 = tpu.memref_slice %arg3[%add3A_6] : memref<327680xi32, #tpu.memory_space<hbm>> -> memref<512xi32, #tpu.memory_space<hbm>>
    tpu.enqueue_dma source(%dma_start3A_17 : memref<512xi32, #tpu.memory_space<hbm>>) target(%dma_start3A_16 : memref<512xi32, #tpu.memory_space<vmem>>) target_semaphore(%dma_start3A_13 : memref<!tpu.dma_semaphore, #tpu.memory_space<semaphore_mem>>)
    %mul3A_18 = arith.constant 160 : i32
    %mul3A_19 = arith.muli %arg1, %mul3A_18 : i32
    %add3A_20 = arith.constant 0 : i32
    %add3A_21 = arith.addi %mul3A_19, %add3A_20 : i32
    %dma_start3A_22 = arith.constant 0 : i32
    %dma_start3A_23 = arith.constant 0 : i32
    %dma_start3A_24 = arith.constant 0 : i32
    %dma_start3A_25 = arith.constant 0 : i32
    %dma_start3A_26 = tpu.memref_slice %arg7[%dma_start3A_22, %dma_start3A_24, %dma_start3A_25] : memref<3x4x128xi32, #tpu.memory_space<vmem>> -> memref<1x4x128xi32, #tpu.memory_space<vmem>>
    %dma_start3A_27 = tpu.memref_squeeze %dma_start3A_26 : memref<1x4x128xi32, #tpu.memory_space<vmem>> -> memref<4x128xi32, #tpu.memory_space<vmem>>
    %dma_start3A_28 = arith.constant 0 : i32
    %dma_start3A_29 = tpu.memref_slice %arg4[%add3A_21, %dma_start3A_28] : memref<2560x128xi32, #tpu.memory_space<hbm>> -> memref<4x128xi32, #tpu.memory_space<hbm>>
    %dma_start3A_30 = tpu.memref_slice %arg12[%dma_start3A_23] : memref<3x!tpu.dma_semaphore, #tpu.memory_space<semaphore_mem>> -> memref<1x!tpu.dma_semaphore, #tpu.memory_space<semaphore_mem>>
    %dma_start3A_31 = tpu.memref_squeeze %dma_start3A_30 : memref<1x!tpu.dma_semaphore, #tpu.memory_space<semaphore_mem>> -> memref<!tpu.dma_semaphore, #tpu.memory_space<semaphore_mem>>
    %dma_start3A_32 = arith.constant 0 : i32
    %dma_start3A_33 = arith.constant 0 : i32
    %dma_start3A_34 = tpu.memref_slice %arg7[%dma_start3A_22, %dma_start3A_32, %dma_start3A_33] : memref<3x4x128xi32, #tpu.memory_space<vmem>> -> memref<1x4x128xi32, #tpu.memory_space<vmem>>
    %dma_start3A_35 = tpu.memref_squeeze %dma_start3A_34 : memref<1x4x128xi32, #tpu.memory_space<vmem>> -> memref<4x128xi32, #tpu.memory_space<vmem>>
    %dma_start3A_36 = arith.constant 0 : i32
    %dma_start3A_37 = tpu.memref_slice %arg4[%add3A_21, %dma_start3A_36] : memref<2560x128xi32, #tpu.memory_space<hbm>> -> memref<4x128xi32, #tpu.memory_space<hbm>>
    tpu.enqueue_dma source(%dma_start3A_37 : memref<4x128xi32, #tpu.memory_space<hbm>>) target(%dma_start3A_35 : memref<4x128xi32, #tpu.memory_space<vmem>>) target_semaphore(%dma_start3A_31 : memref<!tpu.dma_semaphore, #tpu.memory_space<semaphore_mem>>)
    %mul3A_38 = arith.constant 20480 : i32
    %mul3A_39 = arith.muli %arg1, %mul3A_38 : i32
    %add3A_40 = arith.constant 512 : i32
    %add3A_41 = arith.addi %mul3A_39, %add3A_40 : i32
    %dma_start3A_42 = arith.constant 1 : i32
    %dma_start3A_43 = arith.constant 1 : i32
    %dma_start3A_44 = arith.constant 0 : i32
    %dma_start3A_45 = tpu.memref_slice %arg6[%dma_start3A_42, %dma_start3A_44] : memref<3x512xi32, #tpu.memory_space<vmem>> -> memref<1x512xi32, #tpu.memory_space<vmem>>
    %dma_start3A_46 = tpu.memref_squeeze %dma_start3A_45 : memref<1x512xi32, #tpu.memory_space<vmem>> -> memref<512xi32, #tpu.memory_space<vmem>>
    %dma_start3A_47 = tpu.memref_slice %arg3[%add3A_41] : memref<327680xi32, #tpu.memory_space<hbm>> -> memref<512xi32, #tpu.memory_space<hbm>>
    %dma_start3A_48 = tpu.memref_slice %arg12[%dma_start3A_43] : memref<3x!tpu.dma_semaphore, #tpu.memory_space<semaphore_mem>> -> memref<1x!tpu.dma_semaphore, #tpu.memory_space<semaphore_mem>>
    %dma_start3A_49 = tpu.memref_squeeze %dma_start3A_48 : memref<1x!tpu.dma_semaphore, #tpu.memory_space<semaphore_mem>> -> memref<!tpu.dma_semaphore, #tpu.memory_space<semaphore_mem>>
    %dma_start3A_50 = arith.constant 0 : i32
    %dma_start3A_51 = tpu.memref_slice %arg6[%dma_start3A_42, %dma_start3A_50] : memref<3x512xi32, #tpu.memory_space<vmem>> -> memref<1x512xi32, #tpu.memory_space<vmem>>
    %dma_start3A_52 = tpu.memref_squeeze %dma_start3A_51 : memref<1x512xi32, #tpu.memory_space<vmem>> -> memref<512xi32, #tpu.memory_space<vmem>>
    %dma_start3A_53 = tpu.memref_slice %arg3[%add3A_41] : memref<327680xi32, #tpu.memory_space<hbm>> -> memref<512xi32, #tpu.memory_space<hbm>>
    tpu.enqueue_dma source(%dma_start3A_53 : memref<512xi32, #tpu.memory_space<hbm>>) target(%dma_start3A_52 : memref<512xi32, #tpu.memory_space<vmem>>) target_semaphore(%dma_start3A_49 : memref<!tpu.dma_semaphore, #tpu.memory_space<semaphore_mem>>)
    %mul3A_54 = arith.constant 160 : i32
    %mul3A_55 = arith.muli %arg1, %mul3A_54 : i32
    %add3A_56 = arith.constant 4 : i32
    %add3A_57 = arith.addi %mul3A_55, %add3A_56 : i32
    %dma_start3A_58 = arith.constant 1 : i32
    %dma_start3A_59 = arith.constant 1 : i32
    %dma_start3A_60 = arith.constant 0 : i32
    %dma_start3A_61 = arith.constant 0 : i32
    %dma_start3A_62 = tpu.memref_slice %arg7[%dma_start3A_58, %dma_start3A_60, %dma_start3A_61] : memref<3x4x128xi32, #tpu.memory_space<vmem>> -> memref<1x4x128xi32, #tpu.memory_space<vmem>>
    %dma_start3A_63 = tpu.memref_squeeze %dma_start3A_62 : memref<1x4x128xi32, #tpu.memory_space<vmem>> -> memref<4x128xi32, #tpu.memory_space<vmem>>
    %dma_start3A_64 = arith.constant 0 : i32
    %dma_start3A_65 = tpu.memref_slice %arg4[%add3A_57, %dma_start3A_64] : memref<2560x128xi32, #tpu.memory_space<hbm>> -> memref<4x128xi32, #tpu.memory_space<hbm>>
    %dma_start3A_66 = tpu.memref_slice %arg12[%dma_start3A_59] : memref<3x!tpu.dma_semaphore, #tpu.memory_space<semaphore_mem>> -> memref<1x!tpu.dma_semaphore, #tpu.memory_space<semaphore_mem>>
    %dma_start3A_67 = tpu.memref_squeeze %dma_start3A_66 : memref<1x!tpu.dma_semaphore, #tpu.memory_space<semaphore_mem>> -> memref<!tpu.dma_semaphore, #tpu.memory_space<semaphore_mem>>
    %dma_start3A_68 = arith.constant 0 : i32
    %dma_start3A_69 = arith.constant 0 : i32
    %dma_start3A_70 = tpu.memref_slice %arg7[%dma_start3A_58, %dma_start3A_68, %dma_start3A_69] : memref<3x4x128xi32, #tpu.memory_space<vmem>> -> memref<1x4x128xi32, #tpu.memory_space<vmem>>
    %dma_start3A_71 = tpu.memref_squeeze %dma_start3A_70 : memref<1x4x128xi32, #tpu.memory_space<vmem>> -> memref<4x128xi32, #tpu.memory_space<vmem>>
    %dma_start3A_72 = arith.constant 0 : i32
    %dma_start3A_73 = tpu.memref_slice %arg4[%add3A_57, %dma_start3A_72] : memref<2560x128xi32, #tpu.memory_space<hbm>> -> memref<4x128xi32, #tpu.memory_space<hbm>>
    tpu.enqueue_dma source(%dma_start3A_73 : memref<4x128xi32, #tpu.memory_space<hbm>>) target(%dma_start3A_71 : memref<4x128xi32, #tpu.memory_space<vmem>>) target_semaphore(%dma_start3A_67 : memref<!tpu.dma_semaphore, #tpu.memory_space<semaphore_mem>>)
    %mul3A_74 = arith.constant 20480 : i32
    %mul3A_75 = arith.muli %arg1, %mul3A_74 : i32
    %add3A_76 = arith.constant 1024 : i32
    %add3A_77 = arith.addi %mul3A_75, %add3A_76 : i32
    %dma_start3A_78 = arith.constant 2 : i32
    %dma_start3A_79 = arith.constant 2 : i32
    %dma_start3A_80 = arith.constant 0 : i32
    %dma_start3A_81 = tpu.memref_slice %arg6[%dma_start3A_78, %dma_start3A_80] : memref<3x512xi32, #tpu.memory_space<vmem>> -> memref<1x512xi32, #tpu.memory_space<vmem>>
    %dma_start3A_82 = tpu.memref_squeeze %dma_start3A_81 : memref<1x512xi32, #tpu.memory_space<vmem>> -> memref<512xi32, #tpu.memory_space<vmem>>
    %dma_start3A_83 = tpu.memref_slice %arg3[%add3A_77] : memref<327680xi32, #tpu.memory_space<hbm>> -> memref<512xi32, #tpu.memory_space<hbm>>
    %dma_start3A_84 = tpu.memref_slice %arg12[%dma_start3A_79] : memref<3x!tpu.dma_semaphore, #tpu.memory_space<semaphore_mem>> -> memref<1x!tpu.dma_semaphore, #tpu.memory_space<semaphore_mem>>
    %dma_start3A_85 = tpu.memref_squeeze %dma_start3A_84 : memref<1x!tpu.dma_semaphore, #tpu.memory_space<semaphore_mem>> -> memref<!tpu.dma_semaphore, #tpu.memory_space<semaphore_mem>>
    %dma_start3A_86 = arith.constant 0 : i32
    %dma_start3A_87 = tpu.memref_slice %arg6[%dma_start3A_78, %dma_start3A_86] : memref<3x512xi32, #tpu.memory_space<vmem>> -> memref<1x512xi32, #tpu.memory_space<vmem>>
    %dma_start3A_88 = tpu.memref_squeeze %dma_start3A_87 : memref<1x512xi32, #tpu.memory_space<vmem>> -> memref<512xi32, #tpu.memory_space<vmem>>
    %dma_start3A_89 = tpu.memref_slice %arg3[%add3A_77] : memref<327680xi32, #tpu.memory_space<hbm>> -> memref<512xi32, #tpu.memory_space<hbm>>
    tpu.enqueue_dma source(%dma_start3A_89 : memref<512xi32, #tpu.memory_space<hbm>>) target(%dma_start3A_88 : memref<512xi32, #tpu.memory_space<vmem>>) target_semaphore(%dma_start3A_85 : memref<!tpu.dma_semaphore, #tpu.memory_space<semaphore_mem>>)
    %mul3A_90 = arith.constant 160 : i32
    %mul3A_91 = arith.muli %arg1, %mul3A_90 : i32
    %add3A_92 = arith.constant 8 : i32
    %add3A_93 = arith.addi %mul3A_91, %add3A_92 : i32
    %dma_start3A_94 = arith.constant 2 : i32
    %dma_start3A_95 = arith.constant 2 : i32
    %dma_start3A_96 = arith.constant 0 : i32
    %dma_start3A_97 = arith.constant 0 : i32
    %dma_start3A_98 = tpu.memref_slice %arg7[%dma_start3A_94, %dma_start3A_96, %dma_start3A_97] : memref<3x4x128xi32, #tpu.memory_space<vmem>> -> memref<1x4x128xi32, #tpu.memory_space<vmem>>
    %dma_start3A_99 = tpu.memref_squeeze %dma_start3A_98 : memref<1x4x128xi32, #tpu.memory_space<vmem>> -> memref<4x128xi32, #tpu.memory_space<vmem>>
    %dma_start3A_100 = arith.constant 0 : i32
    %dma_start3A_101 = tpu.memref_slice %arg4[%add3A_93, %dma_start3A_100] : memref<2560x128xi32, #tpu.memory_space<hbm>> -> memref<4x128xi32, #tpu.memory_space<hbm>>
    %dma_start3A_102 = tpu.memref_slice %arg12[%dma_start3A_95] : memref<3x!tpu.dma_semaphore, #tpu.memory_space<semaphore_mem>> -> memref<1x!tpu.dma_semaphore, #tpu.memory_space<semaphore_mem>>
    %dma_start3A_103 = tpu.memref_squeeze %dma_start3A_102 : memref<1x!tpu.dma_semaphore, #tpu.memory_space<semaphore_mem>> -> memref<!tpu.dma_semaphore, #tpu.memory_space<semaphore_mem>>
    %dma_start3A_104 = arith.constant 0 : i32
    %dma_start3A_105 = arith.constant 0 : i32
    %dma_start3A_106 = tpu.memref_slice %arg7[%dma_start3A_94, %dma_start3A_104, %dma_start3A_105] : memref<3x4x128xi32, #tpu.memory_space<vmem>> -> memref<1x4x128xi32, #tpu.memory_space<vmem>>
    %dma_start3A_107 = tpu.memref_squeeze %dma_start3A_106 : memref<1x4x128xi32, #tpu.memory_space<vmem>> -> memref<4x128xi32, #tpu.memory_space<vmem>>
    %dma_start3A_108 = arith.constant 0 : i32
    %dma_start3A_109 = tpu.memref_slice %arg4[%add3A_93, %dma_start3A_108] : memref<2560x128xi32, #tpu.memory_space<hbm>> -> memref<4x128xi32, #tpu.memory_space<hbm>>
    tpu.enqueue_dma source(%dma_start3A_109 : memref<4x128xi32, #tpu.memory_space<hbm>>) target(%dma_start3A_107 : memref<4x128xi32, #tpu.memory_space<vmem>>) target_semaphore(%dma_start3A_103 : memref<!tpu.dma_semaphore, #tpu.memory_space<semaphore_mem>>)
    %dma_wait3A = arith.constant 0 : i32
    %dma_wait3A_110 = arith.constant 0 : i32
    %dma_wait3A_111 = arith.constant 0 : i32
    %dma_wait3A_112 = tpu.memref_slice %arg6[%dma_wait3A, %dma_wait3A_111] : memref<3x512xi32, #tpu.memory_space<vmem>> -> memref<1x512xi32, #tpu.memory_space<vmem>>
    %dma_wait3A_113 = tpu.memref_squeeze %dma_wait3A_112 : memref<1x512xi32, #tpu.memory_space<vmem>> -> memref<512xi32, #tpu.memory_space<vmem>>
    %dma_wait3A_114 = arith.constant 0 : i32
    %dma_wait3A_115 = tpu.memref_slice %arg3[%dma_wait3A_114] : memref<327680xi32, #tpu.memory_space<hbm>> -> memref<512xi32, #tpu.memory_space<hbm>>
    %dma_wait3A_116 = tpu.memref_slice %arg12[%dma_wait3A_110] : memref<3x!tpu.dma_semaphore, #tpu.memory_space<semaphore_mem>> -> memref<1x!tpu.dma_semaphore, #tpu.memory_space<semaphore_mem>>
    %dma_wait3A_117 = tpu.memref_squeeze %dma_wait3A_116 : memref<1x!tpu.dma_semaphore, #tpu.memory_space<semaphore_mem>> -> memref<!tpu.dma_semaphore, #tpu.memory_space<semaphore_mem>>
    %dma_wait3A_118 = arith.constant 0 : i32
    %dma_wait3A_119 = tpu.memref_slice %arg6[%dma_wait3A, %dma_wait3A_118] : memref<3x512xi32, #tpu.memory_space<vmem>> -> memref<1x512xi32, #tpu.memory_space<vmem>>
    %dma_wait3A_120 = tpu.memref_squeeze %dma_wait3A_119 : memref<1x512xi32, #tpu.memory_space<vmem>> -> memref<512xi32, #tpu.memory_space<vmem>>
    %dma_wait3A_121 = arith.constant 0 : i32
    %dma_wait3A_122 = tpu.memref_slice %arg3[%dma_wait3A_121] : memref<327680xi32, #tpu.memory_space<hbm>> -> memref<512xi32, #tpu.memory_space<hbm>>
    tpu.wait_dma2 semaphore(%dma_wait3A_117 : memref<!tpu.dma_semaphore, #tpu.memory_space<semaphore_mem>>) src(%dma_wait3A_122 : memref<512xi32, #tpu.memory_space<hbm>>) dst(%dma_wait3A_120 : memref<512xi32, #tpu.memory_space<vmem>>)
    %dma_wait3A_123 = arith.constant 0 : i32
    %dma_wait3A_124 = arith.constant 0 : i32
    %dma_wait3A_125 = arith.constant 0 : i32
    %dma_wait3A_126 = arith.constant 0 : i32
    %dma_wait3A_127 = tpu.memref_slice %arg7[%dma_wait3A_123, %dma_wait3A_125, %dma_wait3A_126] : memref<3x4x128xi32, #tpu.memory_space<vmem>> -> memref<1x4x128xi32, #tpu.memory_space<vmem>>
    %dma_wait3A_128 = tpu.memref_squeeze %dma_wait3A_127 : memref<1x4x128xi32, #tpu.memory_space<vmem>> -> memref<4x128xi32, #tpu.memory_space<vmem>>
    %dma_wait3A_129 = arith.constant 0 : i32
    %dma_wait3A_130 = arith.constant 0 : i32
    %dma_wait3A_131 = tpu.memref_slice %arg4[%dma_wait3A_129, %dma_wait3A_130] : memref<2560x128xi32, #tpu.memory_space<hbm>> -> memref<4x128xi32, #tpu.memory_space<hbm>>
    %dma_wait3A_132 = tpu.memref_slice %arg12[%dma_wait3A_124] : memref<3x!tpu.dma_semaphore, #tpu.memory_space<semaphore_mem>> -> memref<1x!tpu.dma_semaphore, #tpu.memory_space<semaphore_mem>>
    %dma_wait3A_133 = tpu.memref_squeeze %dma_wait3A_132 : memref<1x!tpu.dma_semaphore, #tpu.memory_space<semaphore_mem>> -> memref<!tpu.dma_semaphore, #tpu.memory_space<semaphore_mem>>
    %dma_wait3A_134 = arith.constant 0 : i32
    %dma_wait3A_135 = arith.constant 0 : i32
    %dma_wait3A_136 = tpu.memref_slice %arg7[%dma_wait3A_123, %dma_wait3A_134, %dma_wait3A_135] : memref<3x4x128xi32, #tpu.memory_space<vmem>> -> memref<1x4x128xi32, #tpu.memory_space<vmem>>
    %dma_wait3A_137 = tpu.memref_squeeze %dma_wait3A_136 : memref<1x4x128xi32, #tpu.memory_space<vmem>> -> memref<4x128xi32, #tpu.memory_space<vmem>>
    %dma_wait3A_138 = arith.constant 0 : i32
    %dma_wait3A_139 = arith.constant 0 : i32
    %dma_wait3A_140 = tpu.memref_slice %arg4[%dma_wait3A_138, %dma_wait3A_139] : memref<2560x128xi32, #tpu.memory_space<hbm>> -> memref<4x128xi32, #tpu.memory_space<hbm>>
    tpu.wait_dma2 semaphore(%dma_wait3A_133 : memref<!tpu.dma_semaphore, #tpu.memory_space<semaphore_mem>>) src(%dma_wait3A_140 : memref<4x128xi32, #tpu.memory_space<hbm>>) dst(%dma_wait3A_137 : memref<4x128xi32, #tpu.memory_space<vmem>>)
    %dma_start3A_141 = arith.constant 0 : i32
    %dma_start3A_142 = arith.constant 0 : i32
    %dma_start3A_143 = arith.constant 0 : i32
    %dma_start3A_144 = arith.constant 0 : i32
    %dma_start3A_145 = arith.constant 0 : i32
    %dma_start3A_146 = tpu.memref_slice %arg8[%dma_start3A_142, %dma_start3A_144, %dma_start3A_145] : memref<4x128x64xf32, #tpu.memory_space<vmem>> -> memref<1x128x64xf32, #tpu.memory_space<vmem>>
    %dma_start3A_147 = tpu.memref_squeeze %dma_start3A_146 : memref<1x128x64xf32, #tpu.memory_space<vmem>> -> memref<128x64xf32, #tpu.memory_space<vmem>>
    %dma_start3A_148 = arith.constant 0 : i32
    %dma_start3A_149 = tpu.memref_slice %arg6[%dma_start3A_141, %dma_start3A_148] : memref<3x512xi32, #tpu.memory_space<vmem>> -> memref<1x512xi32, #tpu.memory_space<vmem>>
    %dma_start3A_150 = tpu.memref_squeeze %dma_start3A_149 : memref<1x512xi32, #tpu.memory_space<vmem>> -> memref<512xi32, #tpu.memory_space<vmem>>
    %dma_start3A_151 = arith.constant 0 : i32
    %dma_start3A_152 = tpu.memref_slice %dma_start3A_150[%dma_start3A_151] : memref<512xi32, #tpu.memory_space<vmem>> -> memref<128xi32, #tpu.memory_space<vmem>>
    %dma_start3A_153 = arith.constant 0 : i32
    %dma_start3A_154 = arith.constant 0 : i32
    %dma_start3A_155 = tpu.memref_slice %arg11[%dma_start3A_153, %dma_start3A_154] : memref<10000x64xf32, #tpu.memory_space<vmem_shared>> -> memref<10000x64xf32, #tpu.memory_space<vmem_shared>>
    %dma_start3A_156 = tpu.memref_slice %arg13[%dma_start3A_143] : memref<4x!tpu.dma_semaphore, #tpu.memory_space<semaphore_mem>> -> memref<1x!tpu.dma_semaphore, #tpu.memory_space<semaphore_mem>>
    %dma_start3A_157 = tpu.memref_squeeze %dma_start3A_156 : memref<1x!tpu.dma_semaphore, #tpu.memory_space<semaphore_mem>> -> memref<!tpu.dma_semaphore, #tpu.memory_space<semaphore_mem>>
    tpu.enqueue_indirect_dma source(%dma_start3A_155 : memref<10000x64xf32, #tpu.memory_space<vmem_shared>>) target(%dma_start3A_147 : memref<128x64xf32, #tpu.memory_space<vmem>>) offsets(%dma_start3A_152 : memref<128xi32, #tpu.memory_space<vmem>>) semaphore(%dma_start3A_157 : memref<!tpu.dma_semaphore, #tpu.memory_space<semaphore_mem>>)
    %dma_start3A_158 = arith.constant 0 : i32
    %dma_start3A_159 = arith.constant 1 : i32
    %dma_start3A_160 = arith.constant 1 : i32
    %dma_start3A_161 = arith.constant 0 : i32
    %dma_start3A_162 = arith.constant 0 : i32
    %dma_start3A_163 = tpu.memref_slice %arg8[%dma_start3A_159, %dma_start3A_161, %dma_start3A_162] : memref<4x128x64xf32, #tpu.memory_space<vmem>> -> memref<1x128x64xf32, #tpu.memory_space<vmem>>
    %dma_start3A_164 = tpu.memref_squeeze %dma_start3A_163 : memref<1x128x64xf32, #tpu.memory_space<vmem>> -> memref<128x64xf32, #tpu.memory_space<vmem>>
    %dma_start3A_165 = arith.constant 0 : i32
    %dma_start3A_166 = tpu.memref_slice %arg6[%dma_start3A_158, %dma_start3A_165] : memref<3x512xi32, #tpu.memory_space<vmem>> -> memref<1x512xi32, #tpu.memory_space<vmem>>
    %dma_start3A_167 = tpu.memref_squeeze %dma_start3A_166 : memref<1x512xi32, #tpu.memory_space<vmem>> -> memref<512xi32, #tpu.memory_space<vmem>>
    %dma_start3A_168 = arith.constant 128 : i32
    %dma_start3A_169 = tpu.memref_slice %dma_start3A_167[%dma_start3A_168] : memref<512xi32, #tpu.memory_space<vmem>> -> memref<128xi32, #tpu.memory_space<vmem>>
    %dma_start3A_170 = arith.constant 0 : i32
    %dma_start3A_171 = arith.constant 0 : i32
    %dma_start3A_172 = tpu.memref_slice %arg11[%dma_start3A_170, %dma_start3A_171] : memref<10000x64xf32, #tpu.memory_space<vmem_shared>> -> memref<10000x64xf32, #tpu.memory_space<vmem_shared>>
    %dma_start3A_173 = tpu.memref_slice %arg13[%dma_start3A_160] : memref<4x!tpu.dma_semaphore, #tpu.memory_space<semaphore_mem>> -> memref<1x!tpu.dma_semaphore, #tpu.memory_space<semaphore_mem>>
    %dma_start3A_174 = tpu.memref_squeeze %dma_start3A_173 : memref<1x!tpu.dma_semaphore, #tpu.memory_space<semaphore_mem>> -> memref<!tpu.dma_semaphore, #tpu.memory_space<semaphore_mem>>
    tpu.enqueue_indirect_dma source(%dma_start3A_172 : memref<10000x64xf32, #tpu.memory_space<vmem_shared>>) target(%dma_start3A_164 : memref<128x64xf32, #tpu.memory_space<vmem>>) offsets(%dma_start3A_169 : memref<128xi32, #tpu.memory_space<vmem>>) semaphore(%dma_start3A_174 : memref<!tpu.dma_semaphore, #tpu.memory_space<semaphore_mem>>)
    %dma_start3A_175 = arith.constant 0 : i32
    %dma_start3A_176 = arith.constant 2 : i32
    %dma_start3A_177 = arith.constant 2 : i32
    %dma_start3A_178 = arith.constant 0 : i32
    %dma_start3A_179 = arith.constant 0 : i32
    %dma_start3A_180 = tpu.memref_slice %arg8[%dma_start3A_176, %dma_start3A_178, %dma_start3A_179] : memref<4x128x64xf32, #tpu.memory_space<vmem>> -> memref<1x128x64xf32, #tpu.memory_space<vmem>>
    %dma_start3A_181 = tpu.memref_squeeze %dma_start3A_180 : memref<1x128x64xf32, #tpu.memory_space<vmem>> -> memref<128x64xf32, #tpu.memory_space<vmem>>
    %dma_start3A_182 = arith.constant 0 : i32
    %dma_start3A_183 = tpu.memref_slice %arg6[%dma_start3A_175, %dma_start3A_182] : memref<3x512xi32, #tpu.memory_space<vmem>> -> memref<1x512xi32, #tpu.memory_space<vmem>>
    %dma_start3A_184 = tpu.memref_squeeze %dma_start3A_183 : memref<1x512xi32, #tpu.memory_space<vmem>> -> memref<512xi32, #tpu.memory_space<vmem>>
    %dma_start3A_185 = arith.constant 256 : i32
    %dma_start3A_186 = tpu.memref_slice %dma_start3A_184[%dma_start3A_185] : memref<512xi32, #tpu.memory_space<vmem>> -> memref<128xi32, #tpu.memory_space<vmem>>
    %dma_start3A_187 = arith.constant 0 : i32
    %dma_start3A_188 = arith.constant 0 : i32
    %dma_start3A_189 = tpu.memref_slice %arg11[%dma_start3A_187, %dma_start3A_188] : memref<10000x64xf32, #tpu.memory_space<vmem_shared>> -> memref<10000x64xf32, #tpu.memory_space<vmem_shared>>
    %dma_start3A_190 = tpu.memref_slice %arg13[%dma_start3A_177] : memref<4x!tpu.dma_semaphore, #tpu.memory_space<semaphore_mem>> -> memref<1x!tpu.dma_semaphore, #tpu.memory_space<semaphore_mem>>
    %dma_start3A_191 = tpu.memref_squeeze %dma_start3A_190 : memref<1x!tpu.dma_semaphore, #tpu.memory_space<semaphore_mem>> -> memref<!tpu.dma_semaphore, #tpu.memory_space<semaphore_mem>>
    tpu.enqueue_indirect_dma source(%dma_start3A_189 : memref<10000x64xf32, #tpu.memory_space<vmem_shared>>) target(%dma_start3A_181 : memref<128x64xf32, #tpu.memory_space<vmem>>) offsets(%dma_start3A_186 : memref<128xi32, #tpu.memory_space<vmem>>) semaphore(%dma_start3A_191 : memref<!tpu.dma_semaphore, #tpu.memory_space<semaphore_mem>>)
    %dma_start3A_192 = arith.constant 0 : i32
    %dma_start3A_193 = arith.constant 3 : i32
    %dma_start3A_194 = arith.constant 3 : i32
    %dma_start3A_195 = arith.constant 0 : i32
    %dma_start3A_196 = arith.constant 0 : i32
    %dma_start3A_197 = tpu.memref_slice %arg8[%dma_start3A_193, %dma_start3A_195, %dma_start3A_196] : memref<4x128x64xf32, #tpu.memory_space<vmem>> -> memref<1x128x64xf32, #tpu.memory_space<vmem>>
    %dma_start3A_198 = tpu.memref_squeeze %dma_start3A_197 : memref<1x128x64xf32, #tpu.memory_space<vmem>> -> memref<128x64xf32, #tpu.memory_space<vmem>>
    %dma_start3A_199 = arith.constant 0 : i32
    %dma_start3A_200 = tpu.memref_slice %arg6[%dma_start3A_192, %dma_start3A_199] : memref<3x512xi32, #tpu.memory_space<vmem>> -> memref<1x512xi32, #tpu.memory_space<vmem>>
    %dma_start3A_201 = tpu.memref_squeeze %dma_start3A_200 : memref<1x512xi32, #tpu.memory_space<vmem>> -> memref<512xi32, #tpu.memory_space<vmem>>
    %dma_start3A_202 = arith.constant 384 : i32
    %dma_start3A_203 = tpu.memref_slice %dma_start3A_201[%dma_start3A_202] : memref<512xi32, #tpu.memory_space<vmem>> -> memref<128xi32, #tpu.memory_space<vmem>>
    %dma_start3A_204 = arith.constant 0 : i32
    %dma_start3A_205 = arith.constant 0 : i32
    %dma_start3A_206 = tpu.memref_slice %arg11[%dma_start3A_204, %dma_start3A_205] : memref<10000x64xf32, #tpu.memory_space<vmem_shared>> -> memref<10000x64xf32, #tpu.memory_space<vmem_shared>>
    %dma_start3A_207 = tpu.memref_slice %arg13[%dma_start3A_194] : memref<4x!tpu.dma_semaphore, #tpu.memory_space<semaphore_mem>> -> memref<1x!tpu.dma_semaphore, #tpu.memory_space<semaphore_mem>>
    %dma_start3A_208 = tpu.memref_squeeze %dma_start3A_207 : memref<1x!tpu.dma_semaphore, #tpu.memory_space<semaphore_mem>> -> memref<!tpu.dma_semaphore, #tpu.memory_space<semaphore_mem>>
    tpu.enqueue_indirect_dma source(%dma_start3A_206 : memref<10000x64xf32, #tpu.memory_space<vmem_shared>>) target(%dma_start3A_198 : memref<128x64xf32, #tpu.memory_space<vmem>>) offsets(%dma_start3A_203 : memref<128xi32, #tpu.memory_space<vmem>>) semaphore(%dma_start3A_208 : memref<!tpu.dma_semaphore, #tpu.memory_space<semaphore_mem>>)
    %dma_wait3A_209 = arith.constant 0 : i32
    %dma_wait3A_210 = arith.constant 0 : i32
    %dma_wait3A_211 = arith.constant 0 : i32
    %dma_wait3A_212 = arith.constant 0 : i32
    %dma_wait3A_213 = arith.constant 0 : i32
    %dma_wait3A_214 = tpu.memref_slice %arg8[%dma_wait3A_210, %dma_wait3A_212, %dma_wait3A_213] : memref<4x128x64xf32, #tpu.memory_space<vmem>> -> memref<1x128x64xf32, #tpu.memory_space<vmem>>
    %dma_wait3A_215 = tpu.memref_squeeze %dma_wait3A_214 : memref<1x128x64xf32, #tpu.memory_space<vmem>> -> memref<128x64xf32, #tpu.memory_space<vmem>>
    %dma_wait3A_216 = arith.constant 0 : i32
    %dma_wait3A_217 = tpu.memref_slice %arg6[%dma_wait3A_209, %dma_wait3A_216] : memref<3x512xi32, #tpu.memory_space<vmem>> -> memref<1x512xi32, #tpu.memory_space<vmem>>
    %dma_wait3A_218 = tpu.memref_squeeze %dma_wait3A_217 : memref<1x512xi32, #tpu.memory_space<vmem>> -> memref<512xi32, #tpu.memory_space<vmem>>
    %dma_wait3A_219 = arith.constant 0 : i32
    %dma_wait3A_220 = tpu.memref_slice %dma_wait3A_218[%dma_wait3A_219] : memref<512xi32, #tpu.memory_space<vmem>> -> memref<128xi32, #tpu.memory_space<vmem>>
    %dma_wait3A_221 = arith.constant 0 : i32
    %dma_wait3A_222 = arith.constant 0 : i32
    %dma_wait3A_223 = tpu.memref_slice %arg11[%dma_wait3A_221, %dma_wait3A_222] : memref<10000x64xf32, #tpu.memory_space<vmem_shared>> -> memref<10000x64xf32, #tpu.memory_space<vmem_shared>>
    %dma_wait3A_224 = tpu.memref_slice %arg13[%dma_wait3A_211] : memref<4x!tpu.dma_semaphore, #tpu.memory_space<semaphore_mem>> -> memref<1x!tpu.dma_semaphore, #tpu.memory_space<semaphore_mem>>
    %dma_wait3A_225 = tpu.memref_squeeze %dma_wait3A_224 : memref<1x!tpu.dma_semaphore, #tpu.memory_space<semaphore_mem>> -> memref<!tpu.dma_semaphore, #tpu.memory_space<semaphore_mem>>
    tpu.wait_indirect_dma semaphore(%dma_wait3A_225 : memref<!tpu.dma_semaphore, #tpu.memory_space<semaphore_mem>>) src(%dma_wait3A_223 : memref<10000x64xf32, #tpu.memory_space<vmem_shared>>) dst(%dma_wait3A_215 : memref<128x64xf32, #tpu.memory_space<vmem>>)
    %dma_start3A_226 = arith.constant 0 : i32
    %dma_start3A_227 = arith.constant 0 : i32
    %dma_start3A_228 = arith.constant 0 : i32
    %dma_start3A_229 = arith.constant 0 : i32
    %dma_start3A_230 = arith.constant 0 : i32
    %dma_start3A_231 = arith.constant 0 : i32
    %dma_start3A_232 = tpu.memref_slice %arg8[%dma_start3A_226, %dma_start3A_230, %dma_start3A_231] : memref<4x128x64xf32, #tpu.memory_space<vmem>> -> memref<1x128x64xf32, #tpu.memory_space<vmem>>
    %dma_start3A_233 = tpu.memref_squeeze %dma_start3A_232 : memref<1x128x64xf32, #tpu.memory_space<vmem>> -> memref<128x64xf32, #tpu.memory_space<vmem>>
    %dma_start3A_234 = arith.constant 0 : i32
    %dma_start3A_235 = arith.constant 0 : i32
    %dma_start3A_236 = tpu.memref_slice %arg7[%dma_start3A_227, %dma_start3A_234, %dma_start3A_235] : memref<3x4x128xi32, #tpu.memory_space<vmem>> -> memref<1x4x128xi32, #tpu.memory_space<vmem>>
    %dma_start3A_237 = tpu.memref_squeeze %dma_start3A_236 : memref<1x4x128xi32, #tpu.memory_space<vmem>> -> memref<4x128xi32, #tpu.memory_space<vmem>>
    %dma_start3A_238 = arith.constant 0 : i32
    %dma_start3A_239 = tpu.memref_slice %dma_start3A_237[%dma_start3A_228, %dma_start3A_238] : memref<4x128xi32, #tpu.memory_space<vmem>> -> memref<1x128xi32, #tpu.memory_space<vmem>>
    %dma_start3A_240 = tpu.memref_squeeze %dma_start3A_239 : memref<1x128xi32, #tpu.memory_space<vmem>> -> memref<128xi32, #tpu.memory_space<vmem>>
    %dma_start3A_241 = arith.constant 0 : i32
    %dma_start3A_242 = arith.constant 0 : i32
    %dma_start3A_243 = tpu.memref_slice %arg10[%dma_start3A_241, %dma_start3A_242] : memref<10016x64xf32, #tpu.memory_space<vmem_shared>> -> memref<10016x64xf32, #tpu.memory_space<vmem_shared>>
    %dma_start3A_244 = tpu.memref_slice %arg14[%dma_start3A_229] : memref<4x!tpu.dma_semaphore, #tpu.memory_space<semaphore_mem>> -> memref<1x!tpu.dma_semaphore, #tpu.memory_space<semaphore_mem>>
    %dma_start3A_245 = tpu.memref_squeeze %dma_start3A_244 : memref<1x!tpu.dma_semaphore, #tpu.memory_space<semaphore_mem>> -> memref<!tpu.dma_semaphore, #tpu.memory_space<semaphore_mem>>
    tpu.enqueue_indirect_dma source(%dma_start3A_233 : memref<128x64xf32, #tpu.memory_space<vmem>>) target(%dma_start3A_243 : memref<10016x64xf32, #tpu.memory_space<vmem_shared>>) offsets(%dma_start3A_240 : memref<128xi32, #tpu.memory_space<vmem>>) semaphore(%dma_start3A_245 : memref<!tpu.dma_semaphore, #tpu.memory_space<semaphore_mem>>) {add = true}
    %dma_wait3A_246 = arith.constant 1 : i32
    %dma_wait3A_247 = arith.constant 1 : i32
    %dma_wait3A_248 = arith.constant 0 : i32
    %dma_wait3A_249 = tpu.memref_slice %arg6[%dma_wait3A_246, %dma_wait3A_248] : memref<3x512xi32, #tpu.memory_space<vmem>> -> memref<1x512xi32, #tpu.memory_space<vmem>>
    %dma_wait3A_250 = tpu.memref_squeeze %dma_wait3A_249 : memref<1x512xi32, #tpu.memory_space<vmem>> -> memref<512xi32, #tpu.memory_space<vmem>>
    %dma_wait3A_251 = arith.constant 0 : i32
    %dma_wait3A_252 = tpu.memref_slice %arg3[%dma_wait3A_251] : memref<327680xi32, #tpu.memory_space<hbm>> -> memref<512xi32, #tpu.memory_space<hbm>>
    %dma_wait3A_253 = tpu.memref_slice %arg12[%dma_wait3A_247] : memref<3x!tpu.dma_semaphore, #tpu.memory_space<semaphore_mem>> -> memref<1x!tpu.dma_semaphore, #tpu.memory_space<semaphore_mem>>
    %dma_wait3A_254 = tpu.memref_squeeze %dma_wait3A_253 : memref<1x!tpu.dma_semaphore, #tpu.memory_space<semaphore_mem>> -> memref<!tpu.dma_semaphore, #tpu.memory_space<semaphore_mem>>
    %dma_wait3A_255 = arith.constant 0 : i32
    %dma_wait3A_256 = tpu.memref_slice %arg6[%dma_wait3A_246, %dma_wait3A_255] : memref<3x512xi32, #tpu.memory_space<vmem>> -> memref<1x512xi32, #tpu.memory_space<vmem>>
    %dma_wait3A_257 = tpu.memref_squeeze %dma_wait3A_256 : memref<1x512xi32, #tpu.memory_space<vmem>> -> memref<512xi32, #tpu.memory_space<vmem>>
    %dma_wait3A_258 = arith.constant 0 : i32
    %dma_wait3A_259 = tpu.memref_slice %arg3[%dma_wait3A_258] : memref<327680xi32, #tpu.memory_space<hbm>> -> memref<512xi32, #tpu.memory_space<hbm>>
    tpu.wait_dma2 semaphore(%dma_wait3A_254 : memref<!tpu.dma_semaphore, #tpu.memory_space<semaphore_mem>>) src(%dma_wait3A_259 : memref<512xi32, #tpu.memory_space<hbm>>) dst(%dma_wait3A_257 : memref<512xi32, #tpu.memory_space<vmem>>)
    %dma_wait3A_260 = arith.constant 1 : i32
    %dma_wait3A_261 = arith.constant 1 : i32
    %dma_wait3A_262 = arith.constant 0 : i32
    %dma_wait3A_263 = arith.constant 0 : i32
    %dma_wait3A_264 = tpu.memref_slice %arg7[%dma_wait3A_260, %dma_wait3A_262, %dma_wait3A_263] : memref<3x4x128xi32, #tpu.memory_space<vmem>> -> memref<1x4x128xi32, #tpu.memory_space<vmem>>
    %dma_wait3A_265 = tpu.memref_squeeze %dma_wait3A_264 : memref<1x4x128xi32, #tpu.memory_space<vmem>> -> memref<4x128xi32, #tpu.memory_space<vmem>>
    %dma_wait3A_266 = arith.constant 0 : i32
    %dma_wait3A_267 = arith.constant 0 : i32
    %dma_wait3A_268 = tpu.memref_slice %arg4[%dma_wait3A_266, %dma_wait3A_267] : memref<2560x128xi32, #tpu.memory_space<hbm>> -> memref<4x128xi32, #tpu.memory_space<hbm>>
    %dma_wait3A_269 = tpu.memref_slice %arg12[%dma_wait3A_261] : memref<3x!tpu.dma_semaphore, #tpu.memory_space<semaphore_mem>> -> memref<1x!tpu.dma_semaphore, #tpu.memory_space<semaphore_mem>>
    %dma_wait3A_270 = tpu.memref_squeeze %dma_wait3A_269 : memref<1x!tpu.dma_semaphore, #tpu.memory_space<semaphore_mem>> -> memref<!tpu.dma_semaphore, #tpu.memory_space<semaphore_mem>>
    %dma_wait3A_271 = arith.constant 0 : i32
    %dma_wait3A_272 = arith.constant 0 : i32
    %dma_wait3A_273 = tpu.memref_slice %arg7[%dma_wait3A_260, %dma_wait3A_271, %dma_wait3A_272] : memref<3x4x128xi32, #tpu.memory_space<vmem>> -> memref<1x4x128xi32, #tpu.memory_space<vmem>>
    %dma_wait3A_274 = tpu.memref_squeeze %dma_wait3A_273 : memref<1x4x128xi32, #tpu.memory_space<vmem>> -> memref<4x128xi32, #tpu.memory_space<vmem>>
    %dma_wait3A_275 = arith.constant 0 : i32
    %dma_wait3A_276 = arith.constant 0 : i32
    %dma_wait3A_277 = tpu.memref_slice %arg4[%dma_wait3A_275, %dma_wait3A_276] : memref<2560x128xi32, #tpu.memory_space<hbm>> -> memref<4x128xi32, #tpu.memory_space<hbm>>
    tpu.wait_dma2 semaphore(%dma_wait3A_270 : memref<!tpu.dma_semaphore, #tpu.memory_space<semaphore_mem>>) src(%dma_wait3A_277 : memref<4x128xi32, #tpu.memory_space<hbm>>) dst(%dma_wait3A_274 : memref<4x128xi32, #tpu.memory_space<vmem>>)
    %dma_wait3A_278 = arith.constant 0 : i32
    %dma_wait3A_279 = arith.constant 1 : i32
    %dma_wait3A_280 = arith.constant 1 : i32
    %dma_wait3A_281 = arith.constant 0 : i32
    %dma_wait3A_282 = arith.constant 0 : i32
    %dma_wait3A_283 = tpu.memref_slice %arg8[%dma_wait3A_279, %dma_wait3A_281, %dma_wait3A_282] : memref<4x128x64xf32, #tpu.memory_space<vmem>> -> memref<1x128x64xf32, #tpu.memory_space<vmem>>
    %dma_wait3A_284 = tpu.memref_squeeze %dma_wait3A_283 : memref<1x128x64xf32, #tpu.memory_space<vmem>> -> memref<128x64xf32, #tpu.memory_space<vmem>>
    %dma_wait3A_285 = arith.constant 0 : i32
    %dma_wait3A_286 = tpu.memref_slice %arg6[%dma_wait3A_278, %dma_wait3A_285] : memref<3x512xi32, #tpu.memory_space<vmem>> -> memref<1x512xi32, #tpu.memory_space<vmem>>
    %dma_wait3A_287 = tpu.memref_squeeze %dma_wait3A_286 : memref<1x512xi32, #tpu.memory_space<vmem>> -> memref<512xi32, #tpu.memory_space<vmem>>
    %dma_wait3A_288 = arith.constant 0 : i32
    %dma_wait3A_289 = tpu.memref_slice %dma_wait3A_287[%dma_wait3A_288] : memref<512xi32, #tpu.memory_space<vmem>> -> memref<128xi32, #tpu.memory_space<vmem>>
    %dma_wait3A_290 = arith.constant 0 : i32
    %dma_wait3A_291 = arith.constant 0 : i32
    %dma_wait3A_292 = tpu.memref_slice %arg11[%dma_wait3A_290, %dma_wait3A_291] : memref<10000x64xf32, #tpu.memory_space<vmem_shared>> -> memref<10000x64xf32, #tpu.memory_space<vmem_shared>>
    %dma_wait3A_293 = tpu.memref_slice %arg13[%dma_wait3A_280] : memref<4x!tpu.dma_semaphore, #tpu.memory_space<semaphore_mem>> -> memref<1x!tpu.dma_semaphore, #tpu.memory_space<semaphore_mem>>
    %dma_wait3A_294 = tpu.memref_squeeze %dma_wait3A_293 : memref<1x!tpu.dma_semaphore, #tpu.memory_space<semaphore_mem>> -> memref<!tpu.dma_semaphore, #tpu.memory_space<semaphore_mem>>
    tpu.wait_indirect_dma semaphore(%dma_wait3A_294 : memref<!tpu.dma_semaphore, #tpu.memory_space<semaphore_mem>>) src(%dma_wait3A_292 : memref<10000x64xf32, #tpu.memory_space<vmem_shared>>) dst(%dma_wait3A_284 : memref<128x64xf32, #tpu.memory_space<vmem>>)
    %dma_start3A_295 = arith.constant 1 : i32
    %dma_start3A_296 = arith.constant 0 : i32
    %dma_start3A_297 = arith.constant 1 : i32
    %dma_start3A_298 = arith.constant 1 : i32
    %dma_start3A_299 = arith.constant 0 : i32
    %dma_start3A_300 = arith.constant 0 : i32
    %dma_start3A_301 = tpu.memref_slice %arg8[%dma_start3A_295, %dma_start3A_299, %dma_start3A_300] : memref<4x128x64xf32, #tpu.memory_space<vmem>> -> memref<1x128x64xf32, #tpu.memory_space<vmem>>
    %dma_start3A_302 = tpu.memref_squeeze %dma_start3A_301 : memref<1x128x64xf32, #tpu.memory_space<vmem>> -> memref<128x64xf32, #tpu.memory_space<vmem>>
    %dma_start3A_303 = arith.constant 0 : i32
    %dma_start3A_304 = arith.constant 0 : i32
    %dma_start3A_305 = tpu.memref_slice %arg7[%dma_start3A_296, %dma_start3A_303, %dma_start3A_304] : memref<3x4x128xi32, #tpu.memory_space<vmem>> -> memref<1x4x128xi32, #tpu.memory_space<vmem>>
    %dma_start3A_306 = tpu.memref_squeeze %dma_start3A_305 : memref<1x4x128xi32, #tpu.memory_space<vmem>> -> memref<4x128xi32, #tpu.memory_space<vmem>>
    %dma_start3A_307 = arith.constant 0 : i32
    %dma_start3A_308 = tpu.memref_slice %dma_start3A_306[%dma_start3A_297, %dma_start3A_307] : memref<4x128xi32, #tpu.memory_space<vmem>> -> memref<1x128xi32, #tpu.memory_space<vmem>>
    %dma_start3A_309 = tpu.memref_squeeze %dma_start3A_308 : memref<1x128xi32, #tpu.memory_space<vmem>> -> memref<128xi32, #tpu.memory_space<vmem>>
    %dma_start3A_310 = arith.constant 0 : i32
    %dma_start3A_311 = arith.constant 0 : i32
    %dma_start3A_312 = tpu.memref_slice %arg10[%dma_start3A_310, %dma_start3A_311] : memref<10016x64xf32, #tpu.memory_space<vmem_shared>> -> memref<10016x64xf32, #tpu.memory_space<vmem_shared>>
    %dma_start3A_313 = tpu.memref_slice %arg14[%dma_start3A_298] : memref<4x!tpu.dma_semaphore, #tpu.memory_space<semaphore_mem>> -> memref<1x!tpu.dma_semaphore, #tpu.memory_space<semaphore_mem>>
    %dma_start3A_314 = tpu.memref_squeeze %dma_start3A_313 : memref<1x!tpu.dma_semaphore, #tpu.memory_space<semaphore_mem>> -> memref<!tpu.dma_semaphore, #tpu.memory_space<semaphore_mem>>
    tpu.enqueue_indirect_dma source(%dma_start3A_302 : memref<128x64xf32, #tpu.memory_space<vmem>>) target(%dma_start3A_312 : memref<10016x64xf32, #tpu.memory_space<vmem_shared>>) offsets(%dma_start3A_309 : memref<128xi32, #tpu.memory_space<vmem>>) semaphore(%dma_start3A_314 : memref<!tpu.dma_semaphore, #tpu.memory_space<semaphore_mem>>) {add = true}
    %dma_wait3A_315 = arith.constant 0 : i32
    %dma_wait3A_316 = arith.constant 0 : i32
    %dma_wait3A_317 = arith.constant 0 : i32
    %dma_wait3A_318 = arith.constant 0 : i32
    %dma_wait3A_319 = arith.constant 0 : i32
    %dma_wait3A_320 = arith.constant 0 : i32
    %dma_wait3A_321 = tpu.memref_slice %arg8[%dma_wait3A_315, %dma_wait3A_319, %dma_wait3A_320] : memref<4x128x64xf32, #tpu.memory_space<vmem>> -> memref<1x128x64xf32, #tpu.memory_space<vmem>>
    %dma_wait3A_322 = tpu.memref_squeeze %dma_wait3A_321 : memref<1x128x64xf32, #tpu.memory_space<vmem>> -> memref<128x64xf32, #tpu.memory_space<vmem>>
    %dma_wait3A_323 = arith.constant 0 : i32
    %dma_wait3A_324 = arith.constant 0 : i32
    %dma_wait3A_325 = tpu.memref_slice %arg7[%dma_wait3A_316, %dma_wait3A_323, %dma_wait3A_324] : memref<3x4x128xi32, #tpu.memory_space<vmem>> -> memref<1x4x128xi32, #tpu.memory_space<vmem>>
    %dma_wait3A_326 = tpu.memref_squeeze %dma_wait3A_325 : memref<1x4x128xi32, #tpu.memory_space<vmem>> -> memref<4x128xi32, #tpu.memory_space<vmem>>
    %dma_wait3A_327 = arith.constant 0 : i32
    %dma_wait3A_328 = tpu.memref_slice %dma_wait3A_326[%dma_wait3A_317, %dma_wait3A_327] : memref<4x128xi32, #tpu.memory_space<vmem>> -> memref<1x128xi32, #tpu.memory_space<vmem>>
    %dma_wait3A_329 = tpu.memref_squeeze %dma_wait3A_328 : memref<1x128xi32, #tpu.memory_space<vmem>> -> memref<128xi32, #tpu.memory_space<vmem>>
    %dma_wait3A_330 = arith.constant 0 : i32
    %dma_wait3A_331 = arith.constant 0 : i32
    %dma_wait3A_332 = tpu.memref_slice %arg10[%dma_wait3A_330, %dma_wait3A_331] : memref<10016x64xf32, #tpu.memory_space<vmem_shared>> -> memref<10016x64xf32, #tpu.memory_space<vmem_shared>>
    %dma_wait3A_333 = tpu.memref_slice %arg14[%dma_wait3A_318] : memref<4x!tpu.dma_semaphore, #tpu.memory_space<semaphore_mem>> -> memref<1x!tpu.dma_semaphore, #tpu.memory_space<semaphore_mem>>
    %dma_wait3A_334 = tpu.memref_squeeze %dma_wait3A_333 : memref<1x!tpu.dma_semaphore, #tpu.memory_space<semaphore_mem>> -> memref<!tpu.dma_semaphore, #tpu.memory_space<semaphore_mem>>
    tpu.wait_indirect_dma semaphore(%dma_wait3A_334 : memref<!tpu.dma_semaphore, #tpu.memory_space<semaphore_mem>>) src(%dma_wait3A_322 : memref<128x64xf32, #tpu.memory_space<vmem>>) dst(%dma_wait3A_332 : memref<10016x64xf32, #tpu.memory_space<vmem_shared>>)
    %dma_start3A_335 = arith.constant 1 : i32
    %dma_start3A_336 = arith.constant 0 : i32
    %dma_start3A_337 = arith.constant 0 : i32
    %dma_start3A_338 = arith.constant 0 : i32
    %dma_start3A_339 = arith.constant 0 : i32
    %dma_start3A_340 = tpu.memref_slice %arg8[%dma_start3A_336, %dma_start3A_338, %dma_start3A_339] : memref<4x128x64xf32, #tpu.memory_space<vmem>> -> memref<1x128x64xf32, #tpu.memory_space<vmem>>
    %dma_start3A_341 = tpu.memref_squeeze %dma_start3A_340 : memref<1x128x64xf32, #tpu.memory_space<vmem>> -> memref<128x64xf32, #tpu.memory_space<vmem>>
    %dma_start3A_342 = arith.constant 0 : i32
    %dma_start3A_343 = tpu.memref_slice %arg6[%dma_start3A_335, %dma_start3A_342] : memref<3x512xi32, #tpu.memory_space<vmem>> -> memref<1x512xi32, #tpu.memory_space<vmem>>
    %dma_start3A_344 = tpu.memref_squeeze %dma_start3A_343 : memref<1x512xi32, #tpu.memory_space<vmem>> -> memref<512xi32, #tpu.memory_space<vmem>>
    %dma_start3A_345 = arith.constant 0 : i32
    %dma_start3A_346 = tpu.memref_slice %dma_start3A_344[%dma_start3A_345] : memref<512xi32, #tpu.memory_space<vmem>> -> memref<128xi32, #tpu.memory_space<vmem>>
    %dma_start3A_347 = arith.constant 0 : i32
    %dma_start3A_348 = arith.constant 0 : i32
    %dma_start3A_349 = tpu.memref_slice %arg11[%dma_start3A_347, %dma_start3A_348] : memref<10000x64xf32, #tpu.memory_space<vmem_shared>> -> memref<10000x64xf32, #tpu.memory_space<vmem_shared>>
    %dma_start3A_350 = tpu.memref_slice %arg13[%dma_start3A_337] : memref<4x!tpu.dma_semaphore, #tpu.memory_space<semaphore_mem>> -> memref<1x!tpu.dma_semaphore, #tpu.memory_space<semaphore_mem>>
    %dma_start3A_351 = tpu.memref_squeeze %dma_start3A_350 : memref<1x!tpu.dma_semaphore, #tpu.memory_space<semaphore_mem>> -> memref<!tpu.dma_semaphore, #tpu.memory_space<semaphore_mem>>
    tpu.enqueue_indirect_dma source(%dma_start3A_349 : memref<10000x64xf32, #tpu.memory_space<vmem_shared>>) target(%dma_start3A_341 : memref<128x64xf32, #tpu.memory_space<vmem>>) offsets(%dma_start3A_346 : memref<128xi32, #tpu.memory_space<vmem>>) semaphore(%dma_start3A_351 : memref<!tpu.dma_semaphore, #tpu.memory_space<semaphore_mem>>)
    %dma_wait3A_352 = arith.constant 0 : i32
    %dma_wait3A_353 = arith.constant 2 : i32
    %dma_wait3A_354 = arith.constant 2 : i32
    %dma_wait3A_355 = arith.constant 0 : i32
    %dma_wait3A_356 = arith.constant 0 : i32
    %dma_wait3A_357 = tpu.memref_slice %arg8[%dma_wait3A_353, %dma_wait3A_355, %dma_wait3A_356] : memref<4x128x64xf32, #tpu.memory_space<vmem>> -> memref<1x128x64xf32, #tpu.memory_space<vmem>>
    %dma_wait3A_358 = tpu.memref_squeeze %dma_wait3A_357 : memref<1x128x64xf32, #tpu.memory_space<vmem>> -> memref<128x64xf32, #tpu.memory_space<vmem>>
    %dma_wait3A_359 = arith.constant 0 : i32
    %dma_wait3A_360 = tpu.memref_slice %arg6[%dma_wait3A_352, %dma_wait3A_359] : memref<3x512xi32, #tpu.memory_space<vmem>> -> memref<1x512xi32, #tpu.memory_space<vmem>>
    %dma_wait3A_361 = tpu.memref_squeeze %dma_wait3A_360 : memref<1x512xi32, #tpu.memory_space<vmem>> -> memref<512xi32, #tpu.memory_space<vmem>>
    %dma_wait3A_362 = arith.constant 0 : i32
    %dma_wait3A_363 = tpu.memref_slice %dma_wait3A_361[%dma_wait3A_362] : memref<512xi32, #tpu.memory_space<vmem>> -> memref<128xi32, #tpu.memory_space<vmem>>
    %dma_wait3A_364 = arith.constant 0 : i32
    %dma_wait3A_365 = arith.constant 0 : i32
    %dma_wait3A_366 = tpu.memref_slice %arg11[%dma_wait3A_364, %dma_wait3A_365] : memref<10000x64xf32, #tpu.memory_space<vmem_shared>> -> memref<10000x64xf32, #tpu.memory_space<vmem_shared>>
    %dma_wait3A_367 = tpu.memref_slice %arg13[%dma_wait3A_354] : memref<4x!tpu.dma_semaphore, #tpu.memory_space<semaphore_mem>> -> memref<1x!tpu.dma_semaphore, #tpu.memory_space<semaphore_mem>>
    %dma_wait3A_368 = tpu.memref_squeeze %dma_wait3A_367 : memref<1x!tpu.dma_semaphore, #tpu.memory_space<semaphore_mem>> -> memref<!tpu.dma_semaphore, #tpu.memory_space<semaphore_mem>>
    tpu.wait_indirect_dma semaphore(%dma_wait3A_368 : memref<!tpu.dma_semaphore, #tpu.memory_space<semaphore_mem>>) src(%dma_wait3A_366 : memref<10000x64xf32, #tpu.memory_space<vmem_shared>>) dst(%dma_wait3A_358 : memref<128x64xf32, #tpu.memory_space<vmem>>)
    %dma_start3A_369 = arith.constant 2 : i32
    %dma_start3A_370 = arith.constant 0 : i32
    %dma_start3A_371 = arith.constant 2 : i32
    %dma_start3A_372 = arith.constant 2 : i32
    %dma_start3A_373 = arith.constant 0 : i32
    %dma_start3A_374 = arith.constant 0 : i32
    %dma_start3A_375 = tpu.memref_slice %arg8[%dma_start3A_369, %dma_start3A_373, %dma_start3A_374] : memref<4x128x64xf32, #tpu.memory_space<vmem>> -> memref<1x128x64xf32, #tpu.memory_space<vmem>>
    %dma_start3A_376 = tpu.memref_squeeze %dma_start3A_375 : memref<1x128x64xf32, #tpu.memory_space<vmem>> -> memref<128x64xf32, #tpu.memory_space<vmem>>
    %dma_start3A_377 = arith.constant 0 : i32
    %dma_start3A_378 = arith.constant 0 : i32
    %dma_start3A_379 = tpu.memref_slice %arg7[%dma_start3A_370, %dma_start3A_377, %dma_start3A_378] : memref<3x4x128xi32, #tpu.memory_space<vmem>> -> memref<1x4x128xi32, #tpu.memory_space<vmem>>
    %dma_start3A_380 = tpu.memref_squeeze %dma_start3A_379 : memref<1x4x128xi32, #tpu.memory_space<vmem>> -> memref<4x128xi32, #tpu.memory_space<vmem>>
    %dma_start3A_381 = arith.constant 0 : i32
    %dma_start3A_382 = tpu.memref_slice %dma_start3A_380[%dma_start3A_371, %dma_start3A_381] : memref<4x128xi32, #tpu.memory_space<vmem>> -> memref<1x128xi32, #tpu.memory_space<vmem>>
    %dma_start3A_383 = tpu.memref_squeeze %dma_start3A_382 : memref<1x128xi32, #tpu.memory_space<vmem>> -> memref<128xi32, #tpu.memory_space<vmem>>
    %dma_start3A_384 = arith.constant 0 : i32
    %dma_start3A_385 = arith.constant 0 : i32
    %dma_start3A_386 = tpu.memref_slice %arg10[%dma_start3A_384, %dma_start3A_385] : memref<10016x64xf32, #tpu.memory_space<vmem_shared>> -> memref<10016x64xf32, #tpu.memory_space<vmem_shared>>
    %dma_start3A_387 = tpu.memref_slice %arg14[%dma_start3A_372] : memref<4x!tpu.dma_semaphore, #tpu.memory_space<semaphore_mem>> -> memref<1x!tpu.dma_semaphore, #tpu.memory_space<semaphore_mem>>
    %dma_start3A_388 = tpu.memref_squeeze %dma_start3A_387 : memref<1x!tpu.dma_semaphore, #tpu.memory_space<semaphore_mem>> -> memref<!tpu.dma_semaphore, #tpu.memory_space<semaphore_mem>>
    tpu.enqueue_indirect_dma source(%dma_start3A_376 : memref<128x64xf32, #tpu.memory_space<vmem>>) target(%dma_start3A_386 : memref<10016x64xf32, #tpu.memory_space<vmem_shared>>) offsets(%dma_start3A_383 : memref<128xi32, #tpu.memory_space<vmem>>) semaphore(%dma_start3A_388 : memref<!tpu.dma_semaphore, #tpu.memory_space<semaphore_mem>>) {add = true}
    %dma_wait3A_389 = arith.constant 1 : i32
    %dma_wait3A_390 = arith.constant 0 : i32
    %dma_wait3A_391 = arith.constant 0 : i32
    %dma_wait3A_392 = arith.constant 1 : i32
    %dma_wait3A_393 = arith.constant 0 : i32
    %dma_wait3A_394 = arith.constant 0 : i32
    %dma_wait3A_395 = tpu.memref_slice %arg8[%dma_wait3A_389, %dma_wait3A_393, %dma_wait3A_394] : memref<4x128x64xf32, #tpu.memory_space<vmem>> -> memref<1x128x64xf32, #tpu.memory_space<vmem>>
    %dma_wait3A_396 = tpu.memref_squeeze %dma_wait3A_395 : memref<1x128x64xf32, #tpu.memory_space<vmem>> -> memref<128x64xf32, #tpu.memory_space<vmem>>
    %dma_wait3A_397 = arith.constant 0 : i32
    %dma_wait3A_398 = arith.constant 0 : i32
    %dma_wait3A_399 = tpu.memref_slice %arg7[%dma_wait3A_390, %dma_wait3A_397, %dma_wait3A_398] : memref<3x4x128xi32, #tpu.memory_space<vmem>> -> memref<1x4x128xi32, #tpu.memory_space<vmem>>
    %dma_wait3A_400 = tpu.memref_squeeze %dma_wait3A_399 : memref<1x4x128xi32, #tpu.memory_space<vmem>> -> memref<4x128xi32, #tpu.memory_space<vmem>>
    %dma_wait3A_401 = arith.constant 0 : i32
    %dma_wait3A_402 = tpu.memref_slice %dma_wait3A_400[%dma_wait3A_391, %dma_wait3A_401] : memref<4x128xi32, #tpu.memory_space<vmem>> -> memref<1x128xi32, #tpu.memory_space<vmem>>
    %dma_wait3A_403 = tpu.memref_squeeze %dma_wait3A_402 : memref<1x128xi32, #tpu.memory_space<vmem>> -> memref<128xi32, #tpu.memory_space<vmem>>
    %dma_wait3A_404 = arith.constant 0 : i32
    %dma_wait3A_405 = arith.constant 0 : i32
    %dma_wait3A_406 = tpu.memref_slice %arg10[%dma_wait3A_404, %dma_wait3A_405] : memref<10016x64xf32, #tpu.memory_space<vmem_shared>> -> memref<10016x64xf32, #tpu.memory_space<vmem_shared>>
    %dma_wait3A_407 = tpu.memref_slice %arg14[%dma_wait3A_392] : memref<4x!tpu.dma_semaphore, #tpu.memory_space<semaphore_mem>> -> memref<1x!tpu.dma_semaphore, #tpu.memory_space<semaphore_mem>>
    %dma_wait3A_408 = tpu.memref_squeeze %dma_wait3A_407 : memref<1x!tpu.dma_semaphore, #tpu.memory_space<semaphore_mem>> -> memref<!tpu.dma_semaphore, #tpu.memory_space<semaphore_mem>>
    tpu.wait_indirect_dma semaphore(%dma_wait3A_408 : memref<!tpu.dma_semaphore, #tpu.memory_space<semaphore_mem>>) src(%dma_wait3A_396 : memref<128x64xf32, #tpu.memory_space<vmem>>) dst(%dma_wait3A_406 : memref<10016x64xf32, #tpu.memory_space<vmem_shared>>)
    %dma_start3A_409 = arith.constant 1 : i32
    %dma_start3A_410 = arith.constant 1 : i32
    %dma_start3A_411 = arith.constant 1 : i32
    %dma_start3A_412 = arith.constant 0 : i32
    %dma_start3A_413 = arith.constant 0 : i32
    %dma_start3A_414 = tpu.memref_slice %arg8[%dma_start3A_410, %dma_start3A_412, %dma_start3A_413] : memref<4x128x64xf32, #tpu.memory_space<vmem>> -> memref<1x128x64xf32, #tpu.memory_space<vmem>>
    %dma_start3A_415 = tpu.memref_squeeze %dma_start3A_414 : memref<1x128x64xf32, #tpu.memory_space<vmem>> -> memref<128x64xf32, #tpu.memory_space<vmem>>
    %dma_start3A_416 = arith.constant 0 : i32
    %dma_start3A_417 = tpu.memref_slice %arg6[%dma_start3A_409, %dma_start3A_416] : memref<3x512xi32, #tpu.memory_space<vmem>> -> memref<1x512xi32, #tpu.memory_space<vmem>>
    %dma_start3A_418 = tpu.memref_squeeze %dma_start3A_417 : memref<1x512xi32, #tpu.memory_space<vmem>> -> memref<512xi32, #tpu.memory_space<vmem>>
    %dma_start3A_419 = arith.constant 128 : i32
    %dma_start3A_420 = tpu.memref_slice %dma_start3A_418[%dma_start3A_419] : memref<512xi32, #tpu.memory_space<vmem>> -> memref<128xi32, #tpu.memory_space<vmem>>
    %dma_start3A_421 = arith.constant 0 : i32
    %dma_start3A_422 = arith.constant 0 : i32
    %dma_start3A_423 = tpu.memref_slice %arg11[%dma_start3A_421, %dma_start3A_422] : memref<10000x64xf32, #tpu.memory_space<vmem_shared>> -> memref<10000x64xf32, #tpu.memory_space<vmem_shared>>
    %dma_start3A_424 = tpu.memref_slice %arg13[%dma_start3A_411] : memref<4x!tpu.dma_semaphore, #tpu.memory_space<semaphore_mem>> -> memref<1x!tpu.dma_semaphore, #tpu.memory_space<semaphore_mem>>
    %dma_start3A_425 = tpu.memref_squeeze %dma_start3A_424 : memref<1x!tpu.dma_semaphore, #tpu.memory_space<semaphore_mem>> -> memref<!tpu.dma_semaphore, #tpu.memory_space<semaphore_mem>>
    tpu.enqueue_indirect_dma source(%dma_start3A_423 : memref<10000x64xf32, #tpu.memory_space<vmem_shared>>) target(%dma_start3A_415 : memref<128x64xf32, #tpu.memory_space<vmem>>) offsets(%dma_start3A_420 : memref<128xi32, #tpu.memory_space<vmem>>) semaphore(%dma_start3A_425 : memref<!tpu.dma_semaphore, #tpu.memory_space<semaphore_mem>>)
    %dma_wait3A_426 = arith.constant 0 : i32
    %dma_wait3A_427 = arith.constant 3 : i32
    %dma_wait3A_428 = arith.constant 3 : i32
    %dma_wait3A_429 = arith.constant 0 : i32
    %dma_wait3A_430 = arith.constant 0 : i32
    %dma_wait3A_431 = tpu.memref_slice %arg8[%dma_wait3A_427, %dma_wait3A_429, %dma_wait3A_430] : memref<4x128x64xf32, #tpu.memory_space<vmem>> -> memref<1x128x64xf32, #tpu.memory_space<vmem>>
    %dma_wait3A_432 = tpu.memref_squeeze %dma_wait3A_431 : memref<1x128x64xf32, #tpu.memory_space<vmem>> -> memref<128x64xf32, #tpu.memory_space<vmem>>
    %dma_wait3A_433 = arith.constant 0 : i32
    %dma_wait3A_434 = tpu.memref_slice %arg6[%dma_wait3A_426, %dma_wait3A_433] : memref<3x512xi32, #tpu.memory_space<vmem>> -> memref<1x512xi32, #tpu.memory_space<vmem>>
    %dma_wait3A_435 = tpu.memref_squeeze %dma_wait3A_434 : memref<1x512xi32, #tpu.memory_space<vmem>> -> memref<512xi32, #tpu.memory_space<vmem>>
    %dma_wait3A_436 = arith.constant 0 : i32
    %dma_wait3A_437 = tpu.memref_slice %dma_wait3A_435[%dma_wait3A_436] : memref<512xi32, #tpu.memory_space<vmem>> -> memref<128xi32, #tpu.memory_space<vmem>>
    %dma_wait3A_438 = arith.constant 0 : i32
    %dma_wait3A_439 = arith.constant 0 : i32
    %dma_wait3A_440 = tpu.memref_slice %arg11[%dma_wait3A_438, %dma_wait3A_439] : memref<10000x64xf32, #tpu.memory_space<vmem_shared>> -> memref<10000x64xf32, #tpu.memory_space<vmem_shared>>
    %dma_wait3A_441 = tpu.memref_slice %arg13[%dma_wait3A_428] : memref<4x!tpu.dma_semaphore, #tpu.memory_space<semaphore_mem>> -> memref<1x!tpu.dma_semaphore, #tpu.memory_space<semaphore_mem>>
    %dma_wait3A_442 = tpu.memref_squeeze %dma_wait3A_441 : memref<1x!tpu.dma_semaphore, #tpu.memory_space<semaphore_mem>> -> memref<!tpu.dma_semaphore, #tpu.memory_space<semaphore_mem>>
    tpu.wait_indirect_dma semaphore(%dma_wait3A_442 : memref<!tpu.dma_semaphore, #tpu.memory_space<semaphore_mem>>) src(%dma_wait3A_440 : memref<10000x64xf32, #tpu.memory_space<vmem_shared>>) dst(%dma_wait3A_432 : memref<128x64xf32, #tpu.memory_space<vmem>>)
    %dma_start3A_443 = arith.constant 3 : i32
    %dma_start3A_444 = arith.constant 0 : i32
    %dma_start3A_445 = arith.constant 3 : i32
    %dma_start3A_446 = arith.constant 3 : i32
    %dma_start3A_447 = arith.constant 0 : i32
    %dma_start3A_448 = arith.constant 0 : i32
    %dma_start3A_449 = tpu.memref_slice %arg8[%dma_start3A_443, %dma_start3A_447, %dma_start3A_448] : memref<4x128x64xf32, #tpu.memory_space<vmem>> -> memref<1x128x64xf32, #tpu.memory_space<vmem>>
    %dma_start3A_450 = tpu.memref_squeeze %dma_start3A_449 : memref<1x128x64xf32, #tpu.memory_space<vmem>> -> memref<128x64xf32, #tpu.memory_space<vmem>>
    %dma_start3A_451 = arith.constant 0 : i32
    %dma_start3A_452 = arith.constant 0 : i32
    %dma_start3A_453 = tpu.memref_slice %arg7[%dma_start3A_444, %dma_start3A_451, %dma_start3A_452] : memref<3x4x128xi32, #tpu.memory_space<vmem>> -> memref<1x4x128xi32, #tpu.memory_space<vmem>>
    %dma_start3A_454 = tpu.memref_squeeze %dma_start3A_453 : memref<1x4x128xi32, #tpu.memory_space<vmem>> -> memref<4x128xi32, #tpu.memory_space<vmem>>
    %dma_start3A_455 = arith.constant 0 : i32
    %dma_start3A_456 = tpu.memref_slice %dma_start3A_454[%dma_start3A_445, %dma_start3A_455] : memref<4x128xi32, #tpu.memory_space<vmem>> -> memref<1x128xi32, #tpu.memory_space<vmem>>
    %dma_start3A_457 = tpu.memref_squeeze %dma_start3A_456 : memref<1x128xi32, #tpu.memory_space<vmem>> -> memref<128xi32, #tpu.memory_space<vmem>>
    %dma_start3A_458 = arith.constant 0 : i32
    %dma_start3A_459 = arith.constant 0 : i32
    %dma_start3A_460 = tpu.memref_slice %arg10[%dma_start3A_458, %dma_start3A_459] : memref<10016x64xf32, #tpu.memory_space<vmem_shared>> -> memref<10016x64xf32, #tpu.memory_space<vmem_shared>>
    %dma_start3A_461 = tpu.memref_slice %arg14[%dma_start3A_446] : memref<4x!tpu.dma_semaphore, #tpu.memory_space<semaphore_mem>> -> memref<1x!tpu.dma_semaphore, #tpu.memory_space<semaphore_mem>>
    %dma_start3A_462 = tpu.memref_squeeze %dma_start3A_461 : memref<1x!tpu.dma_semaphore, #tpu.memory_space<semaphore_mem>> -> memref<!tpu.dma_semaphore, #tpu.memory_space<semaphore_mem>>
    tpu.enqueue_indirect_dma source(%dma_start3A_450 : memref<128x64xf32, #tpu.memory_space<vmem>>) target(%dma_start3A_460 : memref<10016x64xf32, #tpu.memory_space<vmem_shared>>) offsets(%dma_start3A_457 : memref<128xi32, #tpu.memory_space<vmem>>) semaphore(%dma_start3A_462 : memref<!tpu.dma_semaphore, #tpu.memory_space<semaphore_mem>>) {add = true}
    %dma_wait3A_463 = arith.constant 2 : i32
    %dma_wait3A_464 = arith.constant 0 : i32
    %dma_wait3A_465 = arith.constant 0 : i32
    %dma_wait3A_466 = arith.constant 2 : i32
    %dma_wait3A_467 = arith.constant 0 : i32
    %dma_wait3A_468 = arith.constant 0 : i32
    %dma_wait3A_469 = tpu.memref_slice %arg8[%dma_wait3A_463, %dma_wait3A_467, %dma_wait3A_468] : memref<4x128x64xf32, #tpu.memory_space<vmem>> -> memref<1x128x64xf32, #tpu.memory_space<vmem>>
    %dma_wait3A_470 = tpu.memref_squeeze %dma_wait3A_469 : memref<1x128x64xf32, #tpu.memory_space<vmem>> -> memref<128x64xf32, #tpu.memory_space<vmem>>
    %dma_wait3A_471 = arith.constant 0 : i32
    %dma_wait3A_472 = arith.constant 0 : i32
    %dma_wait3A_473 = tpu.memref_slice %arg7[%dma_wait3A_464, %dma_wait3A_471, %dma_wait3A_472] : memref<3x4x128xi32, #tpu.memory_space<vmem>> -> memref<1x4x128xi32, #tpu.memory_space<vmem>>
    %dma_wait3A_474 = tpu.memref_squeeze %dma_wait3A_473 : memref<1x4x128xi32, #tpu.memory_space<vmem>> -> memref<4x128xi32, #tpu.memory_space<vmem>>
    %dma_wait3A_475 = arith.constant 0 : i32
    %dma_wait3A_476 = tpu.memref_slice %dma_wait3A_474[%dma_wait3A_465, %dma_wait3A_475] : memref<4x128xi32, #tpu.memory_space<vmem>> -> memref<1x128xi32, #tpu.memory_space<vmem>>
    %dma_wait3A_477 = tpu.memref_squeeze %dma_wait3A_476 : memref<1x128xi32, #tpu.memory_space<vmem>> -> memref<128xi32, #tpu.memory_space<vmem>>
    %dma_wait3A_478 = arith.constant 0 : i32
    %dma_wait3A_479 = arith.constant 0 : i32
    %dma_wait3A_480 = tpu.memref_slice %arg10[%dma_wait3A_478, %dma_wait3A_479] : memref<10016x64xf32, #tpu.memory_space<vmem_shared>> -> memref<10016x64xf32, #tpu.memory_space<vmem_shared>>
    %dma_wait3A_481 = tpu.memref_slice %arg14[%dma_wait3A_466] : memref<4x!tpu.dma_semaphore, #tpu.memory_space<semaphore_mem>> -> memref<1x!tpu.dma_semaphore, #tpu.memory_space<semaphore_mem>>
    %dma_wait3A_482 = tpu.memref_squeeze %dma_wait3A_481 : memref<1x!tpu.dma_semaphore, #tpu.memory_space<semaphore_mem>> -> memref<!tpu.dma_semaphore, #tpu.memory_space<semaphore_mem>>
    tpu.wait_indirect_dma semaphore(%dma_wait3A_482 : memref<!tpu.dma_semaphore, #tpu.memory_space<semaphore_mem>>) src(%dma_wait3A_470 : memref<128x64xf32, #tpu.memory_space<vmem>>) dst(%dma_wait3A_480 : memref<10016x64xf32, #tpu.memory_space<vmem_shared>>)
    %dma_start3A_483 = arith.constant 1 : i32
    %dma_start3A_484 = arith.constant 2 : i32
    %dma_start3A_485 = arith.constant 2 : i32
    %dma_start3A_486 = arith.constant 0 : i32
    %dma_start3A_487 = arith.constant 0 : i32
    %dma_start3A_488 = tpu.memref_slice %arg8[%dma_start3A_484, %dma_start3A_486, %dma_start3A_487] : memref<4x128x64xf32, #tpu.memory_space<vmem>> -> memref<1x128x64xf32, #tpu.memory_space<vmem>>
    %dma_start3A_489 = tpu.memref_squeeze %dma_start3A_488 : memref<1x128x64xf32, #tpu.memory_space<vmem>> -> memref<128x64xf32, #tpu.memory_space<vmem>>
    %dma_start3A_490 = arith.constant 0 : i32
    %dma_start3A_491 = tpu.memref_slice %arg6[%dma_start3A_483, %dma_start3A_490] : memref<3x512xi32, #tpu.memory_space<vmem>> -> memref<1x512xi32, #tpu.memory_space<vmem>>
    %dma_start3A_492 = tpu.memref_squeeze %dma_start3A_491 : memref<1x512xi32, #tpu.memory_space<vmem>> -> memref<512xi32, #tpu.memory_space<vmem>>
    %dma_start3A_493 = arith.constant 256 : i32
    %dma_start3A_494 = tpu.memref_slice %dma_start3A_492[%dma_start3A_493] : memref<512xi32, #tpu.memory_space<vmem>> -> memref<128xi32, #tpu.memory_space<vmem>>
    %dma_start3A_495 = arith.constant 0 : i32
    %dma_start3A_496 = arith.constant 0 : i32
    %dma_start3A_497 = tpu.memref_slice %arg11[%dma_start3A_495, %dma_start3A_496] : memref<10000x64xf32, #tpu.memory_space<vmem_shared>> -> memref<10000x64xf32, #tpu.memory_space<vmem_shared>>
    %dma_start3A_498 = tpu.memref_slice %arg13[%dma_start3A_485] : memref<4x!tpu.dma_semaphore, #tpu.memory_space<semaphore_mem>> -> memref<1x!tpu.dma_semaphore, #tpu.memory_space<semaphore_mem>>
    %dma_start3A_499 = tpu.memref_squeeze %dma_start3A_498 : memref<1x!tpu.dma_semaphore, #tpu.memory_space<semaphore_mem>> -> memref<!tpu.dma_semaphore, #tpu.memory_space<semaphore_mem>>
    tpu.enqueue_indirect_dma source(%dma_start3A_497 : memref<10000x64xf32, #tpu.memory_space<vmem_shared>>) target(%dma_start3A_489 : memref<128x64xf32, #tpu.memory_space<vmem>>) offsets(%dma_start3A_494 : memref<128xi32, #tpu.memory_space<vmem>>) semaphore(%dma_start3A_499 : memref<!tpu.dma_semaphore, #tpu.memory_space<semaphore_mem>>)
    %scan3A_500 = arith.constant 0 : i32
    %scan3A_501 = arith.constant 1 : i32
    %scan3A_502 = arith.constant 38 : i32
    %scan3A_503 = arith.addi %scan3A_501, %scan3A_502 : i32
    %scan3A_504 = arith.constant 1 : i32
    scf.for %scan3A_778 = %scan3A_501 to %scan3A_503 step %scan3A_504  : i32 {
      %jit3A = arith.constant 3 : i32
      %eq3A = arith.constant 0 : i32
      %eq3A_779 = arith.cmpi eq, %jit3A, %eq3A : i32
      %jit3A_780 = arith.constant 1 : i32
      %select_n3A = arith.select %eq3A_779, %jit3A_780, %jit3A : i32
      %rem3A = arith.remsi %scan3A_778, %select_n3A : i32
      %ne3A = arith.constant 0 : i32
      %ne3A_781 = arith.cmpi ne, %rem3A, %ne3A : i32
      %lt3A = arith.constant 0 : i32
      %lt3A_782 = arith.cmpi slt, %rem3A, %lt3A : i32
      %lt3A_783 = arith.constant 0 : i32
      %lt3A_784 = arith.cmpi slt, %select_n3A, %lt3A_783 : i32
      %ne3A_785 = arith.xori %lt3A_782, %lt3A_784 : i1
      %and3A = arith.andi %ne3A_785, %ne3A_781 : i1
      %add3A_786 = arith.addi %rem3A, %select_n3A : i32
      %select_n3A_787 = arith.select %and3A, %add3A_786, %rem3A : i32
      %add3A_788 = arith.constant 1 : i32
      %add3A_789 = arith.addi %scan3A_778, %add3A_788 : i32
      %jit3A_790 = arith.constant 3 : i32
      %eq3A_791 = arith.constant 0 : i32
      %eq3A_792 = arith.cmpi eq, %jit3A_790, %eq3A_791 : i32
      %jit3A_793 = arith.constant 1 : i32
      %select_n3A_794 = arith.select %eq3A_792, %jit3A_793, %jit3A_790 : i32
      %rem3A_795 = arith.remsi %add3A_789, %select_n3A_794 : i32
      %ne3A_796 = arith.constant 0 : i32
      %ne3A_797 = arith.cmpi ne, %rem3A_795, %ne3A_796 : i32
      %lt3A_798 = arith.constant 0 : i32
      %lt3A_799 = arith.cmpi slt, %rem3A_795, %lt3A_798 : i32
      %lt3A_800 = arith.constant 0 : i32
      %lt3A_801 = arith.cmpi slt, %select_n3A_794, %lt3A_800 : i32
      %ne3A_802 = arith.xori %lt3A_799, %lt3A_801 : i1
      %and3A_803 = arith.andi %ne3A_802, %ne3A_797 : i1
      %add3A_804 = arith.addi %rem3A_795, %select_n3A_794 : i32
      %select_n3A_805 = arith.select %and3A_803, %add3A_804, %rem3A_795 : i32
      %dma_wait3A_806 = arith.constant 0 : i32
      %dma_wait3A_807 = arith.constant 0 : i32
      %dma_wait3A_808 = arith.constant 0 : i32
      %dma_wait3A_809 = arith.constant 0 : i32
      %dma_wait3A_810 = arith.constant 0 : i32
      %dma_wait3A_811 = tpu.memref_slice %arg8[%dma_wait3A_807, %dma_wait3A_809, %dma_wait3A_810] : memref<4x128x64xf32, #tpu.memory_space<vmem>> -> memref<1x128x64xf32, #tpu.memory_space<vmem>>
      %dma_wait3A_812 = tpu.memref_squeeze %dma_wait3A_811 : memref<1x128x64xf32, #tpu.memory_space<vmem>> -> memref<128x64xf32, #tpu.memory_space<vmem>>
      %dma_wait3A_813 = arith.constant 0 : i32
      %dma_wait3A_814 = tpu.memref_slice %arg6[%dma_wait3A_806, %dma_wait3A_813] : memref<3x512xi32, #tpu.memory_space<vmem>> -> memref<1x512xi32, #tpu.memory_space<vmem>>
      %dma_wait3A_815 = tpu.memref_squeeze %dma_wait3A_814 : memref<1x512xi32, #tpu.memory_space<vmem>> -> memref<512xi32, #tpu.memory_space<vmem>>
      %dma_wait3A_816 = arith.constant 0 : i32
      %dma_wait3A_817 = tpu.memref_slice %dma_wait3A_815[%dma_wait3A_816] : memref<512xi32, #tpu.memory_space<vmem>> -> memref<128xi32, #tpu.memory_space<vmem>>
      %dma_wait3A_818 = arith.constant 0 : i32
      %dma_wait3A_819 = arith.constant 0 : i32
      %dma_wait3A_820 = tpu.memref_slice %arg11[%dma_wait3A_818, %dma_wait3A_819] : memref<10000x64xf32, #tpu.memory_space<vmem_shared>> -> memref<10000x64xf32, #tpu.memory_space<vmem_shared>>
      %dma_wait3A_821 = tpu.memref_slice %arg13[%dma_wait3A_808] : memref<4x!tpu.dma_semaphore, #tpu.memory_space<semaphore_mem>> -> memref<1x!tpu.dma_semaphore, #tpu.memory_space<semaphore_mem>>
      %dma_wait3A_822 = tpu.memref_squeeze %dma_wait3A_821 : memref<1x!tpu.dma_semaphore, #tpu.memory_space<semaphore_mem>> -> memref<!tpu.dma_semaphore, #tpu.memory_space<semaphore_mem>>
      tpu.wait_indirect_dma semaphore(%dma_wait3A_822 : memref<!tpu.dma_semaphore, #tpu.memory_space<semaphore_mem>>) src(%dma_wait3A_820 : memref<10000x64xf32, #tpu.memory_space<vmem_shared>>) dst(%dma_wait3A_812 : memref<128x64xf32, #tpu.memory_space<vmem>>)
      %dma_start3A_823 = arith.constant 0 : i32
      %dma_start3A_824 = arith.constant 0 : i32
      %dma_start3A_825 = arith.constant 0 : i32
      %dma_start3A_826 = arith.constant 0 : i32
      %dma_start3A_827 = arith.constant 0 : i32
      %dma_start3A_828 = tpu.memref_slice %arg8[%dma_start3A_823, %dma_start3A_826, %dma_start3A_827] : memref<4x128x64xf32, #tpu.memory_space<vmem>> -> memref<1x128x64xf32, #tpu.memory_space<vmem>>
      %dma_start3A_829 = tpu.memref_squeeze %dma_start3A_828 : memref<1x128x64xf32, #tpu.memory_space<vmem>> -> memref<128x64xf32, #tpu.memory_space<vmem>>
      %dma_start3A_830 = arith.constant 0 : i32
      %dma_start3A_831 = arith.constant 0 : i32
      %dma_start3A_832 = tpu.memref_slice %arg7[%select_n3A_787, %dma_start3A_830, %dma_start3A_831] : memref<3x4x128xi32, #tpu.memory_space<vmem>> -> memref<1x4x128xi32, #tpu.memory_space<vmem>>
      %dma_start3A_833 = tpu.memref_squeeze %dma_start3A_832 : memref<1x4x128xi32, #tpu.memory_space<vmem>> -> memref<4x128xi32, #tpu.memory_space<vmem>>
      %dma_start3A_834 = arith.constant 0 : i32
      %dma_start3A_835 = tpu.memref_slice %dma_start3A_833[%dma_start3A_824, %dma_start3A_834] : memref<4x128xi32, #tpu.memory_space<vmem>> -> memref<1x128xi32, #tpu.memory_space<vmem>>
      %dma_start3A_836 = tpu.memref_squeeze %dma_start3A_835 : memref<1x128xi32, #tpu.memory_space<vmem>> -> memref<128xi32, #tpu.memory_space<vmem>>
      %dma_start3A_837 = arith.constant 0 : i32
      %dma_start3A_838 = arith.constant 0 : i32
      %dma_start3A_839 = tpu.memref_slice %arg10[%dma_start3A_837, %dma_start3A_838] : memref<10016x64xf32, #tpu.memory_space<vmem_shared>> -> memref<10016x64xf32, #tpu.memory_space<vmem_shared>>
      %dma_start3A_840 = tpu.memref_slice %arg14[%dma_start3A_825] : memref<4x!tpu.dma_semaphore, #tpu.memory_space<semaphore_mem>> -> memref<1x!tpu.dma_semaphore, #tpu.memory_space<semaphore_mem>>
      %dma_start3A_841 = tpu.memref_squeeze %dma_start3A_840 : memref<1x!tpu.dma_semaphore, #tpu.memory_space<semaphore_mem>> -> memref<!tpu.dma_semaphore, #tpu.memory_space<semaphore_mem>>
      tpu.enqueue_indirect_dma source(%dma_start3A_829 : memref<128x64xf32, #tpu.memory_space<vmem>>) target(%dma_start3A_839 : memref<10016x64xf32, #tpu.memory_space<vmem_shared>>) offsets(%dma_start3A_836 : memref<128xi32, #tpu.memory_space<vmem>>) semaphore(%dma_start3A_841 : memref<!tpu.dma_semaphore, #tpu.memory_space<semaphore_mem>>) {add = true}
      %dma_wait3A_842 = arith.constant 3 : i32
      %dma_wait3A_843 = arith.constant 0 : i32
      %dma_wait3A_844 = arith.constant 0 : i32
      %dma_wait3A_845 = arith.constant 3 : i32
      %dma_wait3A_846 = arith.constant 0 : i32
      %dma_wait3A_847 = arith.constant 0 : i32
      %dma_wait3A_848 = tpu.memref_slice %arg8[%dma_wait3A_842, %dma_wait3A_846, %dma_wait3A_847] : memref<4x128x64xf32, #tpu.memory_space<vmem>> -> memref<1x128x64xf32, #tpu.memory_space<vmem>>
      %dma_wait3A_849 = tpu.memref_squeeze %dma_wait3A_848 : memref<1x128x64xf32, #tpu.memory_space<vmem>> -> memref<128x64xf32, #tpu.memory_space<vmem>>
      %dma_wait3A_850 = arith.constant 0 : i32
      %dma_wait3A_851 = arith.constant 0 : i32
      %dma_wait3A_852 = tpu.memref_slice %arg7[%dma_wait3A_843, %dma_wait3A_850, %dma_wait3A_851] : memref<3x4x128xi32, #tpu.memory_space<vmem>> -> memref<1x4x128xi32, #tpu.memory_space<vmem>>
      %dma_wait3A_853 = tpu.memref_squeeze %dma_wait3A_852 : memref<1x4x128xi32, #tpu.memory_space<vmem>> -> memref<4x128xi32, #tpu.memory_space<vmem>>
      %dma_wait3A_854 = arith.constant 0 : i32
      %dma_wait3A_855 = tpu.memref_slice %dma_wait3A_853[%dma_wait3A_844, %dma_wait3A_854] : memref<4x128xi32, #tpu.memory_space<vmem>> -> memref<1x128xi32, #tpu.memory_space<vmem>>
      %dma_wait3A_856 = tpu.memref_squeeze %dma_wait3A_855 : memref<1x128xi32, #tpu.memory_space<vmem>> -> memref<128xi32, #tpu.memory_space<vmem>>
      %dma_wait3A_857 = arith.constant 0 : i32
      %dma_wait3A_858 = arith.constant 0 : i32
      %dma_wait3A_859 = tpu.memref_slice %arg10[%dma_wait3A_857, %dma_wait3A_858] : memref<10016x64xf32, #tpu.memory_space<vmem_shared>> -> memref<10016x64xf32, #tpu.memory_space<vmem_shared>>
      %dma_wait3A_860 = tpu.memref_slice %arg14[%dma_wait3A_845] : memref<4x!tpu.dma_semaphore, #tpu.memory_space<semaphore_mem>> -> memref<1x!tpu.dma_semaphore, #tpu.memory_space<semaphore_mem>>
      %dma_wait3A_861 = tpu.memref_squeeze %dma_wait3A_860 : memref<1x!tpu.dma_semaphore, #tpu.memory_space<semaphore_mem>> -> memref<!tpu.dma_semaphore, #tpu.memory_space<semaphore_mem>>
      tpu.wait_indirect_dma semaphore(%dma_wait3A_861 : memref<!tpu.dma_semaphore, #tpu.memory_space<semaphore_mem>>) src(%dma_wait3A_849 : memref<128x64xf32, #tpu.memory_space<vmem>>) dst(%dma_wait3A_859 : memref<10016x64xf32, #tpu.memory_space<vmem_shared>>)
      %dma_start3A_862 = arith.constant 3 : i32
      %dma_start3A_863 = arith.constant 3 : i32
      %dma_start3A_864 = arith.constant 0 : i32
      %dma_start3A_865 = arith.constant 0 : i32
      %dma_start3A_866 = tpu.memref_slice %arg8[%dma_start3A_862, %dma_start3A_864, %dma_start3A_865] : memref<4x128x64xf32, #tpu.memory_space<vmem>> -> memref<1x128x64xf32, #tpu.memory_space<vmem>>
      %dma_start3A_867 = tpu.memref_squeeze %dma_start3A_866 : memref<1x128x64xf32, #tpu.memory_space<vmem>> -> memref<128x64xf32, #tpu.memory_space<vmem>>
      %dma_start3A_868 = arith.constant 0 : i32
      %dma_start3A_869 = tpu.memref_slice %arg6[%select_n3A_787, %dma_start3A_868] : memref<3x512xi32, #tpu.memory_space<vmem>> -> memref<1x512xi32, #tpu.memory_space<vmem>>
      %dma_start3A_870 = tpu.memref_squeeze %dma_start3A_869 : memref<1x512xi32, #tpu.memory_space<vmem>> -> memref<512xi32, #tpu.memory_space<vmem>>
      %dma_start3A_871 = arith.constant 384 : i32
      %dma_start3A_872 = tpu.memref_slice %dma_start3A_870[%dma_start3A_871] : memref<512xi32, #tpu.memory_space<vmem>> -> memref<128xi32, #tpu.memory_space<vmem>>
      %dma_start3A_873 = arith.constant 0 : i32
      %dma_start3A_874 = arith.constant 0 : i32
      %dma_start3A_875 = tpu.memref_slice %arg11[%dma_start3A_873, %dma_start3A_874] : memref<10000x64xf32, #tpu.memory_space<vmem_shared>> -> memref<10000x64xf32, #tpu.memory_space<vmem_shared>>
      %dma_start3A_876 = tpu.memref_slice %arg13[%dma_start3A_863] : memref<4x!tpu.dma_semaphore, #tpu.memory_space<semaphore_mem>> -> memref<1x!tpu.dma_semaphore, #tpu.memory_space<semaphore_mem>>
      %dma_start3A_877 = tpu.memref_squeeze %dma_start3A_876 : memref<1x!tpu.dma_semaphore, #tpu.memory_space<semaphore_mem>> -> memref<!tpu.dma_semaphore, #tpu.memory_space<semaphore_mem>>
      tpu.enqueue_indirect_dma source(%dma_start3A_875 : memref<10000x64xf32, #tpu.memory_space<vmem_shared>>) target(%dma_start3A_867 : memref<128x64xf32, #tpu.memory_space<vmem>>) offsets(%dma_start3A_872 : memref<128xi32, #tpu.memory_space<vmem>>) semaphore(%dma_start3A_877 : memref<!tpu.dma_semaphore, #tpu.memory_space<semaphore_mem>>)
      %lt3A_878 = arith.constant 38 : i32
      %lt3A_879 = arith.cmpi slt, %scan3A_778, %lt3A_878 : i32
      %convert_element_type3A = arith.extui %lt3A_879 : i1 to i32
      %cond3A = arith.constant 0 : i32
      %cond3A_880 = arith.cmpi ne, %convert_element_type3A, %cond3A : i32
      scf.if %cond3A_880 {
        %add3A_1102 = arith.constant 2 : i32
        %add3A_1103 = arith.addi %scan3A_778, %add3A_1102 : i32
        %add3A_1104 = arith.constant 2 : i32
        %add3A_1105 = arith.addi %scan3A_778, %add3A_1104 : i32
        %jit3A_1106 = arith.constant 3 : i32
        %eq3A_1107 = arith.constant 0 : i32
        %eq3A_1108 = arith.cmpi eq, %jit3A_1106, %eq3A_1107 : i32
        %jit3A_1109 = arith.constant 1 : i32
        %select_n3A_1110 = arith.select %eq3A_1108, %jit3A_1109, %jit3A_1106 : i32
        %rem3A_1111 = arith.remsi %add3A_1105, %select_n3A_1110 : i32
        %ne3A_1112 = arith.constant 0 : i32
        %ne3A_1113 = arith.cmpi ne, %rem3A_1111, %ne3A_1112 : i32
        %lt3A_1114 = arith.constant 0 : i32
        %lt3A_1115 = arith.cmpi slt, %rem3A_1111, %lt3A_1114 : i32
        %lt3A_1116 = arith.constant 0 : i32
        %lt3A_1117 = arith.cmpi slt, %select_n3A_1110, %lt3A_1116 : i32
        %ne3A_1118 = arith.xori %lt3A_1115, %lt3A_1117 : i1
        %and3A_1119 = arith.andi %ne3A_1118, %ne3A_1113 : i1
        %add3A_1120 = arith.addi %rem3A_1111, %select_n3A_1110 : i32
        %select_n3A_1121 = arith.select %and3A_1119, %add3A_1120, %rem3A_1111 : i32
        %mul3A_1122 = arith.constant 4 : i32
        %mul3A_1123 = arith.muli %add3A_1103, %mul3A_1122 : i32
        %mul3A_1124 = arith.constant 128 : i32
        %mul3A_1125 = arith.muli %mul3A_1123, %mul3A_1124 : i32
        %mul3A_1126 = arith.constant 20480 : i32
        %mul3A_1127 = arith.muli %arg1, %mul3A_1126 : i32
        %add3A_1128 = arith.addi %mul3A_1127, %mul3A_1125 : i32
        %dma_start3A_1129 = arith.constant 0 : i32
        %dma_start3A_1130 = tpu.memref_slice %arg6[%select_n3A_1121, %dma_start3A_1129] : memref<3x512xi32, #tpu.memory_space<vmem>> -> memref<1x512xi32, #tpu.memory_space<vmem>>
        %dma_start3A_1131 = tpu.memref_squeeze %dma_start3A_1130 : memref<1x512xi32, #tpu.memory_space<vmem>> -> memref<512xi32, #tpu.memory_space<vmem>>
        %dma_start3A_1132 = tpu.memref_slice %arg3[%add3A_1128] : memref<327680xi32, #tpu.memory_space<hbm>> -> memref<512xi32, #tpu.memory_space<hbm>>
        %dma_start3A_1133 = tpu.memref_slice %arg12[%select_n3A_1121] : memref<3x!tpu.dma_semaphore, #tpu.memory_space<semaphore_mem>> -> memref<1x!tpu.dma_semaphore, #tpu.memory_space<semaphore_mem>>
        %dma_start3A_1134 = tpu.memref_squeeze %dma_start3A_1133 : memref<1x!tpu.dma_semaphore, #tpu.memory_space<semaphore_mem>> -> memref<!tpu.dma_semaphore, #tpu.memory_space<semaphore_mem>>
        %dma_start3A_1135 = arith.constant 0 : i32
        %dma_start3A_1136 = tpu.memref_slice %arg6[%select_n3A_1121, %dma_start3A_1135] : memref<3x512xi32, #tpu.memory_space<vmem>> -> memref<1x512xi32, #tpu.memory_space<vmem>>
        %dma_start3A_1137 = tpu.memref_squeeze %dma_start3A_1136 : memref<1x512xi32, #tpu.memory_space<vmem>> -> memref<512xi32, #tpu.memory_space<vmem>>
        %dma_start3A_1138 = tpu.memref_slice %arg3[%add3A_1128] : memref<327680xi32, #tpu.memory_space<hbm>> -> memref<512xi32, #tpu.memory_space<hbm>>
        tpu.enqueue_dma source(%dma_start3A_1138 : memref<512xi32, #tpu.memory_space<hbm>>) target(%dma_start3A_1137 : memref<512xi32, #tpu.memory_space<vmem>>) target_semaphore(%dma_start3A_1134 : memref<!tpu.dma_semaphore, #tpu.memory_space<semaphore_mem>>)
        %mul3A_1139 = arith.constant 160 : i32
        %mul3A_1140 = arith.muli %arg1, %mul3A_1139 : i32
        %mul3A_1141 = arith.constant 4 : i32
        %mul3A_1142 = arith.muli %add3A_1103, %mul3A_1141 : i32
        %add3A_1143 = arith.addi %mul3A_1140, %mul3A_1142 : i32
        %dma_start3A_1144 = arith.constant 0 : i32
        %dma_start3A_1145 = arith.constant 0 : i32
        %dma_start3A_1146 = tpu.memref_slice %arg7[%select_n3A_1121, %dma_start3A_1144, %dma_start3A_1145] : memref<3x4x128xi32, #tpu.memory_space<vmem>> -> memref<1x4x128xi32, #tpu.memory_space<vmem>>
        %dma_start3A_1147 = tpu.memref_squeeze %dma_start3A_1146 : memref<1x4x128xi32, #tpu.memory_space<vmem>> -> memref<4x128xi32, #tpu.memory_space<vmem>>
        %dma_start3A_1148 = arith.constant 0 : i32
        %dma_start3A_1149 = tpu.memref_slice %arg4[%add3A_1143, %dma_start3A_1148] : memref<2560x128xi32, #tpu.memory_space<hbm>> -> memref<4x128xi32, #tpu.memory_space<hbm>>
        %dma_start3A_1150 = tpu.memref_slice %arg12[%select_n3A_1121] : memref<3x!tpu.dma_semaphore, #tpu.memory_space<semaphore_mem>> -> memref<1x!tpu.dma_semaphore, #tpu.memory_space<semaphore_mem>>
        %dma_start3A_1151 = tpu.memref_squeeze %dma_start3A_1150 : memref<1x!tpu.dma_semaphore, #tpu.memory_space<semaphore_mem>> -> memref<!tpu.dma_semaphore, #tpu.memory_space<semaphore_mem>>
        %dma_start3A_1152 = arith.constant 0 : i32
        %dma_start3A_1153 = arith.constant 0 : i32
        %dma_start3A_1154 = tpu.memref_slice %arg7[%select_n3A_1121, %dma_start3A_1152, %dma_start3A_1153] : memref<3x4x128xi32, #tpu.memory_space<vmem>> -> memref<1x4x128xi32, #tpu.memory_space<vmem>>
        %dma_start3A_1155 = tpu.memref_squeeze %dma_start3A_1154 : memref<1x4x128xi32, #tpu.memory_space<vmem>> -> memref<4x128xi32, #tpu.memory_space<vmem>>
        %dma_start3A_1156 = arith.constant 0 : i32
        %dma_start3A_1157 = tpu.memref_slice %arg4[%add3A_1143, %dma_start3A_1156] : memref<2560x128xi32, #tpu.memory_space<hbm>> -> memref<4x128xi32, #tpu.memory_space<hbm>>
        tpu.enqueue_dma source(%dma_start3A_1157 : memref<4x128xi32, #tpu.memory_space<hbm>>) target(%dma_start3A_1155 : memref<4x128xi32, #tpu.memory_space<vmem>>) target_semaphore(%dma_start3A_1151 : memref<!tpu.dma_semaphore, #tpu.memory_space<semaphore_mem>>)
      } else {
      }
      %lt3A_881 = arith.constant 39 : i32
      %lt3A_882 = arith.cmpi slt, %scan3A_778, %lt3A_881 : i32
      %convert_element_type3A_883 = arith.extui %lt3A_882 : i1 to i32
      %cond3A_884 = arith.constant 0 : i32
      %cond3A_885 = arith.cmpi ne, %convert_element_type3A_883, %cond3A_884 : i32
      scf.if %cond3A_885 {
        %dma_wait3A_1102 = arith.constant 0 : i32
        %dma_wait3A_1103 = tpu.memref_slice %arg6[%select_n3A_805, %dma_wait3A_1102] : memref<3x512xi32, #tpu.memory_space<vmem>> -> memref<1x512xi32, #tpu.memory_space<vmem>>
        %dma_wait3A_1104 = tpu.memref_squeeze %dma_wait3A_1103 : memref<1x512xi32, #tpu.memory_space<vmem>> -> memref<512xi32, #tpu.memory_space<vmem>>
        %dma_wait3A_1105 = arith.constant 0 : i32
        %dma_wait3A_1106 = tpu.memref_slice %arg3[%dma_wait3A_1105] : memref<327680xi32, #tpu.memory_space<hbm>> -> memref<512xi32, #tpu.memory_space<hbm>>
        %dma_wait3A_1107 = tpu.memref_slice %arg12[%select_n3A_805] : memref<3x!tpu.dma_semaphore, #tpu.memory_space<semaphore_mem>> -> memref<1x!tpu.dma_semaphore, #tpu.memory_space<semaphore_mem>>
        %dma_wait3A_1108 = tpu.memref_squeeze %dma_wait3A_1107 : memref<1x!tpu.dma_semaphore, #tpu.memory_space<semaphore_mem>> -> memref<!tpu.dma_semaphore, #tpu.memory_space<semaphore_mem>>
        %dma_wait3A_1109 = arith.constant 0 : i32
        %dma_wait3A_1110 = tpu.memref_slice %arg6[%select_n3A_805, %dma_wait3A_1109] : memref<3x512xi32, #tpu.memory_space<vmem>> -> memref<1x512xi32, #tpu.memory_space<vmem>>
        %dma_wait3A_1111 = tpu.memref_squeeze %dma_wait3A_1110 : memref<1x512xi32, #tpu.memory_space<vmem>> -> memref<512xi32, #tpu.memory_space<vmem>>
        %dma_wait3A_1112 = arith.constant 0 : i32
        %dma_wait3A_1113 = tpu.memref_slice %arg3[%dma_wait3A_1112] : memref<327680xi32, #tpu.memory_space<hbm>> -> memref<512xi32, #tpu.memory_space<hbm>>
        tpu.wait_dma2 semaphore(%dma_wait3A_1108 : memref<!tpu.dma_semaphore, #tpu.memory_space<semaphore_mem>>) src(%dma_wait3A_1113 : memref<512xi32, #tpu.memory_space<hbm>>) dst(%dma_wait3A_1111 : memref<512xi32, #tpu.memory_space<vmem>>)
        %dma_wait3A_1114 = arith.constant 0 : i32
        %dma_wait3A_1115 = arith.constant 0 : i32
        %dma_wait3A_1116 = tpu.memref_slice %arg7[%select_n3A_805, %dma_wait3A_1114, %dma_wait3A_1115] : memref<3x4x128xi32, #tpu.memory_space<vmem>> -> memref<1x4x128xi32, #tpu.memory_space<vmem>>
        %dma_wait3A_1117 = tpu.memref_squeeze %dma_wait3A_1116 : memref<1x4x128xi32, #tpu.memory_space<vmem>> -> memref<4x128xi32, #tpu.memory_space<vmem>>
        %dma_wait3A_1118 = arith.constant 0 : i32
        %dma_wait3A_1119 = arith.constant 0 : i32
        %dma_wait3A_1120 = tpu.memref_slice %arg4[%dma_wait3A_1118, %dma_wait3A_1119] : memref<2560x128xi32, #tpu.memory_space<hbm>> -> memref<4x128xi32, #tpu.memory_space<hbm>>
        %dma_wait3A_1121 = tpu.memref_slice %arg12[%select_n3A_805] : memref<3x!tpu.dma_semaphore, #tpu.memory_space<semaphore_mem>> -> memref<1x!tpu.dma_semaphore, #tpu.memory_space<semaphore_mem>>
        %dma_wait3A_1122 = tpu.memref_squeeze %dma_wait3A_1121 : memref<1x!tpu.dma_semaphore, #tpu.memory_space<semaphore_mem>> -> memref<!tpu.dma_semaphore, #tpu.memory_space<semaphore_mem>>
        %dma_wait3A_1123 = arith.constant 0 : i32
        %dma_wait3A_1124 = arith.constant 0 : i32
        %dma_wait3A_1125 = tpu.memref_slice %arg7[%select_n3A_805, %dma_wait3A_1123, %dma_wait3A_1124] : memref<3x4x128xi32, #tpu.memory_space<vmem>> -> memref<1x4x128xi32, #tpu.memory_space<vmem>>
        %dma_wait3A_1126 = tpu.memref_squeeze %dma_wait3A_1125 : memref<1x4x128xi32, #tpu.memory_space<vmem>> -> memref<4x128xi32, #tpu.memory_space<vmem>>
        %dma_wait3A_1127 = arith.constant 0 : i32
        %dma_wait3A_1128 = arith.constant 0 : i32
        %dma_wait3A_1129 = tpu.memref_slice %arg4[%dma_wait3A_1127, %dma_wait3A_1128] : memref<2560x128xi32, #tpu.memory_space<hbm>> -> memref<4x128xi32, #tpu.memory_space<hbm>>
        tpu.wait_dma2 semaphore(%dma_wait3A_1122 : memref<!tpu.dma_semaphore, #tpu.memory_space<semaphore_mem>>) src(%dma_wait3A_1129 : memref<4x128xi32, #tpu.memory_space<hbm>>) dst(%dma_wait3A_1126 : memref<4x128xi32, #tpu.memory_space<vmem>>)
      } else {
      }
      %dma_wait3A_886 = arith.constant 0 : i32
      %dma_wait3A_887 = arith.constant 1 : i32
      %dma_wait3A_888 = arith.constant 1 : i32
      %dma_wait3A_889 = arith.constant 0 : i32
      %dma_wait3A_890 = arith.constant 0 : i32
      %dma_wait3A_891 = tpu.memref_slice %arg8[%dma_wait3A_887, %dma_wait3A_889, %dma_wait3A_890] : memref<4x128x64xf32, #tpu.memory_space<vmem>> -> memref<1x128x64xf32, #tpu.memory_space<vmem>>
      %dma_wait3A_892 = tpu.memref_squeeze %dma_wait3A_891 : memref<1x128x64xf32, #tpu.memory_space<vmem>> -> memref<128x64xf32, #tpu.memory_space<vmem>>
      %dma_wait3A_893 = arith.constant 0 : i32
      %dma_wait3A_894 = tpu.memref_slice %arg6[%dma_wait3A_886, %dma_wait3A_893] : memref<3x512xi32, #tpu.memory_space<vmem>> -> memref<1x512xi32, #tpu.memory_space<vmem>>
      %dma_wait3A_895 = tpu.memref_squeeze %dma_wait3A_894 : memref<1x512xi32, #tpu.memory_space<vmem>> -> memref<512xi32, #tpu.memory_space<vmem>>
      %dma_wait3A_896 = arith.constant 0 : i32
      %dma_wait3A_897 = tpu.memref_slice %dma_wait3A_895[%dma_wait3A_896] : memref<512xi32, #tpu.memory_space<vmem>> -> memref<128xi32, #tpu.memory_space<vmem>>
      %dma_wait3A_898 = arith.constant 0 : i32
      %dma_wait3A_899 = arith.constant 0 : i32
      %dma_wait3A_900 = tpu.memref_slice %arg11[%dma_wait3A_898, %dma_wait3A_899] : memref<10000x64xf32, #tpu.memory_space<vmem_shared>> -> memref<10000x64xf32, #tpu.memory_space<vmem_shared>>
      %dma_wait3A_901 = tpu.memref_slice %arg13[%dma_wait3A_888] : memref<4x!tpu.dma_semaphore, #tpu.memory_space<semaphore_mem>> -> memref<1x!tpu.dma_semaphore, #tpu.memory_space<semaphore_mem>>
      %dma_wait3A_902 = tpu.memref_squeeze %dma_wait3A_901 : memref<1x!tpu.dma_semaphore, #tpu.memory_space<semaphore_mem>> -> memref<!tpu.dma_semaphore, #tpu.memory_space<semaphore_mem>>
      tpu.wait_indirect_dma semaphore(%dma_wait3A_902 : memref<!tpu.dma_semaphore, #tpu.memory_space<semaphore_mem>>) src(%dma_wait3A_900 : memref<10000x64xf32, #tpu.memory_space<vmem_shared>>) dst(%dma_wait3A_892 : memref<128x64xf32, #tpu.memory_space<vmem>>)
      %dma_start3A_903 = arith.constant 1 : i32
      %dma_start3A_904 = arith.constant 1 : i32
      %dma_start3A_905 = arith.constant 1 : i32
      %dma_start3A_906 = arith.constant 0 : i32
      %dma_start3A_907 = arith.constant 0 : i32
      %dma_start3A_908 = tpu.memref_slice %arg8[%dma_start3A_903, %dma_start3A_906, %dma_start3A_907] : memref<4x128x64xf32, #tpu.memory_space<vmem>> -> memref<1x128x64xf32, #tpu.memory_space<vmem>>
      %dma_start3A_909 = tpu.memref_squeeze %dma_start3A_908 : memref<1x128x64xf32, #tpu.memory_space<vmem>> -> memref<128x64xf32, #tpu.memory_space<vmem>>
      %dma_start3A_910 = arith.constant 0 : i32
      %dma_start3A_911 = arith.constant 0 : i32
      %dma_start3A_912 = tpu.memref_slice %arg7[%select_n3A_787, %dma_start3A_910, %dma_start3A_911] : memref<3x4x128xi32, #tpu.memory_space<vmem>> -> memref<1x4x128xi32, #tpu.memory_space<vmem>>
      %dma_start3A_913 = tpu.memref_squeeze %dma_start3A_912 : memref<1x4x128xi32, #tpu.memory_space<vmem>> -> memref<4x128xi32, #tpu.memory_space<vmem>>
      %dma_start3A_914 = arith.constant 0 : i32
      %dma_start3A_915 = tpu.memref_slice %dma_start3A_913[%dma_start3A_904, %dma_start3A_914] : memref<4x128xi32, #tpu.memory_space<vmem>> -> memref<1x128xi32, #tpu.memory_space<vmem>>
      %dma_start3A_916 = tpu.memref_squeeze %dma_start3A_915 : memref<1x128xi32, #tpu.memory_space<vmem>> -> memref<128xi32, #tpu.memory_space<vmem>>
      %dma_start3A_917 = arith.constant 0 : i32
      %dma_start3A_918 = arith.constant 0 : i32
      %dma_start3A_919 = tpu.memref_slice %arg10[%dma_start3A_917, %dma_start3A_918] : memref<10016x64xf32, #tpu.memory_space<vmem_shared>> -> memref<10016x64xf32, #tpu.memory_space<vmem_shared>>
      %dma_start3A_920 = tpu.memref_slice %arg14[%dma_start3A_905] : memref<4x!tpu.dma_semaphore, #tpu.memory_space<semaphore_mem>> -> memref<1x!tpu.dma_semaphore, #tpu.memory_space<semaphore_mem>>
      %dma_start3A_921 = tpu.memref_squeeze %dma_start3A_920 : memref<1x!tpu.dma_semaphore, #tpu.memory_space<semaphore_mem>> -> memref<!tpu.dma_semaphore, #tpu.memory_space<semaphore_mem>>
      tpu.enqueue_indirect_dma source(%dma_start3A_909 : memref<128x64xf32, #tpu.memory_space<vmem>>) target(%dma_start3A_919 : memref<10016x64xf32, #tpu.memory_space<vmem_shared>>) offsets(%dma_start3A_916 : memref<128xi32, #tpu.memory_space<vmem>>) semaphore(%dma_start3A_921 : memref<!tpu.dma_semaphore, #tpu.memory_space<semaphore_mem>>) {add = true}
      %dma_wait3A_922 = arith.constant 0 : i32
      %dma_wait3A_923 = arith.constant 0 : i32
      %dma_wait3A_924 = arith.constant 0 : i32
      %dma_wait3A_925 = arith.constant 0 : i32
      %dma_wait3A_926 = arith.constant 0 : i32
      %dma_wait3A_927 = arith.constant 0 : i32
      %dma_wait3A_928 = tpu.memref_slice %arg8[%dma_wait3A_922, %dma_wait3A_926, %dma_wait3A_927] : memref<4x128x64xf32, #tpu.memory_space<vmem>> -> memref<1x128x64xf32, #tpu.memory_space<vmem>>
      %dma_wait3A_929 = tpu.memref_squeeze %dma_wait3A_928 : memref<1x128x64xf32, #tpu.memory_space<vmem>> -> memref<128x64xf32, #tpu.memory_space<vmem>>
      %dma_wait3A_930 = arith.constant 0 : i32
      %dma_wait3A_931 = arith.constant 0 : i32
      %dma_wait3A_932 = tpu.memref_slice %arg7[%dma_wait3A_923, %dma_wait3A_930, %dma_wait3A_931] : memref<3x4x128xi32, #tpu.memory_space<vmem>> -> memref<1x4x128xi32, #tpu.memory_space<vmem>>
      %dma_wait3A_933 = tpu.memref_squeeze %dma_wait3A_932 : memref<1x4x128xi32, #tpu.memory_space<vmem>> -> memref<4x128xi32, #tpu.memory_space<vmem>>
      %dma_wait3A_934 = arith.constant 0 : i32
      %dma_wait3A_935 = tpu.memref_slice %dma_wait3A_933[%dma_wait3A_924, %dma_wait3A_934] : memref<4x128xi32, #tpu.memory_space<vmem>> -> memref<1x128xi32, #tpu.memory_space<vmem>>
      %dma_wait3A_936 = tpu.memref_squeeze %dma_wait3A_935 : memref<1x128xi32, #tpu.memory_space<vmem>> -> memref<128xi32, #tpu.memory_space<vmem>>
      %dma_wait3A_937 = arith.constant 0 : i32
      %dma_wait3A_938 = arith.constant 0 : i32
      %dma_wait3A_939 = tpu.memref_slice %arg10[%dma_wait3A_937, %dma_wait3A_938] : memref<10016x64xf32, #tpu.memory_space<vmem_shared>> -> memref<10016x64xf32, #tpu.memory_space<vmem_shared>>
      %dma_wait3A_940 = tpu.memref_slice %arg14[%dma_wait3A_925] : memref<4x!tpu.dma_semaphore, #tpu.memory_space<semaphore_mem>> -> memref<1x!tpu.dma_semaphore, #tpu.memory_space<semaphore_mem>>
      %dma_wait3A_941 = tpu.memref_squeeze %dma_wait3A_940 : memref<1x!tpu.dma_semaphore, #tpu.memory_space<semaphore_mem>> -> memref<!tpu.dma_semaphore, #tpu.memory_space<semaphore_mem>>
      tpu.wait_indirect_dma semaphore(%dma_wait3A_941 : memref<!tpu.dma_semaphore, #tpu.memory_space<semaphore_mem>>) src(%dma_wait3A_929 : memref<128x64xf32, #tpu.memory_space<vmem>>) dst(%dma_wait3A_939 : memref<10016x64xf32, #tpu.memory_space<vmem_shared>>)
      %dma_start3A_942 = arith.constant 0 : i32
      %dma_start3A_943 = arith.constant 0 : i32
      %dma_start3A_944 = arith.constant 0 : i32
      %dma_start3A_945 = arith.constant 0 : i32
      %dma_start3A_946 = tpu.memref_slice %arg8[%dma_start3A_942, %dma_start3A_944, %dma_start3A_945] : memref<4x128x64xf32, #tpu.memory_space<vmem>> -> memref<1x128x64xf32, #tpu.memory_space<vmem>>
      %dma_start3A_947 = tpu.memref_squeeze %dma_start3A_946 : memref<1x128x64xf32, #tpu.memory_space<vmem>> -> memref<128x64xf32, #tpu.memory_space<vmem>>
      %dma_start3A_948 = arith.constant 0 : i32
      %dma_start3A_949 = tpu.memref_slice %arg6[%select_n3A_805, %dma_start3A_948] : memref<3x512xi32, #tpu.memory_space<vmem>> -> memref<1x512xi32, #tpu.memory_space<vmem>>
      %dma_start3A_950 = tpu.memref_squeeze %dma_start3A_949 : memref<1x512xi32, #tpu.memory_space<vmem>> -> memref<512xi32, #tpu.memory_space<vmem>>
      %dma_start3A_951 = arith.constant 0 : i32
      %dma_start3A_952 = tpu.memref_slice %dma_start3A_950[%dma_start3A_951] : memref<512xi32, #tpu.memory_space<vmem>> -> memref<128xi32, #tpu.memory_space<vmem>>
      %dma_start3A_953 = arith.constant 0 : i32
      %dma_start3A_954 = arith.constant 0 : i32
      %dma_start3A_955 = tpu.memref_slice %arg11[%dma_start3A_953, %dma_start3A_954] : memref<10000x64xf32, #tpu.memory_space<vmem_shared>> -> memref<10000x64xf32, #tpu.memory_space<vmem_shared>>
      %dma_start3A_956 = tpu.memref_slice %arg13[%dma_start3A_943] : memref<4x!tpu.dma_semaphore, #tpu.memory_space<semaphore_mem>> -> memref<1x!tpu.dma_semaphore, #tpu.memory_space<semaphore_mem>>
      %dma_start3A_957 = tpu.memref_squeeze %dma_start3A_956 : memref<1x!tpu.dma_semaphore, #tpu.memory_space<semaphore_mem>> -> memref<!tpu.dma_semaphore, #tpu.memory_space<semaphore_mem>>
      tpu.enqueue_indirect_dma source(%dma_start3A_955 : memref<10000x64xf32, #tpu.memory_space<vmem_shared>>) target(%dma_start3A_947 : memref<128x64xf32, #tpu.memory_space<vmem>>) offsets(%dma_start3A_952 : memref<128xi32, #tpu.memory_space<vmem>>) semaphore(%dma_start3A_957 : memref<!tpu.dma_semaphore, #tpu.memory_space<semaphore_mem>>)
      %dma_wait3A_958 = arith.constant 0 : i32
      %dma_wait3A_959 = arith.constant 2 : i32
      %dma_wait3A_960 = arith.constant 2 : i32
      %dma_wait3A_961 = arith.constant 0 : i32
      %dma_wait3A_962 = arith.constant 0 : i32
      %dma_wait3A_963 = tpu.memref_slice %arg8[%dma_wait3A_959, %dma_wait3A_961, %dma_wait3A_962] : memref<4x128x64xf32, #tpu.memory_space<vmem>> -> memref<1x128x64xf32, #tpu.memory_space<vmem>>
      %dma_wait3A_964 = tpu.memref_squeeze %dma_wait3A_963 : memref<1x128x64xf32, #tpu.memory_space<vmem>> -> memref<128x64xf32, #tpu.memory_space<vmem>>
      %dma_wait3A_965 = arith.constant 0 : i32
      %dma_wait3A_966 = tpu.memref_slice %arg6[%dma_wait3A_958, %dma_wait3A_965] : memref<3x512xi32, #tpu.memory_space<vmem>> -> memref<1x512xi32, #tpu.memory_space<vmem>>
      %dma_wait3A_967 = tpu.memref_squeeze %dma_wait3A_966 : memref<1x512xi32, #tpu.memory_space<vmem>> -> memref<512xi32, #tpu.memory_space<vmem>>
      %dma_wait3A_968 = arith.constant 0 : i32
      %dma_wait3A_969 = tpu.memref_slice %dma_wait3A_967[%dma_wait3A_968] : memref<512xi32, #tpu.memory_space<vmem>> -> memref<128xi32, #tpu.memory_space<vmem>>
      %dma_wait3A_970 = arith.constant 0 : i32
      %dma_wait3A_971 = arith.constant 0 : i32
      %dma_wait3A_972 = tpu.memref_slice %arg11[%dma_wait3A_970, %dma_wait3A_971] : memref<10000x64xf32, #tpu.memory_space<vmem_shared>> -> memref<10000x64xf32, #tpu.memory_space<vmem_shared>>
      %dma_wait3A_973 = tpu.memref_slice %arg13[%dma_wait3A_960] : memref<4x!tpu.dma_semaphore, #tpu.memory_space<semaphore_mem>> -> memref<1x!tpu.dma_semaphore, #tpu.memory_space<semaphore_mem>>
      %dma_wait3A_974 = tpu.memref_squeeze %dma_wait3A_973 : memref<1x!tpu.dma_semaphore, #tpu.memory_space<semaphore_mem>> -> memref<!tpu.dma_semaphore, #tpu.memory_space<semaphore_mem>>
      tpu.wait_indirect_dma semaphore(%dma_wait3A_974 : memref<!tpu.dma_semaphore, #tpu.memory_space<semaphore_mem>>) src(%dma_wait3A_972 : memref<10000x64xf32, #tpu.memory_space<vmem_shared>>) dst(%dma_wait3A_964 : memref<128x64xf32, #tpu.memory_space<vmem>>)
      %dma_start3A_975 = arith.constant 2 : i32
      %dma_start3A_976 = arith.constant 2 : i32
      %dma_start3A_977 = arith.constant 2 : i32
      %dma_start3A_978 = arith.constant 0 : i32
      %dma_start3A_979 = arith.constant 0 : i32
      %dma_start3A_980 = tpu.memref_slice %arg8[%dma_start3A_975, %dma_start3A_978, %dma_start3A_979] : memref<4x128x64xf32, #tpu.memory_space<vmem>> -> memref<1x128x64xf32, #tpu.memory_space<vmem>>
      %dma_start3A_981 = tpu.memref_squeeze %dma_start3A_980 : memref<1x128x64xf32, #tpu.memory_space<vmem>> -> memref<128x64xf32, #tpu.memory_space<vmem>>
      %dma_start3A_982 = arith.constant 0 : i32
      %dma_start3A_983 = arith.constant 0 : i32
      %dma_start3A_984 = tpu.memref_slice %arg7[%select_n3A_787, %dma_start3A_982, %dma_start3A_983] : memref<3x4x128xi32, #tpu.memory_space<vmem>> -> memref<1x4x128xi32, #tpu.memory_space<vmem>>
      %dma_start3A_985 = tpu.memref_squeeze %dma_start3A_984 : memref<1x4x128xi32, #tpu.memory_space<vmem>> -> memref<4x128xi32, #tpu.memory_space<vmem>>
      %dma_start3A_986 = arith.constant 0 : i32
      %dma_start3A_987 = tpu.memref_slice %dma_start3A_985[%dma_start3A_976, %dma_start3A_986] : memref<4x128xi32, #tpu.memory_space<vmem>> -> memref<1x128xi32, #tpu.memory_space<vmem>>
      %dma_start3A_988 = tpu.memref_squeeze %dma_start3A_987 : memref<1x128xi32, #tpu.memory_space<vmem>> -> memref<128xi32, #tpu.memory_space<vmem>>
      %dma_start3A_989 = arith.constant 0 : i32
      %dma_start3A_990 = arith.constant 0 : i32
      %dma_start3A_991 = tpu.memref_slice %arg10[%dma_start3A_989, %dma_start3A_990] : memref<10016x64xf32, #tpu.memory_space<vmem_shared>> -> memref<10016x64xf32, #tpu.memory_space<vmem_shared>>
      %dma_start3A_992 = tpu.memref_slice %arg14[%dma_start3A_977] : memref<4x!tpu.dma_semaphore, #tpu.memory_space<semaphore_mem>> -> memref<1x!tpu.dma_semaphore, #tpu.memory_space<semaphore_mem>>
      %dma_start3A_993 = tpu.memref_squeeze %dma_start3A_992 : memref<1x!tpu.dma_semaphore, #tpu.memory_space<semaphore_mem>> -> memref<!tpu.dma_semaphore, #tpu.memory_space<semaphore_mem>>
      tpu.enqueue_indirect_dma source(%dma_start3A_981 : memref<128x64xf32, #tpu.memory_space<vmem>>) target(%dma_start3A_991 : memref<10016x64xf32, #tpu.memory_space<vmem_shared>>) offsets(%dma_start3A_988 : memref<128xi32, #tpu.memory_space<vmem>>) semaphore(%dma_start3A_993 : memref<!tpu.dma_semaphore, #tpu.memory_space<semaphore_mem>>) {add = true}
      %dma_wait3A_994 = arith.constant 1 : i32
      %dma_wait3A_995 = arith.constant 0 : i32
      %dma_wait3A_996 = arith.constant 0 : i32
      %dma_wait3A_997 = arith.constant 1 : i32
      %dma_wait3A_998 = arith.constant 0 : i32
      %dma_wait3A_999 = arith.constant 0 : i32
      %dma_wait3A_1000 = tpu.memref_slice %arg8[%dma_wait3A_994, %dma_wait3A_998, %dma_wait3A_999] : memref<4x128x64xf32, #tpu.memory_space<vmem>> -> memref<1x128x64xf32, #tpu.memory_space<vmem>>
      %dma_wait3A_1001 = tpu.memref_squeeze %dma_wait3A_1000 : memref<1x128x64xf32, #tpu.memory_space<vmem>> -> memref<128x64xf32, #tpu.memory_space<vmem>>
      %dma_wait3A_1002 = arith.constant 0 : i32
      %dma_wait3A_1003 = arith.constant 0 : i32
      %dma_wait3A_1004 = tpu.memref_slice %arg7[%dma_wait3A_995, %dma_wait3A_1002, %dma_wait3A_1003] : memref<3x4x128xi32, #tpu.memory_space<vmem>> -> memref<1x4x128xi32, #tpu.memory_space<vmem>>
      %dma_wait3A_1005 = tpu.memref_squeeze %dma_wait3A_1004 : memref<1x4x128xi32, #tpu.memory_space<vmem>> -> memref<4x128xi32, #tpu.memory_space<vmem>>
      %dma_wait3A_1006 = arith.constant 0 : i32
      %dma_wait3A_1007 = tpu.memref_slice %dma_wait3A_1005[%dma_wait3A_996, %dma_wait3A_1006] : memref<4x128xi32, #tpu.memory_space<vmem>> -> memref<1x128xi32, #tpu.memory_space<vmem>>
      %dma_wait3A_1008 = tpu.memref_squeeze %dma_wait3A_1007 : memref<1x128xi32, #tpu.memory_space<vmem>> -> memref<128xi32, #tpu.memory_space<vmem>>
      %dma_wait3A_1009 = arith.constant 0 : i32
      %dma_wait3A_1010 = arith.constant 0 : i32
      %dma_wait3A_1011 = tpu.memref_slice %arg10[%dma_wait3A_1009, %dma_wait3A_1010] : memref<10016x64xf32, #tpu.memory_space<vmem_shared>> -> memref<10016x64xf32, #tpu.memory_space<vmem_shared>>
      %dma_wait3A_1012 = tpu.memref_slice %arg14[%dma_wait3A_997] : memref<4x!tpu.dma_semaphore, #tpu.memory_space<semaphore_mem>> -> memref<1x!tpu.dma_semaphore, #tpu.memory_space<semaphore_mem>>
      %dma_wait3A_1013 = tpu.memref_squeeze %dma_wait3A_1012 : memref<1x!tpu.dma_semaphore, #tpu.memory_space<semaphore_mem>> -> memref<!tpu.dma_semaphore, #tpu.memory_space<semaphore_mem>>
      tpu.wait_indirect_dma semaphore(%dma_wait3A_1013 : memref<!tpu.dma_semaphore, #tpu.memory_space<semaphore_mem>>) src(%dma_wait3A_1001 : memref<128x64xf32, #tpu.memory_space<vmem>>) dst(%dma_wait3A_1011 : memref<10016x64xf32, #tpu.memory_space<vmem_shared>>)
      %dma_start3A_1014 = arith.constant 1 : i32
      %dma_start3A_1015 = arith.constant 1 : i32
      %dma_start3A_1016 = arith.constant 0 : i32
      %dma_start3A_1017 = arith.constant 0 : i32
      %dma_start3A_1018 = tpu.memref_slice %arg8[%dma_start3A_1014, %dma_start3A_1016, %dma_start3A_1017] : memref<4x128x64xf32, #tpu.memory_space<vmem>> -> memref<1x128x64xf32, #tpu.memory_space<vmem>>
      %dma_start3A_1019 = tpu.memref_squeeze %dma_start3A_1018 : memref<1x128x64xf32, #tpu.memory_space<vmem>> -> memref<128x64xf32, #tpu.memory_space<vmem>>
      %dma_start3A_1020 = arith.constant 0 : i32
      %dma_start3A_1021 = tpu.memref_slice %arg6[%select_n3A_805, %dma_start3A_1020] : memref<3x512xi32, #tpu.memory_space<vmem>> -> memref<1x512xi32, #tpu.memory_space<vmem>>
      %dma_start3A_1022 = tpu.memref_squeeze %dma_start3A_1021 : memref<1x512xi32, #tpu.memory_space<vmem>> -> memref<512xi32, #tpu.memory_space<vmem>>
      %dma_start3A_1023 = arith.constant 128 : i32
      %dma_start3A_1024 = tpu.memref_slice %dma_start3A_1022[%dma_start3A_1023] : memref<512xi32, #tpu.memory_space<vmem>> -> memref<128xi32, #tpu.memory_space<vmem>>
      %dma_start3A_1025 = arith.constant 0 : i32
      %dma_start3A_1026 = arith.constant 0 : i32
      %dma_start3A_1027 = tpu.memref_slice %arg11[%dma_start3A_1025, %dma_start3A_1026] : memref<10000x64xf32, #tpu.memory_space<vmem_shared>> -> memref<10000x64xf32, #tpu.memory_space<vmem_shared>>
      %dma_start3A_1028 = tpu.memref_slice %arg13[%dma_start3A_1015] : memref<4x!tpu.dma_semaphore, #tpu.memory_space<semaphore_mem>> -> memref<1x!tpu.dma_semaphore, #tpu.memory_space<semaphore_mem>>
      %dma_start3A_1029 = tpu.memref_squeeze %dma_start3A_1028 : memref<1x!tpu.dma_semaphore, #tpu.memory_space<semaphore_mem>> -> memref<!tpu.dma_semaphore, #tpu.memory_space<semaphore_mem>>
      tpu.enqueue_indirect_dma source(%dma_start3A_1027 : memref<10000x64xf32, #tpu.memory_space<vmem_shared>>) target(%dma_start3A_1019 : memref<128x64xf32, #tpu.memory_space<vmem>>) offsets(%dma_start3A_1024 : memref<128xi32, #tpu.memory_space<vmem>>) semaphore(%dma_start3A_1029 : memref<!tpu.dma_semaphore, #tpu.memory_space<semaphore_mem>>)
      %dma_wait3A_1030 = arith.constant 0 : i32
      %dma_wait3A_1031 = arith.constant 3 : i32
      %dma_wait3A_1032 = arith.constant 3 : i32
      %dma_wait3A_1033 = arith.constant 0 : i32
      %dma_wait3A_1034 = arith.constant 0 : i32
      %dma_wait3A_1035 = tpu.memref_slice %arg8[%dma_wait3A_1031, %dma_wait3A_1033, %dma_wait3A_1034] : memref<4x128x64xf32, #tpu.memory_space<vmem>> -> memref<1x128x64xf32, #tpu.memory_space<vmem>>
      %dma_wait3A_1036 = tpu.memref_squeeze %dma_wait3A_1035 : memref<1x128x64xf32, #tpu.memory_space<vmem>> -> memref<128x64xf32, #tpu.memory_space<vmem>>
      %dma_wait3A_1037 = arith.constant 0 : i32
      %dma_wait3A_1038 = tpu.memref_slice %arg6[%dma_wait3A_1030, %dma_wait3A_1037] : memref<3x512xi32, #tpu.memory_space<vmem>> -> memref<1x512xi32, #tpu.memory_space<vmem>>
      %dma_wait3A_1039 = tpu.memref_squeeze %dma_wait3A_1038 : memref<1x512xi32, #tpu.memory_space<vmem>> -> memref<512xi32, #tpu.memory_space<vmem>>
      %dma_wait3A_1040 = arith.constant 0 : i32
      %dma_wait3A_1041 = tpu.memref_slice %dma_wait3A_1039[%dma_wait3A_1040] : memref<512xi32, #tpu.memory_space<vmem>> -> memref<128xi32, #tpu.memory_space<vmem>>
      %dma_wait3A_1042 = arith.constant 0 : i32
      %dma_wait3A_1043 = arith.constant 0 : i32
      %dma_wait3A_1044 = tpu.memref_slice %arg11[%dma_wait3A_1042, %dma_wait3A_1043] : memref<10000x64xf32, #tpu.memory_space<vmem_shared>> -> memref<10000x64xf32, #tpu.memory_space<vmem_shared>>
      %dma_wait3A_1045 = tpu.memref_slice %arg13[%dma_wait3A_1032] : memref<4x!tpu.dma_semaphore, #tpu.memory_space<semaphore_mem>> -> memref<1x!tpu.dma_semaphore, #tpu.memory_space<semaphore_mem>>
      %dma_wait3A_1046 = tpu.memref_squeeze %dma_wait3A_1045 : memref<1x!tpu.dma_semaphore, #tpu.memory_space<semaphore_mem>> -> memref<!tpu.dma_semaphore, #tpu.memory_space<semaphore_mem>>
      tpu.wait_indirect_dma semaphore(%dma_wait3A_1046 : memref<!tpu.dma_semaphore, #tpu.memory_space<semaphore_mem>>) src(%dma_wait3A_1044 : memref<10000x64xf32, #tpu.memory_space<vmem_shared>>) dst(%dma_wait3A_1036 : memref<128x64xf32, #tpu.memory_space<vmem>>)
      %dma_start3A_1047 = arith.constant 3 : i32
      %dma_start3A_1048 = arith.constant 3 : i32
      %dma_start3A_1049 = arith.constant 3 : i32
      %dma_start3A_1050 = arith.constant 0 : i32
      %dma_start3A_1051 = arith.constant 0 : i32
      %dma_start3A_1052 = tpu.memref_slice %arg8[%dma_start3A_1047, %dma_start3A_1050, %dma_start3A_1051] : memref<4x128x64xf32, #tpu.memory_space<vmem>> -> memref<1x128x64xf32, #tpu.memory_space<vmem>>
      %dma_start3A_1053 = tpu.memref_squeeze %dma_start3A_1052 : memref<1x128x64xf32, #tpu.memory_space<vmem>> -> memref<128x64xf32, #tpu.memory_space<vmem>>
      %dma_start3A_1054 = arith.constant 0 : i32
      %dma_start3A_1055 = arith.constant 0 : i32
      %dma_start3A_1056 = tpu.memref_slice %arg7[%select_n3A_787, %dma_start3A_1054, %dma_start3A_1055] : memref<3x4x128xi32, #tpu.memory_space<vmem>> -> memref<1x4x128xi32, #tpu.memory_space<vmem>>
      %dma_start3A_1057 = tpu.memref_squeeze %dma_start3A_1056 : memref<1x4x128xi32, #tpu.memory_space<vmem>> -> memref<4x128xi32, #tpu.memory_space<vmem>>
      %dma_start3A_1058 = arith.constant 0 : i32
      %dma_start3A_1059 = tpu.memref_slice %dma_start3A_1057[%dma_start3A_1048, %dma_start3A_1058] : memref<4x128xi32, #tpu.memory_space<vmem>> -> memref<1x128xi32, #tpu.memory_space<vmem>>
      %dma_start3A_1060 = tpu.memref_squeeze %dma_start3A_1059 : memref<1x128xi32, #tpu.memory_space<vmem>> -> memref<128xi32, #tpu.memory_space<vmem>>
      %dma_start3A_1061 = arith.constant 0 : i32
      %dma_start3A_1062 = arith.constant 0 : i32
      %dma_start3A_1063 = tpu.memref_slice %arg10[%dma_start3A_1061, %dma_start3A_1062] : memref<10016x64xf32, #tpu.memory_space<vmem_shared>> -> memref<10016x64xf32, #tpu.memory_space<vmem_shared>>
      %dma_start3A_1064 = tpu.memref_slice %arg14[%dma_start3A_1049] : memref<4x!tpu.dma_semaphore, #tpu.memory_space<semaphore_mem>> -> memref<1x!tpu.dma_semaphore, #tpu.memory_space<semaphore_mem>>
      %dma_start3A_1065 = tpu.memref_squeeze %dma_start3A_1064 : memref<1x!tpu.dma_semaphore, #tpu.memory_space<semaphore_mem>> -> memref<!tpu.dma_semaphore, #tpu.memory_space<semaphore_mem>>
      tpu.enqueue_indirect_dma source(%dma_start3A_1053 : memref<128x64xf32, #tpu.memory_space<vmem>>) target(%dma_start3A_1063 : memref<10016x64xf32, #tpu.memory_space<vmem_shared>>) offsets(%dma_start3A_1060 : memref<128xi32, #tpu.memory_space<vmem>>) semaphore(%dma_start3A_1065 : memref<!tpu.dma_semaphore, #tpu.memory_space<semaphore_mem>>) {add = true}
      %dma_wait3A_1066 = arith.constant 2 : i32
      %dma_wait3A_1067 = arith.constant 0 : i32
      %dma_wait3A_1068 = arith.constant 0 : i32
      %dma_wait3A_1069 = arith.constant 2 : i32
      %dma_wait3A_1070 = arith.constant 0 : i32
      %dma_wait3A_1071 = arith.constant 0 : i32
      %dma_wait3A_1072 = tpu.memref_slice %arg8[%dma_wait3A_1066, %dma_wait3A_1070, %dma_wait3A_1071] : memref<4x128x64xf32, #tpu.memory_space<vmem>> -> memref<1x128x64xf32, #tpu.memory_space<vmem>>
      %dma_wait3A_1073 = tpu.memref_squeeze %dma_wait3A_1072 : memref<1x128x64xf32, #tpu.memory_space<vmem>> -> memref<128x64xf32, #tpu.memory_space<vmem>>
      %dma_wait3A_1074 = arith.constant 0 : i32
      %dma_wait3A_1075 = arith.constant 0 : i32
      %dma_wait3A_1076 = tpu.memref_slice %arg7[%dma_wait3A_1067, %dma_wait3A_1074, %dma_wait3A_1075] : memref<3x4x128xi32, #tpu.memory_space<vmem>> -> memref<1x4x128xi32, #tpu.memory_space<vmem>>
      %dma_wait3A_1077 = tpu.memref_squeeze %dma_wait3A_1076 : memref<1x4x128xi32, #tpu.memory_space<vmem>> -> memref<4x128xi32, #tpu.memory_space<vmem>>
      %dma_wait3A_1078 = arith.constant 0 : i32
      %dma_wait3A_1079 = tpu.memref_slice %dma_wait3A_1077[%dma_wait3A_1068, %dma_wait3A_1078] : memref<4x128xi32, #tpu.memory_space<vmem>> -> memref<1x128xi32, #tpu.memory_space<vmem>>
      %dma_wait3A_1080 = tpu.memref_squeeze %dma_wait3A_1079 : memref<1x128xi32, #tpu.memory_space<vmem>> -> memref<128xi32, #tpu.memory_space<vmem>>
      %dma_wait3A_1081 = arith.constant 0 : i32
      %dma_wait3A_1082 = arith.constant 0 : i32
      %dma_wait3A_1083 = tpu.memref_slice %arg10[%dma_wait3A_1081, %dma_wait3A_1082] : memref<10016x64xf32, #tpu.memory_space<vmem_shared>> -> memref<10016x64xf32, #tpu.memory_space<vmem_shared>>
      %dma_wait3A_1084 = tpu.memref_slice %arg14[%dma_wait3A_1069] : memref<4x!tpu.dma_semaphore, #tpu.memory_space<semaphore_mem>> -> memref<1x!tpu.dma_semaphore, #tpu.memory_space<semaphore_mem>>
      %dma_wait3A_1085 = tpu.memref_squeeze %dma_wait3A_1084 : memref<1x!tpu.dma_semaphore, #tpu.memory_space<semaphore_mem>> -> memref<!tpu.dma_semaphore, #tpu.memory_space<semaphore_mem>>
      tpu.wait_indirect_dma semaphore(%dma_wait3A_1085 : memref<!tpu.dma_semaphore, #tpu.memory_space<semaphore_mem>>) src(%dma_wait3A_1073 : memref<128x64xf32, #tpu.memory_space<vmem>>) dst(%dma_wait3A_1083 : memref<10016x64xf32, #tpu.memory_space<vmem_shared>>)
      %dma_start3A_1086 = arith.constant 2 : i32
      %dma_start3A_1087 = arith.constant 2 : i32
      %dma_start3A_1088 = arith.constant 0 : i32
      %dma_start3A_1089 = arith.constant 0 : i32
      %dma_start3A_1090 = tpu.memref_slice %arg8[%dma_start3A_1086, %dma_start3A_1088, %dma_start3A_1089] : memref<4x128x64xf32, #tpu.memory_space<vmem>> -> memref<1x128x64xf32, #tpu.memory_space<vmem>>
      %dma_start3A_1091 = tpu.memref_squeeze %dma_start3A_1090 : memref<1x128x64xf32, #tpu.memory_space<vmem>> -> memref<128x64xf32, #tpu.memory_space<vmem>>
      %dma_start3A_1092 = arith.constant 0 : i32
      %dma_start3A_1093 = tpu.memref_slice %arg6[%select_n3A_805, %dma_start3A_1092] : memref<3x512xi32, #tpu.memory_space<vmem>> -> memref<1x512xi32, #tpu.memory_space<vmem>>
      %dma_start3A_1094 = tpu.memref_squeeze %dma_start3A_1093 : memref<1x512xi32, #tpu.memory_space<vmem>> -> memref<512xi32, #tpu.memory_space<vmem>>
      %dma_start3A_1095 = arith.constant 256 : i32
      %dma_start3A_1096 = tpu.memref_slice %dma_start3A_1094[%dma_start3A_1095] : memref<512xi32, #tpu.memory_space<vmem>> -> memref<128xi32, #tpu.memory_space<vmem>>
      %dma_start3A_1097 = arith.constant 0 : i32
      %dma_start3A_1098 = arith.constant 0 : i32
      %dma_start3A_1099 = tpu.memref_slice %arg11[%dma_start3A_1097, %dma_start3A_1098] : memref<10000x64xf32, #tpu.memory_space<vmem_shared>> -> memref<10000x64xf32, #tpu.memory_space<vmem_shared>>
      %dma_start3A_1100 = tpu.memref_slice %arg13[%dma_start3A_1087] : memref<4x!tpu.dma_semaphore, #tpu.memory_space<semaphore_mem>> -> memref<1x!tpu.dma_semaphore, #tpu.memory_space<semaphore_mem>>
      %dma_start3A_1101 = tpu.memref_squeeze %dma_start3A_1100 : memref<1x!tpu.dma_semaphore, #tpu.memory_space<semaphore_mem>> -> memref<!tpu.dma_semaphore, #tpu.memory_space<semaphore_mem>>
      tpu.enqueue_indirect_dma source(%dma_start3A_1099 : memref<10000x64xf32, #tpu.memory_space<vmem_shared>>) target(%dma_start3A_1091 : memref<128x64xf32, #tpu.memory_space<vmem>>) offsets(%dma_start3A_1096 : memref<128xi32, #tpu.memory_space<vmem>>) semaphore(%dma_start3A_1101 : memref<!tpu.dma_semaphore, #tpu.memory_space<semaphore_mem>>)
    }
    %scan3A_505 = arith.constant 38 : i32
    %dma_wait3A_506 = arith.constant 0 : i32
    %dma_wait3A_507 = arith.constant 0 : i32
    %dma_wait3A_508 = arith.constant 0 : i32
    %dma_wait3A_509 = arith.constant 0 : i32
    %dma_wait3A_510 = arith.constant 0 : i32
    %dma_wait3A_511 = tpu.memref_slice %arg8[%dma_wait3A_507, %dma_wait3A_509, %dma_wait3A_510] : memref<4x128x64xf32, #tpu.memory_space<vmem>> -> memref<1x128x64xf32, #tpu.memory_space<vmem>>
    %dma_wait3A_512 = tpu.memref_squeeze %dma_wait3A_511 : memref<1x128x64xf32, #tpu.memory_space<vmem>> -> memref<128x64xf32, #tpu.memory_space<vmem>>
    %dma_wait3A_513 = arith.constant 0 : i32
    %dma_wait3A_514 = tpu.memref_slice %arg6[%dma_wait3A_506, %dma_wait3A_513] : memref<3x512xi32, #tpu.memory_space<vmem>> -> memref<1x512xi32, #tpu.memory_space<vmem>>
    %dma_wait3A_515 = tpu.memref_squeeze %dma_wait3A_514 : memref<1x512xi32, #tpu.memory_space<vmem>> -> memref<512xi32, #tpu.memory_space<vmem>>
    %dma_wait3A_516 = arith.constant 0 : i32
    %dma_wait3A_517 = tpu.memref_slice %dma_wait3A_515[%dma_wait3A_516] : memref<512xi32, #tpu.memory_space<vmem>> -> memref<128xi32, #tpu.memory_space<vmem>>
    %dma_wait3A_518 = arith.constant 0 : i32
    %dma_wait3A_519 = arith.constant 0 : i32
    %dma_wait3A_520 = tpu.memref_slice %arg11[%dma_wait3A_518, %dma_wait3A_519] : memref<10000x64xf32, #tpu.memory_space<vmem_shared>> -> memref<10000x64xf32, #tpu.memory_space<vmem_shared>>
    %dma_wait3A_521 = tpu.memref_slice %arg13[%dma_wait3A_508] : memref<4x!tpu.dma_semaphore, #tpu.memory_space<semaphore_mem>> -> memref<1x!tpu.dma_semaphore, #tpu.memory_space<semaphore_mem>>
    %dma_wait3A_522 = tpu.memref_squeeze %dma_wait3A_521 : memref<1x!tpu.dma_semaphore, #tpu.memory_space<semaphore_mem>> -> memref<!tpu.dma_semaphore, #tpu.memory_space<semaphore_mem>>
    tpu.wait_indirect_dma semaphore(%dma_wait3A_522 : memref<!tpu.dma_semaphore, #tpu.memory_space<semaphore_mem>>) src(%dma_wait3A_520 : memref<10000x64xf32, #tpu.memory_space<vmem_shared>>) dst(%dma_wait3A_512 : memref<128x64xf32, #tpu.memory_space<vmem>>)
    %dma_start3A_523 = arith.constant 0 : i32
    %dma_start3A_524 = arith.constant 0 : i32
    %dma_start3A_525 = arith.constant 0 : i32
    %dma_start3A_526 = arith.constant 0 : i32
    %dma_start3A_527 = arith.constant 0 : i32
    %dma_start3A_528 = arith.constant 0 : i32
    %dma_start3A_529 = tpu.memref_slice %arg8[%dma_start3A_523, %dma_start3A_527, %dma_start3A_528] : memref<4x128x64xf32, #tpu.memory_space<vmem>> -> memref<1x128x64xf32, #tpu.memory_space<vmem>>
    %dma_start3A_530 = tpu.memref_squeeze %dma_start3A_529 : memref<1x128x64xf32, #tpu.memory_space<vmem>> -> memref<128x64xf32, #tpu.memory_space<vmem>>
    %dma_start3A_531 = arith.constant 0 : i32
    %dma_start3A_532 = arith.constant 0 : i32
    %dma_start3A_533 = tpu.memref_slice %arg7[%dma_start3A_524, %dma_start3A_531, %dma_start3A_532] : memref<3x4x128xi32, #tpu.memory_space<vmem>> -> memref<1x4x128xi32, #tpu.memory_space<vmem>>
    %dma_start3A_534 = tpu.memref_squeeze %dma_start3A_533 : memref<1x4x128xi32, #tpu.memory_space<vmem>> -> memref<4x128xi32, #tpu.memory_space<vmem>>
    %dma_start3A_535 = arith.constant 0 : i32
    %dma_start3A_536 = tpu.memref_slice %dma_start3A_534[%dma_start3A_525, %dma_start3A_535] : memref<4x128xi32, #tpu.memory_space<vmem>> -> memref<1x128xi32, #tpu.memory_space<vmem>>
    %dma_start3A_537 = tpu.memref_squeeze %dma_start3A_536 : memref<1x128xi32, #tpu.memory_space<vmem>> -> memref<128xi32, #tpu.memory_space<vmem>>
    %dma_start3A_538 = arith.constant 0 : i32
    %dma_start3A_539 = arith.constant 0 : i32
    %dma_start3A_540 = tpu.memref_slice %arg10[%dma_start3A_538, %dma_start3A_539] : memref<10016x64xf32, #tpu.memory_space<vmem_shared>> -> memref<10016x64xf32, #tpu.memory_space<vmem_shared>>
    %dma_start3A_541 = tpu.memref_slice %arg14[%dma_start3A_526] : memref<4x!tpu.dma_semaphore, #tpu.memory_space<semaphore_mem>> -> memref<1x!tpu.dma_semaphore, #tpu.memory_space<semaphore_mem>>
    %dma_start3A_542 = tpu.memref_squeeze %dma_start3A_541 : memref<1x!tpu.dma_semaphore, #tpu.memory_space<semaphore_mem>> -> memref<!tpu.dma_semaphore, #tpu.memory_space<semaphore_mem>>
    tpu.enqueue_indirect_dma source(%dma_start3A_530 : memref<128x64xf32, #tpu.memory_space<vmem>>) target(%dma_start3A_540 : memref<10016x64xf32, #tpu.memory_space<vmem_shared>>) offsets(%dma_start3A_537 : memref<128xi32, #tpu.memory_space<vmem>>) semaphore(%dma_start3A_542 : memref<!tpu.dma_semaphore, #tpu.memory_space<semaphore_mem>>) {add = true}
    %dma_wait3A_543 = arith.constant 3 : i32
    %dma_wait3A_544 = arith.constant 0 : i32
    %dma_wait3A_545 = arith.constant 0 : i32
    %dma_wait3A_546 = arith.constant 3 : i32
    %dma_wait3A_547 = arith.constant 0 : i32
    %dma_wait3A_548 = arith.constant 0 : i32
    %dma_wait3A_549 = tpu.memref_slice %arg8[%dma_wait3A_543, %dma_wait3A_547, %dma_wait3A_548] : memref<4x128x64xf32, #tpu.memory_space<vmem>> -> memref<1x128x64xf32, #tpu.memory_space<vmem>>
    %dma_wait3A_550 = tpu.memref_squeeze %dma_wait3A_549 : memref<1x128x64xf32, #tpu.memory_space<vmem>> -> memref<128x64xf32, #tpu.memory_space<vmem>>
    %dma_wait3A_551 = arith.constant 0 : i32
    %dma_wait3A_552 = arith.constant 0 : i32
    %dma_wait3A_553 = tpu.memref_slice %arg7[%dma_wait3A_544, %dma_wait3A_551, %dma_wait3A_552] : memref<3x4x128xi32, #tpu.memory_space<vmem>> -> memref<1x4x128xi32, #tpu.memory_space<vmem>>
    %dma_wait3A_554 = tpu.memref_squeeze %dma_wait3A_553 : memref<1x4x128xi32, #tpu.memory_space<vmem>> -> memref<4x128xi32, #tpu.memory_space<vmem>>
    %dma_wait3A_555 = arith.constant 0 : i32
    %dma_wait3A_556 = tpu.memref_slice %dma_wait3A_554[%dma_wait3A_545, %dma_wait3A_555] : memref<4x128xi32, #tpu.memory_space<vmem>> -> memref<1x128xi32, #tpu.memory_space<vmem>>
    %dma_wait3A_557 = tpu.memref_squeeze %dma_wait3A_556 : memref<1x128xi32, #tpu.memory_space<vmem>> -> memref<128xi32, #tpu.memory_space<vmem>>
    %dma_wait3A_558 = arith.constant 0 : i32
    %dma_wait3A_559 = arith.constant 0 : i32
    %dma_wait3A_560 = tpu.memref_slice %arg10[%dma_wait3A_558, %dma_wait3A_559] : memref<10016x64xf32, #tpu.memory_space<vmem_shared>> -> memref<10016x64xf32, #tpu.memory_space<vmem_shared>>
    %dma_wait3A_561 = tpu.memref_slice %arg14[%dma_wait3A_546] : memref<4x!tpu.dma_semaphore, #tpu.memory_space<semaphore_mem>> -> memref<1x!tpu.dma_semaphore, #tpu.memory_space<semaphore_mem>>
    %dma_wait3A_562 = tpu.memref_squeeze %dma_wait3A_561 : memref<1x!tpu.dma_semaphore, #tpu.memory_space<semaphore_mem>> -> memref<!tpu.dma_semaphore, #tpu.memory_space<semaphore_mem>>
    tpu.wait_indirect_dma semaphore(%dma_wait3A_562 : memref<!tpu.dma_semaphore, #tpu.memory_space<semaphore_mem>>) src(%dma_wait3A_550 : memref<128x64xf32, #tpu.memory_space<vmem>>) dst(%dma_wait3A_560 : memref<10016x64xf32, #tpu.memory_space<vmem_shared>>)
    %dma_start3A_563 = arith.constant 0 : i32
    %dma_start3A_564 = arith.constant 3 : i32
    %dma_start3A_565 = arith.constant 3 : i32
    %dma_start3A_566 = arith.constant 0 : i32
    %dma_start3A_567 = arith.constant 0 : i32
    %dma_start3A_568 = tpu.memref_slice %arg8[%dma_start3A_564, %dma_start3A_566, %dma_start3A_567] : memref<4x128x64xf32, #tpu.memory_space<vmem>> -> memref<1x128x64xf32, #tpu.memory_space<vmem>>
    %dma_start3A_569 = tpu.memref_squeeze %dma_start3A_568 : memref<1x128x64xf32, #tpu.memory_space<vmem>> -> memref<128x64xf32, #tpu.memory_space<vmem>>
    %dma_start3A_570 = arith.constant 0 : i32
    %dma_start3A_571 = tpu.memref_slice %arg6[%dma_start3A_563, %dma_start3A_570] : memref<3x512xi32, #tpu.memory_space<vmem>> -> memref<1x512xi32, #tpu.memory_space<vmem>>
    %dma_start3A_572 = tpu.memref_squeeze %dma_start3A_571 : memref<1x512xi32, #tpu.memory_space<vmem>> -> memref<512xi32, #tpu.memory_space<vmem>>
    %dma_start3A_573 = arith.constant 384 : i32
    %dma_start3A_574 = tpu.memref_slice %dma_start3A_572[%dma_start3A_573] : memref<512xi32, #tpu.memory_space<vmem>> -> memref<128xi32, #tpu.memory_space<vmem>>
    %dma_start3A_575 = arith.constant 0 : i32
    %dma_start3A_576 = arith.constant 0 : i32
    %dma_start3A_577 = tpu.memref_slice %arg11[%dma_start3A_575, %dma_start3A_576] : memref<10000x64xf32, #tpu.memory_space<vmem_shared>> -> memref<10000x64xf32, #tpu.memory_space<vmem_shared>>
    %dma_start3A_578 = tpu.memref_slice %arg13[%dma_start3A_565] : memref<4x!tpu.dma_semaphore, #tpu.memory_space<semaphore_mem>> -> memref<1x!tpu.dma_semaphore, #tpu.memory_space<semaphore_mem>>
    %dma_start3A_579 = tpu.memref_squeeze %dma_start3A_578 : memref<1x!tpu.dma_semaphore, #tpu.memory_space<semaphore_mem>> -> memref<!tpu.dma_semaphore, #tpu.memory_space<semaphore_mem>>
    tpu.enqueue_indirect_dma source(%dma_start3A_577 : memref<10000x64xf32, #tpu.memory_space<vmem_shared>>) target(%dma_start3A_569 : memref<128x64xf32, #tpu.memory_space<vmem>>) offsets(%dma_start3A_574 : memref<128xi32, #tpu.memory_space<vmem>>) semaphore(%dma_start3A_579 : memref<!tpu.dma_semaphore, #tpu.memory_space<semaphore_mem>>)
    %dma_wait3A_580 = arith.constant 0 : i32
    %dma_wait3A_581 = arith.constant 1 : i32
    %dma_wait3A_582 = arith.constant 1 : i32
    %dma_wait3A_583 = arith.constant 0 : i32
    %dma_wait3A_584 = arith.constant 0 : i32
    %dma_wait3A_585 = tpu.memref_slice %arg8[%dma_wait3A_581, %dma_wait3A_583, %dma_wait3A_584] : memref<4x128x64xf32, #tpu.memory_space<vmem>> -> memref<1x128x64xf32, #tpu.memory_space<vmem>>
    %dma_wait3A_586 = tpu.memref_squeeze %dma_wait3A_585 : memref<1x128x64xf32, #tpu.memory_space<vmem>> -> memref<128x64xf32, #tpu.memory_space<vmem>>
    %dma_wait3A_587 = arith.constant 0 : i32
    %dma_wait3A_588 = tpu.memref_slice %arg6[%dma_wait3A_580, %dma_wait3A_587] : memref<3x512xi32, #tpu.memory_space<vmem>> -> memref<1x512xi32, #tpu.memory_space<vmem>>
    %dma_wait3A_589 = tpu.memref_squeeze %dma_wait3A_588 : memref<1x512xi32, #tpu.memory_space<vmem>> -> memref<512xi32, #tpu.memory_space<vmem>>
    %dma_wait3A_590 = arith.constant 0 : i32
    %dma_wait3A_591 = tpu.memref_slice %dma_wait3A_589[%dma_wait3A_590] : memref<512xi32, #tpu.memory_space<vmem>> -> memref<128xi32, #tpu.memory_space<vmem>>
    %dma_wait3A_592 = arith.constant 0 : i32
    %dma_wait3A_593 = arith.constant 0 : i32
    %dma_wait3A_594 = tpu.memref_slice %arg11[%dma_wait3A_592, %dma_wait3A_593] : memref<10000x64xf32, #tpu.memory_space<vmem_shared>> -> memref<10000x64xf32, #tpu.memory_space<vmem_shared>>
    %dma_wait3A_595 = tpu.memref_slice %arg13[%dma_wait3A_582] : memref<4x!tpu.dma_semaphore, #tpu.memory_space<semaphore_mem>> -> memref<1x!tpu.dma_semaphore, #tpu.memory_space<semaphore_mem>>
    %dma_wait3A_596 = tpu.memref_squeeze %dma_wait3A_595 : memref<1x!tpu.dma_semaphore, #tpu.memory_space<semaphore_mem>> -> memref<!tpu.dma_semaphore, #tpu.memory_space<semaphore_mem>>
    tpu.wait_indirect_dma semaphore(%dma_wait3A_596 : memref<!tpu.dma_semaphore, #tpu.memory_space<semaphore_mem>>) src(%dma_wait3A_594 : memref<10000x64xf32, #tpu.memory_space<vmem_shared>>) dst(%dma_wait3A_586 : memref<128x64xf32, #tpu.memory_space<vmem>>)
    %dma_start3A_597 = arith.constant 1 : i32
    %dma_start3A_598 = arith.constant 0 : i32
    %dma_start3A_599 = arith.constant 1 : i32
    %dma_start3A_600 = arith.constant 1 : i32
    %dma_start3A_601 = arith.constant 0 : i32
    %dma_start3A_602 = arith.constant 0 : i32
    %dma_start3A_603 = tpu.memref_slice %arg8[%dma_start3A_597, %dma_start3A_601, %dma_start3A_602] : memref<4x128x64xf32, #tpu.memory_space<vmem>> -> memref<1x128x64xf32, #tpu.memory_space<vmem>>
    %dma_start3A_604 = tpu.memref_squeeze %dma_start3A_603 : memref<1x128x64xf32, #tpu.memory_space<vmem>> -> memref<128x64xf32, #tpu.memory_space<vmem>>
    %dma_start3A_605 = arith.constant 0 : i32
    %dma_start3A_606 = arith.constant 0 : i32
    %dma_start3A_607 = tpu.memref_slice %arg7[%dma_start3A_598, %dma_start3A_605, %dma_start3A_606] : memref<3x4x128xi32, #tpu.memory_space<vmem>> -> memref<1x4x128xi32, #tpu.memory_space<vmem>>
    %dma_start3A_608 = tpu.memref_squeeze %dma_start3A_607 : memref<1x4x128xi32, #tpu.memory_space<vmem>> -> memref<4x128xi32, #tpu.memory_space<vmem>>
    %dma_start3A_609 = arith.constant 0 : i32
    %dma_start3A_610 = tpu.memref_slice %dma_start3A_608[%dma_start3A_599, %dma_start3A_609] : memref<4x128xi32, #tpu.memory_space<vmem>> -> memref<1x128xi32, #tpu.memory_space<vmem>>
    %dma_start3A_611 = tpu.memref_squeeze %dma_start3A_610 : memref<1x128xi32, #tpu.memory_space<vmem>> -> memref<128xi32, #tpu.memory_space<vmem>>
    %dma_start3A_612 = arith.constant 0 : i32
    %dma_start3A_613 = arith.constant 0 : i32
    %dma_start3A_614 = tpu.memref_slice %arg10[%dma_start3A_612, %dma_start3A_613] : memref<10016x64xf32, #tpu.memory_space<vmem_shared>> -> memref<10016x64xf32, #tpu.memory_space<vmem_shared>>
    %dma_start3A_615 = tpu.memref_slice %arg14[%dma_start3A_600] : memref<4x!tpu.dma_semaphore, #tpu.memory_space<semaphore_mem>> -> memref<1x!tpu.dma_semaphore, #tpu.memory_space<semaphore_mem>>
    %dma_start3A_616 = tpu.memref_squeeze %dma_start3A_615 : memref<1x!tpu.dma_semaphore, #tpu.memory_space<semaphore_mem>> -> memref<!tpu.dma_semaphore, #tpu.memory_space<semaphore_mem>>
    tpu.enqueue_indirect_dma source(%dma_start3A_604 : memref<128x64xf32, #tpu.memory_space<vmem>>) target(%dma_start3A_614 : memref<10016x64xf32, #tpu.memory_space<vmem_shared>>) offsets(%dma_start3A_611 : memref<128xi32, #tpu.memory_space<vmem>>) semaphore(%dma_start3A_616 : memref<!tpu.dma_semaphore, #tpu.memory_space<semaphore_mem>>) {add = true}
    %dma_wait3A_617 = arith.constant 0 : i32
    %dma_wait3A_618 = arith.constant 2 : i32
    %dma_wait3A_619 = arith.constant 2 : i32
    %dma_wait3A_620 = arith.constant 0 : i32
    %dma_wait3A_621 = arith.constant 0 : i32
    %dma_wait3A_622 = tpu.memref_slice %arg8[%dma_wait3A_618, %dma_wait3A_620, %dma_wait3A_621] : memref<4x128x64xf32, #tpu.memory_space<vmem>> -> memref<1x128x64xf32, #tpu.memory_space<vmem>>
    %dma_wait3A_623 = tpu.memref_squeeze %dma_wait3A_622 : memref<1x128x64xf32, #tpu.memory_space<vmem>> -> memref<128x64xf32, #tpu.memory_space<vmem>>
    %dma_wait3A_624 = arith.constant 0 : i32
    %dma_wait3A_625 = tpu.memref_slice %arg6[%dma_wait3A_617, %dma_wait3A_624] : memref<3x512xi32, #tpu.memory_space<vmem>> -> memref<1x512xi32, #tpu.memory_space<vmem>>
    %dma_wait3A_626 = tpu.memref_squeeze %dma_wait3A_625 : memref<1x512xi32, #tpu.memory_space<vmem>> -> memref<512xi32, #tpu.memory_space<vmem>>
    %dma_wait3A_627 = arith.constant 0 : i32
    %dma_wait3A_628 = tpu.memref_slice %dma_wait3A_626[%dma_wait3A_627] : memref<512xi32, #tpu.memory_space<vmem>> -> memref<128xi32, #tpu.memory_space<vmem>>
    %dma_wait3A_629 = arith.constant 0 : i32
    %dma_wait3A_630 = arith.constant 0 : i32
    %dma_wait3A_631 = tpu.memref_slice %arg11[%dma_wait3A_629, %dma_wait3A_630] : memref<10000x64xf32, #tpu.memory_space<vmem_shared>> -> memref<10000x64xf32, #tpu.memory_space<vmem_shared>>
    %dma_wait3A_632 = tpu.memref_slice %arg13[%dma_wait3A_619] : memref<4x!tpu.dma_semaphore, #tpu.memory_space<semaphore_mem>> -> memref<1x!tpu.dma_semaphore, #tpu.memory_space<semaphore_mem>>
    %dma_wait3A_633 = tpu.memref_squeeze %dma_wait3A_632 : memref<1x!tpu.dma_semaphore, #tpu.memory_space<semaphore_mem>> -> memref<!tpu.dma_semaphore, #tpu.memory_space<semaphore_mem>>
    tpu.wait_indirect_dma semaphore(%dma_wait3A_633 : memref<!tpu.dma_semaphore, #tpu.memory_space<semaphore_mem>>) src(%dma_wait3A_631 : memref<10000x64xf32, #tpu.memory_space<vmem_shared>>) dst(%dma_wait3A_623 : memref<128x64xf32, #tpu.memory_space<vmem>>)
    %dma_start3A_634 = arith.constant 2 : i32
    %dma_start3A_635 = arith.constant 0 : i32
    %dma_start3A_636 = arith.constant 2 : i32
    %dma_start3A_637 = arith.constant 2 : i32
    %dma_start3A_638 = arith.constant 0 : i32
    %dma_start3A_639 = arith.constant 0 : i32
    %dma_start3A_640 = tpu.memref_slice %arg8[%dma_start3A_634, %dma_start3A_638, %dma_start3A_639] : memref<4x128x64xf32, #tpu.memory_space<vmem>> -> memref<1x128x64xf32, #tpu.memory_space<vmem>>
    %dma_start3A_641 = tpu.memref_squeeze %dma_start3A_640 : memref<1x128x64xf32, #tpu.memory_space<vmem>> -> memref<128x64xf32, #tpu.memory_space<vmem>>
    %dma_start3A_642 = arith.constant 0 : i32
    %dma_start3A_643 = arith.constant 0 : i32
    %dma_start3A_644 = tpu.memref_slice %arg7[%dma_start3A_635, %dma_start3A_642, %dma_start3A_643] : memref<3x4x128xi32, #tpu.memory_space<vmem>> -> memref<1x4x128xi32, #tpu.memory_space<vmem>>
    %dma_start3A_645 = tpu.memref_squeeze %dma_start3A_644 : memref<1x4x128xi32, #tpu.memory_space<vmem>> -> memref<4x128xi32, #tpu.memory_space<vmem>>
    %dma_start3A_646 = arith.constant 0 : i32
    %dma_start3A_647 = tpu.memref_slice %dma_start3A_645[%dma_start3A_636, %dma_start3A_646] : memref<4x128xi32, #tpu.memory_space<vmem>> -> memref<1x128xi32, #tpu.memory_space<vmem>>
    %dma_start3A_648 = tpu.memref_squeeze %dma_start3A_647 : memref<1x128xi32, #tpu.memory_space<vmem>> -> memref<128xi32, #tpu.memory_space<vmem>>
    %dma_start3A_649 = arith.constant 0 : i32
    %dma_start3A_650 = arith.constant 0 : i32
    %dma_start3A_651 = tpu.memref_slice %arg10[%dma_start3A_649, %dma_start3A_650] : memref<10016x64xf32, #tpu.memory_space<vmem_shared>> -> memref<10016x64xf32, #tpu.memory_space<vmem_shared>>
    %dma_start3A_652 = tpu.memref_slice %arg14[%dma_start3A_637] : memref<4x!tpu.dma_semaphore, #tpu.memory_space<semaphore_mem>> -> memref<1x!tpu.dma_semaphore, #tpu.memory_space<semaphore_mem>>
    %dma_start3A_653 = tpu.memref_squeeze %dma_start3A_652 : memref<1x!tpu.dma_semaphore, #tpu.memory_space<semaphore_mem>> -> memref<!tpu.dma_semaphore, #tpu.memory_space<semaphore_mem>>
    tpu.enqueue_indirect_dma source(%dma_start3A_641 : memref<128x64xf32, #tpu.memory_space<vmem>>) target(%dma_start3A_651 : memref<10016x64xf32, #tpu.memory_space<vmem_shared>>) offsets(%dma_start3A_648 : memref<128xi32, #tpu.memory_space<vmem>>) semaphore(%dma_start3A_653 : memref<!tpu.dma_semaphore, #tpu.memory_space<semaphore_mem>>) {add = true}
    %dma_wait3A_654 = arith.constant 0 : i32
    %dma_wait3A_655 = arith.constant 3 : i32
    %dma_wait3A_656 = arith.constant 3 : i32
    %dma_wait3A_657 = arith.constant 0 : i32
    %dma_wait3A_658 = arith.constant 0 : i32
    %dma_wait3A_659 = tpu.memref_slice %arg8[%dma_wait3A_655, %dma_wait3A_657, %dma_wait3A_658] : memref<4x128x64xf32, #tpu.memory_space<vmem>> -> memref<1x128x64xf32, #tpu.memory_space<vmem>>
    %dma_wait3A_660 = tpu.memref_squeeze %dma_wait3A_659 : memref<1x128x64xf32, #tpu.memory_space<vmem>> -> memref<128x64xf32, #tpu.memory_space<vmem>>
    %dma_wait3A_661 = arith.constant 0 : i32
    %dma_wait3A_662 = tpu.memref_slice %arg6[%dma_wait3A_654, %dma_wait3A_661] : memref<3x512xi32, #tpu.memory_space<vmem>> -> memref<1x512xi32, #tpu.memory_space<vmem>>
    %dma_wait3A_663 = tpu.memref_squeeze %dma_wait3A_662 : memref<1x512xi32, #tpu.memory_space<vmem>> -> memref<512xi32, #tpu.memory_space<vmem>>
    %dma_wait3A_664 = arith.constant 0 : i32
    %dma_wait3A_665 = tpu.memref_slice %dma_wait3A_663[%dma_wait3A_664] : memref<512xi32, #tpu.memory_space<vmem>> -> memref<128xi32, #tpu.memory_space<vmem>>
    %dma_wait3A_666 = arith.constant 0 : i32
    %dma_wait3A_667 = arith.constant 0 : i32
    %dma_wait3A_668 = tpu.memref_slice %arg11[%dma_wait3A_666, %dma_wait3A_667] : memref<10000x64xf32, #tpu.memory_space<vmem_shared>> -> memref<10000x64xf32, #tpu.memory_space<vmem_shared>>
    %dma_wait3A_669 = tpu.memref_slice %arg13[%dma_wait3A_656] : memref<4x!tpu.dma_semaphore, #tpu.memory_space<semaphore_mem>> -> memref<1x!tpu.dma_semaphore, #tpu.memory_space<semaphore_mem>>
    %dma_wait3A_670 = tpu.memref_squeeze %dma_wait3A_669 : memref<1x!tpu.dma_semaphore, #tpu.memory_space<semaphore_mem>> -> memref<!tpu.dma_semaphore, #tpu.memory_space<semaphore_mem>>
    tpu.wait_indirect_dma semaphore(%dma_wait3A_670 : memref<!tpu.dma_semaphore, #tpu.memory_space<semaphore_mem>>) src(%dma_wait3A_668 : memref<10000x64xf32, #tpu.memory_space<vmem_shared>>) dst(%dma_wait3A_660 : memref<128x64xf32, #tpu.memory_space<vmem>>)
    %dma_start3A_671 = arith.constant 3 : i32
    %dma_start3A_672 = arith.constant 0 : i32
    %dma_start3A_673 = arith.constant 3 : i32
    %dma_start3A_674 = arith.constant 3 : i32
    %dma_start3A_675 = arith.constant 0 : i32
    %dma_start3A_676 = arith.constant 0 : i32
    %dma_start3A_677 = tpu.memref_slice %arg8[%dma_start3A_671, %dma_start3A_675, %dma_start3A_676] : memref<4x128x64xf32, #tpu.memory_space<vmem>> -> memref<1x128x64xf32, #tpu.memory_space<vmem>>
    %dma_start3A_678 = tpu.memref_squeeze %dma_start3A_677 : memref<1x128x64xf32, #tpu.memory_space<vmem>> -> memref<128x64xf32, #tpu.memory_space<vmem>>
    %dma_start3A_679 = arith.constant 0 : i32
    %dma_start3A_680 = arith.constant 0 : i32
    %dma_start3A_681 = tpu.memref_slice %arg7[%dma_start3A_672, %dma_start3A_679, %dma_start3A_680] : memref<3x4x128xi32, #tpu.memory_space<vmem>> -> memref<1x4x128xi32, #tpu.memory_space<vmem>>
    %dma_start3A_682 = tpu.memref_squeeze %dma_start3A_681 : memref<1x4x128xi32, #tpu.memory_space<vmem>> -> memref<4x128xi32, #tpu.memory_space<vmem>>
    %dma_start3A_683 = arith.constant 0 : i32
    %dma_start3A_684 = tpu.memref_slice %dma_start3A_682[%dma_start3A_673, %dma_start3A_683] : memref<4x128xi32, #tpu.memory_space<vmem>> -> memref<1x128xi32, #tpu.memory_space<vmem>>
    %dma_start3A_685 = tpu.memref_squeeze %dma_start3A_684 : memref<1x128xi32, #tpu.memory_space<vmem>> -> memref<128xi32, #tpu.memory_space<vmem>>
    %dma_start3A_686 = arith.constant 0 : i32
    %dma_start3A_687 = arith.constant 0 : i32
    %dma_start3A_688 = tpu.memref_slice %arg10[%dma_start3A_686, %dma_start3A_687] : memref<10016x64xf32, #tpu.memory_space<vmem_shared>> -> memref<10016x64xf32, #tpu.memory_space<vmem_shared>>
    %dma_start3A_689 = tpu.memref_slice %arg14[%dma_start3A_674] : memref<4x!tpu.dma_semaphore, #tpu.memory_space<semaphore_mem>> -> memref<1x!tpu.dma_semaphore, #tpu.memory_space<semaphore_mem>>
    %dma_start3A_690 = tpu.memref_squeeze %dma_start3A_689 : memref<1x!tpu.dma_semaphore, #tpu.memory_space<semaphore_mem>> -> memref<!tpu.dma_semaphore, #tpu.memory_space<semaphore_mem>>
    tpu.enqueue_indirect_dma source(%dma_start3A_678 : memref<128x64xf32, #tpu.memory_space<vmem>>) target(%dma_start3A_688 : memref<10016x64xf32, #tpu.memory_space<vmem_shared>>) offsets(%dma_start3A_685 : memref<128xi32, #tpu.memory_space<vmem>>) semaphore(%dma_start3A_690 : memref<!tpu.dma_semaphore, #tpu.memory_space<semaphore_mem>>) {add = true}
    %dma_wait3A_691 = arith.constant 0 : i32
    %dma_wait3A_692 = arith.constant 0 : i32
    %dma_wait3A_693 = arith.constant 0 : i32
    %dma_wait3A_694 = arith.constant 0 : i32
    %dma_wait3A_695 = arith.constant 0 : i32
    %dma_wait3A_696 = arith.constant 0 : i32
    %dma_wait3A_697 = tpu.memref_slice %arg8[%dma_wait3A_691, %dma_wait3A_695, %dma_wait3A_696] : memref<4x128x64xf32, #tpu.memory_space<vmem>> -> memref<1x128x64xf32, #tpu.memory_space<vmem>>
    %dma_wait3A_698 = tpu.memref_squeeze %dma_wait3A_697 : memref<1x128x64xf32, #tpu.memory_space<vmem>> -> memref<128x64xf32, #tpu.memory_space<vmem>>
    %dma_wait3A_699 = arith.constant 0 : i32
    %dma_wait3A_700 = arith.constant 0 : i32
    %dma_wait3A_701 = tpu.memref_slice %arg7[%dma_wait3A_692, %dma_wait3A_699, %dma_wait3A_700] : memref<3x4x128xi32, #tpu.memory_space<vmem>> -> memref<1x4x128xi32, #tpu.memory_space<vmem>>
    %dma_wait3A_702 = tpu.memref_squeeze %dma_wait3A_701 : memref<1x4x128xi32, #tpu.memory_space<vmem>> -> memref<4x128xi32, #tpu.memory_space<vmem>>
    %dma_wait3A_703 = arith.constant 0 : i32
    %dma_wait3A_704 = tpu.memref_slice %dma_wait3A_702[%dma_wait3A_693, %dma_wait3A_703] : memref<4x128xi32, #tpu.memory_space<vmem>> -> memref<1x128xi32, #tpu.memory_space<vmem>>
    %dma_wait3A_705 = tpu.memref_squeeze %dma_wait3A_704 : memref<1x128xi32, #tpu.memory_space<vmem>> -> memref<128xi32, #tpu.memory_space<vmem>>
    %dma_wait3A_706 = arith.constant 0 : i32
    %dma_wait3A_707 = arith.constant 0 : i32
    %dma_wait3A_708 = tpu.memref_slice %arg10[%dma_wait3A_706, %dma_wait3A_707] : memref<10016x64xf32, #tpu.memory_space<vmem_shared>> -> memref<10016x64xf32, #tpu.memory_space<vmem_shared>>
    %dma_wait3A_709 = tpu.memref_slice %arg14[%dma_wait3A_694] : memref<4x!tpu.dma_semaphore, #tpu.memory_space<semaphore_mem>> -> memref<1x!tpu.dma_semaphore, #tpu.memory_space<semaphore_mem>>
    %dma_wait3A_710 = tpu.memref_squeeze %dma_wait3A_709 : memref<1x!tpu.dma_semaphore, #tpu.memory_space<semaphore_mem>> -> memref<!tpu.dma_semaphore, #tpu.memory_space<semaphore_mem>>
    tpu.wait_indirect_dma semaphore(%dma_wait3A_710 : memref<!tpu.dma_semaphore, #tpu.memory_space<semaphore_mem>>) src(%dma_wait3A_698 : memref<128x64xf32, #tpu.memory_space<vmem>>) dst(%dma_wait3A_708 : memref<10016x64xf32, #tpu.memory_space<vmem_shared>>)
    %dma_wait3A_711 = arith.constant 1 : i32
    %dma_wait3A_712 = arith.constant 0 : i32
    %dma_wait3A_713 = arith.constant 0 : i32
    %dma_wait3A_714 = arith.constant 1 : i32
    %dma_wait3A_715 = arith.constant 0 : i32
    %dma_wait3A_716 = arith.constant 0 : i32
    %dma_wait3A_717 = tpu.memref_slice %arg8[%dma_wait3A_711, %dma_wait3A_715, %dma_wait3A_716] : memref<4x128x64xf32, #tpu.memory_space<vmem>> -> memref<1x128x64xf32, #tpu.memory_space<vmem>>
    %dma_wait3A_718 = tpu.memref_squeeze %dma_wait3A_717 : memref<1x128x64xf32, #tpu.memory_space<vmem>> -> memref<128x64xf32, #tpu.memory_space<vmem>>
    %dma_wait3A_719 = arith.constant 0 : i32
    %dma_wait3A_720 = arith.constant 0 : i32
    %dma_wait3A_721 = tpu.memref_slice %arg7[%dma_wait3A_712, %dma_wait3A_719, %dma_wait3A_720] : memref<3x4x128xi32, #tpu.memory_space<vmem>> -> memref<1x4x128xi32, #tpu.memory_space<vmem>>
    %dma_wait3A_722 = tpu.memref_squeeze %dma_wait3A_721 : memref<1x4x128xi32, #tpu.memory_space<vmem>> -> memref<4x128xi32, #tpu.memory_space<vmem>>
    %dma_wait3A_723 = arith.constant 0 : i32
    %dma_wait3A_724 = tpu.memref_slice %dma_wait3A_722[%dma_wait3A_713, %dma_wait3A_723] : memref<4x128xi32, #tpu.memory_space<vmem>> -> memref<1x128xi32, #tpu.memory_space<vmem>>
    %dma_wait3A_725 = tpu.memref_squeeze %dma_wait3A_724 : memref<1x128xi32, #tpu.memory_space<vmem>> -> memref<128xi32, #tpu.memory_space<vmem>>
    %dma_wait3A_726 = arith.constant 0 : i32
    %dma_wait3A_727 = arith.constant 0 : i32
    %dma_wait3A_728 = tpu.memref_slice %arg10[%dma_wait3A_726, %dma_wait3A_727] : memref<10016x64xf32, #tpu.memory_space<vmem_shared>> -> memref<10016x64xf32, #tpu.memory_space<vmem_shared>>
    %dma_wait3A_729 = tpu.memref_slice %arg14[%dma_wait3A_714] : memref<4x!tpu.dma_semaphore, #tpu.memory_space<semaphore_mem>> -> memref<1x!tpu.dma_semaphore, #tpu.memory_space<semaphore_mem>>
    %dma_wait3A_730 = tpu.memref_squeeze %dma_wait3A_729 : memref<1x!tpu.dma_semaphore, #tpu.memory_space<semaphore_mem>> -> memref<!tpu.dma_semaphore, #tpu.memory_space<semaphore_mem>>
    tpu.wait_indirect_dma semaphore(%dma_wait3A_730 : memref<!tpu.dma_semaphore, #tpu.memory_space<semaphore_mem>>) src(%dma_wait3A_718 : memref<128x64xf32, #tpu.memory_space<vmem>>) dst(%dma_wait3A_728 : memref<10016x64xf32, #tpu.memory_space<vmem_shared>>)
    %dma_wait3A_731 = arith.constant 2 : i32
    %dma_wait3A_732 = arith.constant 0 : i32
    %dma_wait3A_733 = arith.constant 0 : i32
    %dma_wait3A_734 = arith.constant 2 : i32
    %dma_wait3A_735 = arith.constant 0 : i32
    %dma_wait3A_736 = arith.constant 0 : i32
    %dma_wait3A_737 = tpu.memref_slice %arg8[%dma_wait3A_731, %dma_wait3A_735, %dma_wait3A_736] : memref<4x128x64xf32, #tpu.memory_space<vmem>> -> memref<1x128x64xf32, #tpu.memory_space<vmem>>
    %dma_wait3A_738 = tpu.memref_squeeze %dma_wait3A_737 : memref<1x128x64xf32, #tpu.memory_space<vmem>> -> memref<128x64xf32, #tpu.memory_space<vmem>>
    %dma_wait3A_739 = arith.constant 0 : i32
    %dma_wait3A_740 = arith.constant 0 : i32
    %dma_wait3A_741 = tpu.memref_slice %arg7[%dma_wait3A_732, %dma_wait3A_739, %dma_wait3A_740] : memref<3x4x128xi32, #tpu.memory_space<vmem>> -> memref<1x4x128xi32, #tpu.memory_space<vmem>>
    %dma_wait3A_742 = tpu.memref_squeeze %dma_wait3A_741 : memref<1x4x128xi32, #tpu.memory_space<vmem>> -> memref<4x128xi32, #tpu.memory_space<vmem>>
    %dma_wait3A_743 = arith.constant 0 : i32
    %dma_wait3A_744 = tpu.memref_slice %dma_wait3A_742[%dma_wait3A_733, %dma_wait3A_743] : memref<4x128xi32, #tpu.memory_space<vmem>> -> memref<1x128xi32, #tpu.memory_space<vmem>>
    %dma_wait3A_745 = tpu.memref_squeeze %dma_wait3A_744 : memref<1x128xi32, #tpu.memory_space<vmem>> -> memref<128xi32, #tpu.memory_space<vmem>>
    %dma_wait3A_746 = arith.constant 0 : i32
    %dma_wait3A_747 = arith.constant 0 : i32
    %dma_wait3A_748 = tpu.memref_slice %arg10[%dma_wait3A_746, %dma_wait3A_747] : memref<10016x64xf32, #tpu.memory_space<vmem_shared>> -> memref<10016x64xf32, #tpu.memory_space<vmem_shared>>
    %dma_wait3A_749 = tpu.memref_slice %arg14[%dma_wait3A_734] : memref<4x!tpu.dma_semaphore, #tpu.memory_space<semaphore_mem>> -> memref<1x!tpu.dma_semaphore, #tpu.memory_space<semaphore_mem>>
    %dma_wait3A_750 = tpu.memref_squeeze %dma_wait3A_749 : memref<1x!tpu.dma_semaphore, #tpu.memory_space<semaphore_mem>> -> memref<!tpu.dma_semaphore, #tpu.memory_space<semaphore_mem>>
    tpu.wait_indirect_dma semaphore(%dma_wait3A_750 : memref<!tpu.dma_semaphore, #tpu.memory_space<semaphore_mem>>) src(%dma_wait3A_738 : memref<128x64xf32, #tpu.memory_space<vmem>>) dst(%dma_wait3A_748 : memref<10016x64xf32, #tpu.memory_space<vmem_shared>>)
    %dma_wait3A_751 = arith.constant 3 : i32
    %dma_wait3A_752 = arith.constant 0 : i32
    %dma_wait3A_753 = arith.constant 0 : i32
    %dma_wait3A_754 = arith.constant 3 : i32
    %dma_wait3A_755 = arith.constant 0 : i32
    %dma_wait3A_756 = arith.constant 0 : i32
    %dma_wait3A_757 = tpu.memref_slice %arg8[%dma_wait3A_751, %dma_wait3A_755, %dma_wait3A_756] : memref<4x128x64xf32, #tpu.memory_space<vmem>> -> memref<1x128x64xf32, #tpu.memory_space<vmem>>
    %dma_wait3A_758 = tpu.memref_squeeze %dma_wait3A_757 : memref<1x128x64xf32, #tpu.memory_space<vmem>> -> memref<128x64xf32, #tpu.memory_space<vmem>>
    %dma_wait3A_759 = arith.constant 0 : i32
    %dma_wait3A_760 = arith.constant 0 : i32
    %dma_wait3A_761 = tpu.memref_slice %arg7[%dma_wait3A_752, %dma_wait3A_759, %dma_wait3A_760] : memref<3x4x128xi32, #tpu.memory_space<vmem>> -> memref<1x4x128xi32, #tpu.memory_space<vmem>>
    %dma_wait3A_762 = tpu.memref_squeeze %dma_wait3A_761 : memref<1x4x128xi32, #tpu.memory_space<vmem>> -> memref<4x128xi32, #tpu.memory_space<vmem>>
    %dma_wait3A_763 = arith.constant 0 : i32
    %dma_wait3A_764 = tpu.memref_slice %dma_wait3A_762[%dma_wait3A_753, %dma_wait3A_763] : memref<4x128xi32, #tpu.memory_space<vmem>> -> memref<1x128xi32, #tpu.memory_space<vmem>>
    %dma_wait3A_765 = tpu.memref_squeeze %dma_wait3A_764 : memref<1x128xi32, #tpu.memory_space<vmem>> -> memref<128xi32, #tpu.memory_space<vmem>>
    %dma_wait3A_766 = arith.constant 0 : i32
    %dma_wait3A_767 = arith.constant 0 : i32
    %dma_wait3A_768 = tpu.memref_slice %arg10[%dma_wait3A_766, %dma_wait3A_767] : memref<10016x64xf32, #tpu.memory_space<vmem_shared>> -> memref<10016x64xf32, #tpu.memory_space<vmem_shared>>
    %dma_wait3A_769 = tpu.memref_slice %arg14[%dma_wait3A_754] : memref<4x!tpu.dma_semaphore, #tpu.memory_space<semaphore_mem>> -> memref<1x!tpu.dma_semaphore, #tpu.memory_space<semaphore_mem>>
    %dma_wait3A_770 = tpu.memref_squeeze %dma_wait3A_769 : memref<1x!tpu.dma_semaphore, #tpu.memory_space<semaphore_mem>> -> memref<!tpu.dma_semaphore, #tpu.memory_space<semaphore_mem>>
    tpu.wait_indirect_dma semaphore(%dma_wait3A_770 : memref<!tpu.dma_semaphore, #tpu.memory_space<semaphore_mem>>) src(%dma_wait3A_758 : memref<128x64xf32, #tpu.memory_space<vmem>>) dst(%dma_wait3A_768 : memref<10016x64xf32, #tpu.memory_space<vmem_shared>>)
    %barrier3A_771 = arith.constant 0 : index
    tpu.barrier barrier_id(%barrier3A_771)
    %scan3A_772 = arith.constant 0 : i32
    %scan3A_773 = arith.constant 0 : i32
    %scan3A_774 = arith.constant 7 : i32
    %scan3A_775 = arith.addi %scan3A_773, %scan3A_774 : i32
    %scan3A_776 = arith.constant 1 : i32
    scf.for %scan3A_778 = %scan3A_773 to %scan3A_775 step %scan3A_776  : i32 {
      %mul3A_779 = arith.constant 16 : i32
      %mul3A_780 = arith.muli %mul3A_779, %scan3A_778 : i32
      %add3A_781 = arith.addi %arg1, %mul3A_780 : i32
      %lt3A = arith.constant 100 : i32
      %lt3A_782 = arith.cmpi slt, %add3A_781, %lt3A : i32
      %convert_element_type3A = arith.extui %lt3A_782 : i1 to i32
      %cond3A = arith.constant 0 : i32
      %cond3A_783 = arith.cmpi ne, %convert_element_type3A, %cond3A : i32
      scf.if %cond3A_783 {
        %mul3A_784 = arith.constant 100 : i32
        %mul3A_785 = arith.muli %add3A_781, %mul3A_784 : i32
        "tpu.region"() ({
          %run_scoped3A = tpu.sem_alloc : memref<!tpu.dma_semaphore, #tpu.memory_space<semaphore_mem>>
          %dma_start3A_789 = arith.constant 0 : i32
          %dma_start3A_790 = tpu.memref_slice %arg10[%mul3A_785, %dma_start3A_789] : memref<10016x64xf32, #tpu.memory_space<vmem_shared>> -> memref<100x64xf32, #tpu.memory_space<vmem_shared>>
          %dma_start3A_791 = arith.constant 0 : i32
          %dma_start3A_792 = tpu.memref_slice %arg10[%mul3A_785, %dma_start3A_791] : memref<10016x64xf32, #tpu.memory_space<vmem_shared>> -> memref<100x64xf32, #tpu.memory_space<vmem_shared>>
          tpu.enqueue_dma source(%dma_start3A_792 : memref<100x64xf32, #tpu.memory_space<vmem_shared>>) target(%arg9 : memref<100x64xf32, #tpu.memory_space<vmem>>) target_semaphore(%run_scoped3A : memref<!tpu.dma_semaphore, #tpu.memory_space<semaphore_mem>>)
          %dma_wait3A_793 = arith.constant 0 : i32
          %dma_wait3A_794 = tpu.memref_slice %arg10[%mul3A_785, %dma_wait3A_793] : memref<10016x64xf32, #tpu.memory_space<vmem_shared>> -> memref<100x64xf32, #tpu.memory_space<vmem_shared>>
          %dma_wait3A_795 = arith.constant 0 : i32
          %dma_wait3A_796 = tpu.memref_slice %arg10[%mul3A_785, %dma_wait3A_795] : memref<10016x64xf32, #tpu.memory_space<vmem_shared>> -> memref<100x64xf32, #tpu.memory_space<vmem_shared>>
          tpu.wait_dma2 semaphore(%run_scoped3A : memref<!tpu.dma_semaphore, #tpu.memory_space<semaphore_mem>>) src(%dma_wait3A_796 : memref<100x64xf32, #tpu.memory_space<vmem_shared>>) dst(%arg9 : memref<100x64xf32, #tpu.memory_space<vmem>>)
          tpu.yield
        }) : () -> ()
        %mul3A_786 = arith.constant 10000 : i32
        %mul3A_787 = arith.muli %arg0, %mul3A_786 : i32
        %add3A_788 = arith.addi %mul3A_787, %mul3A_785 : i32
        "tpu.region"() ({
          %run_scoped3A = tpu.sem_alloc : memref<!tpu.dma_semaphore, #tpu.memory_space<semaphore_mem>>
          %dma_start3A_789 = arith.constant 0 : i32
          %dma_start3A_790 = tpu.memref_slice %arg5[%add3A_788, %dma_start3A_789] : memref<20000x64xf32, #tpu.memory_space<hbm>> -> memref<100x64xf32, #tpu.memory_space<hbm>>
          %dma_start3A_791 = arith.constant 0 : i32
          %dma_start3A_792 = tpu.memref_slice %arg5[%add3A_788, %dma_start3A_791] : memref<20000x64xf32, #tpu.memory_space<hbm>> -> memref<100x64xf32, #tpu.memory_space<hbm>>
          tpu.enqueue_dma source(%arg9 : memref<100x64xf32, #tpu.memory_space<vmem>>) target(%dma_start3A_792 : memref<100x64xf32, #tpu.memory_space<hbm>>) target_semaphore(%run_scoped3A : memref<!tpu.dma_semaphore, #tpu.memory_space<semaphore_mem>>)
          %dma_wait3A_793 = arith.constant 0 : i32
          %dma_wait3A_794 = tpu.memref_slice %arg5[%add3A_788, %dma_wait3A_793] : memref<20000x64xf32, #tpu.memory_space<hbm>> -> memref<100x64xf32, #tpu.memory_space<hbm>>
          %dma_wait3A_795 = arith.constant 0 : i32
          %dma_wait3A_796 = tpu.memref_slice %arg5[%add3A_788, %dma_wait3A_795] : memref<20000x64xf32, #tpu.memory_space<hbm>> -> memref<100x64xf32, #tpu.memory_space<hbm>>
          tpu.wait_dma2 semaphore(%run_scoped3A : memref<!tpu.dma_semaphore, #tpu.memory_space<semaphore_mem>>) src(%arg9 : memref<100x64xf32, #tpu.memory_space<vmem>>) dst(%dma_wait3A_796 : memref<100x64xf32, #tpu.memory_space<hbm>>)
          tpu.yield
        }) : () -> ()
      } else {
      }
    }
    %scan3A_777 = arith.constant 7 : i32
    return
  }
}

#map = affine_map<(d0, d1) -> (0, 0, 0)>
#map1 = affine_map<(d0, d1) -> (0)>
#map2 = affine_map<(d0, d1) -> (0, 0)>
module attributes {stable_mosaic.version = 14 : i64} {
  func.func @k(%arg0: i32, %arg1: i32, %arg2: memref<2x10000x64xf32, #tpu.memory_space<hbm>>, %arg3: memref<327680xi32, #tpu.memory_space<hbm>>, %arg4: memref<2560x128xi32, #tpu.memory_space<hbm>>, %arg5: memref<20000x64xf32, #tpu.memory_space<hbm>>, %arg6: memref<3x512xi32, #tpu.memory_space<vmem>>, %arg7: memref<3x4x128xi32, #tpu.memory_space<vmem>>, %arg8: memref<4x128x64xf32, #tpu.memory_space<vmem>>, %arg9: memref<100x64xf32, #tpu.memory_space<vmem>>, %arg10: memref<10016x64xf32, #tpu.memory_space<vmem_shared>>, %arg11: memref<10000x64xf32, #tpu.memory_space<vmem_shared>>, %arg12: memref<3x!tpu.dma_semaphore, #tpu.memory_space<semaphore_mem>>, %arg13: memref<4x!tpu.dma_semaphore, #tpu.memory_space<semaphore_mem>>, %arg14: memref<4x!tpu.dma_semaphore, #tpu.memory_space<semaphore_mem>>) attributes {dimension_semantics = [#tpu.dimension_semantics<core_parallel>, #tpu.dimension_semantics<subcore_parallel>], iteration_bounds = array<i64: 2, 16>, scalar_prefetch = 0 : i64, scratch_operands = 9 : i64, tpu.core_type = #tpu.core_type<sc_vector_subcore>, window_params = [{transform_indices = #map}, {transform_indices = #map1}, {transform_indices = #map2}, {transform_indices = #map2}]} {
    %scan3A = arith.constant 0 : i32
    %scan3A_0 = arith.constant 0 : i32
    %scan3A_1 = arith.constant 7 : i32
    %scan3A_2 = arith.addi %scan3A_0, %scan3A_1 : i32
    %scan3A_3 = arith.constant 1 : i32
    scf.for %scan3A_778 = %scan3A_0 to %scan3A_2 step %scan3A_3  : i32 {
      %mul3A_779 = arith.constant 16 : i32
      %mul3A_780 = arith.muli %mul3A_779, %scan3A_778 : i32
      %add3A_781 = arith.addi %arg1, %mul3A_780 : i32
      %lt3A = arith.constant 100 : i32
      %lt3A_782 = arith.cmpi slt, %add3A_781, %lt3A : i32
      %convert_element_type3A = arith.extui %lt3A_782 : i1 to i32
      %cond3A = arith.constant 0 : i32
      %cond3A_783 = arith.cmpi ne, %convert_element_type3A, %cond3A : i32
      scf.if %cond3A_783 {
        %mul3A_784 = arith.constant 100 : i32
        %mul3A_785 = arith.muli %add3A_781, %mul3A_784 : i32
        "tpu.region"() ({
          %run_scoped3A = tpu.sem_alloc : memref<!tpu.dma_semaphore, #tpu.memory_space<semaphore_mem>>
          %dma_start3A_786 = arith.constant 0 : i32
          %dma_start3A_787 = arith.constant 0 : i32
          %dma_start3A_788 = tpu.memref_slice %arg2[%arg0, %dma_start3A_786, %dma_start3A_787] : memref<2x10000x64xf32, #tpu.memory_space<hbm>> -> memref<1x10000x64xf32, #tpu.memory_space<hbm>>
          %dma_start3A_789 = tpu.memref_squeeze %dma_start3A_788 : memref<1x10000x64xf32, #tpu.memory_space<hbm>> -> memref<10000x64xf32, #tpu.memory_space<hbm>>
          %dma_start3A_790 = arith.constant 0 : i32
          %dma_start3A_791 = tpu.memref_slice %dma_start3A_789[%mul3A_785, %dma_start3A_790] : memref<10000x64xf32, #tpu.memory_space<hbm>> -> memref<100x64xf32, #tpu.memory_space<hbm>>
          %dma_start3A_792 = arith.constant 0 : i32
          %dma_start3A_793 = arith.constant 0 : i32
          %dma_start3A_794 = tpu.memref_slice %arg2[%arg0, %dma_start3A_792, %dma_start3A_793] : memref<2x10000x64xf32, #tpu.memory_space<hbm>> -> memref<1x10000x64xf32, #tpu.memory_space<hbm>>
          %dma_start3A_795 = tpu.memref_squeeze %dma_start3A_794 : memref<1x10000x64xf32, #tpu.memory_space<hbm>> -> memref<10000x64xf32, #tpu.memory_space<hbm>>
          %dma_start3A_796 = arith.constant 0 : i32
          %dma_start3A_797 = tpu.memref_slice %dma_start3A_795[%mul3A_785, %dma_start3A_796] : memref<10000x64xf32, #tpu.memory_space<hbm>> -> memref<100x64xf32, #tpu.memory_space<hbm>>
          tpu.enqueue_dma source(%dma_start3A_797 : memref<100x64xf32, #tpu.memory_space<hbm>>) target(%arg9 : memref<100x64xf32, #tpu.memory_space<vmem>>) target_semaphore(%run_scoped3A : memref<!tpu.dma_semaphore, #tpu.memory_space<semaphore_mem>>)
          %dma_wait3A_798 = arith.constant 0 : i32
          %dma_wait3A_799 = arith.constant 0 : i32
          %dma_wait3A_800 = tpu.memref_slice %arg2[%arg0, %dma_wait3A_798, %dma_wait3A_799] : memref<2x10000x64xf32, #tpu.memory_space<hbm>> -> memref<1x10000x64xf32, #tpu.memory_space<hbm>>
          %dma_wait3A_801 = tpu.memref_squeeze %dma_wait3A_800 : memref<1x10000x64xf32, #tpu.memory_space<hbm>> -> memref<10000x64xf32, #tpu.memory_space<hbm>>
          %dma_wait3A_802 = arith.constant 0 : i32
          %dma_wait3A_803 = tpu.memref_slice %dma_wait3A_801[%mul3A_785, %dma_wait3A_802] : memref<10000x64xf32, #tpu.memory_space<hbm>> -> memref<100x64xf32, #tpu.memory_space<hbm>>
          %dma_wait3A_804 = arith.constant 0 : i32
          %dma_wait3A_805 = arith.constant 0 : i32
          %dma_wait3A_806 = tpu.memref_slice %arg2[%arg0, %dma_wait3A_804, %dma_wait3A_805] : memref<2x10000x64xf32, #tpu.memory_space<hbm>> -> memref<1x10000x64xf32, #tpu.memory_space<hbm>>
          %dma_wait3A_807 = tpu.memref_squeeze %dma_wait3A_806 : memref<1x10000x64xf32, #tpu.memory_space<hbm>> -> memref<10000x64xf32, #tpu.memory_space<hbm>>
          %dma_wait3A_808 = arith.constant 0 : i32
          %dma_wait3A_809 = tpu.memref_slice %dma_wait3A_807[%mul3A_785, %dma_wait3A_808] : memref<10000x64xf32, #tpu.memory_space<hbm>> -> memref<100x64xf32, #tpu.memory_space<hbm>>
          tpu.wait_dma2 semaphore(%run_scoped3A : memref<!tpu.dma_semaphore, #tpu.memory_space<semaphore_mem>>) src(%dma_wait3A_809 : memref<100x64xf32, #tpu.memory_space<hbm>>) dst(%arg9 : memref<100x64xf32, #tpu.memory_space<vmem>>)
          tpu.yield
        }) : () -> ()
        "tpu.region"() ({
          %run_scoped3A = tpu.sem_alloc : memref<!tpu.dma_semaphore, #tpu.memory_space<semaphore_mem>>
          %dma_start3A_786 = arith.constant 0 : i32
          %dma_start3A_787 = tpu.memref_slice %arg10[%mul3A_785, %dma_start3A_786] : memref<10016x64xf32, #tpu.memory_space<vmem_shared>> -> memref<100x64xf32, #tpu.memory_space<vmem_shared>>
          %dma_start3A_788 = arith.constant 0 : i32
          %dma_start3A_789 = tpu.memref_slice %arg10[%mul3A_785, %dma_start3A_788] : memref<10016x64xf32, #tpu.memory_space<vmem_shared>> -> memref<100x64xf32, #tpu.memory_space<vmem_shared>>
          tpu.enqueue_dma source(%arg9 : memref<100x64xf32, #tpu.memory_space<vmem>>) target(%dma_start3A_789 : memref<100x64xf32, #tpu.memory_space<vmem_shared>>) target_semaphore(%run_scoped3A : memref<!tpu.dma_semaphore, #tpu.memory_space<semaphore_mem>>)
          %dma_wait3A_790 = arith.constant 0 : i32
          %dma_wait3A_791 = tpu.memref_slice %arg10[%mul3A_785, %dma_wait3A_790] : memref<10016x64xf32, #tpu.memory_space<vmem_shared>> -> memref<100x64xf32, #tpu.memory_space<vmem_shared>>
          %dma_wait3A_792 = arith.constant 0 : i32
          %dma_wait3A_793 = tpu.memref_slice %arg10[%mul3A_785, %dma_wait3A_792] : memref<10016x64xf32, #tpu.memory_space<vmem_shared>> -> memref<100x64xf32, #tpu.memory_space<vmem_shared>>
          tpu.wait_dma2 semaphore(%run_scoped3A : memref<!tpu.dma_semaphore, #tpu.memory_space<semaphore_mem>>) src(%arg9 : memref<100x64xf32, #tpu.memory_space<vmem>>) dst(%dma_wait3A_793 : memref<100x64xf32, #tpu.memory_space<vmem_shared>>)
          tpu.yield
        }) : () -> ()
        "tpu.region"() ({
          %run_scoped3A = tpu.sem_alloc : memref<!tpu.dma_semaphore, #tpu.memory_space<semaphore_mem>>
          %dma_start3A_786 = arith.constant 0 : i32
          %dma_start3A_787 = tpu.memref_slice %arg11[%mul3A_785, %dma_start3A_786] : memref<10000x64xf32, #tpu.memory_space<vmem_shared>> -> memref<100x64xf32, #tpu.memory_space<vmem_shared>>
          %dma_start3A_788 = arith.constant 0 : i32
          %dma_start3A_789 = tpu.memref_slice %arg11[%mul3A_785, %dma_start3A_788] : memref<10000x64xf32, #tpu.memory_space<vmem_shared>> -> memref<100x64xf32, #tpu.memory_space<vmem_shared>>
          tpu.enqueue_dma source(%arg9 : memref<100x64xf32, #tpu.memory_space<vmem>>) target(%dma_start3A_789 : memref<100x64xf32, #tpu.memory_space<vmem_shared>>) target_semaphore(%run_scoped3A : memref<!tpu.dma_semaphore, #tpu.memory_space<semaphore_mem>>)
          %dma_wait3A_790 = arith.constant 0 : i32
          %dma_wait3A_791 = tpu.memref_slice %arg11[%mul3A_785, %dma_wait3A_790] : memref<10000x64xf32, #tpu.memory_space<vmem_shared>> -> memref<100x64xf32, #tpu.memory_space<vmem_shared>>
          %dma_wait3A_792 = arith.constant 0 : i32
          %dma_wait3A_793 = tpu.memref_slice %arg11[%mul3A_785, %dma_wait3A_792] : memref<10000x64xf32, #tpu.memory_space<vmem_shared>> -> memref<100x64xf32, #tpu.memory_space<vmem_shared>>
          tpu.wait_dma2 semaphore(%run_scoped3A : memref<!tpu.dma_semaphore, #tpu.memory_space<semaphore_mem>>) src(%arg9 : memref<100x64xf32, #tpu.memory_space<vmem>>) dst(%dma_wait3A_793 : memref<100x64xf32, #tpu.memory_space<vmem_shared>>)
          tpu.yield
        }) : () -> ()
      } else {
      }
    }
    %scan3A_4 = arith.constant 7 : i32
    %barrier3A = arith.constant 0 : index
    tpu.barrier barrier_id(%barrier3A)
    %mul3A = arith.constant 20480 : i32
    %mul3A_5 = arith.muli %arg1, %mul3A : i32
    %add3A = arith.constant 0 : i32
    %add3A_6 = arith.addi %mul3A_5, %add3A : i32
    %dma_start3A = arith.constant 0 : i32
    %dma_start3A_7 = arith.constant 0 : i32
    %dma_start3A_8 = arith.constant 0 : i32
    %dma_start3A_9 = tpu.memref_slice %arg6[%dma_start3A, %dma_start3A_8] : memref<3x512xi32, #tpu.memory_space<vmem>> -> memref<1x512xi32, #tpu.memory_space<vmem>>
    %dma_start3A_10 = tpu.memref_squeeze %dma_start3A_9 : memref<1x512xi32, #tpu.memory_space<vmem>> -> memref<512xi32, #tpu.memory_space<vmem>>
    %dma_start3A_11 = tpu.memref_slice %arg3[%add3A_6] : memref<327680xi32, #tpu.memory_space<hbm>> -> memref<512xi32, #tpu.memory_space<hbm>>
    %dma_start3A_12 = tpu.memref_slice %arg12[%dma_start3A_7] : memref<3x!tpu.dma_semaphore, #tpu.memory_space<semaphore_mem>> -> memref<1x!tpu.dma_semaphore, #tpu.memory_space<semaphore_mem>>
    %dma_start3A_13 = tpu.memref_squeeze %dma_start3A_12 : memref<1x!tpu.dma_semaphore, #tpu.memory_space<semaphore_mem>> -> memref<!tpu.dma_semaphore, #tpu.memory_space<semaphore_mem>>
    %dma_start3A_14 = arith.constant 0 : i32
    %dma_start3A_15 = tpu.memref_slice %arg6[%dma_start3A, %dma_start3A_14] : memref<3x512xi32, #tpu.memory_space<vmem>> -> memref<1x512xi32, #tpu.memory_space<vmem>>
    %dma_start3A_16 = tpu.memref_squeeze %dma_start3A_15 : memref<1x512xi32, #tpu.memory_space<vmem>> -> memref<512xi32, #tpu.memory_space<vmem>>
    %dma_start3A_17 = tpu.memref_slice %arg3[%add3A_6] : memref<327680xi32, #tpu.memory_space<hbm>> -> memref<512xi32, #tpu.memory_space<hbm>>
    tpu.enqueue_dma source(%dma_start3A_17 : memref<512xi32, #tpu.memory_space<hbm>>) target(%dma_start3A_16 : memref<512xi32, #tpu.memory_space<vmem>>) target_semaphore(%dma_start3A_13 : memref<!tpu.dma_semaphore, #tpu.memory_space<semaphore_mem>>)
    %mul3A_18 = arith.constant 160 : i32
    %mul3A_19 = arith.muli %arg1, %mul3A_18 : i32
    %add3A_20 = arith.constant 0 : i32
    %add3A_21 = arith.addi %mul3A_19, %add3A_20 : i32
    %dma_start3A_22 = arith.constant 0 : i32
    %dma_start3A_23 = arith.constant 0 : i32
    %dma_start3A_24 = arith.constant 0 : i32
    %dma_start3A_25 = arith.constant 0 : i32
    %dma_start3A_26 = tpu.memref_slice %arg7[%dma_start3A_22, %dma_start3A_24, %dma_start3A_25] : memref<3x4x128xi32, #tpu.memory_space<vmem>> -> memref<1x4x128xi32, #tpu.memory_space<vmem>>
    %dma_start3A_27 = tpu.memref_squeeze %dma_start3A_26 : memref<1x4x128xi32, #tpu.memory_space<vmem>> -> memref<4x128xi32, #tpu.memory_space<vmem>>
    %dma_start3A_28 = arith.constant 0 : i32
    %dma_start3A_29 = tpu.memref_slice %arg4[%add3A_21, %dma_start3A_28] : memref<2560x128xi32, #tpu.memory_space<hbm>> -> memref<4x128xi32, #tpu.memory_space<hbm>>
    %dma_start3A_30 = tpu.memref_slice %arg12[%dma_start3A_23] : memref<3x!tpu.dma_semaphore, #tpu.memory_space<semaphore_mem>> -> memref<1x!tpu.dma_semaphore, #tpu.memory_space<semaphore_mem>>
    %dma_start3A_31 = tpu.memref_squeeze %dma_start3A_30 : memref<1x!tpu.dma_semaphore, #tpu.memory_space<semaphore_mem>> -> memref<!tpu.dma_semaphore, #tpu.memory_space<semaphore_mem>>
    %dma_start3A_32 = arith.constant 0 : i32
    %dma_start3A_33 = arith.constant 0 : i32
    %dma_start3A_34 = tpu.memref_slice %arg7[%dma_start3A_22, %dma_start3A_32, %dma_start3A_33] : memref<3x4x128xi32, #tpu.memory_space<vmem>> -> memref<1x4x128xi32, #tpu.memory_space<vmem>>
    %dma_start3A_35 = tpu.memref_squeeze %dma_start3A_34 : memref<1x4x128xi32, #tpu.memory_space<vmem>> -> memref<4x128xi32, #tpu.memory_space<vmem>>
    %dma_start3A_36 = arith.constant 0 : i32
    %dma_start3A_37 = tpu.memref_slice %arg4[%add3A_21, %dma_start3A_36] : memref<2560x128xi32, #tpu.memory_space<hbm>> -> memref<4x128xi32, #tpu.memory_space<hbm>>
    tpu.enqueue_dma source(%dma_start3A_37 : memref<4x128xi32, #tpu.memory_space<hbm>>) target(%dma_start3A_35 : memref<4x128xi32, #tpu.memory_space<vmem>>) target_semaphore(%dma_start3A_31 : memref<!tpu.dma_semaphore, #tpu.memory_space<semaphore_mem>>)
    %mul3A_38 = arith.constant 20480 : i32
    %mul3A_39 = arith.muli %arg1, %mul3A_38 : i32
    %add3A_40 = arith.constant 512 : i32
    %add3A_41 = arith.addi %mul3A_39, %add3A_40 : i32
    %dma_start3A_42 = arith.constant 1 : i32
    %dma_start3A_43 = arith.constant 1 : i32
    %dma_start3A_44 = arith.constant 0 : i32
    %dma_start3A_45 = tpu.memref_slice %arg6[%dma_start3A_42, %dma_start3A_44] : memref<3x512xi32, #tpu.memory_space<vmem>> -> memref<1x512xi32, #tpu.memory_space<vmem>>
    %dma_start3A_46 = tpu.memref_squeeze %dma_start3A_45 : memref<1x512xi32, #tpu.memory_space<vmem>> -> memref<512xi32, #tpu.memory_space<vmem>>
    %dma_start3A_47 = tpu.memref_slice %arg3[%add3A_41] : memref<327680xi32, #tpu.memory_space<hbm>> -> memref<512xi32, #tpu.memory_space<hbm>>
    %dma_start3A_48 = tpu.memref_slice %arg12[%dma_start3A_43] : memref<3x!tpu.dma_semaphore, #tpu.memory_space<semaphore_mem>> -> memref<1x!tpu.dma_semaphore, #tpu.memory_space<semaphore_mem>>
    %dma_start3A_49 = tpu.memref_squeeze %dma_start3A_48 : memref<1x!tpu.dma_semaphore, #tpu.memory_space<semaphore_mem>> -> memref<!tpu.dma_semaphore, #tpu.memory_space<semaphore_mem>>
    %dma_start3A_50 = arith.constant 0 : i32
    %dma_start3A_51 = tpu.memref_slice %arg6[%dma_start3A_42, %dma_start3A_50] : memref<3x512xi32, #tpu.memory_space<vmem>> -> memref<1x512xi32, #tpu.memory_space<vmem>>
    %dma_start3A_52 = tpu.memref_squeeze %dma_start3A_51 : memref<1x512xi32, #tpu.memory_space<vmem>> -> memref<512xi32, #tpu.memory_space<vmem>>
    %dma_start3A_53 = tpu.memref_slice %arg3[%add3A_41] : memref<327680xi32, #tpu.memory_space<hbm>> -> memref<512xi32, #tpu.memory_space<hbm>>
    tpu.enqueue_dma source(%dma_start3A_53 : memref<512xi32, #tpu.memory_space<hbm>>) target(%dma_start3A_52 : memref<512xi32, #tpu.memory_space<vmem>>) target_semaphore(%dma_start3A_49 : memref<!tpu.dma_semaphore, #tpu.memory_space<semaphore_mem>>)
    %mul3A_54 = arith.constant 160 : i32
    %mul3A_55 = arith.muli %arg1, %mul3A_54 : i32
    %add3A_56 = arith.constant 4 : i32
    %add3A_57 = arith.addi %mul3A_55, %add3A_56 : i32
    %dma_start3A_58 = arith.constant 1 : i32
    %dma_start3A_59 = arith.constant 1 : i32
    %dma_start3A_60 = arith.constant 0 : i32
    %dma_start3A_61 = arith.constant 0 : i32
    %dma_start3A_62 = tpu.memref_slice %arg7[%dma_start3A_58, %dma_start3A_60, %dma_start3A_61] : memref<3x4x128xi32, #tpu.memory_space<vmem>> -> memref<1x4x128xi32, #tpu.memory_space<vmem>>
    %dma_start3A_63 = tpu.memref_squeeze %dma_start3A_62 : memref<1x4x128xi32, #tpu.memory_space<vmem>> -> memref<4x128xi32, #tpu.memory_space<vmem>>
    %dma_start3A_64 = arith.constant 0 : i32
    %dma_start3A_65 = tpu.memref_slice %arg4[%add3A_57, %dma_start3A_64] : memref<2560x128xi32, #tpu.memory_space<hbm>> -> memref<4x128xi32, #tpu.memory_space<hbm>>
    %dma_start3A_66 = tpu.memref_slice %arg12[%dma_start3A_59] : memref<3x!tpu.dma_semaphore, #tpu.memory_space<semaphore_mem>> -> memref<1x!tpu.dma_semaphore, #tpu.memory_space<semaphore_mem>>
    %dma_start3A_67 = tpu.memref_squeeze %dma_start3A_66 : memref<1x!tpu.dma_semaphore, #tpu.memory_space<semaphore_mem>> -> memref<!tpu.dma_semaphore, #tpu.memory_space<semaphore_mem>>
    %dma_start3A_68 = arith.constant 0 : i32
    %dma_start3A_69 = arith.constant 0 : i32
    %dma_start3A_70 = tpu.memref_slice %arg7[%dma_start3A_58, %dma_start3A_68, %dma_start3A_69] : memref<3x4x128xi32, #tpu.memory_space<vmem>> -> memref<1x4x128xi32, #tpu.memory_space<vmem>>
    %dma_start3A_71 = tpu.memref_squeeze %dma_start3A_70 : memref<1x4x128xi32, #tpu.memory_space<vmem>> -> memref<4x128xi32, #tpu.memory_space<vmem>>
    %dma_start3A_72 = arith.constant 0 : i32
    %dma_start3A_73 = tpu.memref_slice %arg4[%add3A_57, %dma_start3A_72] : memref<2560x128xi32, #tpu.memory_space<hbm>> -> memref<4x128xi32, #tpu.memory_space<hbm>>
    tpu.enqueue_dma source(%dma_start3A_73 : memref<4x128xi32, #tpu.memory_space<hbm>>) target(%dma_start3A_71 : memref<4x128xi32, #tpu.memory_space<vmem>>) target_semaphore(%dma_start3A_67 : memref<!tpu.dma_semaphore, #tpu.memory_space<semaphore_mem>>)
    %mul3A_74 = arith.constant 20480 : i32
    %mul3A_75 = arith.muli %arg1, %mul3A_74 : i32
    %add3A_76 = arith.constant 1024 : i32
    %add3A_77 = arith.addi %mul3A_75, %add3A_76 : i32
    %dma_start3A_78 = arith.constant 2 : i32
    %dma_start3A_79 = arith.constant 2 : i32
    %dma_start3A_80 = arith.constant 0 : i32
    %dma_start3A_81 = tpu.memref_slice %arg6[%dma_start3A_78, %dma_start3A_80] : memref<3x512xi32, #tpu.memory_space<vmem>> -> memref<1x512xi32, #tpu.memory_space<vmem>>
    %dma_start3A_82 = tpu.memref_squeeze %dma_start3A_81 : memref<1x512xi32, #tpu.memory_space<vmem>> -> memref<512xi32, #tpu.memory_space<vmem>>
    %dma_start3A_83 = tpu.memref_slice %arg3[%add3A_77] : memref<327680xi32, #tpu.memory_space<hbm>> -> memref<512xi32, #tpu.memory_space<hbm>>
    %dma_start3A_84 = tpu.memref_slice %arg12[%dma_start3A_79] : memref<3x!tpu.dma_semaphore, #tpu.memory_space<semaphore_mem>> -> memref<1x!tpu.dma_semaphore, #tpu.memory_space<semaphore_mem>>
    %dma_start3A_85 = tpu.memref_squeeze %dma_start3A_84 : memref<1x!tpu.dma_semaphore, #tpu.memory_space<semaphore_mem>> -> memref<!tpu.dma_semaphore, #tpu.memory_space<semaphore_mem>>
    %dma_start3A_86 = arith.constant 0 : i32
    %dma_start3A_87 = tpu.memref_slice %arg6[%dma_start3A_78, %dma_start3A_86] : memref<3x512xi32, #tpu.memory_space<vmem>> -> memref<1x512xi32, #tpu.memory_space<vmem>>
    %dma_start3A_88 = tpu.memref_squeeze %dma_start3A_87 : memref<1x512xi32, #tpu.memory_space<vmem>> -> memref<512xi32, #tpu.memory_space<vmem>>
    %dma_start3A_89 = tpu.memref_slice %arg3[%add3A_77] : memref<327680xi32, #tpu.memory_space<hbm>> -> memref<512xi32, #tpu.memory_space<hbm>>
    tpu.enqueue_dma source(%dma_start3A_89 : memref<512xi32, #tpu.memory_space<hbm>>) target(%dma_start3A_88 : memref<512xi32, #tpu.memory_space<vmem>>) target_semaphore(%dma_start3A_85 : memref<!tpu.dma_semaphore, #tpu.memory_space<semaphore_mem>>)
    %mul3A_90 = arith.constant 160 : i32
    %mul3A_91 = arith.muli %arg1, %mul3A_90 : i32
    %add3A_92 = arith.constant 8 : i32
    %add3A_93 = arith.addi %mul3A_91, %add3A_92 : i32
    %dma_start3A_94 = arith.constant 2 : i32
    %dma_start3A_95 = arith.constant 2 : i32
    %dma_start3A_96 = arith.constant 0 : i32
    %dma_start3A_97 = arith.constant 0 : i32
    %dma_start3A_98 = tpu.memref_slice %arg7[%dma_start3A_94, %dma_start3A_96, %dma_start3A_97] : memref<3x4x128xi32, #tpu.memory_space<vmem>> -> memref<1x4x128xi32, #tpu.memory_space<vmem>>
    %dma_start3A_99 = tpu.memref_squeeze %dma_start3A_98 : memref<1x4x128xi32, #tpu.memory_space<vmem>> -> memref<4x128xi32, #tpu.memory_space<vmem>>
    %dma_start3A_100 = arith.constant 0 : i32
    %dma_start3A_101 = tpu.memref_slice %arg4[%add3A_93, %dma_start3A_100] : memref<2560x128xi32, #tpu.memory_space<hbm>> -> memref<4x128xi32, #tpu.memory_space<hbm>>
    %dma_start3A_102 = tpu.memref_slice %arg12[%dma_start3A_95] : memref<3x!tpu.dma_semaphore, #tpu.memory_space<semaphore_mem>> -> memref<1x!tpu.dma_semaphore, #tpu.memory_space<semaphore_mem>>
    %dma_start3A_103 = tpu.memref_squeeze %dma_start3A_102 : memref<1x!tpu.dma_semaphore, #tpu.memory_space<semaphore_mem>> -> memref<!tpu.dma_semaphore, #tpu.memory_space<semaphore_mem>>
    %dma_start3A_104 = arith.constant 0 : i32
    %dma_start3A_105 = arith.constant 0 : i32
    %dma_start3A_106 = tpu.memref_slice %arg7[%dma_start3A_94, %dma_start3A_104, %dma_start3A_105] : memref<3x4x128xi32, #tpu.memory_space<vmem>> -> memref<1x4x128xi32, #tpu.memory_space<vmem>>
    %dma_start3A_107 = tpu.memref_squeeze %dma_start3A_106 : memref<1x4x128xi32, #tpu.memory_space<vmem>> -> memref<4x128xi32, #tpu.memory_space<vmem>>
    %dma_start3A_108 = arith.constant 0 : i32
    %dma_start3A_109 = tpu.memref_slice %arg4[%add3A_93, %dma_start3A_108] : memref<2560x128xi32, #tpu.memory_space<hbm>> -> memref<4x128xi32, #tpu.memory_space<hbm>>
    tpu.enqueue_dma source(%dma_start3A_109 : memref<4x128xi32, #tpu.memory_space<hbm>>) target(%dma_start3A_107 : memref<4x128xi32, #tpu.memory_space<vmem>>) target_semaphore(%dma_start3A_103 : memref<!tpu.dma_semaphore, #tpu.memory_space<semaphore_mem>>)
    %dma_wait3A = arith.constant 0 : i32
    %dma_wait3A_110 = arith.constant 0 : i32
    %dma_wait3A_111 = arith.constant 0 : i32
    %dma_wait3A_112 = tpu.memref_slice %arg6[%dma_wait3A, %dma_wait3A_111] : memref<3x512xi32, #tpu.memory_space<vmem>> -> memref<1x512xi32, #tpu.memory_space<vmem>>
    %dma_wait3A_113 = tpu.memref_squeeze %dma_wait3A_112 : memref<1x512xi32, #tpu.memory_space<vmem>> -> memref<512xi32, #tpu.memory_space<vmem>>
    %dma_wait3A_114 = arith.constant 0 : i32
    %dma_wait3A_115 = tpu.memref_slice %arg3[%dma_wait3A_114] : memref<327680xi32, #tpu.memory_space<hbm>> -> memref<512xi32, #tpu.memory_space<hbm>>
    %dma_wait3A_116 = tpu.memref_slice %arg12[%dma_wait3A_110] : memref<3x!tpu.dma_semaphore, #tpu.memory_space<semaphore_mem>> -> memref<1x!tpu.dma_semaphore, #tpu.memory_space<semaphore_mem>>
    %dma_wait3A_117 = tpu.memref_squeeze %dma_wait3A_116 : memref<1x!tpu.dma_semaphore, #tpu.memory_space<semaphore_mem>> -> memref<!tpu.dma_semaphore, #tpu.memory_space<semaphore_mem>>
    %dma_wait3A_118 = arith.constant 0 : i32
    %dma_wait3A_119 = tpu.memref_slice %arg6[%dma_wait3A, %dma_wait3A_118] : memref<3x512xi32, #tpu.memory_space<vmem>> -> memref<1x512xi32, #tpu.memory_space<vmem>>
    %dma_wait3A_120 = tpu.memref_squeeze %dma_wait3A_119 : memref<1x512xi32, #tpu.memory_space<vmem>> -> memref<512xi32, #tpu.memory_space<vmem>>
    %dma_wait3A_121 = arith.constant 0 : i32
    %dma_wait3A_122 = tpu.memref_slice %arg3[%dma_wait3A_121] : memref<327680xi32, #tpu.memory_space<hbm>> -> memref<512xi32, #tpu.memory_space<hbm>>
    tpu.wait_dma2 semaphore(%dma_wait3A_117 : memref<!tpu.dma_semaphore, #tpu.memory_space<semaphore_mem>>) src(%dma_wait3A_122 : memref<512xi32, #tpu.memory_space<hbm>>) dst(%dma_wait3A_120 : memref<512xi32, #tpu.memory_space<vmem>>)
    %dma_wait3A_123 = arith.constant 0 : i32
    %dma_wait3A_124 = arith.constant 0 : i32
    %dma_wait3A_125 = arith.constant 0 : i32
    %dma_wait3A_126 = arith.constant 0 : i32
    %dma_wait3A_127 = tpu.memref_slice %arg7[%dma_wait3A_123, %dma_wait3A_125, %dma_wait3A_126] : memref<3x4x128xi32, #tpu.memory_space<vmem>> -> memref<1x4x128xi32, #tpu.memory_space<vmem>>
    %dma_wait3A_128 = tpu.memref_squeeze %dma_wait3A_127 : memref<1x4x128xi32, #tpu.memory_space<vmem>> -> memref<4x128xi32, #tpu.memory_space<vmem>>
    %dma_wait3A_129 = arith.constant 0 : i32
    %dma_wait3A_130 = arith.constant 0 : i32
    %dma_wait3A_131 = tpu.memref_slice %arg4[%dma_wait3A_129, %dma_wait3A_130] : memref<2560x128xi32, #tpu.memory_space<hbm>> -> memref<4x128xi32, #tpu.memory_space<hbm>>
    %dma_wait3A_132 = tpu.memref_slice %arg12[%dma_wait3A_124] : memref<3x!tpu.dma_semaphore, #tpu.memory_space<semaphore_mem>> -> memref<1x!tpu.dma_semaphore, #tpu.memory_space<semaphore_mem>>
    %dma_wait3A_133 = tpu.memref_squeeze %dma_wait3A_132 : memref<1x!tpu.dma_semaphore, #tpu.memory_space<semaphore_mem>> -> memref<!tpu.dma_semaphore, #tpu.memory_space<semaphore_mem>>
    %dma_wait3A_134 = arith.constant 0 : i32
    %dma_wait3A_135 = arith.constant 0 : i32
    %dma_wait3A_136 = tpu.memref_slice %arg7[%dma_wait3A_123, %dma_wait3A_134, %dma_wait3A_135] : memref<3x4x128xi32, #tpu.memory_space<vmem>> -> memref<1x4x128xi32, #tpu.memory_space<vmem>>
    %dma_wait3A_137 = tpu.memref_squeeze %dma_wait3A_136 : memref<1x4x128xi32, #tpu.memory_space<vmem>> -> memref<4x128xi32, #tpu.memory_space<vmem>>
    %dma_wait3A_138 = arith.constant 0 : i32
    %dma_wait3A_139 = arith.constant 0 : i32
    %dma_wait3A_140 = tpu.memref_slice %arg4[%dma_wait3A_138, %dma_wait3A_139] : memref<2560x128xi32, #tpu.memory_space<hbm>> -> memref<4x128xi32, #tpu.memory_space<hbm>>
    tpu.wait_dma2 semaphore(%dma_wait3A_133 : memref<!tpu.dma_semaphore, #tpu.memory_space<semaphore_mem>>) src(%dma_wait3A_140 : memref<4x128xi32, #tpu.memory_space<hbm>>) dst(%dma_wait3A_137 : memref<4x128xi32, #tpu.memory_space<vmem>>)
    %dma_start3A_141 = arith.constant 0 : i32
    %dma_start3A_142 = arith.constant 0 : i32
    %dma_start3A_143 = arith.constant 0 : i32
    %dma_start3A_144 = arith.constant 0 : i32
    %dma_start3A_145 = arith.constant 0 : i32
    %dma_start3A_146 = tpu.memref_slice %arg8[%dma_start3A_142, %dma_start3A_144, %dma_start3A_145] : memref<4x128x64xf32, #tpu.memory_space<vmem>> -> memref<1x128x64xf32, #tpu.memory_space<vmem>>
    %dma_start3A_147 = tpu.memref_squeeze %dma_start3A_146 : memref<1x128x64xf32, #tpu.memory_space<vmem>> -> memref<128x64xf32, #tpu.memory_space<vmem>>
    %dma_start3A_148 = arith.constant 0 : i32
    %dma_start3A_149 = tpu.memref_slice %arg6[%dma_start3A_141, %dma_start3A_148] : memref<3x512xi32, #tpu.memory_space<vmem>> -> memref<1x512xi32, #tpu.memory_space<vmem>>
    %dma_start3A_150 = tpu.memref_squeeze %dma_start3A_149 : memref<1x512xi32, #tpu.memory_space<vmem>> -> memref<512xi32, #tpu.memory_space<vmem>>
    %dma_start3A_151 = arith.constant 0 : i32
    %dma_start3A_152 = tpu.memref_slice %dma_start3A_150[%dma_start3A_151] : memref<512xi32, #tpu.memory_space<vmem>> -> memref<128xi32, #tpu.memory_space<vmem>>
    %dma_start3A_153 = arith.constant 0 : i32
    %dma_start3A_154 = arith.constant 0 : i32
    %dma_start3A_155 = tpu.memref_slice %arg11[%dma_start3A_153, %dma_start3A_154] : memref<10000x64xf32, #tpu.memory_space<vmem_shared>> -> memref<10000x64xf32, #tpu.memory_space<vmem_shared>>
    %dma_start3A_156 = tpu.memref_slice %arg13[%dma_start3A_143] : memref<4x!tpu.dma_semaphore, #tpu.memory_space<semaphore_mem>> -> memref<1x!tpu.dma_semaphore, #tpu.memory_space<semaphore_mem>>
    %dma_start3A_157 = tpu.memref_squeeze %dma_start3A_156 : memref<1x!tpu.dma_semaphore, #tpu.memory_space<semaphore_mem>> -> memref<!tpu.dma_semaphore, #tpu.memory_space<semaphore_mem>>
    tpu.enqueue_indirect_dma source(%dma_start3A_155 : memref<10000x64xf32, #tpu.memory_space<vmem_shared>>) target(%dma_start3A_147 : memref<128x64xf32, #tpu.memory_space<vmem>>) offsets(%dma_start3A_152 : memref<128xi32, #tpu.memory_space<vmem>>) semaphore(%dma_start3A_157 : memref<!tpu.dma_semaphore, #tpu.memory_space<semaphore_mem>>)
    %dma_start3A_158 = arith.constant 0 : i32
    %dma_start3A_159 = arith.constant 1 : i32
    %dma_start3A_160 = arith.constant 1 : i32
    %dma_start3A_161 = arith.constant 0 : i32
    %dma_start3A_162 = arith.constant 0 : i32
    %dma_start3A_163 = tpu.memref_slice %arg8[%dma_start3A_159, %dma_start3A_161, %dma_start3A_162] : memref<4x128x64xf32, #tpu.memory_space<vmem>> -> memref<1x128x64xf32, #tpu.memory_space<vmem>>
    %dma_start3A_164 = tpu.memref_squeeze %dma_start3A_163 : memref<1x128x64xf32, #tpu.memory_space<vmem>> -> memref<128x64xf32, #tpu.memory_space<vmem>>
    %dma_start3A_165 = arith.constant 0 : i32
    %dma_start3A_166 = tpu.memref_slice %arg6[%dma_start3A_158, %dma_start3A_165] : memref<3x512xi32, #tpu.memory_space<vmem>> -> memref<1x512xi32, #tpu.memory_space<vmem>>
    %dma_start3A_167 = tpu.memref_squeeze %dma_start3A_166 : memref<1x512xi32, #tpu.memory_space<vmem>> -> memref<512xi32, #tpu.memory_space<vmem>>
    %dma_start3A_168 = arith.constant 128 : i32
    %dma_start3A_169 = tpu.memref_slice %dma_start3A_167[%dma_start3A_168] : memref<512xi32, #tpu.memory_space<vmem>> -> memref<128xi32, #tpu.memory_space<vmem>>
    %dma_start3A_170 = arith.constant 0 : i32
    %dma_start3A_171 = arith.constant 0 : i32
    %dma_start3A_172 = tpu.memref_slice %arg11[%dma_start3A_170, %dma_start3A_171] : memref<10000x64xf32, #tpu.memory_space<vmem_shared>> -> memref<10000x64xf32, #tpu.memory_space<vmem_shared>>
    %dma_start3A_173 = tpu.memref_slice %arg13[%dma_start3A_160] : memref<4x!tpu.dma_semaphore, #tpu.memory_space<semaphore_mem>> -> memref<1x!tpu.dma_semaphore, #tpu.memory_space<semaphore_mem>>
    %dma_start3A_174 = tpu.memref_squeeze %dma_start3A_173 : memref<1x!tpu.dma_semaphore, #tpu.memory_space<semaphore_mem>> -> memref<!tpu.dma_semaphore, #tpu.memory_space<semaphore_mem>>
    tpu.enqueue_indirect_dma source(%dma_start3A_172 : memref<10000x64xf32, #tpu.memory_space<vmem_shared>>) target(%dma_start3A_164 : memref<128x64xf32, #tpu.memory_space<vmem>>) offsets(%dma_start3A_169 : memref<128xi32, #tpu.memory_space<vmem>>) semaphore(%dma_start3A_174 : memref<!tpu.dma_semaphore, #tpu.memory_space<semaphore_mem>>)
    %dma_start3A_175 = arith.constant 0 : i32
    %dma_start3A_176 = arith.constant 2 : i32
    %dma_start3A_177 = arith.constant 2 : i32
    %dma_start3A_178 = arith.constant 0 : i32
    %dma_start3A_179 = arith.constant 0 : i32
    %dma_start3A_180 = tpu.memref_slice %arg8[%dma_start3A_176, %dma_start3A_178, %dma_start3A_179] : memref<4x128x64xf32, #tpu.memory_space<vmem>> -> memref<1x128x64xf32, #tpu.memory_space<vmem>>
    %dma_start3A_181 = tpu.memref_squeeze %dma_start3A_180 : memref<1x128x64xf32, #tpu.memory_space<vmem>> -> memref<128x64xf32, #tpu.memory_space<vmem>>
    %dma_start3A_182 = arith.constant 0 : i32
    %dma_start3A_183 = tpu.memref_slice %arg6[%dma_start3A_175, %dma_start3A_182] : memref<3x512xi32, #tpu.memory_space<vmem>> -> memref<1x512xi32, #tpu.memory_space<vmem>>
    %dma_start3A_184 = tpu.memref_squeeze %dma_start3A_183 : memref<1x512xi32, #tpu.memory_space<vmem>> -> memref<512xi32, #tpu.memory_space<vmem>>
    %dma_start3A_185 = arith.constant 256 : i32
    %dma_start3A_186 = tpu.memref_slice %dma_start3A_184[%dma_start3A_185] : memref<512xi32, #tpu.memory_space<vmem>> -> memref<128xi32, #tpu.memory_space<vmem>>
    %dma_start3A_187 = arith.constant 0 : i32
    %dma_start3A_188 = arith.constant 0 : i32
    %dma_start3A_189 = tpu.memref_slice %arg11[%dma_start3A_187, %dma_start3A_188] : memref<10000x64xf32, #tpu.memory_space<vmem_shared>> -> memref<10000x64xf32, #tpu.memory_space<vmem_shared>>
    %dma_start3A_190 = tpu.memref_slice %arg13[%dma_start3A_177] : memref<4x!tpu.dma_semaphore, #tpu.memory_space<semaphore_mem>> -> memref<1x!tpu.dma_semaphore, #tpu.memory_space<semaphore_mem>>
    %dma_start3A_191 = tpu.memref_squeeze %dma_start3A_190 : memref<1x!tpu.dma_semaphore, #tpu.memory_space<semaphore_mem>> -> memref<!tpu.dma_semaphore, #tpu.memory_space<semaphore_mem>>
    tpu.enqueue_indirect_dma source(%dma_start3A_189 : memref<10000x64xf32, #tpu.memory_space<vmem_shared>>) target(%dma_start3A_181 : memref<128x64xf32, #tpu.memory_space<vmem>>) offsets(%dma_start3A_186 : memref<128xi32, #tpu.memory_space<vmem>>) semaphore(%dma_start3A_191 : memref<!tpu.dma_semaphore, #tpu.memory_space<semaphore_mem>>)
    %dma_start3A_192 = arith.constant 0 : i32
    %dma_start3A_193 = arith.constant 3 : i32
    %dma_start3A_194 = arith.constant 3 : i32
    %dma_start3A_195 = arith.constant 0 : i32
    %dma_start3A_196 = arith.constant 0 : i32
    %dma_start3A_197 = tpu.memref_slice %arg8[%dma_start3A_193, %dma_start3A_195, %dma_start3A_196] : memref<4x128x64xf32, #tpu.memory_space<vmem>> -> memref<1x128x64xf32, #tpu.memory_space<vmem>>
    %dma_start3A_198 = tpu.memref_squeeze %dma_start3A_197 : memref<1x128x64xf32, #tpu.memory_space<vmem>> -> memref<128x64xf32, #tpu.memory_space<vmem>>
    %dma_start3A_199 = arith.constant 0 : i32
    %dma_start3A_200 = tpu.memref_slice %arg6[%dma_start3A_192, %dma_start3A_199] : memref<3x512xi32, #tpu.memory_space<vmem>> -> memref<1x512xi32, #tpu.memory_space<vmem>>
    %dma_start3A_201 = tpu.memref_squeeze %dma_start3A_200 : memref<1x512xi32, #tpu.memory_space<vmem>> -> memref<512xi32, #tpu.memory_space<vmem>>
    %dma_start3A_202 = arith.constant 384 : i32
    %dma_start3A_203 = tpu.memref_slice %dma_start3A_201[%dma_start3A_202] : memref<512xi32, #tpu.memory_space<vmem>> -> memref<128xi32, #tpu.memory_space<vmem>>
    %dma_start3A_204 = arith.constant 0 : i32
    %dma_start3A_205 = arith.constant 0 : i32
    %dma_start3A_206 = tpu.memref_slice %arg11[%dma_start3A_204, %dma_start3A_205] : memref<10000x64xf32, #tpu.memory_space<vmem_shared>> -> memref<10000x64xf32, #tpu.memory_space<vmem_shared>>
    %dma_start3A_207 = tpu.memref_slice %arg13[%dma_start3A_194] : memref<4x!tpu.dma_semaphore, #tpu.memory_space<semaphore_mem>> -> memref<1x!tpu.dma_semaphore, #tpu.memory_space<semaphore_mem>>
    %dma_start3A_208 = tpu.memref_squeeze %dma_start3A_207 : memref<1x!tpu.dma_semaphore, #tpu.memory_space<semaphore_mem>> -> memref<!tpu.dma_semaphore, #tpu.memory_space<semaphore_mem>>
    tpu.enqueue_indirect_dma source(%dma_start3A_206 : memref<10000x64xf32, #tpu.memory_space<vmem_shared>>) target(%dma_start3A_198 : memref<128x64xf32, #tpu.memory_space<vmem>>) offsets(%dma_start3A_203 : memref<128xi32, #tpu.memory_space<vmem>>) semaphore(%dma_start3A_208 : memref<!tpu.dma_semaphore, #tpu.memory_space<semaphore_mem>>)
    %dma_wait3A_209 = arith.constant 0 : i32
    %dma_wait3A_210 = arith.constant 0 : i32
    %dma_wait3A_211 = arith.constant 0 : i32
    %dma_wait3A_212 = arith.constant 0 : i32
    %dma_wait3A_213 = arith.constant 0 : i32
    %dma_wait3A_214 = tpu.memref_slice %arg8[%dma_wait3A_210, %dma_wait3A_212, %dma_wait3A_213] : memref<4x128x64xf32, #tpu.memory_space<vmem>> -> memref<1x128x64xf32, #tpu.memory_space<vmem>>
    %dma_wait3A_215 = tpu.memref_squeeze %dma_wait3A_214 : memref<1x128x64xf32, #tpu.memory_space<vmem>> -> memref<128x64xf32, #tpu.memory_space<vmem>>
    %dma_wait3A_216 = arith.constant 0 : i32
    %dma_wait3A_217 = tpu.memref_slice %arg6[%dma_wait3A_209, %dma_wait3A_216] : memref<3x512xi32, #tpu.memory_space<vmem>> -> memref<1x512xi32, #tpu.memory_space<vmem>>
    %dma_wait3A_218 = tpu.memref_squeeze %dma_wait3A_217 : memref<1x512xi32, #tpu.memory_space<vmem>> -> memref<512xi32, #tpu.memory_space<vmem>>
    %dma_wait3A_219 = arith.constant 0 : i32
    %dma_wait3A_220 = tpu.memref_slice %dma_wait3A_218[%dma_wait3A_219] : memref<512xi32, #tpu.memory_space<vmem>> -> memref<128xi32, #tpu.memory_space<vmem>>
    %dma_wait3A_221 = arith.constant 0 : i32
    %dma_wait3A_222 = arith.constant 0 : i32
    %dma_wait3A_223 = tpu.memref_slice %arg11[%dma_wait3A_221, %dma_wait3A_222] : memref<10000x64xf32, #tpu.memory_space<vmem_shared>> -> memref<10000x64xf32, #tpu.memory_space<vmem_shared>>
    %dma_wait3A_224 = tpu.memref_slice %arg13[%dma_wait3A_211] : memref<4x!tpu.dma_semaphore, #tpu.memory_space<semaphore_mem>> -> memref<1x!tpu.dma_semaphore, #tpu.memory_space<semaphore_mem>>
    %dma_wait3A_225 = tpu.memref_squeeze %dma_wait3A_224 : memref<1x!tpu.dma_semaphore, #tpu.memory_space<semaphore_mem>> -> memref<!tpu.dma_semaphore, #tpu.memory_space<semaphore_mem>>
    tpu.wait_indirect_dma semaphore(%dma_wait3A_225 : memref<!tpu.dma_semaphore, #tpu.memory_space<semaphore_mem>>) src(%dma_wait3A_223 : memref<10000x64xf32, #tpu.memory_space<vmem_shared>>) dst(%dma_wait3A_215 : memref<128x64xf32, #tpu.memory_space<vmem>>)
    %dma_start3A_226 = arith.constant 0 : i32
    %dma_start3A_227 = arith.constant 0 : i32
    %dma_start3A_228 = arith.constant 0 : i32
    %dma_start3A_229 = arith.constant 0 : i32
    %dma_start3A_230 = arith.constant 0 : i32
    %dma_start3A_231 = arith.constant 0 : i32
    %dma_start3A_232 = tpu.memref_slice %arg8[%dma_start3A_226, %dma_start3A_230, %dma_start3A_231] : memref<4x128x64xf32, #tpu.memory_space<vmem>> -> memref<1x128x64xf32, #tpu.memory_space<vmem>>
    %dma_start3A_233 = tpu.memref_squeeze %dma_start3A_232 : memref<1x128x64xf32, #tpu.memory_space<vmem>> -> memref<128x64xf32, #tpu.memory_space<vmem>>
    %dma_start3A_234 = arith.constant 0 : i32
    %dma_start3A_235 = arith.constant 0 : i32
    %dma_start3A_236 = tpu.memref_slice %arg7[%dma_start3A_227, %dma_start3A_234, %dma_start3A_235] : memref<3x4x128xi32, #tpu.memory_space<vmem>> -> memref<1x4x128xi32, #tpu.memory_space<vmem>>
    %dma_start3A_237 = tpu.memref_squeeze %dma_start3A_236 : memref<1x4x128xi32, #tpu.memory_space<vmem>> -> memref<4x128xi32, #tpu.memory_space<vmem>>
    %dma_start3A_238 = arith.constant 0 : i32
    %dma_start3A_239 = tpu.memref_slice %dma_start3A_237[%dma_start3A_228, %dma_start3A_238] : memref<4x128xi32, #tpu.memory_space<vmem>> -> memref<1x128xi32, #tpu.memory_space<vmem>>
    %dma_start3A_240 = tpu.memref_squeeze %dma_start3A_239 : memref<1x128xi32, #tpu.memory_space<vmem>> -> memref<128xi32, #tpu.memory_space<vmem>>
    %dma_start3A_241 = arith.constant 0 : i32
    %dma_start3A_242 = arith.constant 0 : i32
    %dma_start3A_243 = tpu.memref_slice %arg10[%dma_start3A_241, %dma_start3A_242] : memref<10016x64xf32, #tpu.memory_space<vmem_shared>> -> memref<10016x64xf32, #tpu.memory_space<vmem_shared>>
    %dma_start3A_244 = tpu.memref_slice %arg14[%dma_start3A_229] : memref<4x!tpu.dma_semaphore, #tpu.memory_space<semaphore_mem>> -> memref<1x!tpu.dma_semaphore, #tpu.memory_space<semaphore_mem>>
    %dma_start3A_245 = tpu.memref_squeeze %dma_start3A_244 : memref<1x!tpu.dma_semaphore, #tpu.memory_space<semaphore_mem>> -> memref<!tpu.dma_semaphore, #tpu.memory_space<semaphore_mem>>
    tpu.enqueue_indirect_dma source(%dma_start3A_233 : memref<128x64xf32, #tpu.memory_space<vmem>>) target(%dma_start3A_243 : memref<10016x64xf32, #tpu.memory_space<vmem_shared>>) offsets(%dma_start3A_240 : memref<128xi32, #tpu.memory_space<vmem>>) semaphore(%dma_start3A_245 : memref<!tpu.dma_semaphore, #tpu.memory_space<semaphore_mem>>) {add = true}
    %dma_wait3A_246 = arith.constant 1 : i32
    %dma_wait3A_247 = arith.constant 1 : i32
    %dma_wait3A_248 = arith.constant 0 : i32
    %dma_wait3A_249 = tpu.memref_slice %arg6[%dma_wait3A_246, %dma_wait3A_248] : memref<3x512xi32, #tpu.memory_space<vmem>> -> memref<1x512xi32, #tpu.memory_space<vmem>>
    %dma_wait3A_250 = tpu.memref_squeeze %dma_wait3A_249 : memref<1x512xi32, #tpu.memory_space<vmem>> -> memref<512xi32, #tpu.memory_space<vmem>>
    %dma_wait3A_251 = arith.constant 0 : i32
    %dma_wait3A_252 = tpu.memref_slice %arg3[%dma_wait3A_251] : memref<327680xi32, #tpu.memory_space<hbm>> -> memref<512xi32, #tpu.memory_space<hbm>>
    %dma_wait3A_253 = tpu.memref_slice %arg12[%dma_wait3A_247] : memref<3x!tpu.dma_semaphore, #tpu.memory_space<semaphore_mem>> -> memref<1x!tpu.dma_semaphore, #tpu.memory_space<semaphore_mem>>
    %dma_wait3A_254 = tpu.memref_squeeze %dma_wait3A_253 : memref<1x!tpu.dma_semaphore, #tpu.memory_space<semaphore_mem>> -> memref<!tpu.dma_semaphore, #tpu.memory_space<semaphore_mem>>
    %dma_wait3A_255 = arith.constant 0 : i32
    %dma_wait3A_256 = tpu.memref_slice %arg6[%dma_wait3A_246, %dma_wait3A_255] : memref<3x512xi32, #tpu.memory_space<vmem>> -> memref<1x512xi32, #tpu.memory_space<vmem>>
    %dma_wait3A_257 = tpu.memref_squeeze %dma_wait3A_256 : memref<1x512xi32, #tpu.memory_space<vmem>> -> memref<512xi32, #tpu.memory_space<vmem>>
    %dma_wait3A_258 = arith.constant 0 : i32
    %dma_wait3A_259 = tpu.memref_slice %arg3[%dma_wait3A_258] : memref<327680xi32, #tpu.memory_space<hbm>> -> memref<512xi32, #tpu.memory_space<hbm>>
    tpu.wait_dma2 semaphore(%dma_wait3A_254 : memref<!tpu.dma_semaphore, #tpu.memory_space<semaphore_mem>>) src(%dma_wait3A_259 : memref<512xi32, #tpu.memory_space<hbm>>) dst(%dma_wait3A_257 : memref<512xi32, #tpu.memory_space<vmem>>)
    %dma_wait3A_260 = arith.constant 1 : i32
    %dma_wait3A_261 = arith.constant 1 : i32
    %dma_wait3A_262 = arith.constant 0 : i32
    %dma_wait3A_263 = arith.constant 0 : i32
    %dma_wait3A_264 = tpu.memref_slice %arg7[%dma_wait3A_260, %dma_wait3A_262, %dma_wait3A_263] : memref<3x4x128xi32, #tpu.memory_space<vmem>> -> memref<1x4x128xi32, #tpu.memory_space<vmem>>
    %dma_wait3A_265 = tpu.memref_squeeze %dma_wait3A_264 : memref<1x4x128xi32, #tpu.memory_space<vmem>> -> memref<4x128xi32, #tpu.memory_space<vmem>>
    %dma_wait3A_266 = arith.constant 0 : i32
    %dma_wait3A_267 = arith.constant 0 : i32
    %dma_wait3A_268 = tpu.memref_slice %arg4[%dma_wait3A_266, %dma_wait3A_267] : memref<2560x128xi32, #tpu.memory_space<hbm>> -> memref<4x128xi32, #tpu.memory_space<hbm>>
    %dma_wait3A_269 = tpu.memref_slice %arg12[%dma_wait3A_261] : memref<3x!tpu.dma_semaphore, #tpu.memory_space<semaphore_mem>> -> memref<1x!tpu.dma_semaphore, #tpu.memory_space<semaphore_mem>>
    %dma_wait3A_270 = tpu.memref_squeeze %dma_wait3A_269 : memref<1x!tpu.dma_semaphore, #tpu.memory_space<semaphore_mem>> -> memref<!tpu.dma_semaphore, #tpu.memory_space<semaphore_mem>>
    %dma_wait3A_271 = arith.constant 0 : i32
    %dma_wait3A_272 = arith.constant 0 : i32
    %dma_wait3A_273 = tpu.memref_slice %arg7[%dma_wait3A_260, %dma_wait3A_271, %dma_wait3A_272] : memref<3x4x128xi32, #tpu.memory_space<vmem>> -> memref<1x4x128xi32, #tpu.memory_space<vmem>>
    %dma_wait3A_274 = tpu.memref_squeeze %dma_wait3A_273 : memref<1x4x128xi32, #tpu.memory_space<vmem>> -> memref<4x128xi32, #tpu.memory_space<vmem>>
    %dma_wait3A_275 = arith.constant 0 : i32
    %dma_wait3A_276 = arith.constant 0 : i32
    %dma_wait3A_277 = tpu.memref_slice %arg4[%dma_wait3A_275, %dma_wait3A_276] : memref<2560x128xi32, #tpu.memory_space<hbm>> -> memref<4x128xi32, #tpu.memory_space<hbm>>
    tpu.wait_dma2 semaphore(%dma_wait3A_270 : memref<!tpu.dma_semaphore, #tpu.memory_space<semaphore_mem>>) src(%dma_wait3A_277 : memref<4x128xi32, #tpu.memory_space<hbm>>) dst(%dma_wait3A_274 : memref<4x128xi32, #tpu.memory_space<vmem>>)
    %dma_wait3A_278 = arith.constant 0 : i32
    %dma_wait3A_279 = arith.constant 1 : i32
    %dma_wait3A_280 = arith.constant 1 : i32
    %dma_wait3A_281 = arith.constant 0 : i32
    %dma_wait3A_282 = arith.constant 0 : i32
    %dma_wait3A_283 = tpu.memref_slice %arg8[%dma_wait3A_279, %dma_wait3A_281, %dma_wait3A_282] : memref<4x128x64xf32, #tpu.memory_space<vmem>> -> memref<1x128x64xf32, #tpu.memory_space<vmem>>
    %dma_wait3A_284 = tpu.memref_squeeze %dma_wait3A_283 : memref<1x128x64xf32, #tpu.memory_space<vmem>> -> memref<128x64xf32, #tpu.memory_space<vmem>>
    %dma_wait3A_285 = arith.constant 0 : i32
    %dma_wait3A_286 = tpu.memref_slice %arg6[%dma_wait3A_278, %dma_wait3A_285] : memref<3x512xi32, #tpu.memory_space<vmem>> -> memref<1x512xi32, #tpu.memory_space<vmem>>
    %dma_wait3A_287 = tpu.memref_squeeze %dma_wait3A_286 : memref<1x512xi32, #tpu.memory_space<vmem>> -> memref<512xi32, #tpu.memory_space<vmem>>
    %dma_wait3A_288 = arith.constant 0 : i32
    %dma_wait3A_289 = tpu.memref_slice %dma_wait3A_287[%dma_wait3A_288] : memref<512xi32, #tpu.memory_space<vmem>> -> memref<128xi32, #tpu.memory_space<vmem>>
    %dma_wait3A_290 = arith.constant 0 : i32
    %dma_wait3A_291 = arith.constant 0 : i32
    %dma_wait3A_292 = tpu.memref_slice %arg11[%dma_wait3A_290, %dma_wait3A_291] : memref<10000x64xf32, #tpu.memory_space<vmem_shared>> -> memref<10000x64xf32, #tpu.memory_space<vmem_shared>>
    %dma_wait3A_293 = tpu.memref_slice %arg13[%dma_wait3A_280] : memref<4x!tpu.dma_semaphore, #tpu.memory_space<semaphore_mem>> -> memref<1x!tpu.dma_semaphore, #tpu.memory_space<semaphore_mem>>
    %dma_wait3A_294 = tpu.memref_squeeze %dma_wait3A_293 : memref<1x!tpu.dma_semaphore, #tpu.memory_space<semaphore_mem>> -> memref<!tpu.dma_semaphore, #tpu.memory_space<semaphore_mem>>
    tpu.wait_indirect_dma semaphore(%dma_wait3A_294 : memref<!tpu.dma_semaphore, #tpu.memory_space<semaphore_mem>>) src(%dma_wait3A_292 : memref<10000x64xf32, #tpu.memory_space<vmem_shared>>) dst(%dma_wait3A_284 : memref<128x64xf32, #tpu.memory_space<vmem>>)
    %dma_start3A_295 = arith.constant 1 : i32
    %dma_start3A_296 = arith.constant 0 : i32
    %dma_start3A_297 = arith.constant 1 : i32
    %dma_start3A_298 = arith.constant 1 : i32
    %dma_start3A_299 = arith.constant 0 : i32
    %dma_start3A_300 = arith.constant 0 : i32
    %dma_start3A_301 = tpu.memref_slice %arg8[%dma_start3A_295, %dma_start3A_299, %dma_start3A_300] : memref<4x128x64xf32, #tpu.memory_space<vmem>> -> memref<1x128x64xf32, #tpu.memory_space<vmem>>
    %dma_start3A_302 = tpu.memref_squeeze %dma_start3A_301 : memref<1x128x64xf32, #tpu.memory_space<vmem>> -> memref<128x64xf32, #tpu.memory_space<vmem>>
    %dma_start3A_303 = arith.constant 0 : i32
    %dma_start3A_304 = arith.constant 0 : i32
    %dma_start3A_305 = tpu.memref_slice %arg7[%dma_start3A_296, %dma_start3A_303, %dma_start3A_304] : memref<3x4x128xi32, #tpu.memory_space<vmem>> -> memref<1x4x128xi32, #tpu.memory_space<vmem>>
    %dma_start3A_306 = tpu.memref_squeeze %dma_start3A_305 : memref<1x4x128xi32, #tpu.memory_space<vmem>> -> memref<4x128xi32, #tpu.memory_space<vmem>>
    %dma_start3A_307 = arith.constant 0 : i32
    %dma_start3A_308 = tpu.memref_slice %dma_start3A_306[%dma_start3A_297, %dma_start3A_307] : memref<4x128xi32, #tpu.memory_space<vmem>> -> memref<1x128xi32, #tpu.memory_space<vmem>>
    %dma_start3A_309 = tpu.memref_squeeze %dma_start3A_308 : memref<1x128xi32, #tpu.memory_space<vmem>> -> memref<128xi32, #tpu.memory_space<vmem>>
    %dma_start3A_310 = arith.constant 0 : i32
    %dma_start3A_311 = arith.constant 0 : i32
    %dma_start3A_312 = tpu.memref_slice %arg10[%dma_start3A_310, %dma_start3A_311] : memref<10016x64xf32, #tpu.memory_space<vmem_shared>> -> memref<10016x64xf32, #tpu.memory_space<vmem_shared>>
    %dma_start3A_313 = tpu.memref_slice %arg14[%dma_start3A_298] : memref<4x!tpu.dma_semaphore, #tpu.memory_space<semaphore_mem>> -> memref<1x!tpu.dma_semaphore, #tpu.memory_space<semaphore_mem>>
    %dma_start3A_314 = tpu.memref_squeeze %dma_start3A_313 : memref<1x!tpu.dma_semaphore, #tpu.memory_space<semaphore_mem>> -> memref<!tpu.dma_semaphore, #tpu.memory_space<semaphore_mem>>
    tpu.enqueue_indirect_dma source(%dma_start3A_302 : memref<128x64xf32, #tpu.memory_space<vmem>>) target(%dma_start3A_312 : memref<10016x64xf32, #tpu.memory_space<vmem_shared>>) offsets(%dma_start3A_309 : memref<128xi32, #tpu.memory_space<vmem>>) semaphore(%dma_start3A_314 : memref<!tpu.dma_semaphore, #tpu.memory_space<semaphore_mem>>) {add = true}
    %dma_wait3A_315 = arith.constant 0 : i32
    %dma_wait3A_316 = arith.constant 0 : i32
    %dma_wait3A_317 = arith.constant 0 : i32
    %dma_wait3A_318 = arith.constant 0 : i32
    %dma_wait3A_319 = arith.constant 0 : i32
    %dma_wait3A_320 = arith.constant 0 : i32
    %dma_wait3A_321 = tpu.memref_slice %arg8[%dma_wait3A_315, %dma_wait3A_319, %dma_wait3A_320] : memref<4x128x64xf32, #tpu.memory_space<vmem>> -> memref<1x128x64xf32, #tpu.memory_space<vmem>>
    %dma_wait3A_322 = tpu.memref_squeeze %dma_wait3A_321 : memref<1x128x64xf32, #tpu.memory_space<vmem>> -> memref<128x64xf32, #tpu.memory_space<vmem>>
    %dma_wait3A_323 = arith.constant 0 : i32
    %dma_wait3A_324 = arith.constant 0 : i32
    %dma_wait3A_325 = tpu.memref_slice %arg7[%dma_wait3A_316, %dma_wait3A_323, %dma_wait3A_324] : memref<3x4x128xi32, #tpu.memory_space<vmem>> -> memref<1x4x128xi32, #tpu.memory_space<vmem>>
    %dma_wait3A_326 = tpu.memref_squeeze %dma_wait3A_325 : memref<1x4x128xi32, #tpu.memory_space<vmem>> -> memref<4x128xi32, #tpu.memory_space<vmem>>
    %dma_wait3A_327 = arith.constant 0 : i32
    %dma_wait3A_328 = tpu.memref_slice %dma_wait3A_326[%dma_wait3A_317, %dma_wait3A_327] : memref<4x128xi32, #tpu.memory_space<vmem>> -> memref<1x128xi32, #tpu.memory_space<vmem>>
    %dma_wait3A_329 = tpu.memref_squeeze %dma_wait3A_328 : memref<1x128xi32, #tpu.memory_space<vmem>> -> memref<128xi32, #tpu.memory_space<vmem>>
    %dma_wait3A_330 = arith.constant 0 : i32
    %dma_wait3A_331 = arith.constant 0 : i32
    %dma_wait3A_332 = tpu.memref_slice %arg10[%dma_wait3A_330, %dma_wait3A_331] : memref<10016x64xf32, #tpu.memory_space<vmem_shared>> -> memref<10016x64xf32, #tpu.memory_space<vmem_shared>>
    %dma_wait3A_333 = tpu.memref_slice %arg14[%dma_wait3A_318] : memref<4x!tpu.dma_semaphore, #tpu.memory_space<semaphore_mem>> -> memref<1x!tpu.dma_semaphore, #tpu.memory_space<semaphore_mem>>
    %dma_wait3A_334 = tpu.memref_squeeze %dma_wait3A_333 : memref<1x!tpu.dma_semaphore, #tpu.memory_space<semaphore_mem>> -> memref<!tpu.dma_semaphore, #tpu.memory_space<semaphore_mem>>
    tpu.wait_indirect_dma semaphore(%dma_wait3A_334 : memref<!tpu.dma_semaphore, #tpu.memory_space<semaphore_mem>>) src(%dma_wait3A_322 : memref<128x64xf32, #tpu.memory_space<vmem>>) dst(%dma_wait3A_332 : memref<10016x64xf32, #tpu.memory_space<vmem_shared>>)
    %dma_start3A_335 = arith.constant 1 : i32
    %dma_start3A_336 = arith.constant 0 : i32
    %dma_start3A_337 = arith.constant 0 : i32
    %dma_start3A_338 = arith.constant 0 : i32
    %dma_start3A_339 = arith.constant 0 : i32
    %dma_start3A_340 = tpu.memref_slice %arg8[%dma_start3A_336, %dma_start3A_338, %dma_start3A_339] : memref<4x128x64xf32, #tpu.memory_space<vmem>> -> memref<1x128x64xf32, #tpu.memory_space<vmem>>
    %dma_start3A_341 = tpu.memref_squeeze %dma_start3A_340 : memref<1x128x64xf32, #tpu.memory_space<vmem>> -> memref<128x64xf32, #tpu.memory_space<vmem>>
    %dma_start3A_342 = arith.constant 0 : i32
    %dma_start3A_343 = tpu.memref_slice %arg6[%dma_start3A_335, %dma_start3A_342] : memref<3x512xi32, #tpu.memory_space<vmem>> -> memref<1x512xi32, #tpu.memory_space<vmem>>
    %dma_start3A_344 = tpu.memref_squeeze %dma_start3A_343 : memref<1x512xi32, #tpu.memory_space<vmem>> -> memref<512xi32, #tpu.memory_space<vmem>>
    %dma_start3A_345 = arith.constant 0 : i32
    %dma_start3A_346 = tpu.memref_slice %dma_start3A_344[%dma_start3A_345] : memref<512xi32, #tpu.memory_space<vmem>> -> memref<128xi32, #tpu.memory_space<vmem>>
    %dma_start3A_347 = arith.constant 0 : i32
    %dma_start3A_348 = arith.constant 0 : i32
    %dma_start3A_349 = tpu.memref_slice %arg11[%dma_start3A_347, %dma_start3A_348] : memref<10000x64xf32, #tpu.memory_space<vmem_shared>> -> memref<10000x64xf32, #tpu.memory_space<vmem_shared>>
    %dma_start3A_350 = tpu.memref_slice %arg13[%dma_start3A_337] : memref<4x!tpu.dma_semaphore, #tpu.memory_space<semaphore_mem>> -> memref<1x!tpu.dma_semaphore, #tpu.memory_space<semaphore_mem>>
    %dma_start3A_351 = tpu.memref_squeeze %dma_start3A_350 : memref<1x!tpu.dma_semaphore, #tpu.memory_space<semaphore_mem>> -> memref<!tpu.dma_semaphore, #tpu.memory_space<semaphore_mem>>
    tpu.enqueue_indirect_dma source(%dma_start3A_349 : memref<10000x64xf32, #tpu.memory_space<vmem_shared>>) target(%dma_start3A_341 : memref<128x64xf32, #tpu.memory_space<vmem>>) offsets(%dma_start3A_346 : memref<128xi32, #tpu.memory_space<vmem>>) semaphore(%dma_start3A_351 : memref<!tpu.dma_semaphore, #tpu.memory_space<semaphore_mem>>)
    %dma_wait3A_352 = arith.constant 0 : i32
    %dma_wait3A_353 = arith.constant 2 : i32
    %dma_wait3A_354 = arith.constant 2 : i32
    %dma_wait3A_355 = arith.constant 0 : i32
    %dma_wait3A_356 = arith.constant 0 : i32
    %dma_wait3A_357 = tpu.memref_slice %arg8[%dma_wait3A_353, %dma_wait3A_355, %dma_wait3A_356] : memref<4x128x64xf32, #tpu.memory_space<vmem>> -> memref<1x128x64xf32, #tpu.memory_space<vmem>>
    %dma_wait3A_358 = tpu.memref_squeeze %dma_wait3A_357 : memref<1x128x64xf32, #tpu.memory_space<vmem>> -> memref<128x64xf32, #tpu.memory_space<vmem>>
    %dma_wait3A_359 = arith.constant 0 : i32
    %dma_wait3A_360 = tpu.memref_slice %arg6[%dma_wait3A_352, %dma_wait3A_359] : memref<3x512xi32, #tpu.memory_space<vmem>> -> memref<1x512xi32, #tpu.memory_space<vmem>>
    %dma_wait3A_361 = tpu.memref_squeeze %dma_wait3A_360 : memref<1x512xi32, #tpu.memory_space<vmem>> -> memref<512xi32, #tpu.memory_space<vmem>>
    %dma_wait3A_362 = arith.constant 0 : i32
    %dma_wait3A_363 = tpu.memref_slice %dma_wait3A_361[%dma_wait3A_362] : memref<512xi32, #tpu.memory_space<vmem>> -> memref<128xi32, #tpu.memory_space<vmem>>
    %dma_wait3A_364 = arith.constant 0 : i32
    %dma_wait3A_365 = arith.constant 0 : i32
    %dma_wait3A_366 = tpu.memref_slice %arg11[%dma_wait3A_364, %dma_wait3A_365] : memref<10000x64xf32, #tpu.memory_space<vmem_shared>> -> memref<10000x64xf32, #tpu.memory_space<vmem_shared>>
    %dma_wait3A_367 = tpu.memref_slice %arg13[%dma_wait3A_354] : memref<4x!tpu.dma_semaphore, #tpu.memory_space<semaphore_mem>> -> memref<1x!tpu.dma_semaphore, #tpu.memory_space<semaphore_mem>>
    %dma_wait3A_368 = tpu.memref_squeeze %dma_wait3A_367 : memref<1x!tpu.dma_semaphore, #tpu.memory_space<semaphore_mem>> -> memref<!tpu.dma_semaphore, #tpu.memory_space<semaphore_mem>>
    tpu.wait_indirect_dma semaphore(%dma_wait3A_368 : memref<!tpu.dma_semaphore, #tpu.memory_space<semaphore_mem>>) src(%dma_wait3A_366 : memref<10000x64xf32, #tpu.memory_space<vmem_shared>>) dst(%dma_wait3A_358 : memref<128x64xf32, #tpu.memory_space<vmem>>)
    %dma_start3A_369 = arith.constant 2 : i32
    %dma_start3A_370 = arith.constant 0 : i32
    %dma_start3A_371 = arith.constant 2 : i32
    %dma_start3A_372 = arith.constant 2 : i32
    %dma_start3A_373 = arith.constant 0 : i32
    %dma_start3A_374 = arith.constant 0 : i32
    %dma_start3A_375 = tpu.memref_slice %arg8[%dma_start3A_369, %dma_start3A_373, %dma_start3A_374] : memref<4x128x64xf32, #tpu.memory_space<vmem>> -> memref<1x128x64xf32, #tpu.memory_space<vmem>>
    %dma_start3A_376 = tpu.memref_squeeze %dma_start3A_375 : memref<1x128x64xf32, #tpu.memory_space<vmem>> -> memref<128x64xf32, #tpu.memory_space<vmem>>
    %dma_start3A_377 = arith.constant 0 : i32
    %dma_start3A_378 = arith.constant 0 : i32
    %dma_start3A_379 = tpu.memref_slice %arg7[%dma_start3A_370, %dma_start3A_377, %dma_start3A_378] : memref<3x4x128xi32, #tpu.memory_space<vmem>> -> memref<1x4x128xi32, #tpu.memory_space<vmem>>
    %dma_start3A_380 = tpu.memref_squeeze %dma_start3A_379 : memref<1x4x128xi32, #tpu.memory_space<vmem>> -> memref<4x128xi32, #tpu.memory_space<vmem>>
    %dma_start3A_381 = arith.constant 0 : i32
    %dma_start3A_382 = tpu.memref_slice %dma_start3A_380[%dma_start3A_371, %dma_start3A_381] : memref<4x128xi32, #tpu.memory_space<vmem>> -> memref<1x128xi32, #tpu.memory_space<vmem>>
    %dma_start3A_383 = tpu.memref_squeeze %dma_start3A_382 : memref<1x128xi32, #tpu.memory_space<vmem>> -> memref<128xi32, #tpu.memory_space<vmem>>
    %dma_start3A_384 = arith.constant 0 : i32
    %dma_start3A_385 = arith.constant 0 : i32
    %dma_start3A_386 = tpu.memref_slice %arg10[%dma_start3A_384, %dma_start3A_385] : memref<10016x64xf32, #tpu.memory_space<vmem_shared>> -> memref<10016x64xf32, #tpu.memory_space<vmem_shared>>
    %dma_start3A_387 = tpu.memref_slice %arg14[%dma_start3A_372] : memref<4x!tpu.dma_semaphore, #tpu.memory_space<semaphore_mem>> -> memref<1x!tpu.dma_semaphore, #tpu.memory_space<semaphore_mem>>
    %dma_start3A_388 = tpu.memref_squeeze %dma_start3A_387 : memref<1x!tpu.dma_semaphore, #tpu.memory_space<semaphore_mem>> -> memref<!tpu.dma_semaphore, #tpu.memory_space<semaphore_mem>>
    tpu.enqueue_indirect_dma source(%dma_start3A_376 : memref<128x64xf32, #tpu.memory_space<vmem>>) target(%dma_start3A_386 : memref<10016x64xf32, #tpu.memory_space<vmem_shared>>) offsets(%dma_start3A_383 : memref<128xi32, #tpu.memory_space<vmem>>) semaphore(%dma_start3A_388 : memref<!tpu.dma_semaphore, #tpu.memory_space<semaphore_mem>>) {add = true}
    %dma_wait3A_389 = arith.constant 1 : i32
    %dma_wait3A_390 = arith.constant 0 : i32
    %dma_wait3A_391 = arith.constant 0 : i32
    %dma_wait3A_392 = arith.constant 1 : i32
    %dma_wait3A_393 = arith.constant 0 : i32
    %dma_wait3A_394 = arith.constant 0 : i32
    %dma_wait3A_395 = tpu.memref_slice %arg8[%dma_wait3A_389, %dma_wait3A_393, %dma_wait3A_394] : memref<4x128x64xf32, #tpu.memory_space<vmem>> -> memref<1x128x64xf32, #tpu.memory_space<vmem>>
    %dma_wait3A_396 = tpu.memref_squeeze %dma_wait3A_395 : memref<1x128x64xf32, #tpu.memory_space<vmem>> -> memref<128x64xf32, #tpu.memory_space<vmem>>
    %dma_wait3A_397 = arith.constant 0 : i32
    %dma_wait3A_398 = arith.constant 0 : i32
    %dma_wait3A_399 = tpu.memref_slice %arg7[%dma_wait3A_390, %dma_wait3A_397, %dma_wait3A_398] : memref<3x4x128xi32, #tpu.memory_space<vmem>> -> memref<1x4x128xi32, #tpu.memory_space<vmem>>
    %dma_wait3A_400 = tpu.memref_squeeze %dma_wait3A_399 : memref<1x4x128xi32, #tpu.memory_space<vmem>> -> memref<4x128xi32, #tpu.memory_space<vmem>>
    %dma_wait3A_401 = arith.constant 0 : i32
    %dma_wait3A_402 = tpu.memref_slice %dma_wait3A_400[%dma_wait3A_391, %dma_wait3A_401] : memref<4x128xi32, #tpu.memory_space<vmem>> -> memref<1x128xi32, #tpu.memory_space<vmem>>
    %dma_wait3A_403 = tpu.memref_squeeze %dma_wait3A_402 : memref<1x128xi32, #tpu.memory_space<vmem>> -> memref<128xi32, #tpu.memory_space<vmem>>
    %dma_wait3A_404 = arith.constant 0 : i32
    %dma_wait3A_405 = arith.constant 0 : i32
    %dma_wait3A_406 = tpu.memref_slice %arg10[%dma_wait3A_404, %dma_wait3A_405] : memref<10016x64xf32, #tpu.memory_space<vmem_shared>> -> memref<10016x64xf32, #tpu.memory_space<vmem_shared>>
    %dma_wait3A_407 = tpu.memref_slice %arg14[%dma_wait3A_392] : memref<4x!tpu.dma_semaphore, #tpu.memory_space<semaphore_mem>> -> memref<1x!tpu.dma_semaphore, #tpu.memory_space<semaphore_mem>>
    %dma_wait3A_408 = tpu.memref_squeeze %dma_wait3A_407 : memref<1x!tpu.dma_semaphore, #tpu.memory_space<semaphore_mem>> -> memref<!tpu.dma_semaphore, #tpu.memory_space<semaphore_mem>>
    tpu.wait_indirect_dma semaphore(%dma_wait3A_408 : memref<!tpu.dma_semaphore, #tpu.memory_space<semaphore_mem>>) src(%dma_wait3A_396 : memref<128x64xf32, #tpu.memory_space<vmem>>) dst(%dma_wait3A_406 : memref<10016x64xf32, #tpu.memory_space<vmem_shared>>)
    %dma_start3A_409 = arith.constant 1 : i32
    %dma_start3A_410 = arith.constant 1 : i32
    %dma_start3A_411 = arith.constant 1 : i32
    %dma_start3A_412 = arith.constant 0 : i32
    %dma_start3A_413 = arith.constant 0 : i32
    %dma_start3A_414 = tpu.memref_slice %arg8[%dma_start3A_410, %dma_start3A_412, %dma_start3A_413] : memref<4x128x64xf32, #tpu.memory_space<vmem>> -> memref<1x128x64xf32, #tpu.memory_space<vmem>>
    %dma_start3A_415 = tpu.memref_squeeze %dma_start3A_414 : memref<1x128x64xf32, #tpu.memory_space<vmem>> -> memref<128x64xf32, #tpu.memory_space<vmem>>
    %dma_start3A_416 = arith.constant 0 : i32
    %dma_start3A_417 = tpu.memref_slice %arg6[%dma_start3A_409, %dma_start3A_416] : memref<3x512xi32, #tpu.memory_space<vmem>> -> memref<1x512xi32, #tpu.memory_space<vmem>>
    %dma_start3A_418 = tpu.memref_squeeze %dma_start3A_417 : memref<1x512xi32, #tpu.memory_space<vmem>> -> memref<512xi32, #tpu.memory_space<vmem>>
    %dma_start3A_419 = arith.constant 128 : i32
    %dma_start3A_420 = tpu.memref_slice %dma_start3A_418[%dma_start3A_419] : memref<512xi32, #tpu.memory_space<vmem>> -> memref<128xi32, #tpu.memory_space<vmem>>
    %dma_start3A_421 = arith.constant 0 : i32
    %dma_start3A_422 = arith.constant 0 : i32
    %dma_start3A_423 = tpu.memref_slice %arg11[%dma_start3A_421, %dma_start3A_422] : memref<10000x64xf32, #tpu.memory_space<vmem_shared>> -> memref<10000x64xf32, #tpu.memory_space<vmem_shared>>
    %dma_start3A_424 = tpu.memref_slice %arg13[%dma_start3A_411] : memref<4x!tpu.dma_semaphore, #tpu.memory_space<semaphore_mem>> -> memref<1x!tpu.dma_semaphore, #tpu.memory_space<semaphore_mem>>
    %dma_start3A_425 = tpu.memref_squeeze %dma_start3A_424 : memref<1x!tpu.dma_semaphore, #tpu.memory_space<semaphore_mem>> -> memref<!tpu.dma_semaphore, #tpu.memory_space<semaphore_mem>>
    tpu.enqueue_indirect_dma source(%dma_start3A_423 : memref<10000x64xf32, #tpu.memory_space<vmem_shared>>) target(%dma_start3A_415 : memref<128x64xf32, #tpu.memory_space<vmem>>) offsets(%dma_start3A_420 : memref<128xi32, #tpu.memory_space<vmem>>) semaphore(%dma_start3A_425 : memref<!tpu.dma_semaphore, #tpu.memory_space<semaphore_mem>>)
    %dma_wait3A_426 = arith.constant 0 : i32
    %dma_wait3A_427 = arith.constant 3 : i32
    %dma_wait3A_428 = arith.constant 3 : i32
    %dma_wait3A_429 = arith.constant 0 : i32
    %dma_wait3A_430 = arith.constant 0 : i32
    %dma_wait3A_431 = tpu.memref_slice %arg8[%dma_wait3A_427, %dma_wait3A_429, %dma_wait3A_430] : memref<4x128x64xf32, #tpu.memory_space<vmem>> -> memref<1x128x64xf32, #tpu.memory_space<vmem>>
    %dma_wait3A_432 = tpu.memref_squeeze %dma_wait3A_431 : memref<1x128x64xf32, #tpu.memory_space<vmem>> -> memref<128x64xf32, #tpu.memory_space<vmem>>
    %dma_wait3A_433 = arith.constant 0 : i32
    %dma_wait3A_434 = tpu.memref_slice %arg6[%dma_wait3A_426, %dma_wait3A_433] : memref<3x512xi32, #tpu.memory_space<vmem>> -> memref<1x512xi32, #tpu.memory_space<vmem>>
    %dma_wait3A_435 = tpu.memref_squeeze %dma_wait3A_434 : memref<1x512xi32, #tpu.memory_space<vmem>> -> memref<512xi32, #tpu.memory_space<vmem>>
    %dma_wait3A_436 = arith.constant 0 : i32
    %dma_wait3A_437 = tpu.memref_slice %dma_wait3A_435[%dma_wait3A_436] : memref<512xi32, #tpu.memory_space<vmem>> -> memref<128xi32, #tpu.memory_space<vmem>>
    %dma_wait3A_438 = arith.constant 0 : i32
    %dma_wait3A_439 = arith.constant 0 : i32
    %dma_wait3A_440 = tpu.memref_slice %arg11[%dma_wait3A_438, %dma_wait3A_439] : memref<10000x64xf32, #tpu.memory_space<vmem_shared>> -> memref<10000x64xf32, #tpu.memory_space<vmem_shared>>
    %dma_wait3A_441 = tpu.memref_slice %arg13[%dma_wait3A_428] : memref<4x!tpu.dma_semaphore, #tpu.memory_space<semaphore_mem>> -> memref<1x!tpu.dma_semaphore, #tpu.memory_space<semaphore_mem>>
    %dma_wait3A_442 = tpu.memref_squeeze %dma_wait3A_441 : memref<1x!tpu.dma_semaphore, #tpu.memory_space<semaphore_mem>> -> memref<!tpu.dma_semaphore, #tpu.memory_space<semaphore_mem>>
    tpu.wait_indirect_dma semaphore(%dma_wait3A_442 : memref<!tpu.dma_semaphore, #tpu.memory_space<semaphore_mem>>) src(%dma_wait3A_440 : memref<10000x64xf32, #tpu.memory_space<vmem_shared>>) dst(%dma_wait3A_432 : memref<128x64xf32, #tpu.memory_space<vmem>>)
    %dma_start3A_443 = arith.constant 3 : i32
    %dma_start3A_444 = arith.constant 0 : i32
    %dma_start3A_445 = arith.constant 3 : i32
    %dma_start3A_446 = arith.constant 3 : i32
    %dma_start3A_447 = arith.constant 0 : i32
    %dma_start3A_448 = arith.constant 0 : i32
    %dma_start3A_449 = tpu.memref_slice %arg8[%dma_start3A_443, %dma_start3A_447, %dma_start3A_448] : memref<4x128x64xf32, #tpu.memory_space<vmem>> -> memref<1x128x64xf32, #tpu.memory_space<vmem>>
    %dma_start3A_450 = tpu.memref_squeeze %dma_start3A_449 : memref<1x128x64xf32, #tpu.memory_space<vmem>> -> memref<128x64xf32, #tpu.memory_space<vmem>>
    %dma_start3A_451 = arith.constant 0 : i32
    %dma_start3A_452 = arith.constant 0 : i32
    %dma_start3A_453 = tpu.memref_slice %arg7[%dma_start3A_444, %dma_start3A_451, %dma_start3A_452] : memref<3x4x128xi32, #tpu.memory_space<vmem>> -> memref<1x4x128xi32, #tpu.memory_space<vmem>>
    %dma_start3A_454 = tpu.memref_squeeze %dma_start3A_453 : memref<1x4x128xi32, #tpu.memory_space<vmem>> -> memref<4x128xi32, #tpu.memory_space<vmem>>
    %dma_start3A_455 = arith.constant 0 : i32
    %dma_start3A_456 = tpu.memref_slice %dma_start3A_454[%dma_start3A_445, %dma_start3A_455] : memref<4x128xi32, #tpu.memory_space<vmem>> -> memref<1x128xi32, #tpu.memory_space<vmem>>
    %dma_start3A_457 = tpu.memref_squeeze %dma_start3A_456 : memref<1x128xi32, #tpu.memory_space<vmem>> -> memref<128xi32, #tpu.memory_space<vmem>>
    %dma_start3A_458 = arith.constant 0 : i32
    %dma_start3A_459 = arith.constant 0 : i32
    %dma_start3A_460 = tpu.memref_slice %arg10[%dma_start3A_458, %dma_start3A_459] : memref<10016x64xf32, #tpu.memory_space<vmem_shared>> -> memref<10016x64xf32, #tpu.memory_space<vmem_shared>>
    %dma_start3A_461 = tpu.memref_slice %arg14[%dma_start3A_446] : memref<4x!tpu.dma_semaphore, #tpu.memory_space<semaphore_mem>> -> memref<1x!tpu.dma_semaphore, #tpu.memory_space<semaphore_mem>>
    %dma_start3A_462 = tpu.memref_squeeze %dma_start3A_461 : memref<1x!tpu.dma_semaphore, #tpu.memory_space<semaphore_mem>> -> memref<!tpu.dma_semaphore, #tpu.memory_space<semaphore_mem>>
    tpu.enqueue_indirect_dma source(%dma_start3A_450 : memref<128x64xf32, #tpu.memory_space<vmem>>) target(%dma_start3A_460 : memref<10016x64xf32, #tpu.memory_space<vmem_shared>>) offsets(%dma_start3A_457 : memref<128xi32, #tpu.memory_space<vmem>>) semaphore(%dma_start3A_462 : memref<!tpu.dma_semaphore, #tpu.memory_space<semaphore_mem>>) {add = true}
    %dma_wait3A_463 = arith.constant 2 : i32
    %dma_wait3A_464 = arith.constant 0 : i32
    %dma_wait3A_465 = arith.constant 0 : i32
    %dma_wait3A_466 = arith.constant 2 : i32
    %dma_wait3A_467 = arith.constant 0 : i32
    %dma_wait3A_468 = arith.constant 0 : i32
    %dma_wait3A_469 = tpu.memref_slice %arg8[%dma_wait3A_463, %dma_wait3A_467, %dma_wait3A_468] : memref<4x128x64xf32, #tpu.memory_space<vmem>> -> memref<1x128x64xf32, #tpu.memory_space<vmem>>
    %dma_wait3A_470 = tpu.memref_squeeze %dma_wait3A_469 : memref<1x128x64xf32, #tpu.memory_space<vmem>> -> memref<128x64xf32, #tpu.memory_space<vmem>>
    %dma_wait3A_471 = arith.constant 0 : i32
    %dma_wait3A_472 = arith.constant 0 : i32
    %dma_wait3A_473 = tpu.memref_slice %arg7[%dma_wait3A_464, %dma_wait3A_471, %dma_wait3A_472] : memref<3x4x128xi32, #tpu.memory_space<vmem>> -> memref<1x4x128xi32, #tpu.memory_space<vmem>>
    %dma_wait3A_474 = tpu.memref_squeeze %dma_wait3A_473 : memref<1x4x128xi32, #tpu.memory_space<vmem>> -> memref<4x128xi32, #tpu.memory_space<vmem>>
    %dma_wait3A_475 = arith.constant 0 : i32
    %dma_wait3A_476 = tpu.memref_slice %dma_wait3A_474[%dma_wait3A_465, %dma_wait3A_475] : memref<4x128xi32, #tpu.memory_space<vmem>> -> memref<1x128xi32, #tpu.memory_space<vmem>>
    %dma_wait3A_477 = tpu.memref_squeeze %dma_wait3A_476 : memref<1x128xi32, #tpu.memory_space<vmem>> -> memref<128xi32, #tpu.memory_space<vmem>>
    %dma_wait3A_478 = arith.constant 0 : i32
    %dma_wait3A_479 = arith.constant 0 : i32
    %dma_wait3A_480 = tpu.memref_slice %arg10[%dma_wait3A_478, %dma_wait3A_479] : memref<10016x64xf32, #tpu.memory_space<vmem_shared>> -> memref<10016x64xf32, #tpu.memory_space<vmem_shared>>
    %dma_wait3A_481 = tpu.memref_slice %arg14[%dma_wait3A_466] : memref<4x!tpu.dma_semaphore, #tpu.memory_space<semaphore_mem>> -> memref<1x!tpu.dma_semaphore, #tpu.memory_space<semaphore_mem>>
    %dma_wait3A_482 = tpu.memref_squeeze %dma_wait3A_481 : memref<1x!tpu.dma_semaphore, #tpu.memory_space<semaphore_mem>> -> memref<!tpu.dma_semaphore, #tpu.memory_space<semaphore_mem>>
    tpu.wait_indirect_dma semaphore(%dma_wait3A_482 : memref<!tpu.dma_semaphore, #tpu.memory_space<semaphore_mem>>) src(%dma_wait3A_470 : memref<128x64xf32, #tpu.memory_space<vmem>>) dst(%dma_wait3A_480 : memref<10016x64xf32, #tpu.memory_space<vmem_shared>>)
    %dma_start3A_483 = arith.constant 1 : i32
    %dma_start3A_484 = arith.constant 2 : i32
    %dma_start3A_485 = arith.constant 2 : i32
    %dma_start3A_486 = arith.constant 0 : i32
    %dma_start3A_487 = arith.constant 0 : i32
    %dma_start3A_488 = tpu.memref_slice %arg8[%dma_start3A_484, %dma_start3A_486, %dma_start3A_487] : memref<4x128x64xf32, #tpu.memory_space<vmem>> -> memref<1x128x64xf32, #tpu.memory_space<vmem>>
    %dma_start3A_489 = tpu.memref_squeeze %dma_start3A_488 : memref<1x128x64xf32, #tpu.memory_space<vmem>> -> memref<128x64xf32, #tpu.memory_space<vmem>>
    %dma_start3A_490 = arith.constant 0 : i32
    %dma_start3A_491 = tpu.memref_slice %arg6[%dma_start3A_483, %dma_start3A_490] : memref<3x512xi32, #tpu.memory_space<vmem>> -> memref<1x512xi32, #tpu.memory_space<vmem>>
    %dma_start3A_492 = tpu.memref_squeeze %dma_start3A_491 : memref<1x512xi32, #tpu.memory_space<vmem>> -> memref<512xi32, #tpu.memory_space<vmem>>
    %dma_start3A_493 = arith.constant 256 : i32
    %dma_start3A_494 = tpu.memref_slice %dma_start3A_492[%dma_start3A_493] : memref<512xi32, #tpu.memory_space<vmem>> -> memref<128xi32, #tpu.memory_space<vmem>>
    %dma_start3A_495 = arith.constant 0 : i32
    %dma_start3A_496 = arith.constant 0 : i32
    %dma_start3A_497 = tpu.memref_slice %arg11[%dma_start3A_495, %dma_start3A_496] : memref<10000x64xf32, #tpu.memory_space<vmem_shared>> -> memref<10000x64xf32, #tpu.memory_space<vmem_shared>>
    %dma_start3A_498 = tpu.memref_slice %arg13[%dma_start3A_485] : memref<4x!tpu.dma_semaphore, #tpu.memory_space<semaphore_mem>> -> memref<1x!tpu.dma_semaphore, #tpu.memory_space<semaphore_mem>>
    %dma_start3A_499 = tpu.memref_squeeze %dma_start3A_498 : memref<1x!tpu.dma_semaphore, #tpu.memory_space<semaphore_mem>> -> memref<!tpu.dma_semaphore, #tpu.memory_space<semaphore_mem>>
    tpu.enqueue_indirect_dma source(%dma_start3A_497 : memref<10000x64xf32, #tpu.memory_space<vmem_shared>>) target(%dma_start3A_489 : memref<128x64xf32, #tpu.memory_space<vmem>>) offsets(%dma_start3A_494 : memref<128xi32, #tpu.memory_space<vmem>>) semaphore(%dma_start3A_499 : memref<!tpu.dma_semaphore, #tpu.memory_space<semaphore_mem>>)
    %scan3A_500 = arith.constant 0 : i32
    %scan3A_501 = arith.constant 1 : i32
    %scan3A_502 = arith.constant 38 : i32
    %scan3A_503 = arith.addi %scan3A_501, %scan3A_502 : i32
    %scan3A_504 = arith.constant 1 : i32
    scf.for %scan3A_778 = %scan3A_501 to %scan3A_503 step %scan3A_504  : i32 {
      %jit3A = arith.constant 3 : i32
      %eq3A = arith.constant 0 : i32
      %eq3A_779 = arith.cmpi eq, %jit3A, %eq3A : i32
      %jit3A_780 = arith.constant 1 : i32
      %select_n3A = arith.select %eq3A_779, %jit3A_780, %jit3A : i32
      %rem3A = arith.remsi %scan3A_778, %select_n3A : i32
      %ne3A = arith.constant 0 : i32
      %ne3A_781 = arith.cmpi ne, %rem3A, %ne3A : i32
      %lt3A = arith.constant 0 : i32
      %lt3A_782 = arith.cmpi slt, %rem3A, %lt3A : i32
      %lt3A_783 = arith.constant 0 : i32
      %lt3A_784 = arith.cmpi slt, %select_n3A, %lt3A_783 : i32
      %ne3A_785 = arith.xori %lt3A_782, %lt3A_784 : i1
      %and3A = arith.andi %ne3A_785, %ne3A_781 : i1
      %add3A_786 = arith.addi %rem3A, %select_n3A : i32
      %select_n3A_787 = arith.select %and3A, %add3A_786, %rem3A : i32
      %add3A_788 = arith.constant 1 : i32
      %add3A_789 = arith.addi %scan3A_778, %add3A_788 : i32
      %jit3A_790 = arith.constant 3 : i32
      %eq3A_791 = arith.constant 0 : i32
      %eq3A_792 = arith.cmpi eq, %jit3A_790, %eq3A_791 : i32
      %jit3A_793 = arith.constant 1 : i32
      %select_n3A_794 = arith.select %eq3A_792, %jit3A_793, %jit3A_790 : i32
      %rem3A_795 = arith.remsi %add3A_789, %select_n3A_794 : i32
      %ne3A_796 = arith.constant 0 : i32
      %ne3A_797 = arith.cmpi ne, %rem3A_795, %ne3A_796 : i32
      %lt3A_798 = arith.constant 0 : i32
      %lt3A_799 = arith.cmpi slt, %rem3A_795, %lt3A_798 : i32
      %lt3A_800 = arith.constant 0 : i32
      %lt3A_801 = arith.cmpi slt, %select_n3A_794, %lt3A_800 : i32
      %ne3A_802 = arith.xori %lt3A_799, %lt3A_801 : i1
      %and3A_803 = arith.andi %ne3A_802, %ne3A_797 : i1
      %add3A_804 = arith.addi %rem3A_795, %select_n3A_794 : i32
      %select_n3A_805 = arith.select %and3A_803, %add3A_804, %rem3A_795 : i32
      %dma_wait3A_806 = arith.constant 0 : i32
      %dma_wait3A_807 = arith.constant 0 : i32
      %dma_wait3A_808 = arith.constant 0 : i32
      %dma_wait3A_809 = arith.constant 0 : i32
      %dma_wait3A_810 = arith.constant 0 : i32
      %dma_wait3A_811 = tpu.memref_slice %arg8[%dma_wait3A_807, %dma_wait3A_809, %dma_wait3A_810] : memref<4x128x64xf32, #tpu.memory_space<vmem>> -> memref<1x128x64xf32, #tpu.memory_space<vmem>>
      %dma_wait3A_812 = tpu.memref_squeeze %dma_wait3A_811 : memref<1x128x64xf32, #tpu.memory_space<vmem>> -> memref<128x64xf32, #tpu.memory_space<vmem>>
      %dma_wait3A_813 = arith.constant 0 : i32
      %dma_wait3A_814 = tpu.memref_slice %arg6[%dma_wait3A_806, %dma_wait3A_813] : memref<3x512xi32, #tpu.memory_space<vmem>> -> memref<1x512xi32, #tpu.memory_space<vmem>>
      %dma_wait3A_815 = tpu.memref_squeeze %dma_wait3A_814 : memref<1x512xi32, #tpu.memory_space<vmem>> -> memref<512xi32, #tpu.memory_space<vmem>>
      %dma_wait3A_816 = arith.constant 0 : i32
      %dma_wait3A_817 = tpu.memref_slice %dma_wait3A_815[%dma_wait3A_816] : memref<512xi32, #tpu.memory_space<vmem>> -> memref<128xi32, #tpu.memory_space<vmem>>
      %dma_wait3A_818 = arith.constant 0 : i32
      %dma_wait3A_819 = arith.constant 0 : i32
      %dma_wait3A_820 = tpu.memref_slice %arg11[%dma_wait3A_818, %dma_wait3A_819] : memref<10000x64xf32, #tpu.memory_space<vmem_shared>> -> memref<10000x64xf32, #tpu.memory_space<vmem_shared>>
      %dma_wait3A_821 = tpu.memref_slice %arg13[%dma_wait3A_808] : memref<4x!tpu.dma_semaphore, #tpu.memory_space<semaphore_mem>> -> memref<1x!tpu.dma_semaphore, #tpu.memory_space<semaphore_mem>>
      %dma_wait3A_822 = tpu.memref_squeeze %dma_wait3A_821 : memref<1x!tpu.dma_semaphore, #tpu.memory_space<semaphore_mem>> -> memref<!tpu.dma_semaphore, #tpu.memory_space<semaphore_mem>>
      tpu.wait_indirect_dma semaphore(%dma_wait3A_822 : memref<!tpu.dma_semaphore, #tpu.memory_space<semaphore_mem>>) src(%dma_wait3A_820 : memref<10000x64xf32, #tpu.memory_space<vmem_shared>>) dst(%dma_wait3A_812 : memref<128x64xf32, #tpu.memory_space<vmem>>)
      %dma_start3A_823 = arith.constant 0 : i32
      %dma_start3A_824 = arith.constant 0 : i32
      %dma_start3A_825 = arith.constant 0 : i32
      %dma_start3A_826 = arith.constant 0 : i32
      %dma_start3A_827 = arith.constant 0 : i32
      %dma_start3A_828 = tpu.memref_slice %arg8[%dma_start3A_823, %dma_start3A_826, %dma_start3A_827] : memref<4x128x64xf32, #tpu.memory_space<vmem>> -> memref<1x128x64xf32, #tpu.memory_space<vmem>>
      %dma_start3A_829 = tpu.memref_squeeze %dma_start3A_828 : memref<1x128x64xf32, #tpu.memory_space<vmem>> -> memref<128x64xf32, #tpu.memory_space<vmem>>
      %dma_start3A_830 = arith.constant 0 : i32
      %dma_start3A_831 = arith.constant 0 : i32
      %dma_start3A_832 = tpu.memref_slice %arg7[%select_n3A_787, %dma_start3A_830, %dma_start3A_831] : memref<3x4x128xi32, #tpu.memory_space<vmem>> -> memref<1x4x128xi32, #tpu.memory_space<vmem>>
      %dma_start3A_833 = tpu.memref_squeeze %dma_start3A_832 : memref<1x4x128xi32, #tpu.memory_space<vmem>> -> memref<4x128xi32, #tpu.memory_space<vmem>>
      %dma_start3A_834 = arith.constant 0 : i32
      %dma_start3A_835 = tpu.memref_slice %dma_start3A_833[%dma_start3A_824, %dma_start3A_834] : memref<4x128xi32, #tpu.memory_space<vmem>> -> memref<1x128xi32, #tpu.memory_space<vmem>>
      %dma_start3A_836 = tpu.memref_squeeze %dma_start3A_835 : memref<1x128xi32, #tpu.memory_space<vmem>> -> memref<128xi32, #tpu.memory_space<vmem>>
      %dma_start3A_837 = arith.constant 0 : i32
      %dma_start3A_838 = arith.constant 0 : i32
      %dma_start3A_839 = tpu.memref_slice %arg10[%dma_start3A_837, %dma_start3A_838] : memref<10016x64xf32, #tpu.memory_space<vmem_shared>> -> memref<10016x64xf32, #tpu.memory_space<vmem_shared>>
      %dma_start3A_840 = tpu.memref_slice %arg14[%dma_start3A_825] : memref<4x!tpu.dma_semaphore, #tpu.memory_space<semaphore_mem>> -> memref<1x!tpu.dma_semaphore, #tpu.memory_space<semaphore_mem>>
      %dma_start3A_841 = tpu.memref_squeeze %dma_start3A_840 : memref<1x!tpu.dma_semaphore, #tpu.memory_space<semaphore_mem>> -> memref<!tpu.dma_semaphore, #tpu.memory_space<semaphore_mem>>
      tpu.enqueue_indirect_dma source(%dma_start3A_829 : memref<128x64xf32, #tpu.memory_space<vmem>>) target(%dma_start3A_839 : memref<10016x64xf32, #tpu.memory_space<vmem_shared>>) offsets(%dma_start3A_836 : memref<128xi32, #tpu.memory_space<vmem>>) semaphore(%dma_start3A_841 : memref<!tpu.dma_semaphore, #tpu.memory_space<semaphore_mem>>) {add = true}
      %dma_wait3A_842 = arith.constant 3 : i32
      %dma_wait3A_843 = arith.constant 0 : i32
      %dma_wait3A_844 = arith.constant 0 : i32
      %dma_wait3A_845 = arith.constant 3 : i32
      %dma_wait3A_846 = arith.constant 0 : i32
      %dma_wait3A_847 = arith.constant 0 : i32
      %dma_wait3A_848 = tpu.memref_slice %arg8[%dma_wait3A_842, %dma_wait3A_846, %dma_wait3A_847] : memref<4x128x64xf32, #tpu.memory_space<vmem>> -> memref<1x128x64xf32, #tpu.memory_space<vmem>>
      %dma_wait3A_849 = tpu.memref_squeeze %dma_wait3A_848 : memref<1x128x64xf32, #tpu.memory_space<vmem>> -> memref<128x64xf32, #tpu.memory_space<vmem>>
      %dma_wait3A_850 = arith.constant 0 : i32
      %dma_wait3A_851 = arith.constant 0 : i32
      %dma_wait3A_852 = tpu.memref_slice %arg7[%dma_wait3A_843, %dma_wait3A_850, %dma_wait3A_851] : memref<3x4x128xi32, #tpu.memory_space<vmem>> -> memref<1x4x128xi32, #tpu.memory_space<vmem>>
      %dma_wait3A_853 = tpu.memref_squeeze %dma_wait3A_852 : memref<1x4x128xi32, #tpu.memory_space<vmem>> -> memref<4x128xi32, #tpu.memory_space<vmem>>
      %dma_wait3A_854 = arith.constant 0 : i32
      %dma_wait3A_855 = tpu.memref_slice %dma_wait3A_853[%dma_wait3A_844, %dma_wait3A_854] : memref<4x128xi32, #tpu.memory_space<vmem>> -> memref<1x128xi32, #tpu.memory_space<vmem>>
      %dma_wait3A_856 = tpu.memref_squeeze %dma_wait3A_855 : memref<1x128xi32, #tpu.memory_space<vmem>> -> memref<128xi32, #tpu.memory_space<vmem>>
      %dma_wait3A_857 = arith.constant 0 : i32
      %dma_wait3A_858 = arith.constant 0 : i32
      %dma_wait3A_859 = tpu.memref_slice %arg10[%dma_wait3A_857, %dma_wait3A_858] : memref<10016x64xf32, #tpu.memory_space<vmem_shared>> -> memref<10016x64xf32, #tpu.memory_space<vmem_shared>>
      %dma_wait3A_860 = tpu.memref_slice %arg14[%dma_wait3A_845] : memref<4x!tpu.dma_semaphore, #tpu.memory_space<semaphore_mem>> -> memref<1x!tpu.dma_semaphore, #tpu.memory_space<semaphore_mem>>
      %dma_wait3A_861 = tpu.memref_squeeze %dma_wait3A_860 : memref<1x!tpu.dma_semaphore, #tpu.memory_space<semaphore_mem>> -> memref<!tpu.dma_semaphore, #tpu.memory_space<semaphore_mem>>
      tpu.wait_indirect_dma semaphore(%dma_wait3A_861 : memref<!tpu.dma_semaphore, #tpu.memory_space<semaphore_mem>>) src(%dma_wait3A_849 : memref<128x64xf32, #tpu.memory_space<vmem>>) dst(%dma_wait3A_859 : memref<10016x64xf32, #tpu.memory_space<vmem_shared>>)
      %dma_start3A_862 = arith.constant 3 : i32
      %dma_start3A_863 = arith.constant 3 : i32
      %dma_start3A_864 = arith.constant 0 : i32
      %dma_start3A_865 = arith.constant 0 : i32
      %dma_start3A_866 = tpu.memref_slice %arg8[%dma_start3A_862, %dma_start3A_864, %dma_start3A_865] : memref<4x128x64xf32, #tpu.memory_space<vmem>> -> memref<1x128x64xf32, #tpu.memory_space<vmem>>
      %dma_start3A_867 = tpu.memref_squeeze %dma_start3A_866 : memref<1x128x64xf32, #tpu.memory_space<vmem>> -> memref<128x64xf32, #tpu.memory_space<vmem>>
      %dma_start3A_868 = arith.constant 0 : i32
      %dma_start3A_869 = tpu.memref_slice %arg6[%select_n3A_787, %dma_start3A_868] : memref<3x512xi32, #tpu.memory_space<vmem>> -> memref<1x512xi32, #tpu.memory_space<vmem>>
      %dma_start3A_870 = tpu.memref_squeeze %dma_start3A_869 : memref<1x512xi32, #tpu.memory_space<vmem>> -> memref<512xi32, #tpu.memory_space<vmem>>
      %dma_start3A_871 = arith.constant 384 : i32
      %dma_start3A_872 = tpu.memref_slice %dma_start3A_870[%dma_start3A_871] : memref<512xi32, #tpu.memory_space<vmem>> -> memref<128xi32, #tpu.memory_space<vmem>>
      %dma_start3A_873 = arith.constant 0 : i32
      %dma_start3A_874 = arith.constant 0 : i32
      %dma_start3A_875 = tpu.memref_slice %arg11[%dma_start3A_873, %dma_start3A_874] : memref<10000x64xf32, #tpu.memory_space<vmem_shared>> -> memref<10000x64xf32, #tpu.memory_space<vmem_shared>>
      %dma_start3A_876 = tpu.memref_slice %arg13[%dma_start3A_863] : memref<4x!tpu.dma_semaphore, #tpu.memory_space<semaphore_mem>> -> memref<1x!tpu.dma_semaphore, #tpu.memory_space<semaphore_mem>>
      %dma_start3A_877 = tpu.memref_squeeze %dma_start3A_876 : memref<1x!tpu.dma_semaphore, #tpu.memory_space<semaphore_mem>> -> memref<!tpu.dma_semaphore, #tpu.memory_space<semaphore_mem>>
      tpu.enqueue_indirect_dma source(%dma_start3A_875 : memref<10000x64xf32, #tpu.memory_space<vmem_shared>>) target(%dma_start3A_867 : memref<128x64xf32, #tpu.memory_space<vmem>>) offsets(%dma_start3A_872 : memref<128xi32, #tpu.memory_space<vmem>>) semaphore(%dma_start3A_877 : memref<!tpu.dma_semaphore, #tpu.memory_space<semaphore_mem>>)
      %lt3A_878 = arith.constant 38 : i32
      %lt3A_879 = arith.cmpi slt, %scan3A_778, %lt3A_878 : i32
      %convert_element_type3A = arith.extui %lt3A_879 : i1 to i32
      %cond3A = arith.constant 0 : i32
      %cond3A_880 = arith.cmpi ne, %convert_element_type3A, %cond3A : i32
      scf.if %cond3A_880 {
        %add3A_1102 = arith.constant 2 : i32
        %add3A_1103 = arith.addi %scan3A_778, %add3A_1102 : i32
        %add3A_1104 = arith.constant 2 : i32
        %add3A_1105 = arith.addi %scan3A_778, %add3A_1104 : i32
        %jit3A_1106 = arith.constant 3 : i32
        %eq3A_1107 = arith.constant 0 : i32
        %eq3A_1108 = arith.cmpi eq, %jit3A_1106, %eq3A_1107 : i32
        %jit3A_1109 = arith.constant 1 : i32
        %select_n3A_1110 = arith.select %eq3A_1108, %jit3A_1109, %jit3A_1106 : i32
        %rem3A_1111 = arith.remsi %add3A_1105, %select_n3A_1110 : i32
        %ne3A_1112 = arith.constant 0 : i32
        %ne3A_1113 = arith.cmpi ne, %rem3A_1111, %ne3A_1112 : i32
        %lt3A_1114 = arith.constant 0 : i32
        %lt3A_1115 = arith.cmpi slt, %rem3A_1111, %lt3A_1114 : i32
        %lt3A_1116 = arith.constant 0 : i32
        %lt3A_1117 = arith.cmpi slt, %select_n3A_1110, %lt3A_1116 : i32
        %ne3A_1118 = arith.xori %lt3A_1115, %lt3A_1117 : i1
        %and3A_1119 = arith.andi %ne3A_1118, %ne3A_1113 : i1
        %add3A_1120 = arith.addi %rem3A_1111, %select_n3A_1110 : i32
        %select_n3A_1121 = arith.select %and3A_1119, %add3A_1120, %rem3A_1111 : i32
        %mul3A_1122 = arith.constant 4 : i32
        %mul3A_1123 = arith.muli %add3A_1103, %mul3A_1122 : i32
        %mul3A_1124 = arith.constant 128 : i32
        %mul3A_1125 = arith.muli %mul3A_1123, %mul3A_1124 : i32
        %mul3A_1126 = arith.constant 20480 : i32
        %mul3A_1127 = arith.muli %arg1, %mul3A_1126 : i32
        %add3A_1128 = arith.addi %mul3A_1127, %mul3A_1125 : i32
        %dma_start3A_1129 = arith.constant 0 : i32
        %dma_start3A_1130 = tpu.memref_slice %arg6[%select_n3A_1121, %dma_start3A_1129] : memref<3x512xi32, #tpu.memory_space<vmem>> -> memref<1x512xi32, #tpu.memory_space<vmem>>
        %dma_start3A_1131 = tpu.memref_squeeze %dma_start3A_1130 : memref<1x512xi32, #tpu.memory_space<vmem>> -> memref<512xi32, #tpu.memory_space<vmem>>
        %dma_start3A_1132 = tpu.memref_slice %arg3[%add3A_1128] : memref<327680xi32, #tpu.memory_space<hbm>> -> memref<512xi32, #tpu.memory_space<hbm>>
        %dma_start3A_1133 = tpu.memref_slice %arg12[%select_n3A_1121] : memref<3x!tpu.dma_semaphore, #tpu.memory_space<semaphore_mem>> -> memref<1x!tpu.dma_semaphore, #tpu.memory_space<semaphore_mem>>
        %dma_start3A_1134 = tpu.memref_squeeze %dma_start3A_1133 : memref<1x!tpu.dma_semaphore, #tpu.memory_space<semaphore_mem>> -> memref<!tpu.dma_semaphore, #tpu.memory_space<semaphore_mem>>
        %dma_start3A_1135 = arith.constant 0 : i32
        %dma_start3A_1136 = tpu.memref_slice %arg6[%select_n3A_1121, %dma_start3A_1135] : memref<3x512xi32, #tpu.memory_space<vmem>> -> memref<1x512xi32, #tpu.memory_space<vmem>>
        %dma_start3A_1137 = tpu.memref_squeeze %dma_start3A_1136 : memref<1x512xi32, #tpu.memory_space<vmem>> -> memref<512xi32, #tpu.memory_space<vmem>>
        %dma_start3A_1138 = tpu.memref_slice %arg3[%add3A_1128] : memref<327680xi32, #tpu.memory_space<hbm>> -> memref<512xi32, #tpu.memory_space<hbm>>
        tpu.enqueue_dma source(%dma_start3A_1138 : memref<512xi32, #tpu.memory_space<hbm>>) target(%dma_start3A_1137 : memref<512xi32, #tpu.memory_space<vmem>>) target_semaphore(%dma_start3A_1134 : memref<!tpu.dma_semaphore, #tpu.memory_space<semaphore_mem>>)
        %mul3A_1139 = arith.constant 160 : i32
        %mul3A_1140 = arith.muli %arg1, %mul3A_1139 : i32
        %mul3A_1141 = arith.constant 4 : i32
        %mul3A_1142 = arith.muli %add3A_1103, %mul3A_1141 : i32
        %add3A_1143 = arith.addi %mul3A_1140, %mul3A_1142 : i32
        %dma_start3A_1144 = arith.constant 0 : i32
        %dma_start3A_1145 = arith.constant 0 : i32
        %dma_start3A_1146 = tpu.memref_slice %arg7[%select_n3A_1121, %dma_start3A_1144, %dma_start3A_1145] : memref<3x4x128xi32, #tpu.memory_space<vmem>> -> memref<1x4x128xi32, #tpu.memory_space<vmem>>
        %dma_start3A_1147 = tpu.memref_squeeze %dma_start3A_1146 : memref<1x4x128xi32, #tpu.memory_space<vmem>> -> memref<4x128xi32, #tpu.memory_space<vmem>>
        %dma_start3A_1148 = arith.constant 0 : i32
        %dma_start3A_1149 = tpu.memref_slice %arg4[%add3A_1143, %dma_start3A_1148] : memref<2560x128xi32, #tpu.memory_space<hbm>> -> memref<4x128xi32, #tpu.memory_space<hbm>>
        %dma_start3A_1150 = tpu.memref_slice %arg12[%select_n3A_1121] : memref<3x!tpu.dma_semaphore, #tpu.memory_space<semaphore_mem>> -> memref<1x!tpu.dma_semaphore, #tpu.memory_space<semaphore_mem>>
        %dma_start3A_1151 = tpu.memref_squeeze %dma_start3A_1150 : memref<1x!tpu.dma_semaphore, #tpu.memory_space<semaphore_mem>> -> memref<!tpu.dma_semaphore, #tpu.memory_space<semaphore_mem>>
        %dma_start3A_1152 = arith.constant 0 : i32
        %dma_start3A_1153 = arith.constant 0 : i32
        %dma_start3A_1154 = tpu.memref_slice %arg7[%select_n3A_1121, %dma_start3A_1152, %dma_start3A_1153] : memref<3x4x128xi32, #tpu.memory_space<vmem>> -> memref<1x4x128xi32, #tpu.memory_space<vmem>>
        %dma_start3A_1155 = tpu.memref_squeeze %dma_start3A_1154 : memref<1x4x128xi32, #tpu.memory_space<vmem>> -> memref<4x128xi32, #tpu.memory_space<vmem>>
        %dma_start3A_1156 = arith.constant 0 : i32
        %dma_start3A_1157 = tpu.memref_slice %arg4[%add3A_1143, %dma_start3A_1156] : memref<2560x128xi32, #tpu.memory_space<hbm>> -> memref<4x128xi32, #tpu.memory_space<hbm>>
        tpu.enqueue_dma source(%dma_start3A_1157 : memref<4x128xi32, #tpu.memory_space<hbm>>) target(%dma_start3A_1155 : memref<4x128xi32, #tpu.memory_space<vmem>>) target_semaphore(%dma_start3A_1151 : memref<!tpu.dma_semaphore, #tpu.memory_space<semaphore_mem>>)
      } else {
      }
      %lt3A_881 = arith.constant 39 : i32
      %lt3A_882 = arith.cmpi slt, %scan3A_778, %lt3A_881 : i32
      %convert_element_type3A_883 = arith.extui %lt3A_882 : i1 to i32
      %cond3A_884 = arith.constant 0 : i32
      %cond3A_885 = arith.cmpi ne, %convert_element_type3A_883, %cond3A_884 : i32
      scf.if %cond3A_885 {
        %dma_wait3A_1102 = arith.constant 0 : i32
        %dma_wait3A_1103 = tpu.memref_slice %arg6[%select_n3A_805, %dma_wait3A_1102] : memref<3x512xi32, #tpu.memory_space<vmem>> -> memref<1x512xi32, #tpu.memory_space<vmem>>
        %dma_wait3A_1104 = tpu.memref_squeeze %dma_wait3A_1103 : memref<1x512xi32, #tpu.memory_space<vmem>> -> memref<512xi32, #tpu.memory_space<vmem>>
        %dma_wait3A_1105 = arith.constant 0 : i32
        %dma_wait3A_1106 = tpu.memref_slice %arg3[%dma_wait3A_1105] : memref<327680xi32, #tpu.memory_space<hbm>> -> memref<512xi32, #tpu.memory_space<hbm>>
        %dma_wait3A_1107 = tpu.memref_slice %arg12[%select_n3A_805] : memref<3x!tpu.dma_semaphore, #tpu.memory_space<semaphore_mem>> -> memref<1x!tpu.dma_semaphore, #tpu.memory_space<semaphore_mem>>
        %dma_wait3A_1108 = tpu.memref_squeeze %dma_wait3A_1107 : memref<1x!tpu.dma_semaphore, #tpu.memory_space<semaphore_mem>> -> memref<!tpu.dma_semaphore, #tpu.memory_space<semaphore_mem>>
        %dma_wait3A_1109 = arith.constant 0 : i32
        %dma_wait3A_1110 = tpu.memref_slice %arg6[%select_n3A_805, %dma_wait3A_1109] : memref<3x512xi32, #tpu.memory_space<vmem>> -> memref<1x512xi32, #tpu.memory_space<vmem>>
        %dma_wait3A_1111 = tpu.memref_squeeze %dma_wait3A_1110 : memref<1x512xi32, #tpu.memory_space<vmem>> -> memref<512xi32, #tpu.memory_space<vmem>>
        %dma_wait3A_1112 = arith.constant 0 : i32
        %dma_wait3A_1113 = tpu.memref_slice %arg3[%dma_wait3A_1112] : memref<327680xi32, #tpu.memory_space<hbm>> -> memref<512xi32, #tpu.memory_space<hbm>>
        tpu.wait_dma2 semaphore(%dma_wait3A_1108 : memref<!tpu.dma_semaphore, #tpu.memory_space<semaphore_mem>>) src(%dma_wait3A_1113 : memref<512xi32, #tpu.memory_space<hbm>>) dst(%dma_wait3A_1111 : memref<512xi32, #tpu.memory_space<vmem>>)
        %dma_wait3A_1114 = arith.constant 0 : i32
        %dma_wait3A_1115 = arith.constant 0 : i32
        %dma_wait3A_1116 = tpu.memref_slice %arg7[%select_n3A_805, %dma_wait3A_1114, %dma_wait3A_1115] : memref<3x4x128xi32, #tpu.memory_space<vmem>> -> memref<1x4x128xi32, #tpu.memory_space<vmem>>
        %dma_wait3A_1117 = tpu.memref_squeeze %dma_wait3A_1116 : memref<1x4x128xi32, #tpu.memory_space<vmem>> -> memref<4x128xi32, #tpu.memory_space<vmem>>
        %dma_wait3A_1118 = arith.constant 0 : i32
        %dma_wait3A_1119 = arith.constant 0 : i32
        %dma_wait3A_1120 = tpu.memref_slice %arg4[%dma_wait3A_1118, %dma_wait3A_1119] : memref<2560x128xi32, #tpu.memory_space<hbm>> -> memref<4x128xi32, #tpu.memory_space<hbm>>
        %dma_wait3A_1121 = tpu.memref_slice %arg12[%select_n3A_805] : memref<3x!tpu.dma_semaphore, #tpu.memory_space<semaphore_mem>> -> memref<1x!tpu.dma_semaphore, #tpu.memory_space<semaphore_mem>>
        %dma_wait3A_1122 = tpu.memref_squeeze %dma_wait3A_1121 : memref<1x!tpu.dma_semaphore, #tpu.memory_space<semaphore_mem>> -> memref<!tpu.dma_semaphore, #tpu.memory_space<semaphore_mem>>
        %dma_wait3A_1123 = arith.constant 0 : i32
        %dma_wait3A_1124 = arith.constant 0 : i32
        %dma_wait3A_1125 = tpu.memref_slice %arg7[%select_n3A_805, %dma_wait3A_1123, %dma_wait3A_1124] : memref<3x4x128xi32, #tpu.memory_space<vmem>> -> memref<1x4x128xi32, #tpu.memory_space<vmem>>
        %dma_wait3A_1126 = tpu.memref_squeeze %dma_wait3A_1125 : memref<1x4x128xi32, #tpu.memory_space<vmem>> -> memref<4x128xi32, #tpu.memory_space<vmem>>
        %dma_wait3A_1127 = arith.constant 0 : i32
        %dma_wait3A_1128 = arith.constant 0 : i32
        %dma_wait3A_1129 = tpu.memref_slice %arg4[%dma_wait3A_1127, %dma_wait3A_1128] : memref<2560x128xi32, #tpu.memory_space<hbm>> -> memref<4x128xi32, #tpu.memory_space<hbm>>
        tpu.wait_dma2 semaphore(%dma_wait3A_1122 : memref<!tpu.dma_semaphore, #tpu.memory_space<semaphore_mem>>) src(%dma_wait3A_1129 : memref<4x128xi32, #tpu.memory_space<hbm>>) dst(%dma_wait3A_1126 : memref<4x128xi32, #tpu.memory_space<vmem>>)
      } else {
      }
      %dma_wait3A_886 = arith.constant 0 : i32
      %dma_wait3A_887 = arith.constant 1 : i32
      %dma_wait3A_888 = arith.constant 1 : i32
      %dma_wait3A_889 = arith.constant 0 : i32
      %dma_wait3A_890 = arith.constant 0 : i32
      %dma_wait3A_891 = tpu.memref_slice %arg8[%dma_wait3A_887, %dma_wait3A_889, %dma_wait3A_890] : memref<4x128x64xf32, #tpu.memory_space<vmem>> -> memref<1x128x64xf32, #tpu.memory_space<vmem>>
      %dma_wait3A_892 = tpu.memref_squeeze %dma_wait3A_891 : memref<1x128x64xf32, #tpu.memory_space<vmem>> -> memref<128x64xf32, #tpu.memory_space<vmem>>
      %dma_wait3A_893 = arith.constant 0 : i32
      %dma_wait3A_894 = tpu.memref_slice %arg6[%dma_wait3A_886, %dma_wait3A_893] : memref<3x512xi32, #tpu.memory_space<vmem>> -> memref<1x512xi32, #tpu.memory_space<vmem>>
      %dma_wait3A_895 = tpu.memref_squeeze %dma_wait3A_894 : memref<1x512xi32, #tpu.memory_space<vmem>> -> memref<512xi32, #tpu.memory_space<vmem>>
      %dma_wait3A_896 = arith.constant 0 : i32
      %dma_wait3A_897 = tpu.memref_slice %dma_wait3A_895[%dma_wait3A_896] : memref<512xi32, #tpu.memory_space<vmem>> -> memref<128xi32, #tpu.memory_space<vmem>>
      %dma_wait3A_898 = arith.constant 0 : i32
      %dma_wait3A_899 = arith.constant 0 : i32
      %dma_wait3A_900 = tpu.memref_slice %arg11[%dma_wait3A_898, %dma_wait3A_899] : memref<10000x64xf32, #tpu.memory_space<vmem_shared>> -> memref<10000x64xf32, #tpu.memory_space<vmem_shared>>
      %dma_wait3A_901 = tpu.memref_slice %arg13[%dma_wait3A_888] : memref<4x!tpu.dma_semaphore, #tpu.memory_space<semaphore_mem>> -> memref<1x!tpu.dma_semaphore, #tpu.memory_space<semaphore_mem>>
      %dma_wait3A_902 = tpu.memref_squeeze %dma_wait3A_901 : memref<1x!tpu.dma_semaphore, #tpu.memory_space<semaphore_mem>> -> memref<!tpu.dma_semaphore, #tpu.memory_space<semaphore_mem>>
      tpu.wait_indirect_dma semaphore(%dma_wait3A_902 : memref<!tpu.dma_semaphore, #tpu.memory_space<semaphore_mem>>) src(%dma_wait3A_900 : memref<10000x64xf32, #tpu.memory_space<vmem_shared>>) dst(%dma_wait3A_892 : memref<128x64xf32, #tpu.memory_space<vmem>>)
      %dma_start3A_903 = arith.constant 1 : i32
      %dma_start3A_904 = arith.constant 1 : i32
      %dma_start3A_905 = arith.constant 1 : i32
      %dma_start3A_906 = arith.constant 0 : i32
      %dma_start3A_907 = arith.constant 0 : i32
      %dma_start3A_908 = tpu.memref_slice %arg8[%dma_start3A_903, %dma_start3A_906, %dma_start3A_907] : memref<4x128x64xf32, #tpu.memory_space<vmem>> -> memref<1x128x64xf32, #tpu.memory_space<vmem>>
      %dma_start3A_909 = tpu.memref_squeeze %dma_start3A_908 : memref<1x128x64xf32, #tpu.memory_space<vmem>> -> memref<128x64xf32, #tpu.memory_space<vmem>>
      %dma_start3A_910 = arith.constant 0 : i32
      %dma_start3A_911 = arith.constant 0 : i32
      %dma_start3A_912 = tpu.memref_slice %arg7[%select_n3A_787, %dma_start3A_910, %dma_start3A_911] : memref<3x4x128xi32, #tpu.memory_space<vmem>> -> memref<1x4x128xi32, #tpu.memory_space<vmem>>
      %dma_start3A_913 = tpu.memref_squeeze %dma_start3A_912 : memref<1x4x128xi32, #tpu.memory_space<vmem>> -> memref<4x128xi32, #tpu.memory_space<vmem>>
      %dma_start3A_914 = arith.constant 0 : i32
      %dma_start3A_915 = tpu.memref_slice %dma_start3A_913[%dma_start3A_904, %dma_start3A_914] : memref<4x128xi32, #tpu.memory_space<vmem>> -> memref<1x128xi32, #tpu.memory_space<vmem>>
      %dma_start3A_916 = tpu.memref_squeeze %dma_start3A_915 : memref<1x128xi32, #tpu.memory_space<vmem>> -> memref<128xi32, #tpu.memory_space<vmem>>
      %dma_start3A_917 = arith.constant 0 : i32
      %dma_start3A_918 = arith.constant 0 : i32
      %dma_start3A_919 = tpu.memref_slice %arg10[%dma_start3A_917, %dma_start3A_918] : memref<10016x64xf32, #tpu.memory_space<vmem_shared>> -> memref<10016x64xf32, #tpu.memory_space<vmem_shared>>
      %dma_start3A_920 = tpu.memref_slice %arg14[%dma_start3A_905] : memref<4x!tpu.dma_semaphore, #tpu.memory_space<semaphore_mem>> -> memref<1x!tpu.dma_semaphore, #tpu.memory_space<semaphore_mem>>
      %dma_start3A_921 = tpu.memref_squeeze %dma_start3A_920 : memref<1x!tpu.dma_semaphore, #tpu.memory_space<semaphore_mem>> -> memref<!tpu.dma_semaphore, #tpu.memory_space<semaphore_mem>>
      tpu.enqueue_indirect_dma source(%dma_start3A_909 : memref<128x64xf32, #tpu.memory_space<vmem>>) target(%dma_start3A_919 : memref<10016x64xf32, #tpu.memory_space<vmem_shared>>) offsets(%dma_start3A_916 : memref<128xi32, #tpu.memory_space<vmem>>) semaphore(%dma_start3A_921 : memref<!tpu.dma_semaphore, #tpu.memory_space<semaphore_mem>>) {add = true}
      %dma_wait3A_922 = arith.constant 0 : i32
      %dma_wait3A_923 = arith.constant 0 : i32
      %dma_wait3A_924 = arith.constant 0 : i32
      %dma_wait3A_925 = arith.constant 0 : i32
      %dma_wait3A_926 = arith.constant 0 : i32
      %dma_wait3A_927 = arith.constant 0 : i32
      %dma_wait3A_928 = tpu.memref_slice %arg8[%dma_wait3A_922, %dma_wait3A_926, %dma_wait3A_927] : memref<4x128x64xf32, #tpu.memory_space<vmem>> -> memref<1x128x64xf32, #tpu.memory_space<vmem>>
      %dma_wait3A_929 = tpu.memref_squeeze %dma_wait3A_928 : memref<1x128x64xf32, #tpu.memory_space<vmem>> -> memref<128x64xf32, #tpu.memory_space<vmem>>
      %dma_wait3A_930 = arith.constant 0 : i32
      %dma_wait3A_931 = arith.constant 0 : i32
      %dma_wait3A_932 = tpu.memref_slice %arg7[%dma_wait3A_923, %dma_wait3A_930, %dma_wait3A_931] : memref<3x4x128xi32, #tpu.memory_space<vmem>> -> memref<1x4x128xi32, #tpu.memory_space<vmem>>
      %dma_wait3A_933 = tpu.memref_squeeze %dma_wait3A_932 : memref<1x4x128xi32, #tpu.memory_space<vmem>> -> memref<4x128xi32, #tpu.memory_space<vmem>>
      %dma_wait3A_934 = arith.constant 0 : i32
      %dma_wait3A_935 = tpu.memref_slice %dma_wait3A_933[%dma_wait3A_924, %dma_wait3A_934] : memref<4x128xi32, #tpu.memory_space<vmem>> -> memref<1x128xi32, #tpu.memory_space<vmem>>
      %dma_wait3A_936 = tpu.memref_squeeze %dma_wait3A_935 : memref<1x128xi32, #tpu.memory_space<vmem>> -> memref<128xi32, #tpu.memory_space<vmem>>
      %dma_wait3A_937 = arith.constant 0 : i32
      %dma_wait3A_938 = arith.constant 0 : i32
      %dma_wait3A_939 = tpu.memref_slice %arg10[%dma_wait3A_937, %dma_wait3A_938] : memref<10016x64xf32, #tpu.memory_space<vmem_shared>> -> memref<10016x64xf32, #tpu.memory_space<vmem_shared>>
      %dma_wait3A_940 = tpu.memref_slice %arg14[%dma_wait3A_925] : memref<4x!tpu.dma_semaphore, #tpu.memory_space<semaphore_mem>> -> memref<1x!tpu.dma_semaphore, #tpu.memory_space<semaphore_mem>>
      %dma_wait3A_941 = tpu.memref_squeeze %dma_wait3A_940 : memref<1x!tpu.dma_semaphore, #tpu.memory_space<semaphore_mem>> -> memref<!tpu.dma_semaphore, #tpu.memory_space<semaphore_mem>>
      tpu.wait_indirect_dma semaphore(%dma_wait3A_941 : memref<!tpu.dma_semaphore, #tpu.memory_space<semaphore_mem>>) src(%dma_wait3A_929 : memref<128x64xf32, #tpu.memory_space<vmem>>) dst(%dma_wait3A_939 : memref<10016x64xf32, #tpu.memory_space<vmem_shared>>)
      %dma_start3A_942 = arith.constant 0 : i32
      %dma_start3A_943 = arith.constant 0 : i32
      %dma_start3A_944 = arith.constant 0 : i32
      %dma_start3A_945 = arith.constant 0 : i32
      %dma_start3A_946 = tpu.memref_slice %arg8[%dma_start3A_942, %dma_start3A_944, %dma_start3A_945] : memref<4x128x64xf32, #tpu.memory_space<vmem>> -> memref<1x128x64xf32, #tpu.memory_space<vmem>>
      %dma_start3A_947 = tpu.memref_squeeze %dma_start3A_946 : memref<1x128x64xf32, #tpu.memory_space<vmem>> -> memref<128x64xf32, #tpu.memory_space<vmem>>
      %dma_start3A_948 = arith.constant 0 : i32
      %dma_start3A_949 = tpu.memref_slice %arg6[%select_n3A_805, %dma_start3A_948] : memref<3x512xi32, #tpu.memory_space<vmem>> -> memref<1x512xi32, #tpu.memory_space<vmem>>
      %dma_start3A_950 = tpu.memref_squeeze %dma_start3A_949 : memref<1x512xi32, #tpu.memory_space<vmem>> -> memref<512xi32, #tpu.memory_space<vmem>>
      %dma_start3A_951 = arith.constant 0 : i32
      %dma_start3A_952 = tpu.memref_slice %dma_start3A_950[%dma_start3A_951] : memref<512xi32, #tpu.memory_space<vmem>> -> memref<128xi32, #tpu.memory_space<vmem>>
      %dma_start3A_953 = arith.constant 0 : i32
      %dma_start3A_954 = arith.constant 0 : i32
      %dma_start3A_955 = tpu.memref_slice %arg11[%dma_start3A_953, %dma_start3A_954] : memref<10000x64xf32, #tpu.memory_space<vmem_shared>> -> memref<10000x64xf32, #tpu.memory_space<vmem_shared>>
      %dma_start3A_956 = tpu.memref_slice %arg13[%dma_start3A_943] : memref<4x!tpu.dma_semaphore, #tpu.memory_space<semaphore_mem>> -> memref<1x!tpu.dma_semaphore, #tpu.memory_space<semaphore_mem>>
      %dma_start3A_957 = tpu.memref_squeeze %dma_start3A_956 : memref<1x!tpu.dma_semaphore, #tpu.memory_space<semaphore_mem>> -> memref<!tpu.dma_semaphore, #tpu.memory_space<semaphore_mem>>
      tpu.enqueue_indirect_dma source(%dma_start3A_955 : memref<10000x64xf32, #tpu.memory_space<vmem_shared>>) target(%dma_start3A_947 : memref<128x64xf32, #tpu.memory_space<vmem>>) offsets(%dma_start3A_952 : memref<128xi32, #tpu.memory_space<vmem>>) semaphore(%dma_start3A_957 : memref<!tpu.dma_semaphore, #tpu.memory_space<semaphore_mem>>)
      %dma_wait3A_958 = arith.constant 0 : i32
      %dma_wait3A_959 = arith.constant 2 : i32
      %dma_wait3A_960 = arith.constant 2 : i32
      %dma_wait3A_961 = arith.constant 0 : i32
      %dma_wait3A_962 = arith.constant 0 : i32
      %dma_wait3A_963 = tpu.memref_slice %arg8[%dma_wait3A_959, %dma_wait3A_961, %dma_wait3A_962] : memref<4x128x64xf32, #tpu.memory_space<vmem>> -> memref<1x128x64xf32, #tpu.memory_space<vmem>>
      %dma_wait3A_964 = tpu.memref_squeeze %dma_wait3A_963 : memref<1x128x64xf32, #tpu.memory_space<vmem>> -> memref<128x64xf32, #tpu.memory_space<vmem>>
      %dma_wait3A_965 = arith.constant 0 : i32
      %dma_wait3A_966 = tpu.memref_slice %arg6[%dma_wait3A_958, %dma_wait3A_965] : memref<3x512xi32, #tpu.memory_space<vmem>> -> memref<1x512xi32, #tpu.memory_space<vmem>>
      %dma_wait3A_967 = tpu.memref_squeeze %dma_wait3A_966 : memref<1x512xi32, #tpu.memory_space<vmem>> -> memref<512xi32, #tpu.memory_space<vmem>>
      %dma_wait3A_968 = arith.constant 0 : i32
      %dma_wait3A_969 = tpu.memref_slice %dma_wait3A_967[%dma_wait3A_968] : memref<512xi32, #tpu.memory_space<vmem>> -> memref<128xi32, #tpu.memory_space<vmem>>
      %dma_wait3A_970 = arith.constant 0 : i32
      %dma_wait3A_971 = arith.constant 0 : i32
      %dma_wait3A_972 = tpu.memref_slice %arg11[%dma_wait3A_970, %dma_wait3A_971] : memref<10000x64xf32, #tpu.memory_space<vmem_shared>> -> memref<10000x64xf32, #tpu.memory_space<vmem_shared>>
      %dma_wait3A_973 = tpu.memref_slice %arg13[%dma_wait3A_960] : memref<4x!tpu.dma_semaphore, #tpu.memory_space<semaphore_mem>> -> memref<1x!tpu.dma_semaphore, #tpu.memory_space<semaphore_mem>>
      %dma_wait3A_974 = tpu.memref_squeeze %dma_wait3A_973 : memref<1x!tpu.dma_semaphore, #tpu.memory_space<semaphore_mem>> -> memref<!tpu.dma_semaphore, #tpu.memory_space<semaphore_mem>>
      tpu.wait_indirect_dma semaphore(%dma_wait3A_974 : memref<!tpu.dma_semaphore, #tpu.memory_space<semaphore_mem>>) src(%dma_wait3A_972 : memref<10000x64xf32, #tpu.memory_space<vmem_shared>>) dst(%dma_wait3A_964 : memref<128x64xf32, #tpu.memory_space<vmem>>)
      %dma_start3A_975 = arith.constant 2 : i32
      %dma_start3A_976 = arith.constant 2 : i32
      %dma_start3A_977 = arith.constant 2 : i32
      %dma_start3A_978 = arith.constant 0 : i32
      %dma_start3A_979 = arith.constant 0 : i32
      %dma_start3A_980 = tpu.memref_slice %arg8[%dma_start3A_975, %dma_start3A_978, %dma_start3A_979] : memref<4x128x64xf32, #tpu.memory_space<vmem>> -> memref<1x128x64xf32, #tpu.memory_space<vmem>>
      %dma_start3A_981 = tpu.memref_squeeze %dma_start3A_980 : memref<1x128x64xf32, #tpu.memory_space<vmem>> -> memref<128x64xf32, #tpu.memory_space<vmem>>
      %dma_start3A_982 = arith.constant 0 : i32
      %dma_start3A_983 = arith.constant 0 : i32
      %dma_start3A_984 = tpu.memref_slice %arg7[%select_n3A_787, %dma_start3A_982, %dma_start3A_983] : memref<3x4x128xi32, #tpu.memory_space<vmem>> -> memref<1x4x128xi32, #tpu.memory_space<vmem>>
      %dma_start3A_985 = tpu.memref_squeeze %dma_start3A_984 : memref<1x4x128xi32, #tpu.memory_space<vmem>> -> memref<4x128xi32, #tpu.memory_space<vmem>>
      %dma_start3A_986 = arith.constant 0 : i32
      %dma_start3A_987 = tpu.memref_slice %dma_start3A_985[%dma_start3A_976, %dma_start3A_986] : memref<4x128xi32, #tpu.memory_space<vmem>> -> memref<1x128xi32, #tpu.memory_space<vmem>>
      %dma_start3A_988 = tpu.memref_squeeze %dma_start3A_987 : memref<1x128xi32, #tpu.memory_space<vmem>> -> memref<128xi32, #tpu.memory_space<vmem>>
      %dma_start3A_989 = arith.constant 0 : i32
      %dma_start3A_990 = arith.constant 0 : i32
      %dma_start3A_991 = tpu.memref_slice %arg10[%dma_start3A_989, %dma_start3A_990] : memref<10016x64xf32, #tpu.memory_space<vmem_shared>> -> memref<10016x64xf32, #tpu.memory_space<vmem_shared>>
      %dma_start3A_992 = tpu.memref_slice %arg14[%dma_start3A_977] : memref<4x!tpu.dma_semaphore, #tpu.memory_space<semaphore_mem>> -> memref<1x!tpu.dma_semaphore, #tpu.memory_space<semaphore_mem>>
      %dma_start3A_993 = tpu.memref_squeeze %dma_start3A_992 : memref<1x!tpu.dma_semaphore, #tpu.memory_space<semaphore_mem>> -> memref<!tpu.dma_semaphore, #tpu.memory_space<semaphore_mem>>
      tpu.enqueue_indirect_dma source(%dma_start3A_981 : memref<128x64xf32, #tpu.memory_space<vmem>>) target(%dma_start3A_991 : memref<10016x64xf32, #tpu.memory_space<vmem_shared>>) offsets(%dma_start3A_988 : memref<128xi32, #tpu.memory_space<vmem>>) semaphore(%dma_start3A_993 : memref<!tpu.dma_semaphore, #tpu.memory_space<semaphore_mem>>) {add = true}
      %dma_wait3A_994 = arith.constant 1 : i32
      %dma_wait3A_995 = arith.constant 0 : i32
      %dma_wait3A_996 = arith.constant 0 : i32
      %dma_wait3A_997 = arith.constant 1 : i32
      %dma_wait3A_998 = arith.constant 0 : i32
      %dma_wait3A_999 = arith.constant 0 : i32
      %dma_wait3A_1000 = tpu.memref_slice %arg8[%dma_wait3A_994, %dma_wait3A_998, %dma_wait3A_999] : memref<4x128x64xf32, #tpu.memory_space<vmem>> -> memref<1x128x64xf32, #tpu.memory_space<vmem>>
      %dma_wait3A_1001 = tpu.memref_squeeze %dma_wait3A_1000 : memref<1x128x64xf32, #tpu.memory_space<vmem>> -> memref<128x64xf32, #tpu.memory_space<vmem>>
      %dma_wait3A_1002 = arith.constant 0 : i32
      %dma_wait3A_1003 = arith.constant 0 : i32
      %dma_wait3A_1004 = tpu.memref_slice %arg7[%dma_wait3A_995, %dma_wait3A_1002, %dma_wait3A_1003] : memref<3x4x128xi32, #tpu.memory_space<vmem>> -> memref<1x4x128xi32, #tpu.memory_space<vmem>>
      %dma_wait3A_1005 = tpu.memref_squeeze %dma_wait3A_1004 : memref<1x4x128xi32, #tpu.memory_space<vmem>> -> memref<4x128xi32, #tpu.memory_space<vmem>>
      %dma_wait3A_1006 = arith.constant 0 : i32
      %dma_wait3A_1007 = tpu.memref_slice %dma_wait3A_1005[%dma_wait3A_996, %dma_wait3A_1006] : memref<4x128xi32, #tpu.memory_space<vmem>> -> memref<1x128xi32, #tpu.memory_space<vmem>>
      %dma_wait3A_1008 = tpu.memref_squeeze %dma_wait3A_1007 : memref<1x128xi32, #tpu.memory_space<vmem>> -> memref<128xi32, #tpu.memory_space<vmem>>
      %dma_wait3A_1009 = arith.constant 0 : i32
      %dma_wait3A_1010 = arith.constant 0 : i32
      %dma_wait3A_1011 = tpu.memref_slice %arg10[%dma_wait3A_1009, %dma_wait3A_1010] : memref<10016x64xf32, #tpu.memory_space<vmem_shared>> -> memref<10016x64xf32, #tpu.memory_space<vmem_shared>>
      %dma_wait3A_1012 = tpu.memref_slice %arg14[%dma_wait3A_997] : memref<4x!tpu.dma_semaphore, #tpu.memory_space<semaphore_mem>> -> memref<1x!tpu.dma_semaphore, #tpu.memory_space<semaphore_mem>>
      %dma_wait3A_1013 = tpu.memref_squeeze %dma_wait3A_1012 : memref<1x!tpu.dma_semaphore, #tpu.memory_space<semaphore_mem>> -> memref<!tpu.dma_semaphore, #tpu.memory_space<semaphore_mem>>
      tpu.wait_indirect_dma semaphore(%dma_wait3A_1013 : memref<!tpu.dma_semaphore, #tpu.memory_space<semaphore_mem>>) src(%dma_wait3A_1001 : memref<128x64xf32, #tpu.memory_space<vmem>>) dst(%dma_wait3A_1011 : memref<10016x64xf32, #tpu.memory_space<vmem_shared>>)
      %dma_start3A_1014 = arith.constant 1 : i32
      %dma_start3A_1015 = arith.constant 1 : i32
      %dma_start3A_1016 = arith.constant 0 : i32
      %dma_start3A_1017 = arith.constant 0 : i32
      %dma_start3A_1018 = tpu.memref_slice %arg8[%dma_start3A_1014, %dma_start3A_1016, %dma_start3A_1017] : memref<4x128x64xf32, #tpu.memory_space<vmem>> -> memref<1x128x64xf32, #tpu.memory_space<vmem>>
      %dma_start3A_1019 = tpu.memref_squeeze %dma_start3A_1018 : memref<1x128x64xf32, #tpu.memory_space<vmem>> -> memref<128x64xf32, #tpu.memory_space<vmem>>
      %dma_start3A_1020 = arith.constant 0 : i32
      %dma_start3A_1021 = tpu.memref_slice %arg6[%select_n3A_805, %dma_start3A_1020] : memref<3x512xi32, #tpu.memory_space<vmem>> -> memref<1x512xi32, #tpu.memory_space<vmem>>
      %dma_start3A_1022 = tpu.memref_squeeze %dma_start3A_1021 : memref<1x512xi32, #tpu.memory_space<vmem>> -> memref<512xi32, #tpu.memory_space<vmem>>
      %dma_start3A_1023 = arith.constant 128 : i32
      %dma_start3A_1024 = tpu.memref_slice %dma_start3A_1022[%dma_start3A_1023] : memref<512xi32, #tpu.memory_space<vmem>> -> memref<128xi32, #tpu.memory_space<vmem>>
      %dma_start3A_1025 = arith.constant 0 : i32
      %dma_start3A_1026 = arith.constant 0 : i32
      %dma_start3A_1027 = tpu.memref_slice %arg11[%dma_start3A_1025, %dma_start3A_1026] : memref<10000x64xf32, #tpu.memory_space<vmem_shared>> -> memref<10000x64xf32, #tpu.memory_space<vmem_shared>>
      %dma_start3A_1028 = tpu.memref_slice %arg13[%dma_start3A_1015] : memref<4x!tpu.dma_semaphore, #tpu.memory_space<semaphore_mem>> -> memref<1x!tpu.dma_semaphore, #tpu.memory_space<semaphore_mem>>
      %dma_start3A_1029 = tpu.memref_squeeze %dma_start3A_1028 : memref<1x!tpu.dma_semaphore, #tpu.memory_space<semaphore_mem>> -> memref<!tpu.dma_semaphore, #tpu.memory_space<semaphore_mem>>
      tpu.enqueue_indirect_dma source(%dma_start3A_1027 : memref<10000x64xf32, #tpu.memory_space<vmem_shared>>) target(%dma_start3A_1019 : memref<128x64xf32, #tpu.memory_space<vmem>>) offsets(%dma_start3A_1024 : memref<128xi32, #tpu.memory_space<vmem>>) semaphore(%dma_start3A_1029 : memref<!tpu.dma_semaphore, #tpu.memory_space<semaphore_mem>>)
      %dma_wait3A_1030 = arith.constant 0 : i32
      %dma_wait3A_1031 = arith.constant 3 : i32
      %dma_wait3A_1032 = arith.constant 3 : i32
      %dma_wait3A_1033 = arith.constant 0 : i32
      %dma_wait3A_1034 = arith.constant 0 : i32
      %dma_wait3A_1035 = tpu.memref_slice %arg8[%dma_wait3A_1031, %dma_wait3A_1033, %dma_wait3A_1034] : memref<4x128x64xf32, #tpu.memory_space<vmem>> -> memref<1x128x64xf32, #tpu.memory_space<vmem>>
      %dma_wait3A_1036 = tpu.memref_squeeze %dma_wait3A_1035 : memref<1x128x64xf32, #tpu.memory_space<vmem>> -> memref<128x64xf32, #tpu.memory_space<vmem>>
      %dma_wait3A_1037 = arith.constant 0 : i32
      %dma_wait3A_1038 = tpu.memref_slice %arg6[%dma_wait3A_1030, %dma_wait3A_1037] : memref<3x512xi32, #tpu.memory_space<vmem>> -> memref<1x512xi32, #tpu.memory_space<vmem>>
      %dma_wait3A_1039 = tpu.memref_squeeze %dma_wait3A_1038 : memref<1x512xi32, #tpu.memory_space<vmem>> -> memref<512xi32, #tpu.memory_space<vmem>>
      %dma_wait3A_1040 = arith.constant 0 : i32
      %dma_wait3A_1041 = tpu.memref_slice %dma_wait3A_1039[%dma_wait3A_1040] : memref<512xi32, #tpu.memory_space<vmem>> -> memref<128xi32, #tpu.memory_space<vmem>>
      %dma_wait3A_1042 = arith.constant 0 : i32
      %dma_wait3A_1043 = arith.constant 0 : i32
      %dma_wait3A_1044 = tpu.memref_slice %arg11[%dma_wait3A_1042, %dma_wait3A_1043] : memref<10000x64xf32, #tpu.memory_space<vmem_shared>> -> memref<10000x64xf32, #tpu.memory_space<vmem_shared>>
      %dma_wait3A_1045 = tpu.memref_slice %arg13[%dma_wait3A_1032] : memref<4x!tpu.dma_semaphore, #tpu.memory_space<semaphore_mem>> -> memref<1x!tpu.dma_semaphore, #tpu.memory_space<semaphore_mem>>
      %dma_wait3A_1046 = tpu.memref_squeeze %dma_wait3A_1045 : memref<1x!tpu.dma_semaphore, #tpu.memory_space<semaphore_mem>> -> memref<!tpu.dma_semaphore, #tpu.memory_space<semaphore_mem>>
      tpu.wait_indirect_dma semaphore(%dma_wait3A_1046 : memref<!tpu.dma_semaphore, #tpu.memory_space<semaphore_mem>>) src(%dma_wait3A_1044 : memref<10000x64xf32, #tpu.memory_space<vmem_shared>>) dst(%dma_wait3A_1036 : memref<128x64xf32, #tpu.memory_space<vmem>>)
      %dma_start3A_1047 = arith.constant 3 : i32
      %dma_start3A_1048 = arith.constant 3 : i32
      %dma_start3A_1049 = arith.constant 3 : i32
      %dma_start3A_1050 = arith.constant 0 : i32
      %dma_start3A_1051 = arith.constant 0 : i32
      %dma_start3A_1052 = tpu.memref_slice %arg8[%dma_start3A_1047, %dma_start3A_1050, %dma_start3A_1051] : memref<4x128x64xf32, #tpu.memory_space<vmem>> -> memref<1x128x64xf32, #tpu.memory_space<vmem>>
      %dma_start3A_1053 = tpu.memref_squeeze %dma_start3A_1052 : memref<1x128x64xf32, #tpu.memory_space<vmem>> -> memref<128x64xf32, #tpu.memory_space<vmem>>
      %dma_start3A_1054 = arith.constant 0 : i32
      %dma_start3A_1055 = arith.constant 0 : i32
      %dma_start3A_1056 = tpu.memref_slice %arg7[%select_n3A_787, %dma_start3A_1054, %dma_start3A_1055] : memref<3x4x128xi32, #tpu.memory_space<vmem>> -> memref<1x4x128xi32, #tpu.memory_space<vmem>>
      %dma_start3A_1057 = tpu.memref_squeeze %dma_start3A_1056 : memref<1x4x128xi32, #tpu.memory_space<vmem>> -> memref<4x128xi32, #tpu.memory_space<vmem>>
      %dma_start3A_1058 = arith.constant 0 : i32
      %dma_start3A_1059 = tpu.memref_slice %dma_start3A_1057[%dma_start3A_1048, %dma_start3A_1058] : memref<4x128xi32, #tpu.memory_space<vmem>> -> memref<1x128xi32, #tpu.memory_space<vmem>>
      %dma_start3A_1060 = tpu.memref_squeeze %dma_start3A_1059 : memref<1x128xi32, #tpu.memory_space<vmem>> -> memref<128xi32, #tpu.memory_space<vmem>>
      %dma_start3A_1061 = arith.constant 0 : i32
      %dma_start3A_1062 = arith.constant 0 : i32
      %dma_start3A_1063 = tpu.memref_slice %arg10[%dma_start3A_1061, %dma_start3A_1062] : memref<10016x64xf32, #tpu.memory_space<vmem_shared>> -> memref<10016x64xf32, #tpu.memory_space<vmem_shared>>
      %dma_start3A_1064 = tpu.memref_slice %arg14[%dma_start3A_1049] : memref<4x!tpu.dma_semaphore, #tpu.memory_space<semaphore_mem>> -> memref<1x!tpu.dma_semaphore, #tpu.memory_space<semaphore_mem>>
      %dma_start3A_1065 = tpu.memref_squeeze %dma_start3A_1064 : memref<1x!tpu.dma_semaphore, #tpu.memory_space<semaphore_mem>> -> memref<!tpu.dma_semaphore, #tpu.memory_space<semaphore_mem>>
      tpu.enqueue_indirect_dma source(%dma_start3A_1053 : memref<128x64xf32, #tpu.memory_space<vmem>>) target(%dma_start3A_1063 : memref<10016x64xf32, #tpu.memory_space<vmem_shared>>) offsets(%dma_start3A_1060 : memref<128xi32, #tpu.memory_space<vmem>>) semaphore(%dma_start3A_1065 : memref<!tpu.dma_semaphore, #tpu.memory_space<semaphore_mem>>) {add = true}
      %dma_wait3A_1066 = arith.constant 2 : i32
      %dma_wait3A_1067 = arith.constant 0 : i32
      %dma_wait3A_1068 = arith.constant 0 : i32
      %dma_wait3A_1069 = arith.constant 2 : i32
      %dma_wait3A_1070 = arith.constant 0 : i32
      %dma_wait3A_1071 = arith.constant 0 : i32
      %dma_wait3A_1072 = tpu.memref_slice %arg8[%dma_wait3A_1066, %dma_wait3A_1070, %dma_wait3A_1071] : memref<4x128x64xf32, #tpu.memory_space<vmem>> -> memref<1x128x64xf32, #tpu.memory_space<vmem>>
      %dma_wait3A_1073 = tpu.memref_squeeze %dma_wait3A_1072 : memref<1x128x64xf32, #tpu.memory_space<vmem>> -> memref<128x64xf32, #tpu.memory_space<vmem>>
      %dma_wait3A_1074 = arith.constant 0 : i32
      %dma_wait3A_1075 = arith.constant 0 : i32
      %dma_wait3A_1076 = tpu.memref_slice %arg7[%dma_wait3A_1067, %dma_wait3A_1074, %dma_wait3A_1075] : memref<3x4x128xi32, #tpu.memory_space<vmem>> -> memref<1x4x128xi32, #tpu.memory_space<vmem>>
      %dma_wait3A_1077 = tpu.memref_squeeze %dma_wait3A_1076 : memref<1x4x128xi32, #tpu.memory_space<vmem>> -> memref<4x128xi32, #tpu.memory_space<vmem>>
      %dma_wait3A_1078 = arith.constant 0 : i32
      %dma_wait3A_1079 = tpu.memref_slice %dma_wait3A_1077[%dma_wait3A_1068, %dma_wait3A_1078] : memref<4x128xi32, #tpu.memory_space<vmem>> -> memref<1x128xi32, #tpu.memory_space<vmem>>
      %dma_wait3A_1080 = tpu.memref_squeeze %dma_wait3A_1079 : memref<1x128xi32, #tpu.memory_space<vmem>> -> memref<128xi32, #tpu.memory_space<vmem>>
      %dma_wait3A_1081 = arith.constant 0 : i32
      %dma_wait3A_1082 = arith.constant 0 : i32
      %dma_wait3A_1083 = tpu.memref_slice %arg10[%dma_wait3A_1081, %dma_wait3A_1082] : memref<10016x64xf32, #tpu.memory_space<vmem_shared>> -> memref<10016x64xf32, #tpu.memory_space<vmem_shared>>
      %dma_wait3A_1084 = tpu.memref_slice %arg14[%dma_wait3A_1069] : memref<4x!tpu.dma_semaphore, #tpu.memory_space<semaphore_mem>> -> memref<1x!tpu.dma_semaphore, #tpu.memory_space<semaphore_mem>>
      %dma_wait3A_1085 = tpu.memref_squeeze %dma_wait3A_1084 : memref<1x!tpu.dma_semaphore, #tpu.memory_space<semaphore_mem>> -> memref<!tpu.dma_semaphore, #tpu.memory_space<semaphore_mem>>
      tpu.wait_indirect_dma semaphore(%dma_wait3A_1085 : memref<!tpu.dma_semaphore, #tpu.memory_space<semaphore_mem>>) src(%dma_wait3A_1073 : memref<128x64xf32, #tpu.memory_space<vmem>>) dst(%dma_wait3A_1083 : memref<10016x64xf32, #tpu.memory_space<vmem_shared>>)
      %dma_start3A_1086 = arith.constant 2 : i32
      %dma_start3A_1087 = arith.constant 2 : i32
      %dma_start3A_1088 = arith.constant 0 : i32
      %dma_start3A_1089 = arith.constant 0 : i32
      %dma_start3A_1090 = tpu.memref_slice %arg8[%dma_start3A_1086, %dma_start3A_1088, %dma_start3A_1089] : memref<4x128x64xf32, #tpu.memory_space<vmem>> -> memref<1x128x64xf32, #tpu.memory_space<vmem>>
      %dma_start3A_1091 = tpu.memref_squeeze %dma_start3A_1090 : memref<1x128x64xf32, #tpu.memory_space<vmem>> -> memref<128x64xf32, #tpu.memory_space<vmem>>
      %dma_start3A_1092 = arith.constant 0 : i32
      %dma_start3A_1093 = tpu.memref_slice %arg6[%select_n3A_805, %dma_start3A_1092] : memref<3x512xi32, #tpu.memory_space<vmem>> -> memref<1x512xi32, #tpu.memory_space<vmem>>
      %dma_start3A_1094 = tpu.memref_squeeze %dma_start3A_1093 : memref<1x512xi32, #tpu.memory_space<vmem>> -> memref<512xi32, #tpu.memory_space<vmem>>
      %dma_start3A_1095 = arith.constant 256 : i32
      %dma_start3A_1096 = tpu.memref_slice %dma_start3A_1094[%dma_start3A_1095] : memref<512xi32, #tpu.memory_space<vmem>> -> memref<128xi32, #tpu.memory_space<vmem>>
      %dma_start3A_1097 = arith.constant 0 : i32
      %dma_start3A_1098 = arith.constant 0 : i32
      %dma_start3A_1099 = tpu.memref_slice %arg11[%dma_start3A_1097, %dma_start3A_1098] : memref<10000x64xf32, #tpu.memory_space<vmem_shared>> -> memref<10000x64xf32, #tpu.memory_space<vmem_shared>>
      %dma_start3A_1100 = tpu.memref_slice %arg13[%dma_start3A_1087] : memref<4x!tpu.dma_semaphore, #tpu.memory_space<semaphore_mem>> -> memref<1x!tpu.dma_semaphore, #tpu.memory_space<semaphore_mem>>
      %dma_start3A_1101 = tpu.memref_squeeze %dma_start3A_1100 : memref<1x!tpu.dma_semaphore, #tpu.memory_space<semaphore_mem>> -> memref<!tpu.dma_semaphore, #tpu.memory_space<semaphore_mem>>
      tpu.enqueue_indirect_dma source(%dma_start3A_1099 : memref<10000x64xf32, #tpu.memory_space<vmem_shared>>) target(%dma_start3A_1091 : memref<128x64xf32, #tpu.memory_space<vmem>>) offsets(%dma_start3A_1096 : memref<128xi32, #tpu.memory_space<vmem>>) semaphore(%dma_start3A_1101 : memref<!tpu.dma_semaphore, #tpu.memory_space<semaphore_mem>>)
    }
    %scan3A_505 = arith.constant 38 : i32
    %dma_wait3A_506 = arith.constant 0 : i32
    %dma_wait3A_507 = arith.constant 0 : i32
    %dma_wait3A_508 = arith.constant 0 : i32
    %dma_wait3A_509 = arith.constant 0 : i32
    %dma_wait3A_510 = arith.constant 0 : i32
    %dma_wait3A_511 = tpu.memref_slice %arg8[%dma_wait3A_507, %dma_wait3A_509, %dma_wait3A_510] : memref<4x128x64xf32, #tpu.memory_space<vmem>> -> memref<1x128x64xf32, #tpu.memory_space<vmem>>
    %dma_wait3A_512 = tpu.memref_squeeze %dma_wait3A_511 : memref<1x128x64xf32, #tpu.memory_space<vmem>> -> memref<128x64xf32, #tpu.memory_space<vmem>>
    %dma_wait3A_513 = arith.constant 0 : i32
    %dma_wait3A_514 = tpu.memref_slice %arg6[%dma_wait3A_506, %dma_wait3A_513] : memref<3x512xi32, #tpu.memory_space<vmem>> -> memref<1x512xi32, #tpu.memory_space<vmem>>
    %dma_wait3A_515 = tpu.memref_squeeze %dma_wait3A_514 : memref<1x512xi32, #tpu.memory_space<vmem>> -> memref<512xi32, #tpu.memory_space<vmem>>
    %dma_wait3A_516 = arith.constant 0 : i32
    %dma_wait3A_517 = tpu.memref_slice %dma_wait3A_515[%dma_wait3A_516] : memref<512xi32, #tpu.memory_space<vmem>> -> memref<128xi32, #tpu.memory_space<vmem>>
    %dma_wait3A_518 = arith.constant 0 : i32
    %dma_wait3A_519 = arith.constant 0 : i32
    %dma_wait3A_520 = tpu.memref_slice %arg11[%dma_wait3A_518, %dma_wait3A_519] : memref<10000x64xf32, #tpu.memory_space<vmem_shared>> -> memref<10000x64xf32, #tpu.memory_space<vmem_shared>>
    %dma_wait3A_521 = tpu.memref_slice %arg13[%dma_wait3A_508] : memref<4x!tpu.dma_semaphore, #tpu.memory_space<semaphore_mem>> -> memref<1x!tpu.dma_semaphore, #tpu.memory_space<semaphore_mem>>
    %dma_wait3A_522 = tpu.memref_squeeze %dma_wait3A_521 : memref<1x!tpu.dma_semaphore, #tpu.memory_space<semaphore_mem>> -> memref<!tpu.dma_semaphore, #tpu.memory_space<semaphore_mem>>
    tpu.wait_indirect_dma semaphore(%dma_wait3A_522 : memref<!tpu.dma_semaphore, #tpu.memory_space<semaphore_mem>>) src(%dma_wait3A_520 : memref<10000x64xf32, #tpu.memory_space<vmem_shared>>) dst(%dma_wait3A_512 : memref<128x64xf32, #tpu.memory_space<vmem>>)
    %dma_start3A_523 = arith.constant 0 : i32
    %dma_start3A_524 = arith.constant 0 : i32
    %dma_start3A_525 = arith.constant 0 : i32
    %dma_start3A_526 = arith.constant 0 : i32
    %dma_start3A_527 = arith.constant 0 : i32
    %dma_start3A_528 = arith.constant 0 : i32
    %dma_start3A_529 = tpu.memref_slice %arg8[%dma_start3A_523, %dma_start3A_527, %dma_start3A_528] : memref<4x128x64xf32, #tpu.memory_space<vmem>> -> memref<1x128x64xf32, #tpu.memory_space<vmem>>
    %dma_start3A_530 = tpu.memref_squeeze %dma_start3A_529 : memref<1x128x64xf32, #tpu.memory_space<vmem>> -> memref<128x64xf32, #tpu.memory_space<vmem>>
    %dma_start3A_531 = arith.constant 0 : i32
    %dma_start3A_532 = arith.constant 0 : i32
    %dma_start3A_533 = tpu.memref_slice %arg7[%dma_start3A_524, %dma_start3A_531, %dma_start3A_532] : memref<3x4x128xi32, #tpu.memory_space<vmem>> -> memref<1x4x128xi32, #tpu.memory_space<vmem>>
    %dma_start3A_534 = tpu.memref_squeeze %dma_start3A_533 : memref<1x4x128xi32, #tpu.memory_space<vmem>> -> memref<4x128xi32, #tpu.memory_space<vmem>>
    %dma_start3A_535 = arith.constant 0 : i32
    %dma_start3A_536 = tpu.memref_slice %dma_start3A_534[%dma_start3A_525, %dma_start3A_535] : memref<4x128xi32, #tpu.memory_space<vmem>> -> memref<1x128xi32, #tpu.memory_space<vmem>>
    %dma_start3A_537 = tpu.memref_squeeze %dma_start3A_536 : memref<1x128xi32, #tpu.memory_space<vmem>> -> memref<128xi32, #tpu.memory_space<vmem>>
    %dma_start3A_538 = arith.constant 0 : i32
    %dma_start3A_539 = arith.constant 0 : i32
    %dma_start3A_540 = tpu.memref_slice %arg10[%dma_start3A_538, %dma_start3A_539] : memref<10016x64xf32, #tpu.memory_space<vmem_shared>> -> memref<10016x64xf32, #tpu.memory_space<vmem_shared>>
    %dma_start3A_541 = tpu.memref_slice %arg14[%dma_start3A_526] : memref<4x!tpu.dma_semaphore, #tpu.memory_space<semaphore_mem>> -> memref<1x!tpu.dma_semaphore, #tpu.memory_space<semaphore_mem>>
    %dma_start3A_542 = tpu.memref_squeeze %dma_start3A_541 : memref<1x!tpu.dma_semaphore, #tpu.memory_space<semaphore_mem>> -> memref<!tpu.dma_semaphore, #tpu.memory_space<semaphore_mem>>
    tpu.enqueue_indirect_dma source(%dma_start3A_530 : memref<128x64xf32, #tpu.memory_space<vmem>>) target(%dma_start3A_540 : memref<10016x64xf32, #tpu.memory_space<vmem_shared>>) offsets(%dma_start3A_537 : memref<128xi32, #tpu.memory_space<vmem>>) semaphore(%dma_start3A_542 : memref<!tpu.dma_semaphore, #tpu.memory_space<semaphore_mem>>) {add = true}
    %dma_wait3A_543 = arith.constant 3 : i32
    %dma_wait3A_544 = arith.constant 0 : i32
    %dma_wait3A_545 = arith.constant 0 : i32
    %dma_wait3A_546 = arith.constant 3 : i32
    %dma_wait3A_547 = arith.constant 0 : i32
    %dma_wait3A_548 = arith.constant 0 : i32
    %dma_wait3A_549 = tpu.memref_slice %arg8[%dma_wait3A_543, %dma_wait3A_547, %dma_wait3A_548] : memref<4x128x64xf32, #tpu.memory_space<vmem>> -> memref<1x128x64xf32, #tpu.memory_space<vmem>>
    %dma_wait3A_550 = tpu.memref_squeeze %dma_wait3A_549 : memref<1x128x64xf32, #tpu.memory_space<vmem>> -> memref<128x64xf32, #tpu.memory_space<vmem>>
    %dma_wait3A_551 = arith.constant 0 : i32
    %dma_wait3A_552 = arith.constant 0 : i32
    %dma_wait3A_553 = tpu.memref_slice %arg7[%dma_wait3A_544, %dma_wait3A_551, %dma_wait3A_552] : memref<3x4x128xi32, #tpu.memory_space<vmem>> -> memref<1x4x128xi32, #tpu.memory_space<vmem>>
    %dma_wait3A_554 = tpu.memref_squeeze %dma_wait3A_553 : memref<1x4x128xi32, #tpu.memory_space<vmem>> -> memref<4x128xi32, #tpu.memory_space<vmem>>
    %dma_wait3A_555 = arith.constant 0 : i32
    %dma_wait3A_556 = tpu.memref_slice %dma_wait3A_554[%dma_wait3A_545, %dma_wait3A_555] : memref<4x128xi32, #tpu.memory_space<vmem>> -> memref<1x128xi32, #tpu.memory_space<vmem>>
    %dma_wait3A_557 = tpu.memref_squeeze %dma_wait3A_556 : memref<1x128xi32, #tpu.memory_space<vmem>> -> memref<128xi32, #tpu.memory_space<vmem>>
    %dma_wait3A_558 = arith.constant 0 : i32
    %dma_wait3A_559 = arith.constant 0 : i32
    %dma_wait3A_560 = tpu.memref_slice %arg10[%dma_wait3A_558, %dma_wait3A_559] : memref<10016x64xf32, #tpu.memory_space<vmem_shared>> -> memref<10016x64xf32, #tpu.memory_space<vmem_shared>>
    %dma_wait3A_561 = tpu.memref_slice %arg14[%dma_wait3A_546] : memref<4x!tpu.dma_semaphore, #tpu.memory_space<semaphore_mem>> -> memref<1x!tpu.dma_semaphore, #tpu.memory_space<semaphore_mem>>
    %dma_wait3A_562 = tpu.memref_squeeze %dma_wait3A_561 : memref<1x!tpu.dma_semaphore, #tpu.memory_space<semaphore_mem>> -> memref<!tpu.dma_semaphore, #tpu.memory_space<semaphore_mem>>
    tpu.wait_indirect_dma semaphore(%dma_wait3A_562 : memref<!tpu.dma_semaphore, #tpu.memory_space<semaphore_mem>>) src(%dma_wait3A_550 : memref<128x64xf32, #tpu.memory_space<vmem>>) dst(%dma_wait3A_560 : memref<10016x64xf32, #tpu.memory_space<vmem_shared>>)
    %dma_start3A_563 = arith.constant 0 : i32
    %dma_start3A_564 = arith.constant 3 : i32
    %dma_start3A_565 = arith.constant 3 : i32
    %dma_start3A_566 = arith.constant 0 : i32
    %dma_start3A_567 = arith.constant 0 : i32
    %dma_start3A_568 = tpu.memref_slice %arg8[%dma_start3A_564, %dma_start3A_566, %dma_start3A_567] : memref<4x128x64xf32, #tpu.memory_space<vmem>> -> memref<1x128x64xf32, #tpu.memory_space<vmem>>
    %dma_start3A_569 = tpu.memref_squeeze %dma_start3A_568 : memref<1x128x64xf32, #tpu.memory_space<vmem>> -> memref<128x64xf32, #tpu.memory_space<vmem>>
    %dma_start3A_570 = arith.constant 0 : i32
    %dma_start3A_571 = tpu.memref_slice %arg6[%dma_start3A_563, %dma_start3A_570] : memref<3x512xi32, #tpu.memory_space<vmem>> -> memref<1x512xi32, #tpu.memory_space<vmem>>
    %dma_start3A_572 = tpu.memref_squeeze %dma_start3A_571 : memref<1x512xi32, #tpu.memory_space<vmem>> -> memref<512xi32, #tpu.memory_space<vmem>>
    %dma_start3A_573 = arith.constant 384 : i32
    %dma_start3A_574 = tpu.memref_slice %dma_start3A_572[%dma_start3A_573] : memref<512xi32, #tpu.memory_space<vmem>> -> memref<128xi32, #tpu.memory_space<vmem>>
    %dma_start3A_575 = arith.constant 0 : i32
    %dma_start3A_576 = arith.constant 0 : i32
    %dma_start3A_577 = tpu.memref_slice %arg11[%dma_start3A_575, %dma_start3A_576] : memref<10000x64xf32, #tpu.memory_space<vmem_shared>> -> memref<10000x64xf32, #tpu.memory_space<vmem_shared>>
    %dma_start3A_578 = tpu.memref_slice %arg13[%dma_start3A_565] : memref<4x!tpu.dma_semaphore, #tpu.memory_space<semaphore_mem>> -> memref<1x!tpu.dma_semaphore, #tpu.memory_space<semaphore_mem>>
    %dma_start3A_579 = tpu.memref_squeeze %dma_start3A_578 : memref<1x!tpu.dma_semaphore, #tpu.memory_space<semaphore_mem>> -> memref<!tpu.dma_semaphore, #tpu.memory_space<semaphore_mem>>
    tpu.enqueue_indirect_dma source(%dma_start3A_577 : memref<10000x64xf32, #tpu.memory_space<vmem_shared>>) target(%dma_start3A_569 : memref<128x64xf32, #tpu.memory_space<vmem>>) offsets(%dma_start3A_574 : memref<128xi32, #tpu.memory_space<vmem>>) semaphore(%dma_start3A_579 : memref<!tpu.dma_semaphore, #tpu.memory_space<semaphore_mem>>)
    %dma_wait3A_580 = arith.constant 0 : i32
    %dma_wait3A_581 = arith.constant 1 : i32
    %dma_wait3A_582 = arith.constant 1 : i32
    %dma_wait3A_583 = arith.constant 0 : i32
    %dma_wait3A_584 = arith.constant 0 : i32
    %dma_wait3A_585 = tpu.memref_slice %arg8[%dma_wait3A_581, %dma_wait3A_583, %dma_wait3A_584] : memref<4x128x64xf32, #tpu.memory_space<vmem>> -> memref<1x128x64xf32, #tpu.memory_space<vmem>>
    %dma_wait3A_586 = tpu.memref_squeeze %dma_wait3A_585 : memref<1x128x64xf32, #tpu.memory_space<vmem>> -> memref<128x64xf32, #tpu.memory_space<vmem>>
    %dma_wait3A_587 = arith.constant 0 : i32
    %dma_wait3A_588 = tpu.memref_slice %arg6[%dma_wait3A_580, %dma_wait3A_587] : memref<3x512xi32, #tpu.memory_space<vmem>> -> memref<1x512xi32, #tpu.memory_space<vmem>>
    %dma_wait3A_589 = tpu.memref_squeeze %dma_wait3A_588 : memref<1x512xi32, #tpu.memory_space<vmem>> -> memref<512xi32, #tpu.memory_space<vmem>>
    %dma_wait3A_590 = arith.constant 0 : i32
    %dma_wait3A_591 = tpu.memref_slice %dma_wait3A_589[%dma_wait3A_590] : memref<512xi32, #tpu.memory_space<vmem>> -> memref<128xi32, #tpu.memory_space<vmem>>
    %dma_wait3A_592 = arith.constant 0 : i32
    %dma_wait3A_593 = arith.constant 0 : i32
    %dma_wait3A_594 = tpu.memref_slice %arg11[%dma_wait3A_592, %dma_wait3A_593] : memref<10000x64xf32, #tpu.memory_space<vmem_shared>> -> memref<10000x64xf32, #tpu.memory_space<vmem_shared>>
    %dma_wait3A_595 = tpu.memref_slice %arg13[%dma_wait3A_582] : memref<4x!tpu.dma_semaphore, #tpu.memory_space<semaphore_mem>> -> memref<1x!tpu.dma_semaphore, #tpu.memory_space<semaphore_mem>>
    %dma_wait3A_596 = tpu.memref_squeeze %dma_wait3A_595 : memref<1x!tpu.dma_semaphore, #tpu.memory_space<semaphore_mem>> -> memref<!tpu.dma_semaphore, #tpu.memory_space<semaphore_mem>>
    tpu.wait_indirect_dma semaphore(%dma_wait3A_596 : memref<!tpu.dma_semaphore, #tpu.memory_space<semaphore_mem>>) src(%dma_wait3A_594 : memref<10000x64xf32, #tpu.memory_space<vmem_shared>>) dst(%dma_wait3A_586 : memref<128x64xf32, #tpu.memory_space<vmem>>)
    %dma_start3A_597 = arith.constant 1 : i32
    %dma_start3A_598 = arith.constant 0 : i32
    %dma_start3A_599 = arith.constant 1 : i32
    %dma_start3A_600 = arith.constant 1 : i32
    %dma_start3A_601 = arith.constant 0 : i32
    %dma_start3A_602 = arith.constant 0 : i32
    %dma_start3A_603 = tpu.memref_slice %arg8[%dma_start3A_597, %dma_start3A_601, %dma_start3A_602] : memref<4x128x64xf32, #tpu.memory_space<vmem>> -> memref<1x128x64xf32, #tpu.memory_space<vmem>>
    %dma_start3A_604 = tpu.memref_squeeze %dma_start3A_603 : memref<1x128x64xf32, #tpu.memory_space<vmem>> -> memref<128x64xf32, #tpu.memory_space<vmem>>
    %dma_start3A_605 = arith.constant 0 : i32
    %dma_start3A_606 = arith.constant 0 : i32
    %dma_start3A_607 = tpu.memref_slice %arg7[%dma_start3A_598, %dma_start3A_605, %dma_start3A_606] : memref<3x4x128xi32, #tpu.memory_space<vmem>> -> memref<1x4x128xi32, #tpu.memory_space<vmem>>
    %dma_start3A_608 = tpu.memref_squeeze %dma_start3A_607 : memref<1x4x128xi32, #tpu.memory_space<vmem>> -> memref<4x128xi32, #tpu.memory_space<vmem>>
    %dma_start3A_609 = arith.constant 0 : i32
    %dma_start3A_610 = tpu.memref_slice %dma_start3A_608[%dma_start3A_599, %dma_start3A_609] : memref<4x128xi32, #tpu.memory_space<vmem>> -> memref<1x128xi32, #tpu.memory_space<vmem>>
    %dma_start3A_611 = tpu.memref_squeeze %dma_start3A_610 : memref<1x128xi32, #tpu.memory_space<vmem>> -> memref<128xi32, #tpu.memory_space<vmem>>
    %dma_start3A_612 = arith.constant 0 : i32
    %dma_start3A_613 = arith.constant 0 : i32
    %dma_start3A_614 = tpu.memref_slice %arg10[%dma_start3A_612, %dma_start3A_613] : memref<10016x64xf32, #tpu.memory_space<vmem_shared>> -> memref<10016x64xf32, #tpu.memory_space<vmem_shared>>
    %dma_start3A_615 = tpu.memref_slice %arg14[%dma_start3A_600] : memref<4x!tpu.dma_semaphore, #tpu.memory_space<semaphore_mem>> -> memref<1x!tpu.dma_semaphore, #tpu.memory_space<semaphore_mem>>
    %dma_start3A_616 = tpu.memref_squeeze %dma_start3A_615 : memref<1x!tpu.dma_semaphore, #tpu.memory_space<semaphore_mem>> -> memref<!tpu.dma_semaphore, #tpu.memory_space<semaphore_mem>>
    tpu.enqueue_indirect_dma source(%dma_start3A_604 : memref<128x64xf32, #tpu.memory_space<vmem>>) target(%dma_start3A_614 : memref<10016x64xf32, #tpu.memory_space<vmem_shared>>) offsets(%dma_start3A_611 : memref<128xi32, #tpu.memory_space<vmem>>) semaphore(%dma_start3A_616 : memref<!tpu.dma_semaphore, #tpu.memory_space<semaphore_mem>>) {add = true}
    %dma_wait3A_617 = arith.constant 0 : i32
    %dma_wait3A_618 = arith.constant 2 : i32
    %dma_wait3A_619 = arith.constant 2 : i32
    %dma_wait3A_620 = arith.constant 0 : i32
    %dma_wait3A_621 = arith.constant 0 : i32
    %dma_wait3A_622 = tpu.memref_slice %arg8[%dma_wait3A_618, %dma_wait3A_620, %dma_wait3A_621] : memref<4x128x64xf32, #tpu.memory_space<vmem>> -> memref<1x128x64xf32, #tpu.memory_space<vmem>>
    %dma_wait3A_623 = tpu.memref_squeeze %dma_wait3A_622 : memref<1x128x64xf32, #tpu.memory_space<vmem>> -> memref<128x64xf32, #tpu.memory_space<vmem>>
    %dma_wait3A_624 = arith.constant 0 : i32
    %dma_wait3A_625 = tpu.memref_slice %arg6[%dma_wait3A_617, %dma_wait3A_624] : memref<3x512xi32, #tpu.memory_space<vmem>> -> memref<1x512xi32, #tpu.memory_space<vmem>>
    %dma_wait3A_626 = tpu.memref_squeeze %dma_wait3A_625 : memref<1x512xi32, #tpu.memory_space<vmem>> -> memref<512xi32, #tpu.memory_space<vmem>>
    %dma_wait3A_627 = arith.constant 0 : i32
    %dma_wait3A_628 = tpu.memref_slice %dma_wait3A_626[%dma_wait3A_627] : memref<512xi32, #tpu.memory_space<vmem>> -> memref<128xi32, #tpu.memory_space<vmem>>
    %dma_wait3A_629 = arith.constant 0 : i32
    %dma_wait3A_630 = arith.constant 0 : i32
    %dma_wait3A_631 = tpu.memref_slice %arg11[%dma_wait3A_629, %dma_wait3A_630] : memref<10000x64xf32, #tpu.memory_space<vmem_shared>> -> memref<10000x64xf32, #tpu.memory_space<vmem_shared>>
    %dma_wait3A_632 = tpu.memref_slice %arg13[%dma_wait3A_619] : memref<4x!tpu.dma_semaphore, #tpu.memory_space<semaphore_mem>> -> memref<1x!tpu.dma_semaphore, #tpu.memory_space<semaphore_mem>>
    %dma_wait3A_633 = tpu.memref_squeeze %dma_wait3A_632 : memref<1x!tpu.dma_semaphore, #tpu.memory_space<semaphore_mem>> -> memref<!tpu.dma_semaphore, #tpu.memory_space<semaphore_mem>>
    tpu.wait_indirect_dma semaphore(%dma_wait3A_633 : memref<!tpu.dma_semaphore, #tpu.memory_space<semaphore_mem>>) src(%dma_wait3A_631 : memref<10000x64xf32, #tpu.memory_space<vmem_shared>>) dst(%dma_wait3A_623 : memref<128x64xf32, #tpu.memory_space<vmem>>)
    %dma_start3A_634 = arith.constant 2 : i32
    %dma_start3A_635 = arith.constant 0 : i32
    %dma_start3A_636 = arith.constant 2 : i32
    %dma_start3A_637 = arith.constant 2 : i32
    %dma_start3A_638 = arith.constant 0 : i32
    %dma_start3A_639 = arith.constant 0 : i32
    %dma_start3A_640 = tpu.memref_slice %arg8[%dma_start3A_634, %dma_start3A_638, %dma_start3A_639] : memref<4x128x64xf32, #tpu.memory_space<vmem>> -> memref<1x128x64xf32, #tpu.memory_space<vmem>>
    %dma_start3A_641 = tpu.memref_squeeze %dma_start3A_640 : memref<1x128x64xf32, #tpu.memory_space<vmem>> -> memref<128x64xf32, #tpu.memory_space<vmem>>
    %dma_start3A_642 = arith.constant 0 : i32
    %dma_start3A_643 = arith.constant 0 : i32
    %dma_start3A_644 = tpu.memref_slice %arg7[%dma_start3A_635, %dma_start3A_642, %dma_start3A_643] : memref<3x4x128xi32, #tpu.memory_space<vmem>> -> memref<1x4x128xi32, #tpu.memory_space<vmem>>
    %dma_start3A_645 = tpu.memref_squeeze %dma_start3A_644 : memref<1x4x128xi32, #tpu.memory_space<vmem>> -> memref<4x128xi32, #tpu.memory_space<vmem>>
    %dma_start3A_646 = arith.constant 0 : i32
    %dma_start3A_647 = tpu.memref_slice %dma_start3A_645[%dma_start3A_636, %dma_start3A_646] : memref<4x128xi32, #tpu.memory_space<vmem>> -> memref<1x128xi32, #tpu.memory_space<vmem>>
    %dma_start3A_648 = tpu.memref_squeeze %dma_start3A_647 : memref<1x128xi32, #tpu.memory_space<vmem>> -> memref<128xi32, #tpu.memory_space<vmem>>
    %dma_start3A_649 = arith.constant 0 : i32
    %dma_start3A_650 = arith.constant 0 : i32
    %dma_start3A_651 = tpu.memref_slice %arg10[%dma_start3A_649, %dma_start3A_650] : memref<10016x64xf32, #tpu.memory_space<vmem_shared>> -> memref<10016x64xf32, #tpu.memory_space<vmem_shared>>
    %dma_start3A_652 = tpu.memref_slice %arg14[%dma_start3A_637] : memref<4x!tpu.dma_semaphore, #tpu.memory_space<semaphore_mem>> -> memref<1x!tpu.dma_semaphore, #tpu.memory_space<semaphore_mem>>
    %dma_start3A_653 = tpu.memref_squeeze %dma_start3A_652 : memref<1x!tpu.dma_semaphore, #tpu.memory_space<semaphore_mem>> -> memref<!tpu.dma_semaphore, #tpu.memory_space<semaphore_mem>>
    tpu.enqueue_indirect_dma source(%dma_start3A_641 : memref<128x64xf32, #tpu.memory_space<vmem>>) target(%dma_start3A_651 : memref<10016x64xf32, #tpu.memory_space<vmem_shared>>) offsets(%dma_start3A_648 : memref<128xi32, #tpu.memory_space<vmem>>) semaphore(%dma_start3A_653 : memref<!tpu.dma_semaphore, #tpu.memory_space<semaphore_mem>>) {add = true}
    %dma_wait3A_654 = arith.constant 0 : i32
    %dma_wait3A_655 = arith.constant 3 : i32
    %dma_wait3A_656 = arith.constant 3 : i32
    %dma_wait3A_657 = arith.constant 0 : i32
    %dma_wait3A_658 = arith.constant 0 : i32
    %dma_wait3A_659 = tpu.memref_slice %arg8[%dma_wait3A_655, %dma_wait3A_657, %dma_wait3A_658] : memref<4x128x64xf32, #tpu.memory_space<vmem>> -> memref<1x128x64xf32, #tpu.memory_space<vmem>>
    %dma_wait3A_660 = tpu.memref_squeeze %dma_wait3A_659 : memref<1x128x64xf32, #tpu.memory_space<vmem>> -> memref<128x64xf32, #tpu.memory_space<vmem>>
    %dma_wait3A_661 = arith.constant 0 : i32
    %dma_wait3A_662 = tpu.memref_slice %arg6[%dma_wait3A_654, %dma_wait3A_661] : memref<3x512xi32, #tpu.memory_space<vmem>> -> memref<1x512xi32, #tpu.memory_space<vmem>>
    %dma_wait3A_663 = tpu.memref_squeeze %dma_wait3A_662 : memref<1x512xi32, #tpu.memory_space<vmem>> -> memref<512xi32, #tpu.memory_space<vmem>>
    %dma_wait3A_664 = arith.constant 0 : i32
    %dma_wait3A_665 = tpu.memref_slice %dma_wait3A_663[%dma_wait3A_664] : memref<512xi32, #tpu.memory_space<vmem>> -> memref<128xi32, #tpu.memory_space<vmem>>
    %dma_wait3A_666 = arith.constant 0 : i32
    %dma_wait3A_667 = arith.constant 0 : i32
    %dma_wait3A_668 = tpu.memref_slice %arg11[%dma_wait3A_666, %dma_wait3A_667] : memref<10000x64xf32, #tpu.memory_space<vmem_shared>> -> memref<10000x64xf32, #tpu.memory_space<vmem_shared>>
    %dma_wait3A_669 = tpu.memref_slice %arg13[%dma_wait3A_656] : memref<4x!tpu.dma_semaphore, #tpu.memory_space<semaphore_mem>> -> memref<1x!tpu.dma_semaphore, #tpu.memory_space<semaphore_mem>>
    %dma_wait3A_670 = tpu.memref_squeeze %dma_wait3A_669 : memref<1x!tpu.dma_semaphore, #tpu.memory_space<semaphore_mem>> -> memref<!tpu.dma_semaphore, #tpu.memory_space<semaphore_mem>>
    tpu.wait_indirect_dma semaphore(%dma_wait3A_670 : memref<!tpu.dma_semaphore, #tpu.memory_space<semaphore_mem>>) src(%dma_wait3A_668 : memref<10000x64xf32, #tpu.memory_space<vmem_shared>>) dst(%dma_wait3A_660 : memref<128x64xf32, #tpu.memory_space<vmem>>)
    %dma_start3A_671 = arith.constant 3 : i32
    %dma_start3A_672 = arith.constant 0 : i32
    %dma_start3A_673 = arith.constant 3 : i32
    %dma_start3A_674 = arith.constant 3 : i32
    %dma_start3A_675 = arith.constant 0 : i32
    %dma_start3A_676 = arith.constant 0 : i32
    %dma_start3A_677 = tpu.memref_slice %arg8[%dma_start3A_671, %dma_start3A_675, %dma_start3A_676] : memref<4x128x64xf32, #tpu.memory_space<vmem>> -> memref<1x128x64xf32, #tpu.memory_space<vmem>>
    %dma_start3A_678 = tpu.memref_squeeze %dma_start3A_677 : memref<1x128x64xf32, #tpu.memory_space<vmem>> -> memref<128x64xf32, #tpu.memory_space<vmem>>
    %dma_start3A_679 = arith.constant 0 : i32
    %dma_start3A_680 = arith.constant 0 : i32
    %dma_start3A_681 = tpu.memref_slice %arg7[%dma_start3A_672, %dma_start3A_679, %dma_start3A_680] : memref<3x4x128xi32, #tpu.memory_space<vmem>> -> memref<1x4x128xi32, #tpu.memory_space<vmem>>
    %dma_start3A_682 = tpu.memref_squeeze %dma_start3A_681 : memref<1x4x128xi32, #tpu.memory_space<vmem>> -> memref<4x128xi32, #tpu.memory_space<vmem>>
    %dma_start3A_683 = arith.constant 0 : i32
    %dma_start3A_684 = tpu.memref_slice %dma_start3A_682[%dma_start3A_673, %dma_start3A_683] : memref<4x128xi32, #tpu.memory_space<vmem>> -> memref<1x128xi32, #tpu.memory_space<vmem>>
    %dma_start3A_685 = tpu.memref_squeeze %dma_start3A_684 : memref<1x128xi32, #tpu.memory_space<vmem>> -> memref<128xi32, #tpu.memory_space<vmem>>
    %dma_start3A_686 = arith.constant 0 : i32
    %dma_start3A_687 = arith.constant 0 : i32
    %dma_start3A_688 = tpu.memref_slice %arg10[%dma_start3A_686, %dma_start3A_687] : memref<10016x64xf32, #tpu.memory_space<vmem_shared>> -> memref<10016x64xf32, #tpu.memory_space<vmem_shared>>
    %dma_start3A_689 = tpu.memref_slice %arg14[%dma_start3A_674] : memref<4x!tpu.dma_semaphore, #tpu.memory_space<semaphore_mem>> -> memref<1x!tpu.dma_semaphore, #tpu.memory_space<semaphore_mem>>
    %dma_start3A_690 = tpu.memref_squeeze %dma_start3A_689 : memref<1x!tpu.dma_semaphore, #tpu.memory_space<semaphore_mem>> -> memref<!tpu.dma_semaphore, #tpu.memory_space<semaphore_mem>>
    tpu.enqueue_indirect_dma source(%dma_start3A_678 : memref<128x64xf32, #tpu.memory_space<vmem>>) target(%dma_start3A_688 : memref<10016x64xf32, #tpu.memory_space<vmem_shared>>) offsets(%dma_start3A_685 : memref<128xi32, #tpu.memory_space<vmem>>) semaphore(%dma_start3A_690 : memref<!tpu.dma_semaphore, #tpu.memory_space<semaphore_mem>>) {add = true}
    %dma_wait3A_691 = arith.constant 0 : i32
    %dma_wait3A_692 = arith.constant 0 : i32
    %dma_wait3A_693 = arith.constant 0 : i32
    %dma_wait3A_694 = arith.constant 0 : i32
    %dma_wait3A_695 = arith.constant 0 : i32
    %dma_wait3A_696 = arith.constant 0 : i32
    %dma_wait3A_697 = tpu.memref_slice %arg8[%dma_wait3A_691, %dma_wait3A_695, %dma_wait3A_696] : memref<4x128x64xf32, #tpu.memory_space<vmem>> -> memref<1x128x64xf32, #tpu.memory_space<vmem>>
    %dma_wait3A_698 = tpu.memref_squeeze %dma_wait3A_697 : memref<1x128x64xf32, #tpu.memory_space<vmem>> -> memref<128x64xf32, #tpu.memory_space<vmem>>
    %dma_wait3A_699 = arith.constant 0 : i32
    %dma_wait3A_700 = arith.constant 0 : i32
    %dma_wait3A_701 = tpu.memref_slice %arg7[%dma_wait3A_692, %dma_wait3A_699, %dma_wait3A_700] : memref<3x4x128xi32, #tpu.memory_space<vmem>> -> memref<1x4x128xi32, #tpu.memory_space<vmem>>
    %dma_wait3A_702 = tpu.memref_squeeze %dma_wait3A_701 : memref<1x4x128xi32, #tpu.memory_space<vmem>> -> memref<4x128xi32, #tpu.memory_space<vmem>>
    %dma_wait3A_703 = arith.constant 0 : i32
    %dma_wait3A_704 = tpu.memref_slice %dma_wait3A_702[%dma_wait3A_693, %dma_wait3A_703] : memref<4x128xi32, #tpu.memory_space<vmem>> -> memref<1x128xi32, #tpu.memory_space<vmem>>
    %dma_wait3A_705 = tpu.memref_squeeze %dma_wait3A_704 : memref<1x128xi32, #tpu.memory_space<vmem>> -> memref<128xi32, #tpu.memory_space<vmem>>
    %dma_wait3A_706 = arith.constant 0 : i32
    %dma_wait3A_707 = arith.constant 0 : i32
    %dma_wait3A_708 = tpu.memref_slice %arg10[%dma_wait3A_706, %dma_wait3A_707] : memref<10016x64xf32, #tpu.memory_space<vmem_shared>> -> memref<10016x64xf32, #tpu.memory_space<vmem_shared>>
    %dma_wait3A_709 = tpu.memref_slice %arg14[%dma_wait3A_694] : memref<4x!tpu.dma_semaphore, #tpu.memory_space<semaphore_mem>> -> memref<1x!tpu.dma_semaphore, #tpu.memory_space<semaphore_mem>>
    %dma_wait3A_710 = tpu.memref_squeeze %dma_wait3A_709 : memref<1x!tpu.dma_semaphore, #tpu.memory_space<semaphore_mem>> -> memref<!tpu.dma_semaphore, #tpu.memory_space<semaphore_mem>>
    tpu.wait_indirect_dma semaphore(%dma_wait3A_710 : memref<!tpu.dma_semaphore, #tpu.memory_space<semaphore_mem>>) src(%dma_wait3A_698 : memref<128x64xf32, #tpu.memory_space<vmem>>) dst(%dma_wait3A_708 : memref<10016x64xf32, #tpu.memory_space<vmem_shared>>)
    %dma_wait3A_711 = arith.constant 1 : i32
    %dma_wait3A_712 = arith.constant 0 : i32
    %dma_wait3A_713 = arith.constant 0 : i32
    %dma_wait3A_714 = arith.constant 1 : i32
    %dma_wait3A_715 = arith.constant 0 : i32
    %dma_wait3A_716 = arith.constant 0 : i32
    %dma_wait3A_717 = tpu.memref_slice %arg8[%dma_wait3A_711, %dma_wait3A_715, %dma_wait3A_716] : memref<4x128x64xf32, #tpu.memory_space<vmem>> -> memref<1x128x64xf32, #tpu.memory_space<vmem>>
    %dma_wait3A_718 = tpu.memref_squeeze %dma_wait3A_717 : memref<1x128x64xf32, #tpu.memory_space<vmem>> -> memref<128x64xf32, #tpu.memory_space<vmem>>
    %dma_wait3A_719 = arith.constant 0 : i32
    %dma_wait3A_720 = arith.constant 0 : i32
    %dma_wait3A_721 = tpu.memref_slice %arg7[%dma_wait3A_712, %dma_wait3A_719, %dma_wait3A_720] : memref<3x4x128xi32, #tpu.memory_space<vmem>> -> memref<1x4x128xi32, #tpu.memory_space<vmem>>
    %dma_wait3A_722 = tpu.memref_squeeze %dma_wait3A_721 : memref<1x4x128xi32, #tpu.memory_space<vmem>> -> memref<4x128xi32, #tpu.memory_space<vmem>>
    %dma_wait3A_723 = arith.constant 0 : i32
    %dma_wait3A_724 = tpu.memref_slice %dma_wait3A_722[%dma_wait3A_713, %dma_wait3A_723] : memref<4x128xi32, #tpu.memory_space<vmem>> -> memref<1x128xi32, #tpu.memory_space<vmem>>
    %dma_wait3A_725 = tpu.memref_squeeze %dma_wait3A_724 : memref<1x128xi32, #tpu.memory_space<vmem>> -> memref<128xi32, #tpu.memory_space<vmem>>
    %dma_wait3A_726 = arith.constant 0 : i32
    %dma_wait3A_727 = arith.constant 0 : i32
    %dma_wait3A_728 = tpu.memref_slice %arg10[%dma_wait3A_726, %dma_wait3A_727] : memref<10016x64xf32, #tpu.memory_space<vmem_shared>> -> memref<10016x64xf32, #tpu.memory_space<vmem_shared>>
    %dma_wait3A_729 = tpu.memref_slice %arg14[%dma_wait3A_714] : memref<4x!tpu.dma_semaphore, #tpu.memory_space<semaphore_mem>> -> memref<1x!tpu.dma_semaphore, #tpu.memory_space<semaphore_mem>>
    %dma_wait3A_730 = tpu.memref_squeeze %dma_wait3A_729 : memref<1x!tpu.dma_semaphore, #tpu.memory_space<semaphore_mem>> -> memref<!tpu.dma_semaphore, #tpu.memory_space<semaphore_mem>>
    tpu.wait_indirect_dma semaphore(%dma_wait3A_730 : memref<!tpu.dma_semaphore, #tpu.memory_space<semaphore_mem>>) src(%dma_wait3A_718 : memref<128x64xf32, #tpu.memory_space<vmem>>) dst(%dma_wait3A_728 : memref<10016x64xf32, #tpu.memory_space<vmem_shared>>)
    %dma_wait3A_731 = arith.constant 2 : i32
    %dma_wait3A_732 = arith.constant 0 : i32
    %dma_wait3A_733 = arith.constant 0 : i32
    %dma_wait3A_734 = arith.constant 2 : i32
    %dma_wait3A_735 = arith.constant 0 : i32
    %dma_wait3A_736 = arith.constant 0 : i32
    %dma_wait3A_737 = tpu.memref_slice %arg8[%dma_wait3A_731, %dma_wait3A_735, %dma_wait3A_736] : memref<4x128x64xf32, #tpu.memory_space<vmem>> -> memref<1x128x64xf32, #tpu.memory_space<vmem>>
    %dma_wait3A_738 = tpu.memref_squeeze %dma_wait3A_737 : memref<1x128x64xf32, #tpu.memory_space<vmem>> -> memref<128x64xf32, #tpu.memory_space<vmem>>
    %dma_wait3A_739 = arith.constant 0 : i32
    %dma_wait3A_740 = arith.constant 0 : i32
    %dma_wait3A_741 = tpu.memref_slice %arg7[%dma_wait3A_732, %dma_wait3A_739, %dma_wait3A_740] : memref<3x4x128xi32, #tpu.memory_space<vmem>> -> memref<1x4x128xi32, #tpu.memory_space<vmem>>
    %dma_wait3A_742 = tpu.memref_squeeze %dma_wait3A_741 : memref<1x4x128xi32, #tpu.memory_space<vmem>> -> memref<4x128xi32, #tpu.memory_space<vmem>>
    %dma_wait3A_743 = arith.constant 0 : i32
    %dma_wait3A_744 = tpu.memref_slice %dma_wait3A_742[%dma_wait3A_733, %dma_wait3A_743] : memref<4x128xi32, #tpu.memory_space<vmem>> -> memref<1x128xi32, #tpu.memory_space<vmem>>
    %dma_wait3A_745 = tpu.memref_squeeze %dma_wait3A_744 : memref<1x128xi32, #tpu.memory_space<vmem>> -> memref<128xi32, #tpu.memory_space<vmem>>
    %dma_wait3A_746 = arith.constant 0 : i32
    %dma_wait3A_747 = arith.constant 0 : i32
    %dma_wait3A_748 = tpu.memref_slice %arg10[%dma_wait3A_746, %dma_wait3A_747] : memref<10016x64xf32, #tpu.memory_space<vmem_shared>> -> memref<10016x64xf32, #tpu.memory_space<vmem_shared>>
    %dma_wait3A_749 = tpu.memref_slice %arg14[%dma_wait3A_734] : memref<4x!tpu.dma_semaphore, #tpu.memory_space<semaphore_mem>> -> memref<1x!tpu.dma_semaphore, #tpu.memory_space<semaphore_mem>>
    %dma_wait3A_750 = tpu.memref_squeeze %dma_wait3A_749 : memref<1x!tpu.dma_semaphore, #tpu.memory_space<semaphore_mem>> -> memref<!tpu.dma_semaphore, #tpu.memory_space<semaphore_mem>>
    tpu.wait_indirect_dma semaphore(%dma_wait3A_750 : memref<!tpu.dma_semaphore, #tpu.memory_space<semaphore_mem>>) src(%dma_wait3A_738 : memref<128x64xf32, #tpu.memory_space<vmem>>) dst(%dma_wait3A_748 : memref<10016x64xf32, #tpu.memory_space<vmem_shared>>)
    %dma_wait3A_751 = arith.constant 3 : i32
    %dma_wait3A_752 = arith.constant 0 : i32
    %dma_wait3A_753 = arith.constant 0 : i32
    %dma_wait3A_754 = arith.constant 3 : i32
    %dma_wait3A_755 = arith.constant 0 : i32
    %dma_wait3A_756 = arith.constant 0 : i32
    %dma_wait3A_757 = tpu.memref_slice %arg8[%dma_wait3A_751, %dma_wait3A_755, %dma_wait3A_756] : memref<4x128x64xf32, #tpu.memory_space<vmem>> -> memref<1x128x64xf32, #tpu.memory_space<vmem>>
    %dma_wait3A_758 = tpu.memref_squeeze %dma_wait3A_757 : memref<1x128x64xf32, #tpu.memory_space<vmem>> -> memref<128x64xf32, #tpu.memory_space<vmem>>
    %dma_wait3A_759 = arith.constant 0 : i32
    %dma_wait3A_760 = arith.constant 0 : i32
    %dma_wait3A_761 = tpu.memref_slice %arg7[%dma_wait3A_752, %dma_wait3A_759, %dma_wait3A_760] : memref<3x4x128xi32, #tpu.memory_space<vmem>> -> memref<1x4x128xi32, #tpu.memory_space<vmem>>
    %dma_wait3A_762 = tpu.memref_squeeze %dma_wait3A_761 : memref<1x4x128xi32, #tpu.memory_space<vmem>> -> memref<4x128xi32, #tpu.memory_space<vmem>>
    %dma_wait3A_763 = arith.constant 0 : i32
    %dma_wait3A_764 = tpu.memref_slice %dma_wait3A_762[%dma_wait3A_753, %dma_wait3A_763] : memref<4x128xi32, #tpu.memory_space<vmem>> -> memref<1x128xi32, #tpu.memory_space<vmem>>
    %dma_wait3A_765 = tpu.memref_squeeze %dma_wait3A_764 : memref<1x128xi32, #tpu.memory_space<vmem>> -> memref<128xi32, #tpu.memory_space<vmem>>
    %dma_wait3A_766 = arith.constant 0 : i32
    %dma_wait3A_767 = arith.constant 0 : i32
    %dma_wait3A_768 = tpu.memref_slice %arg10[%dma_wait3A_766, %dma_wait3A_767] : memref<10016x64xf32, #tpu.memory_space<vmem_shared>> -> memref<10016x64xf32, #tpu.memory_space<vmem_shared>>
    %dma_wait3A_769 = tpu.memref_slice %arg14[%dma_wait3A_754] : memref<4x!tpu.dma_semaphore, #tpu.memory_space<semaphore_mem>> -> memref<1x!tpu.dma_semaphore, #tpu.memory_space<semaphore_mem>>
    %dma_wait3A_770 = tpu.memref_squeeze %dma_wait3A_769 : memref<1x!tpu.dma_semaphore, #tpu.memory_space<semaphore_mem>> -> memref<!tpu.dma_semaphore, #tpu.memory_space<semaphore_mem>>
    tpu.wait_indirect_dma semaphore(%dma_wait3A_770 : memref<!tpu.dma_semaphore, #tpu.memory_space<semaphore_mem>>) src(%dma_wait3A_758 : memref<128x64xf32, #tpu.memory_space<vmem>>) dst(%dma_wait3A_768 : memref<10016x64xf32, #tpu.memory_space<vmem_shared>>)
    %barrier3A_771 = arith.constant 0 : index
    tpu.barrier barrier_id(%barrier3A_771)
    %scan3A_772 = arith.constant 0 : i32
    %scan3A_773 = arith.constant 0 : i32
    %scan3A_774 = arith.constant 7 : i32
    %scan3A_775 = arith.addi %scan3A_773, %scan3A_774 : i32
    %scan3A_776 = arith.constant 1 : i32
    scf.for %scan3A_778 = %scan3A_773 to %scan3A_775 step %scan3A_776  : i32 {
      %mul3A_779 = arith.constant 16 : i32
      %mul3A_780 = arith.muli %mul3A_779, %scan3A_778 : i32
      %add3A_781 = arith.addi %arg1, %mul3A_780 : i32
      %lt3A = arith.constant 100 : i32
      %lt3A_782 = arith.cmpi slt, %add3A_781, %lt3A : i32
      %convert_element_type3A = arith.extui %lt3A_782 : i1 to i32
      %cond3A = arith.constant 0 : i32
      %cond3A_783 = arith.cmpi ne, %convert_element_type3A, %cond3A : i32
      scf.if %cond3A_783 {
        %mul3A_784 = arith.constant 100 : i32
        %mul3A_785 = arith.muli %add3A_781, %mul3A_784 : i32
        "tpu.region"() ({
          %run_scoped3A = tpu.sem_alloc : memref<!tpu.dma_semaphore, #tpu.memory_space<semaphore_mem>>
          %dma_start3A_789 = arith.constant 0 : i32
          %dma_start3A_790 = tpu.memref_slice %arg10[%mul3A_785, %dma_start3A_789] : memref<10016x64xf32, #tpu.memory_space<vmem_shared>> -> memref<100x64xf32, #tpu.memory_space<vmem_shared>>
          %dma_start3A_791 = arith.constant 0 : i32
          %dma_start3A_792 = tpu.memref_slice %arg10[%mul3A_785, %dma_start3A_791] : memref<10016x64xf32, #tpu.memory_space<vmem_shared>> -> memref<100x64xf32, #tpu.memory_space<vmem_shared>>
          tpu.enqueue_dma source(%dma_start3A_792 : memref<100x64xf32, #tpu.memory_space<vmem_shared>>) target(%arg9 : memref<100x64xf32, #tpu.memory_space<vmem>>) target_semaphore(%run_scoped3A : memref<!tpu.dma_semaphore, #tpu.memory_space<semaphore_mem>>)
          %dma_wait3A_793 = arith.constant 0 : i32
          %dma_wait3A_794 = tpu.memref_slice %arg10[%mul3A_785, %dma_wait3A_793] : memref<10016x64xf32, #tpu.memory_space<vmem_shared>> -> memref<100x64xf32, #tpu.memory_space<vmem_shared>>
          %dma_wait3A_795 = arith.constant 0 : i32
          %dma_wait3A_796 = tpu.memref_slice %arg10[%mul3A_785, %dma_wait3A_795] : memref<10016x64xf32, #tpu.memory_space<vmem_shared>> -> memref<100x64xf32, #tpu.memory_space<vmem_shared>>
          tpu.wait_dma2 semaphore(%run_scoped3A : memref<!tpu.dma_semaphore, #tpu.memory_space<semaphore_mem>>) src(%dma_wait3A_796 : memref<100x64xf32, #tpu.memory_space<vmem_shared>>) dst(%arg9 : memref<100x64xf32, #tpu.memory_space<vmem>>)
          tpu.yield
        }) : () -> ()
        %mul3A_786 = arith.constant 10000 : i32
        %mul3A_787 = arith.muli %arg0, %mul3A_786 : i32
        %add3A_788 = arith.addi %mul3A_787, %mul3A_785 : i32
        "tpu.region"() ({
          %run_scoped3A = tpu.sem_alloc : memref<!tpu.dma_semaphore, #tpu.memory_space<semaphore_mem>>
          %dma_start3A_789 = arith.constant 0 : i32
          %dma_start3A_790 = tpu.memref_slice %arg5[%add3A_788, %dma_start3A_789] : memref<20000x64xf32, #tpu.memory_space<hbm>> -> memref<100x64xf32, #tpu.memory_space<hbm>>
          %dma_start3A_791 = arith.constant 0 : i32
          %dma_start3A_792 = tpu.memref_slice %arg5[%add3A_788, %dma_start3A_791] : memref<20000x64xf32, #tpu.memory_space<hbm>> -> memref<100x64xf32, #tpu.memory_space<hbm>>
          tpu.enqueue_dma source(%arg9 : memref<100x64xf32, #tpu.memory_space<vmem>>) target(%dma_start3A_792 : memref<100x64xf32, #tpu.memory_space<hbm>>) target_semaphore(%run_scoped3A : memref<!tpu.dma_semaphore, #tpu.memory_space<semaphore_mem>>)
          %dma_wait3A_793 = arith.constant 0 : i32
          %dma_wait3A_794 = tpu.memref_slice %arg5[%add3A_788, %dma_wait3A_793] : memref<20000x64xf32, #tpu.memory_space<hbm>> -> memref<100x64xf32, #tpu.memory_space<hbm>>
          %dma_wait3A_795 = arith.constant 0 : i32
          %dma_wait3A_796 = tpu.memref_slice %arg5[%add3A_788, %dma_wait3A_795] : memref<20000x64xf32, #tpu.memory_space<hbm>> -> memref<100x64xf32, #tpu.memory_space<hbm>>
          tpu.wait_dma2 semaphore(%run_scoped3A : memref<!tpu.dma_semaphore, #tpu.memory_space<semaphore_mem>>) src(%arg9 : memref<100x64xf32, #tpu.memory_space<vmem>>) dst(%dma_wait3A_796 : memref<100x64xf32, #tpu.memory_space<hbm>>)
          tpu.yield
        }) : () -> ()
      } else {
      }
    }
    %scan3A_777 = arith.constant 7 : i32
    return
  }
}

module attributes {stable_mosaic.version = 14 : i64} {
  func.func @_layer_body(%arg0: i32, %arg1: i32, %arg2: memref<2x1000x64xf32, #tpu.memory_space<vmem>>, %arg3: memref<128x128xf32, #tpu.memory_space<vmem>>, %arg4: memref<1x128xf32, #tpu.memory_space<vmem>>, %arg5: memref<1x128xf32, #tpu.memory_space<vmem>>, %arg6: memref<1x128xf32, #tpu.memory_space<vmem>>, %arg7: memref<128x128xf32, #tpu.memory_space<vmem>>, %arg8: memref<1x128xf32, #tpu.memory_space<vmem>>, %arg9: memref<1x128xf32, #tpu.memory_space<vmem>>, %arg10: memref<1x128xf32, #tpu.memory_space<vmem>>, %arg11: memref<1x1x1000xi32, #tpu.memory_space<vmem>>, %arg12: memref<1000x128xf32, #tpu.memory_space<vmem>>, %arg13: memref<2x1000x64xf32, #tpu.memory_space<vmem>>, %arg14: memref<64x128xf32, #tpu.memory_space<vmem>>, %arg15: memref<10000x128xf32, #tpu.memory_space<vmem>>, %arg16: memref<10000x128xf32, #tpu.memory_space<vmem>>, %arg17: memref<2x128xf32, #tpu.memory_space<vmem>>, %arg18: memref<2x128xf32, #tpu.memory_space<vmem>>) attributes {dimension_semantics = [#tpu.dimension_semantics<arbitrary>, #tpu.dimension_semantics<arbitrary>], iteration_bounds = array<i64: 3, 10>, scalar_prefetch = 0 : i64, scratch_operands = 4 : i64, tpu.core_type = #tpu.core_type<tc>, window_params = [{transform_indices = @transform_0, window_bounds = array<i64: 2, 1000, 64>}, {pipeline_mode = #tpu.pipeline_mode<synchronous>, transform_indices = @transform_1, window_bounds = array<i64: 128, 128>}, {pipeline_mode = #tpu.pipeline_mode<synchronous>, transform_indices = @transform_2, window_bounds = array<i64: 1, 128>}, {pipeline_mode = #tpu.pipeline_mode<synchronous>, transform_indices = @transform_3, window_bounds = array<i64: 1, 128>}, {pipeline_mode = #tpu.pipeline_mode<synchronous>, transform_indices = @transform_4, window_bounds = array<i64: 1, 128>}, {pipeline_mode = #tpu.pipeline_mode<synchronous>, transform_indices = @transform_5, window_bounds = array<i64: 128, 128>}, {pipeline_mode = #tpu.pipeline_mode<synchronous>, transform_indices = @transform_6, window_bounds = array<i64: 1, 128>}, {pipeline_mode = #tpu.pipeline_mode<synchronous>, transform_indices = @transform_7, window_bounds = array<i64: 1, 128>}, {pipeline_mode = #tpu.pipeline_mode<synchronous>, transform_indices = @transform_8, window_bounds = array<i64: 1, 128>}, {transform_indices = @transform_9, window_bounds = array<i64: 1, 1, 1000>}, {transform_indices = @transform_10, window_bounds = array<i64: 1000, 128>}, {transform_indices = @transform_11, window_bounds = array<i64: 2, 1000, 64>}, {pipeline_mode = #tpu.pipeline_mode<synchronous>, transform_indices = @transform_12, window_bounds = array<i64: 64, 128>}]} {
    %mul3A = arith.constant 1000 : i32
    %mul3A_0 = arith.muli %arg1, %mul3A : i32
    %eq3A = arith.constant 0 : i32
    %eq3A_1 = arith.cmpi eq, %arg0, %eq3A : i32
    %eq3A_2 = arith.constant 0 : i32
    %eq3A_3 = arith.cmpi eq, %arg1, %eq3A_2 : i32
    %and3A = arith.andi %eq3A_1, %eq3A_3 : i1
    %convert_element_type3A = arith.extui %and3A : i1 to i32
    %cond3A = arith.constant 0 : i32
    %cond3A_4 = arith.cmpi ne, %convert_element_type3A, %cond3A : i32
    scf.if %cond3A_4 {
      %broadcast_in_dim3A = arith.constant 0.000000e+00 : f32
      %broadcast_in_dim3A_20 = vector.broadcast %broadcast_in_dim3A : f32 to vector<2x128xf32>
      %swap3A = arith.constant 0 : index
      %swap3A_21 = arith.constant 0 : index
      %swap3A_22 = vector.load %arg17[%swap3A, %swap3A_21] : memref<2x128xf32, #tpu.memory_space<vmem>>, vector<2x128xf32>
      tpu.vector_store %arg17[%swap3A, %swap3A_21], %broadcast_in_dim3A_20 {strides = array<i32>} : memref<2x128xf32, #tpu.memory_space<vmem>>, vector<2x128xf32>,
      %broadcast_in_dim3A_23 = arith.constant 0.000000e+00 : f32
      %broadcast_in_dim3A_24 = vector.broadcast %broadcast_in_dim3A_23 : f32 to vector<2x128xf32>
      %swap3A_25 = arith.constant 0 : index
      %swap3A_26 = arith.constant 0 : index
      %swap3A_27 = vector.load %arg18[%swap3A_25, %swap3A_26] : memref<2x128xf32, #tpu.memory_space<vmem>>, vector<2x128xf32>
      tpu.vector_store %arg18[%swap3A_25, %swap3A_26], %broadcast_in_dim3A_24 {strides = array<i32>} : memref<2x128xf32, #tpu.memory_space<vmem>>, vector<2x128xf32>,
      %broadcast_in_dim3A_28 = arith.constant 0.000000e+00 : f32
      %broadcast_in_dim3A_29 = vector.broadcast %broadcast_in_dim3A_28 : f32 to vector<64x128xf32>
      %swap3A_30 = arith.constant 0 : index
      %swap3A_31 = arith.constant 0 : index
      %swap3A_32 = vector.load %arg14[%swap3A_30, %swap3A_31] : memref<64x128xf32, #tpu.memory_space<vmem>>, vector<64x128xf32>
      tpu.vector_store %arg14[%swap3A_30, %swap3A_31], %broadcast_in_dim3A_29 {strides = array<i32>} : memref<64x128xf32, #tpu.memory_space<vmem>>, vector<64x128xf32>,
    } else {
    }
    %eq3A_5 = arith.constant 0 : i32
    %eq3A_6 = arith.cmpi eq, %arg0, %eq3A_5 : i32
    %convert_element_type3A_7 = arith.extui %eq3A_6 : i1 to i32
    %cond3A_8 = arith.constant 0 : i32
    %cond3A_9 = arith.cmpi ne, %convert_element_type3A_7, %cond3A_8 : i32
    scf.if %cond3A_9 {
      %get3A = arith.constant 0 : index
      %get3A_20 = arith.constant 0 : index
      %get3A_21 = arith.constant 0 : index
      %get3A_22 = vector.load %arg2[%get3A, %get3A_20, %get3A_21] : memref<2x1000x64xf32, #tpu.memory_space<vmem>>, vector<1x1000x64xf32>
      %get3A_23 = vector.shape_cast %get3A_22 : vector<1x1000x64xf32> to vector<1000x64xf32>
      %get3A_24 = arith.constant 1 : index
      %get3A_25 = arith.constant 0 : index
      %get3A_26 = arith.constant 0 : index
      %get3A_27 = vector.load %arg2[%get3A_24, %get3A_25, %get3A_26] : memref<2x1000x64xf32, #tpu.memory_space<vmem>>, vector<1x1000x64xf32>
      %get3A_28 = vector.shape_cast %get3A_27 : vector<1x1000x64xf32> to vector<1000x64xf32>
      %concatenate3A = tpu.concatenate %get3A_23, %get3A_28 in 1 : vector<1000x64xf32>, vector<1000x64xf32> -> vector<1000x128xf32>
      %get3A_29 = arith.constant 0 : index
      %get3A_30 = arith.constant 0 : index
      %get3A_31 = vector.load %arg3[%get3A_29, %get3A_30] : memref<128x128xf32, #tpu.memory_space<vmem>>, vector<128x128xf32>
      %dot_general3A = arith.constant dense<0.000000e+00> : vector<1000x128xf32>
      %dot_general3A_32 = tpu.matmul %concatenate3A, %get3A_31, %dot_general3A {dimension_numbers = #tpu.dot_dimension_numbers<[1], [1], [0], [0], [0, 0, 1, 0], [], []>, transpose_lhs_hint = false} : vector<1000x128xf32>, vector<128x128xf32>, vector<1000x128xf32> -> vector<1000x128xf32>
      %get3A_33 = arith.constant 0 : index
      %get3A_34 = arith.constant 0 : index
      %get3A_35 = vector.load %arg4[%get3A_33, %get3A_34] : memref<1x128xf32, #tpu.memory_space<vmem>>, vector<1x128xf32>
      %add3A = vector.broadcast %get3A_35 : vector<1x128xf32> to vector<1000x128xf32>
      %add3A_36 = arith.addf %dot_general3A_32, %add3A : vector<1000x128xf32>
      %swap3A = arith.index_cast %mul3A_0 : i32 to index
      %swap3A_37 = arith.constant 0 : index
      %swap3A_38 = vector.load %arg15[%swap3A, %swap3A_37] : memref<10000x128xf32, #tpu.memory_space<vmem>>, vector<1000x128xf32>
      tpu.vector_store %arg15[%swap3A, %swap3A_37], %add3A_36 {strides = array<i32>} : memref<10000x128xf32, #tpu.memory_space<vmem>>, vector<1000x128xf32>,
      %get3A_39 = arith.constant 0 : index
      %get3A_40 = arith.constant 0 : index
      %get3A_41 = vector.load %arg17[%get3A_39, %get3A_40] : memref<2x128xf32, #tpu.memory_space<vmem>>, vector<2x128xf32>
      %reduce_sum3A = arith.constant dense<0.000000e+00> : vector<128xf32>
      %reduce_sum3A_42 = vector.multi_reduction <add>, %add3A_36, %reduce_sum3A [0] : vector<1000x128xf32> to vector<128xf32>
      %broadcast_in_dim3A = vector.shape_cast %reduce_sum3A_42 : vector<128xf32> to vector<1x128xf32>
      %mul3A_43 = arith.mulf %add3A_36, %add3A_36 : vector<1000x128xf32>
      %reduce_sum3A_44 = arith.constant dense<0.000000e+00> : vector<128xf32>
      %reduce_sum3A_45 = vector.multi_reduction <add>, %mul3A_43, %reduce_sum3A_44 [0] : vector<1000x128xf32> to vector<128xf32>
      %broadcast_in_dim3A_46 = vector.shape_cast %reduce_sum3A_45 : vector<128xf32> to vector<1x128xf32>
      %concatenate3A_47 = tpu.concatenate %broadcast_in_dim3A, %broadcast_in_dim3A_46 in 0 : vector<1x128xf32>, vector<1x128xf32> -> vector<2x128xf32>
      %add3A_48 = arith.addf %get3A_41, %concatenate3A_47 : vector<2x128xf32>
      %swap3A_49 = arith.constant 0 : index
      %swap3A_50 = arith.constant 0 : index
      %swap3A_51 = vector.load %arg17[%swap3A_49, %swap3A_50] : memref<2x128xf32, #tpu.memory_space<vmem>>, vector<2x128xf32>
      tpu.vector_store %arg17[%swap3A_49, %swap3A_50], %add3A_48 {strides = array<i32>} : memref<2x128xf32, #tpu.memory_space<vmem>>, vector<2x128xf32>,
    } else {
    }
    %eq3A_10 = arith.constant 1 : i32
    %eq3A_11 = arith.cmpi eq, %arg0, %eq3A_10 : i32
    %convert_element_type3A_12 = arith.extui %eq3A_11 : i1 to i32
    %cond3A_13 = arith.constant 0 : i32
    %cond3A_14 = arith.cmpi ne, %convert_element_type3A_12, %cond3A_13 : i32
    scf.if %cond3A_14 {
      %get3A = arith.constant 0 : index
      %get3A_20 = arith.constant 0 : index
      %get3A_21 = vector.load %arg17[%get3A, %get3A_20] : memref<2x128xf32, #tpu.memory_space<vmem>>, vector<2x128xf32>
      %slice3A = vector.extract_strided_slice %get3A_21 {offsets = [0, 0], sizes = [1, 128], strides = [1, 1]} : vector<2x128xf32> to vector<1x128xf32>
      %mul3A_22 = arith.constant 9.99999974E-5 : f32
      %mul3A_23 = vector.broadcast %mul3A_22 : f32 to vector<1x128xf32>
      %mul3A_24 = arith.mulf %slice3A, %mul3A_23 : vector<1x128xf32>
      %slice3A_25 = vector.extract_strided_slice %get3A_21 {offsets = [1, 0], sizes = [1, 128], strides = [1, 1]} : vector<2x128xf32> to vector<1x128xf32>
      %mul3A_26 = arith.constant 9.99999974E-5 : f32
      %mul3A_27 = vector.broadcast %mul3A_26 : f32 to vector<1x128xf32>
      %mul3A_28 = arith.mulf %slice3A_25, %mul3A_27 : vector<1x128xf32>
      %mul3A_29 = arith.mulf %mul3A_24, %mul3A_24 : vector<1x128xf32>
      %sub3A = arith.subf %mul3A_28, %mul3A_29 : vector<1x128xf32>
      %add3A = arith.constant 9.99999974E-6 : f32
      %add3A_30 = vector.broadcast %add3A : f32 to vector<1x128xf32>
      %add3A_31 = arith.addf %sub3A, %add3A_30 : vector<1x128xf32>
      %rsqrt3A = math.rsqrt %add3A_31 : vector<1x128xf32>
      %get3A_32 = arith.constant 0 : index
      %get3A_33 = arith.constant 0 : index
      %get3A_34 = vector.load %arg5[%get3A_32, %get3A_33] : memref<1x128xf32, #tpu.memory_space<vmem>>, vector<1x128xf32>
      %mul3A_35 = arith.mulf %get3A_34, %rsqrt3A : vector<1x128xf32>
      %get3A_36 = arith.constant 0 : index
      %get3A_37 = arith.constant 0 : index
      %get3A_38 = vector.load %arg6[%get3A_36, %get3A_37] : memref<1x128xf32, #tpu.memory_space<vmem>>, vector<1x128xf32>
      %mul3A_39 = arith.mulf %mul3A_24, %mul3A_35 : vector<1x128xf32>
      %sub3A_40 = arith.subf %get3A_38, %mul3A_39 : vector<1x128xf32>
      %get3A_41 = arith.index_cast %mul3A_0 : i32 to index
      %get3A_42 = arith.constant 0 : index
      %get3A_43 = vector.load %arg15[%get3A_41, %get3A_42] : memref<10000x128xf32, #tpu.memory_space<vmem>>, vector<1000x128xf32>
      %mul3A_44 = vector.broadcast %mul3A_35 : vector<1x128xf32> to vector<1000x128xf32>
      %mul3A_45 = arith.mulf %get3A_43, %mul3A_44 : vector<1000x128xf32>
      %add3A_46 = vector.broadcast %sub3A_40 : vector<1x128xf32> to vector<1000x128xf32>
      %add3A_47 = arith.addf %mul3A_45, %add3A_46 : vector<1000x128xf32>
      %max3A = arith.constant 0.000000e+00 : f32
      %max3A_48 = vector.broadcast %max3A : f32 to vector<1000x128xf32>
      %max3A_49 = arith.maximumf %add3A_47, %max3A_48 : vector<1000x128xf32>
      %get3A_50 = arith.constant 0 : index
      %get3A_51 = arith.constant 0 : index
      %get3A_52 = vector.load %arg7[%get3A_50, %get3A_51] : memref<128x128xf32, #tpu.memory_space<vmem>>, vector<128x128xf32>
      %dot_general3A = arith.constant dense<0.000000e+00> : vector<1000x128xf32>
      %dot_general3A_53 = tpu.matmul %max3A_49, %get3A_52, %dot_general3A {dimension_numbers = #tpu.dot_dimension_numbers<[1], [1], [0], [0], [0, 0, 1, 0], [], []>, transpose_lhs_hint = false} : vector<1000x128xf32>, vector<128x128xf32>, vector<1000x128xf32> -> vector<1000x128xf32>
      %get3A_54 = arith.constant 0 : index
      %get3A_55 = arith.constant 0 : index
      %get3A_56 = vector.load %arg8[%get3A_54, %get3A_55] : memref<1x128xf32, #tpu.memory_space<vmem>>, vector<1x128xf32>
      %add3A_57 = vector.broadcast %get3A_56 : vector<1x128xf32> to vector<1000x128xf32>
      %add3A_58 = arith.addf %dot_general3A_53, %add3A_57 : vector<1000x128xf32>
      %max3A_59 = arith.constant 0.000000e+00 : f32
      %max3A_60 = vector.broadcast %max3A_59 : f32 to vector<1000x128xf32>
      %max3A_61 = arith.maximumf %add3A_58, %max3A_60 : vector<1000x128xf32>
      %swap3A = arith.index_cast %mul3A_0 : i32 to index
      %swap3A_62 = arith.constant 0 : index
      %swap3A_63 = vector.load %arg16[%swap3A, %swap3A_62] : memref<10000x128xf32, #tpu.memory_space<vmem>>, vector<1000x128xf32>
      tpu.vector_store %arg16[%swap3A, %swap3A_62], %max3A_61 {strides = array<i32>} : memref<10000x128xf32, #tpu.memory_space<vmem>>, vector<1000x128xf32>,
      %get3A_64 = arith.constant 0 : index
      %get3A_65 = arith.constant 0 : index
      %get3A_66 = vector.load %arg18[%get3A_64, %get3A_65] : memref<2x128xf32, #tpu.memory_space<vmem>>, vector<2x128xf32>
      %reduce_sum3A = arith.constant dense<0.000000e+00> : vector<128xf32>
      %reduce_sum3A_67 = vector.multi_reduction <add>, %max3A_61, %reduce_sum3A [0] : vector<1000x128xf32> to vector<128xf32>
      %broadcast_in_dim3A = vector.shape_cast %reduce_sum3A_67 : vector<128xf32> to vector<1x128xf32>
      %mul3A_68 = arith.mulf %max3A_61, %max3A_61 : vector<1000x128xf32>
      %reduce_sum3A_69 = arith.constant dense<0.000000e+00> : vector<128xf32>
      %reduce_sum3A_70 = vector.multi_reduction <add>, %mul3A_68, %reduce_sum3A_69 [0] : vector<1000x128xf32> to vector<128xf32>
      %broadcast_in_dim3A_71 = vector.shape_cast %reduce_sum3A_70 : vector<128xf32> to vector<1x128xf32>
      %concatenate3A = tpu.concatenate %broadcast_in_dim3A, %broadcast_in_dim3A_71 in 0 : vector<1x128xf32>, vector<1x128xf32> -> vector<2x128xf32>
      %add3A_72 = arith.addf %get3A_66, %concatenate3A : vector<2x128xf32>
      %swap3A_73 = arith.constant 0 : index
      %swap3A_74 = arith.constant 0 : index
      %swap3A_75 = vector.load %arg18[%swap3A_73, %swap3A_74] : memref<2x128xf32, #tpu.memory_space<vmem>>, vector<2x128xf32>
      tpu.vector_store %arg18[%swap3A_73, %swap3A_74], %add3A_72 {strides = array<i32>} : memref<2x128xf32, #tpu.memory_space<vmem>>, vector<2x128xf32>,
    } else {
    }
    %eq3A_15 = arith.constant 2 : i32
    %eq3A_16 = arith.cmpi eq, %arg0, %eq3A_15 : i32
    %convert_element_type3A_17 = arith.extui %eq3A_16 : i1 to i32
    %cond3A_18 = arith.constant 0 : i32
    %cond3A_19 = arith.cmpi ne, %convert_element_type3A_17, %cond3A_18 : i32
    scf.if %cond3A_19 {
      %get3A = arith.constant 0 : index
      %get3A_20 = arith.constant 0 : index
      %get3A_21 = vector.load %arg18[%get3A, %get3A_20] : memref<2x128xf32, #tpu.memory_space<vmem>>, vector<2x128xf32>
      %slice3A = vector.extract_strided_slice %get3A_21 {offsets = [0, 0], sizes = [1, 128], strides = [1, 1]} : vector<2x128xf32> to vector<1x128xf32>
      %mul3A_22 = arith.constant 9.99999974E-5 : f32
      %mul3A_23 = vector.broadcast %mul3A_22 : f32 to vector<1x128xf32>
      %mul3A_24 = arith.mulf %slice3A, %mul3A_23 : vector<1x128xf32>
      %slice3A_25 = vector.extract_strided_slice %get3A_21 {offsets = [1, 0], sizes = [1, 128], strides = [1, 1]} : vector<2x128xf32> to vector<1x128xf32>
      %mul3A_26 = arith.constant 9.99999974E-5 : f32
      %mul3A_27 = vector.broadcast %mul3A_26 : f32 to vector<1x128xf32>
      %mul3A_28 = arith.mulf %slice3A_25, %mul3A_27 : vector<1x128xf32>
      %mul3A_29 = arith.mulf %mul3A_24, %mul3A_24 : vector<1x128xf32>
      %sub3A = arith.subf %mul3A_28, %mul3A_29 : vector<1x128xf32>
      %add3A = arith.constant 9.99999974E-6 : f32
      %add3A_30 = vector.broadcast %add3A : f32 to vector<1x128xf32>
      %add3A_31 = arith.addf %sub3A, %add3A_30 : vector<1x128xf32>
      %rsqrt3A = math.rsqrt %add3A_31 : vector<1x128xf32>
      %get3A_32 = arith.constant 0 : index
      %get3A_33 = arith.constant 0 : index
      %get3A_34 = vector.load %arg9[%get3A_32, %get3A_33] : memref<1x128xf32, #tpu.memory_space<vmem>>, vector<1x128xf32>
      %mul3A_35 = arith.mulf %get3A_34, %rsqrt3A : vector<1x128xf32>
      %get3A_36 = arith.constant 0 : index
      %get3A_37 = arith.constant 0 : index
      %get3A_38 = vector.load %arg10[%get3A_36, %get3A_37] : memref<1x128xf32, #tpu.memory_space<vmem>>, vector<1x128xf32>
      %mul3A_39 = arith.mulf %mul3A_24, %mul3A_35 : vector<1x128xf32>
      %sub3A_40 = arith.subf %get3A_38, %mul3A_39 : vector<1x128xf32>
      %get3A_41 = arith.index_cast %mul3A_0 : i32 to index
      %get3A_42 = arith.constant 0 : index
      %get3A_43 = vector.load %arg16[%get3A_41, %get3A_42] : memref<10000x128xf32, #tpu.memory_space<vmem>>, vector<1000x128xf32>
      %mul3A_44 = vector.broadcast %mul3A_35 : vector<1x128xf32> to vector<1000x128xf32>
      %mul3A_45 = arith.mulf %get3A_43, %mul3A_44 : vector<1000x128xf32>
      %add3A_46 = vector.broadcast %sub3A_40 : vector<1x128xf32> to vector<1000x128xf32>
      %add3A_47 = arith.addf %mul3A_45, %add3A_46 : vector<1000x128xf32>
      %swap3A = arith.constant 0 : index
      %swap3A_48 = arith.constant 0 : index
      %swap3A_49 = vector.load %arg12[%swap3A, %swap3A_48] : memref<1000x128xf32, #tpu.memory_space<vmem>>, vector<1000x128xf32>
      tpu.vector_store %arg12[%swap3A, %swap3A_48], %add3A_47 {strides = array<i32>} : memref<1000x128xf32, #tpu.memory_space<vmem>>, vector<1000x128xf32>,
      %slice3A_50 = vector.extract_strided_slice %add3A_47 {offsets = [0, 0], sizes = [1000, 64], strides = [1, 1]} : vector<1000x128xf32> to vector<1000x64xf32>
      %swap3A_51 = arith.constant 0 : index
      %swap3A_52 = arith.constant 0 : index
      %swap3A_53 = arith.constant 0 : index
      %swap3A_54 = vector.load %arg13[%swap3A_51, %swap3A_52, %swap3A_53] : memref<2x1000x64xf32, #tpu.memory_space<vmem>>, vector<1x1000x64xf32>
      %swap3A_55 = vector.shape_cast %swap3A_54 : vector<1x1000x64xf32> to vector<1000x64xf32>
      %swap3A_56 = vector.shape_cast %slice3A_50 : vector<1000x64xf32> to vector<1x1000x64xf32>
      tpu.vector_store %arg13[%swap3A_51, %swap3A_52, %swap3A_53], %swap3A_56 {strides = array<i32>} : memref<2x1000x64xf32, #tpu.memory_space<vmem>>, vector<1x1000x64xf32>,
      %slice3A_57 = vector.extract_strided_slice %add3A_47 {offsets = [0, 64], sizes = [1000, 64], strides = [1, 1]} : vector<1000x128xf32> to vector<1000x64xf32>
      %swap3A_58 = arith.constant 1 : index
      %swap3A_59 = arith.constant 0 : index
      %swap3A_60 = arith.constant 0 : index
      %swap3A_61 = vector.load %arg13[%swap3A_58, %swap3A_59, %swap3A_60] : memref<2x1000x64xf32, #tpu.memory_space<vmem>>, vector<1x1000x64xf32>
      %swap3A_62 = vector.shape_cast %swap3A_61 : vector<1x1000x64xf32> to vector<1000x64xf32>
      %swap3A_63 = vector.shape_cast %slice3A_57 : vector<1000x64xf32> to vector<1x1000x64xf32>
      tpu.vector_store %arg13[%swap3A_58, %swap3A_59, %swap3A_60], %swap3A_63 {strides = array<i32>} : memref<2x1000x64xf32, #tpu.memory_space<vmem>>, vector<1x1000x64xf32>,
      %get3A_64 = arith.constant 0 : index
      %get3A_65 = arith.constant 0 : index
      %get3A_66 = arith.constant 0 : index
      %get3A_67 = vector.load %arg11[%get3A_64, %get3A_65, %get3A_66] : memref<1x1x1000xi32, #tpu.memory_space<vmem>>, vector<1x1x1000xi32>
      %get3A_68 = vector.shape_cast %get3A_67 : vector<1x1x1000xi32> to vector<1x1000xi32>
      %iota3A = tpu.iota {dimensions = array<i32: 0>} : vector<64x1000xi32>
      %eq3A_69 = vector.broadcast %get3A_68 : vector<1x1000xi32> to vector<64x1000xi32>
      %eq3A_70 = arith.cmpi eq, %iota3A, %eq3A_69 : vector<64x1000xi32>
      %convert_element_type3A_71 = arith.extui %eq3A_70 : vector<64x1000xi1> to vector<64x1000xi32>
      %convert_element_type3A_72 = arith.sitofp %convert_element_type3A_71 : vector<64x1000xi32> to vector<64x1000xf32>
      %get3A_73 = arith.constant 0 : index
      %get3A_74 = arith.constant 0 : index
      %get3A_75 = vector.load %arg14[%get3A_73, %get3A_74] : memref<64x128xf32, #tpu.memory_space<vmem>>, vector<64x128xf32>
      %dot_general3A = arith.constant dense<0.000000e+00> : vector<64x128xf32>
      %dot_general3A_76 = tpu.matmul %convert_element_type3A_72, %add3A_47, %dot_general3A {dimension_numbers = #tpu.dot_dimension_numbers<[1], [0], [0], [1], [0, 0, 1, 1], [], []>, transpose_lhs_hint = false} : vector<64x1000xf32>, vector<1000x128xf32>, vector<64x128xf32> -> vector<64x128xf32>
      %add3A_77 = arith.addf %get3A_75, %dot_general3A_76 : vector<64x128xf32>
      %swap3A_78 = arith.constant 0 : index
      %swap3A_79 = arith.constant 0 : index
      %swap3A_80 = vector.load %arg14[%swap3A_78, %swap3A_79] : memref<64x128xf32, #tpu.memory_space<vmem>>, vector<64x128xf32>
      tpu.vector_store %arg14[%swap3A_78, %swap3A_79], %add3A_77 {strides = array<i32>} : memref<64x128xf32, #tpu.memory_space<vmem>>, vector<64x128xf32>,
    } else {
    }
    return
  }
  func.func @transform_0(%arg0: i32, %arg1: i32) -> (i32, i32, i32) {
    %eq3A = arith.constant 0 : i32
    %eq3A_0 = arith.cmpi eq, %arg0, %eq3A : i32
    %convert_element_type3A = arith.extui %eq3A_0 : i1 to i32
    %mul3A = arith.muli %arg1, %convert_element_type3A : i32
    %c0_i32 = arith.constant 0 : i32
    %c0_i32_1 = arith.constant 0 : i32
    %c0_i32_2 = arith.constant 0 : i32
    return %c0_i32, %mul3A, %c0_i32_1 : i32, i32, i32
  }
  func.func @transform_1(%arg0: i32, %arg1: i32) -> (i32, i32) {
    %c0_i32 = arith.constant 0 : i32
    %c0_i32_0 = arith.constant 0 : i32
    %c0_i32_1 = arith.constant 0 : i32
    return %c0_i32, %c0_i32_0 : i32, i32
  }
  func.func @transform_2(%arg0: i32, %arg1: i32) -> (i32, i32) {
    %c0_i32 = arith.constant 0 : i32
    %c0_i32_0 = arith.constant 0 : i32
    %c0_i32_1 = arith.constant 0 : i32
    return %c0_i32, %c0_i32_0 : i32, i32
  }
  func.func @transform_3(%arg0: i32, %arg1: i32) -> (i32, i32) {
    %c0_i32 = arith.constant 0 : i32
    %c0_i32_0 = arith.constant 0 : i32
    %c0_i32_1 = arith.constant 0 : i32
    return %c0_i32, %c0_i32_0 : i32, i32
  }
  func.func @transform_4(%arg0: i32, %arg1: i32) -> (i32, i32) {
    %c0_i32 = arith.constant 0 : i32
    %c0_i32_0 = arith.constant 0 : i32
    %c0_i32_1 = arith.constant 0 : i32
    return %c0_i32, %c0_i32_0 : i32, i32
  }
  func.func @transform_5(%arg0: i32, %arg1: i32) -> (i32, i32) {
    %c0_i32 = arith.constant 0 : i32
    %c0_i32_0 = arith.constant 0 : i32
    %c0_i32_1 = arith.constant 0 : i32
    return %c0_i32, %c0_i32_0 : i32, i32
  }
  func.func @transform_6(%arg0: i32, %arg1: i32) -> (i32, i32) {
    %c0_i32 = arith.constant 0 : i32
    %c0_i32_0 = arith.constant 0 : i32
    %c0_i32_1 = arith.constant 0 : i32
    return %c0_i32, %c0_i32_0 : i32, i32
  }
  func.func @transform_7(%arg0: i32, %arg1: i32) -> (i32, i32) {
    %c0_i32 = arith.constant 0 : i32
    %c0_i32_0 = arith.constant 0 : i32
    %c0_i32_1 = arith.constant 0 : i32
    return %c0_i32, %c0_i32_0 : i32, i32
  }
  func.func @transform_8(%arg0: i32, %arg1: i32) -> (i32, i32) {
    %c0_i32 = arith.constant 0 : i32
    %c0_i32_0 = arith.constant 0 : i32
    %c0_i32_1 = arith.constant 0 : i32
    return %c0_i32, %c0_i32_0 : i32, i32
  }
  func.func @transform_9(%arg0: i32, %arg1: i32) -> (i32, i32, i32) {
    %eq3A = arith.constant 2 : i32
    %eq3A_0 = arith.cmpi eq, %arg0, %eq3A : i32
    %convert_element_type3A = arith.extui %eq3A_0 : i1 to i32
    %mul3A = arith.muli %arg1, %convert_element_type3A : i32
    %c0_i32 = arith.constant 0 : i32
    %c0_i32_1 = arith.constant 0 : i32
    %c0_i32_2 = arith.constant 0 : i32
    return %mul3A, %c0_i32, %c0_i32_1 : i32, i32, i32
  }
  func.func @transform_10(%arg0: i32, %arg1: i32) -> (i32, i32) {
    %eq3A = arith.constant 2 : i32
    %eq3A_0 = arith.cmpi eq, %arg0, %eq3A : i32
    %convert_element_type3A = arith.extui %eq3A_0 : i1 to i32
    %mul3A = arith.muli %arg1, %convert_element_type3A : i32
    %c0_i32 = arith.constant 0 : i32
    %c0_i32_1 = arith.constant 0 : i32
    return %mul3A, %c0_i32 : i32, i32
  }
  func.func @transform_11(%arg0: i32, %arg1: i32) -> (i32, i32, i32) {
    %eq3A = arith.constant 2 : i32
    %eq3A_0 = arith.cmpi eq, %arg0, %eq3A : i32
    %convert_element_type3A = arith.extui %eq3A_0 : i1 to i32
    %mul3A = arith.muli %arg1, %convert_element_type3A : i32
    %c0_i32 = arith.constant 0 : i32
    %c0_i32_1 = arith.constant 0 : i32
    %c0_i32_2 = arith.constant 0 : i32
    return %c0_i32, %mul3A, %c0_i32_1 : i32, i32, i32
  }
  func.func @transform_12(%arg0: i32, %arg1: i32) -> (i32, i32) {
    %c0_i32 = arith.constant 0 : i32
    %c0_i32_0 = arith.constant 0 : i32
    %c0_i32_1 = arith.constant 0 : i32
    return %c0_i32, %c0_i32_0 : i32, i32
  }
}

module attributes {stable_mosaic.version = 14 : i64} {
  func.func @_layer_body(%arg0: i32, %arg1: i32, %arg2: memref<2x1000x64xf32, #tpu.memory_space<vmem>>, %arg3: memref<128x128xf32, #tpu.memory_space<vmem>>, %arg4: memref<1x128xf32, #tpu.memory_space<vmem>>, %arg5: memref<1x128xf32, #tpu.memory_space<vmem>>, %arg6: memref<1x128xf32, #tpu.memory_space<vmem>>, %arg7: memref<128x128xf32, #tpu.memory_space<vmem>>, %arg8: memref<1x128xf32, #tpu.memory_space<vmem>>, %arg9: memref<1x128xf32, #tpu.memory_space<vmem>>, %arg10: memref<1x128xf32, #tpu.memory_space<vmem>>, %arg11: memref<1x1x1000xi32, #tpu.memory_space<vmem>>, %arg12: memref<1000x128xf32, #tpu.memory_space<vmem>>, %arg13: memref<2x1000x64xf32, #tpu.memory_space<vmem>>, %arg14: memref<64x128xf32, #tpu.memory_space<vmem>>, %arg15: memref<10000x128xf32, #tpu.memory_space<vmem>>, %arg16: memref<10000x128xf32, #tpu.memory_space<vmem>>, %arg17: memref<2x128xf32, #tpu.memory_space<vmem>>, %arg18: memref<2x128xf32, #tpu.memory_space<vmem>>) attributes {dimension_semantics = [#tpu.dimension_semantics<arbitrary>, #tpu.dimension_semantics<arbitrary>], iteration_bounds = array<i64: 3, 10>, scalar_prefetch = 0 : i64, scratch_operands = 4 : i64, tpu.core_type = #tpu.core_type<tc>, window_params = [{transform_indices = @transform_0, window_bounds = array<i64: 2, 1000, 64>}, {pipeline_mode = #tpu.pipeline_mode<synchronous>, transform_indices = @transform_1, window_bounds = array<i64: 128, 128>}, {pipeline_mode = #tpu.pipeline_mode<synchronous>, transform_indices = @transform_2, window_bounds = array<i64: 1, 128>}, {pipeline_mode = #tpu.pipeline_mode<synchronous>, transform_indices = @transform_3, window_bounds = array<i64: 1, 128>}, {pipeline_mode = #tpu.pipeline_mode<synchronous>, transform_indices = @transform_4, window_bounds = array<i64: 1, 128>}, {pipeline_mode = #tpu.pipeline_mode<synchronous>, transform_indices = @transform_5, window_bounds = array<i64: 128, 128>}, {pipeline_mode = #tpu.pipeline_mode<synchronous>, transform_indices = @transform_6, window_bounds = array<i64: 1, 128>}, {pipeline_mode = #tpu.pipeline_mode<synchronous>, transform_indices = @transform_7, window_bounds = array<i64: 1, 128>}, {pipeline_mode = #tpu.pipeline_mode<synchronous>, transform_indices = @transform_8, window_bounds = array<i64: 1, 128>}, {transform_indices = @transform_9, window_bounds = array<i64: 1, 1, 1000>}, {transform_indices = @transform_10, window_bounds = array<i64: 1000, 128>}, {transform_indices = @transform_11, window_bounds = array<i64: 2, 1000, 64>}, {pipeline_mode = #tpu.pipeline_mode<synchronous>, transform_indices = @transform_12, window_bounds = array<i64: 64, 128>}]} {
    %mul3A = arith.constant 1000 : i32
    %mul3A_0 = arith.muli %arg1, %mul3A : i32
    %eq3A = arith.constant 0 : i32
    %eq3A_1 = arith.cmpi eq, %arg0, %eq3A : i32
    %eq3A_2 = arith.constant 0 : i32
    %eq3A_3 = arith.cmpi eq, %arg1, %eq3A_2 : i32
    %and3A = arith.andi %eq3A_1, %eq3A_3 : i1
    %convert_element_type3A = arith.extui %and3A : i1 to i32
    %cond3A = arith.constant 0 : i32
    %cond3A_4 = arith.cmpi ne, %convert_element_type3A, %cond3A : i32
    scf.if %cond3A_4 {
      %broadcast_in_dim3A = arith.constant 0.000000e+00 : f32
      %broadcast_in_dim3A_20 = vector.broadcast %broadcast_in_dim3A : f32 to vector<2x128xf32>
      %swap3A = arith.constant 0 : index
      %swap3A_21 = arith.constant 0 : index
      %swap3A_22 = vector.load %arg17[%swap3A, %swap3A_21] : memref<2x128xf32, #tpu.memory_space<vmem>>, vector<2x128xf32>
      tpu.vector_store %arg17[%swap3A, %swap3A_21], %broadcast_in_dim3A_20 {strides = array<i32>} : memref<2x128xf32, #tpu.memory_space<vmem>>, vector<2x128xf32>,
      %broadcast_in_dim3A_23 = arith.constant 0.000000e+00 : f32
      %broadcast_in_dim3A_24 = vector.broadcast %broadcast_in_dim3A_23 : f32 to vector<2x128xf32>
      %swap3A_25 = arith.constant 0 : index
      %swap3A_26 = arith.constant 0 : index
      %swap3A_27 = vector.load %arg18[%swap3A_25, %swap3A_26] : memref<2x128xf32, #tpu.memory_space<vmem>>, vector<2x128xf32>
      tpu.vector_store %arg18[%swap3A_25, %swap3A_26], %broadcast_in_dim3A_24 {strides = array<i32>} : memref<2x128xf32, #tpu.memory_space<vmem>>, vector<2x128xf32>,
      %broadcast_in_dim3A_28 = arith.constant 0.000000e+00 : f32
      %broadcast_in_dim3A_29 = vector.broadcast %broadcast_in_dim3A_28 : f32 to vector<64x128xf32>
      %swap3A_30 = arith.constant 0 : index
      %swap3A_31 = arith.constant 0 : index
      %swap3A_32 = vector.load %arg14[%swap3A_30, %swap3A_31] : memref<64x128xf32, #tpu.memory_space<vmem>>, vector<64x128xf32>
      tpu.vector_store %arg14[%swap3A_30, %swap3A_31], %broadcast_in_dim3A_29 {strides = array<i32>} : memref<64x128xf32, #tpu.memory_space<vmem>>, vector<64x128xf32>,
    } else {
    }
    %eq3A_5 = arith.constant 0 : i32
    %eq3A_6 = arith.cmpi eq, %arg0, %eq3A_5 : i32
    %convert_element_type3A_7 = arith.extui %eq3A_6 : i1 to i32
    %cond3A_8 = arith.constant 0 : i32
    %cond3A_9 = arith.cmpi ne, %convert_element_type3A_7, %cond3A_8 : i32
    scf.if %cond3A_9 {
      %get3A = arith.constant 0 : index
      %get3A_20 = arith.constant 0 : index
      %get3A_21 = arith.constant 0 : index
      %get3A_22 = vector.load %arg2[%get3A, %get3A_20, %get3A_21] : memref<2x1000x64xf32, #tpu.memory_space<vmem>>, vector<1x1000x64xf32>
      %get3A_23 = vector.shape_cast %get3A_22 : vector<1x1000x64xf32> to vector<1000x64xf32>
      %get3A_24 = arith.constant 1 : index
      %get3A_25 = arith.constant 0 : index
      %get3A_26 = arith.constant 0 : index
      %get3A_27 = vector.load %arg2[%get3A_24, %get3A_25, %get3A_26] : memref<2x1000x64xf32, #tpu.memory_space<vmem>>, vector<1x1000x64xf32>
      %get3A_28 = vector.shape_cast %get3A_27 : vector<1x1000x64xf32> to vector<1000x64xf32>
      %concatenate3A = tpu.concatenate %get3A_23, %get3A_28 in 1 : vector<1000x64xf32>, vector<1000x64xf32> -> vector<1000x128xf32>
      %get3A_29 = arith.constant 0 : index
      %get3A_30 = arith.constant 0 : index
      %get3A_31 = vector.load %arg3[%get3A_29, %get3A_30] : memref<128x128xf32, #tpu.memory_space<vmem>>, vector<128x128xf32>
      %dot_general3A = arith.constant dense<0.000000e+00> : vector<1000x128xf32>
      %dot_general3A_32 = tpu.matmul %concatenate3A, %get3A_31, %dot_general3A {dimension_numbers = #tpu.dot_dimension_numbers<[1], [1], [0], [0], [0, 0, 1, 0], [], []>, transpose_lhs_hint = false} : vector<1000x128xf32>, vector<128x128xf32>, vector<1000x128xf32> -> vector<1000x128xf32>
      %get3A_33 = arith.constant 0 : index
      %get3A_34 = arith.constant 0 : index
      %get3A_35 = vector.load %arg4[%get3A_33, %get3A_34] : memref<1x128xf32, #tpu.memory_space<vmem>>, vector<1x128xf32>
      %add3A = vector.broadcast %get3A_35 : vector<1x128xf32> to vector<1000x128xf32>
      %add3A_36 = arith.addf %dot_general3A_32, %add3A : vector<1000x128xf32>
      %swap3A = arith.index_cast %mul3A_0 : i32 to index
      %swap3A_37 = arith.constant 0 : index
      %swap3A_38 = vector.load %arg15[%swap3A, %swap3A_37] : memref<10000x128xf32, #tpu.memory_space<vmem>>, vector<1000x128xf32>
      tpu.vector_store %arg15[%swap3A, %swap3A_37], %add3A_36 {strides = array<i32>} : memref<10000x128xf32, #tpu.memory_space<vmem>>, vector<1000x128xf32>,
      %get3A_39 = arith.constant 0 : index
      %get3A_40 = arith.constant 0 : index
      %get3A_41 = vector.load %arg17[%get3A_39, %get3A_40] : memref<2x128xf32, #tpu.memory_space<vmem>>, vector<2x128xf32>
      %reduce_sum3A = arith.constant dense<0.000000e+00> : vector<128xf32>
      %reduce_sum3A_42 = vector.multi_reduction <add>, %add3A_36, %reduce_sum3A [0] : vector<1000x128xf32> to vector<128xf32>
      %broadcast_in_dim3A = vector.shape_cast %reduce_sum3A_42 : vector<128xf32> to vector<1x128xf32>
      %mul3A_43 = arith.mulf %add3A_36, %add3A_36 : vector<1000x128xf32>
      %reduce_sum3A_44 = arith.constant dense<0.000000e+00> : vector<128xf32>
      %reduce_sum3A_45 = vector.multi_reduction <add>, %mul3A_43, %reduce_sum3A_44 [0] : vector<1000x128xf32> to vector<128xf32>
      %broadcast_in_dim3A_46 = vector.shape_cast %reduce_sum3A_45 : vector<128xf32> to vector<1x128xf32>
      %concatenate3A_47 = tpu.concatenate %broadcast_in_dim3A, %broadcast_in_dim3A_46 in 0 : vector<1x128xf32>, vector<1x128xf32> -> vector<2x128xf32>
      %add3A_48 = arith.addf %get3A_41, %concatenate3A_47 : vector<2x128xf32>
      %swap3A_49 = arith.constant 0 : index
      %swap3A_50 = arith.constant 0 : index
      %swap3A_51 = vector.load %arg17[%swap3A_49, %swap3A_50] : memref<2x128xf32, #tpu.memory_space<vmem>>, vector<2x128xf32>
      tpu.vector_store %arg17[%swap3A_49, %swap3A_50], %add3A_48 {strides = array<i32>} : memref<2x128xf32, #tpu.memory_space<vmem>>, vector<2x128xf32>,
    } else {
    }
    %eq3A_10 = arith.constant 1 : i32
    %eq3A_11 = arith.cmpi eq, %arg0, %eq3A_10 : i32
    %convert_element_type3A_12 = arith.extui %eq3A_11 : i1 to i32
    %cond3A_13 = arith.constant 0 : i32
    %cond3A_14 = arith.cmpi ne, %convert_element_type3A_12, %cond3A_13 : i32
    scf.if %cond3A_14 {
      %get3A = arith.constant 0 : index
      %get3A_20 = arith.constant 0 : index
      %get3A_21 = vector.load %arg17[%get3A, %get3A_20] : memref<2x128xf32, #tpu.memory_space<vmem>>, vector<2x128xf32>
      %slice3A = vector.extract_strided_slice %get3A_21 {offsets = [0, 0], sizes = [1, 128], strides = [1, 1]} : vector<2x128xf32> to vector<1x128xf32>
      %mul3A_22 = arith.constant 9.99999974E-5 : f32
      %mul3A_23 = vector.broadcast %mul3A_22 : f32 to vector<1x128xf32>
      %mul3A_24 = arith.mulf %slice3A, %mul3A_23 : vector<1x128xf32>
      %slice3A_25 = vector.extract_strided_slice %get3A_21 {offsets = [1, 0], sizes = [1, 128], strides = [1, 1]} : vector<2x128xf32> to vector<1x128xf32>
      %mul3A_26 = arith.constant 9.99999974E-5 : f32
      %mul3A_27 = vector.broadcast %mul3A_26 : f32 to vector<1x128xf32>
      %mul3A_28 = arith.mulf %slice3A_25, %mul3A_27 : vector<1x128xf32>
      %mul3A_29 = arith.mulf %mul3A_24, %mul3A_24 : vector<1x128xf32>
      %sub3A = arith.subf %mul3A_28, %mul3A_29 : vector<1x128xf32>
      %add3A = arith.constant 9.99999974E-6 : f32
      %add3A_30 = vector.broadcast %add3A : f32 to vector<1x128xf32>
      %add3A_31 = arith.addf %sub3A, %add3A_30 : vector<1x128xf32>
      %rsqrt3A = math.rsqrt %add3A_31 : vector<1x128xf32>
      %get3A_32 = arith.constant 0 : index
      %get3A_33 = arith.constant 0 : index
      %get3A_34 = vector.load %arg5[%get3A_32, %get3A_33] : memref<1x128xf32, #tpu.memory_space<vmem>>, vector<1x128xf32>
      %mul3A_35 = arith.mulf %get3A_34, %rsqrt3A : vector<1x128xf32>
      %get3A_36 = arith.constant 0 : index
      %get3A_37 = arith.constant 0 : index
      %get3A_38 = vector.load %arg6[%get3A_36, %get3A_37] : memref<1x128xf32, #tpu.memory_space<vmem>>, vector<1x128xf32>
      %mul3A_39 = arith.mulf %mul3A_24, %mul3A_35 : vector<1x128xf32>
      %sub3A_40 = arith.subf %get3A_38, %mul3A_39 : vector<1x128xf32>
      %get3A_41 = arith.index_cast %mul3A_0 : i32 to index
      %get3A_42 = arith.constant 0 : index
      %get3A_43 = vector.load %arg15[%get3A_41, %get3A_42] : memref<10000x128xf32, #tpu.memory_space<vmem>>, vector<1000x128xf32>
      %mul3A_44 = vector.broadcast %mul3A_35 : vector<1x128xf32> to vector<1000x128xf32>
      %mul3A_45 = arith.mulf %get3A_43, %mul3A_44 : vector<1000x128xf32>
      %add3A_46 = vector.broadcast %sub3A_40 : vector<1x128xf32> to vector<1000x128xf32>
      %add3A_47 = arith.addf %mul3A_45, %add3A_46 : vector<1000x128xf32>
      %max3A = arith.constant 0.000000e+00 : f32
      %max3A_48 = vector.broadcast %max3A : f32 to vector<1000x128xf32>
      %max3A_49 = arith.maximumf %add3A_47, %max3A_48 : vector<1000x128xf32>
      %get3A_50 = arith.constant 0 : index
      %get3A_51 = arith.constant 0 : index
      %get3A_52 = vector.load %arg7[%get3A_50, %get3A_51] : memref<128x128xf32, #tpu.memory_space<vmem>>, vector<128x128xf32>
      %dot_general3A = arith.constant dense<0.000000e+00> : vector<1000x128xf32>
      %dot_general3A_53 = tpu.matmul %max3A_49, %get3A_52, %dot_general3A {dimension_numbers = #tpu.dot_dimension_numbers<[1], [1], [0], [0], [0, 0, 1, 0], [], []>, transpose_lhs_hint = false} : vector<1000x128xf32>, vector<128x128xf32>, vector<1000x128xf32> -> vector<1000x128xf32>
      %get3A_54 = arith.constant 0 : index
      %get3A_55 = arith.constant 0 : index
      %get3A_56 = vector.load %arg8[%get3A_54, %get3A_55] : memref<1x128xf32, #tpu.memory_space<vmem>>, vector<1x128xf32>
      %add3A_57 = vector.broadcast %get3A_56 : vector<1x128xf32> to vector<1000x128xf32>
      %add3A_58 = arith.addf %dot_general3A_53, %add3A_57 : vector<1000x128xf32>
      %max3A_59 = arith.constant 0.000000e+00 : f32
      %max3A_60 = vector.broadcast %max3A_59 : f32 to vector<1000x128xf32>
      %max3A_61 = arith.maximumf %add3A_58, %max3A_60 : vector<1000x128xf32>
      %swap3A = arith.index_cast %mul3A_0 : i32 to index
      %swap3A_62 = arith.constant 0 : index
      %swap3A_63 = vector.load %arg16[%swap3A, %swap3A_62] : memref<10000x128xf32, #tpu.memory_space<vmem>>, vector<1000x128xf32>
      tpu.vector_store %arg16[%swap3A, %swap3A_62], %max3A_61 {strides = array<i32>} : memref<10000x128xf32, #tpu.memory_space<vmem>>, vector<1000x128xf32>,
      %get3A_64 = arith.constant 0 : index
      %get3A_65 = arith.constant 0 : index
      %get3A_66 = vector.load %arg18[%get3A_64, %get3A_65] : memref<2x128xf32, #tpu.memory_space<vmem>>, vector<2x128xf32>
      %reduce_sum3A = arith.constant dense<0.000000e+00> : vector<128xf32>
      %reduce_sum3A_67 = vector.multi_reduction <add>, %max3A_61, %reduce_sum3A [0] : vector<1000x128xf32> to vector<128xf32>
      %broadcast_in_dim3A = vector.shape_cast %reduce_sum3A_67 : vector<128xf32> to vector<1x128xf32>
      %mul3A_68 = arith.mulf %max3A_61, %max3A_61 : vector<1000x128xf32>
      %reduce_sum3A_69 = arith.constant dense<0.000000e+00> : vector<128xf32>
      %reduce_sum3A_70 = vector.multi_reduction <add>, %mul3A_68, %reduce_sum3A_69 [0] : vector<1000x128xf32> to vector<128xf32>
      %broadcast_in_dim3A_71 = vector.shape_cast %reduce_sum3A_70 : vector<128xf32> to vector<1x128xf32>
      %concatenate3A = tpu.concatenate %broadcast_in_dim3A, %broadcast_in_dim3A_71 in 0 : vector<1x128xf32>, vector<1x128xf32> -> vector<2x128xf32>
      %add3A_72 = arith.addf %get3A_66, %concatenate3A : vector<2x128xf32>
      %swap3A_73 = arith.constant 0 : index
      %swap3A_74 = arith.constant 0 : index
      %swap3A_75 = vector.load %arg18[%swap3A_73, %swap3A_74] : memref<2x128xf32, #tpu.memory_space<vmem>>, vector<2x128xf32>
      tpu.vector_store %arg18[%swap3A_73, %swap3A_74], %add3A_72 {strides = array<i32>} : memref<2x128xf32, #tpu.memory_space<vmem>>, vector<2x128xf32>,
    } else {
    }
    %eq3A_15 = arith.constant 2 : i32
    %eq3A_16 = arith.cmpi eq, %arg0, %eq3A_15 : i32
    %convert_element_type3A_17 = arith.extui %eq3A_16 : i1 to i32
    %cond3A_18 = arith.constant 0 : i32
    %cond3A_19 = arith.cmpi ne, %convert_element_type3A_17, %cond3A_18 : i32
    scf.if %cond3A_19 {
      %get3A = arith.constant 0 : index
      %get3A_20 = arith.constant 0 : index
      %get3A_21 = vector.load %arg18[%get3A, %get3A_20] : memref<2x128xf32, #tpu.memory_space<vmem>>, vector<2x128xf32>
      %slice3A = vector.extract_strided_slice %get3A_21 {offsets = [0, 0], sizes = [1, 128], strides = [1, 1]} : vector<2x128xf32> to vector<1x128xf32>
      %mul3A_22 = arith.constant 9.99999974E-5 : f32
      %mul3A_23 = vector.broadcast %mul3A_22 : f32 to vector<1x128xf32>
      %mul3A_24 = arith.mulf %slice3A, %mul3A_23 : vector<1x128xf32>
      %slice3A_25 = vector.extract_strided_slice %get3A_21 {offsets = [1, 0], sizes = [1, 128], strides = [1, 1]} : vector<2x128xf32> to vector<1x128xf32>
      %mul3A_26 = arith.constant 9.99999974E-5 : f32
      %mul3A_27 = vector.broadcast %mul3A_26 : f32 to vector<1x128xf32>
      %mul3A_28 = arith.mulf %slice3A_25, %mul3A_27 : vector<1x128xf32>
      %mul3A_29 = arith.mulf %mul3A_24, %mul3A_24 : vector<1x128xf32>
      %sub3A = arith.subf %mul3A_28, %mul3A_29 : vector<1x128xf32>
      %add3A = arith.constant 9.99999974E-6 : f32
      %add3A_30 = vector.broadcast %add3A : f32 to vector<1x128xf32>
      %add3A_31 = arith.addf %sub3A, %add3A_30 : vector<1x128xf32>
      %rsqrt3A = math.rsqrt %add3A_31 : vector<1x128xf32>
      %get3A_32 = arith.constant 0 : index
      %get3A_33 = arith.constant 0 : index
      %get3A_34 = vector.load %arg9[%get3A_32, %get3A_33] : memref<1x128xf32, #tpu.memory_space<vmem>>, vector<1x128xf32>
      %mul3A_35 = arith.mulf %get3A_34, %rsqrt3A : vector<1x128xf32>
      %get3A_36 = arith.constant 0 : index
      %get3A_37 = arith.constant 0 : index
      %get3A_38 = vector.load %arg10[%get3A_36, %get3A_37] : memref<1x128xf32, #tpu.memory_space<vmem>>, vector<1x128xf32>
      %mul3A_39 = arith.mulf %mul3A_24, %mul3A_35 : vector<1x128xf32>
      %sub3A_40 = arith.subf %get3A_38, %mul3A_39 : vector<1x128xf32>
      %get3A_41 = arith.index_cast %mul3A_0 : i32 to index
      %get3A_42 = arith.constant 0 : index
      %get3A_43 = vector.load %arg16[%get3A_41, %get3A_42] : memref<10000x128xf32, #tpu.memory_space<vmem>>, vector<1000x128xf32>
      %mul3A_44 = vector.broadcast %mul3A_35 : vector<1x128xf32> to vector<1000x128xf32>
      %mul3A_45 = arith.mulf %get3A_43, %mul3A_44 : vector<1000x128xf32>
      %add3A_46 = vector.broadcast %sub3A_40 : vector<1x128xf32> to vector<1000x128xf32>
      %add3A_47 = arith.addf %mul3A_45, %add3A_46 : vector<1000x128xf32>
      %swap3A = arith.constant 0 : index
      %swap3A_48 = arith.constant 0 : index
      %swap3A_49 = vector.load %arg12[%swap3A, %swap3A_48] : memref<1000x128xf32, #tpu.memory_space<vmem>>, vector<1000x128xf32>
      tpu.vector_store %arg12[%swap3A, %swap3A_48], %add3A_47 {strides = array<i32>} : memref<1000x128xf32, #tpu.memory_space<vmem>>, vector<1000x128xf32>,
      %slice3A_50 = vector.extract_strided_slice %add3A_47 {offsets = [0, 0], sizes = [1000, 64], strides = [1, 1]} : vector<1000x128xf32> to vector<1000x64xf32>
      %swap3A_51 = arith.constant 0 : index
      %swap3A_52 = arith.constant 0 : index
      %swap3A_53 = arith.constant 0 : index
      %swap3A_54 = vector.load %arg13[%swap3A_51, %swap3A_52, %swap3A_53] : memref<2x1000x64xf32, #tpu.memory_space<vmem>>, vector<1x1000x64xf32>
      %swap3A_55 = vector.shape_cast %swap3A_54 : vector<1x1000x64xf32> to vector<1000x64xf32>
      %swap3A_56 = vector.shape_cast %slice3A_50 : vector<1000x64xf32> to vector<1x1000x64xf32>
      tpu.vector_store %arg13[%swap3A_51, %swap3A_52, %swap3A_53], %swap3A_56 {strides = array<i32>} : memref<2x1000x64xf32, #tpu.memory_space<vmem>>, vector<1x1000x64xf32>,
      %slice3A_57 = vector.extract_strided_slice %add3A_47 {offsets = [0, 64], sizes = [1000, 64], strides = [1, 1]} : vector<1000x128xf32> to vector<1000x64xf32>
      %swap3A_58 = arith.constant 1 : index
      %swap3A_59 = arith.constant 0 : index
      %swap3A_60 = arith.constant 0 : index
      %swap3A_61 = vector.load %arg13[%swap3A_58, %swap3A_59, %swap3A_60] : memref<2x1000x64xf32, #tpu.memory_space<vmem>>, vector<1x1000x64xf32>
      %swap3A_62 = vector.shape_cast %swap3A_61 : vector<1x1000x64xf32> to vector<1000x64xf32>
      %swap3A_63 = vector.shape_cast %slice3A_57 : vector<1000x64xf32> to vector<1x1000x64xf32>
      tpu.vector_store %arg13[%swap3A_58, %swap3A_59, %swap3A_60], %swap3A_63 {strides = array<i32>} : memref<2x1000x64xf32, #tpu.memory_space<vmem>>, vector<1x1000x64xf32>,
      %get3A_64 = arith.constant 0 : index
      %get3A_65 = arith.constant 0 : index
      %get3A_66 = arith.constant 0 : index
      %get3A_67 = vector.load %arg11[%get3A_64, %get3A_65, %get3A_66] : memref<1x1x1000xi32, #tpu.memory_space<vmem>>, vector<1x1x1000xi32>
      %get3A_68 = vector.shape_cast %get3A_67 : vector<1x1x1000xi32> to vector<1x1000xi32>
      %iota3A = tpu.iota {dimensions = array<i32: 0>} : vector<64x1000xi32>
      %eq3A_69 = vector.broadcast %get3A_68 : vector<1x1000xi32> to vector<64x1000xi32>
      %eq3A_70 = arith.cmpi eq, %iota3A, %eq3A_69 : vector<64x1000xi32>
      %convert_element_type3A_71 = arith.extui %eq3A_70 : vector<64x1000xi1> to vector<64x1000xi32>
      %convert_element_type3A_72 = arith.sitofp %convert_element_type3A_71 : vector<64x1000xi32> to vector<64x1000xf32>
      %get3A_73 = arith.constant 0 : index
      %get3A_74 = arith.constant 0 : index
      %get3A_75 = vector.load %arg14[%get3A_73, %get3A_74] : memref<64x128xf32, #tpu.memory_space<vmem>>, vector<64x128xf32>
      %dot_general3A = arith.constant dense<0.000000e+00> : vector<64x128xf32>
      %dot_general3A_76 = tpu.matmul %convert_element_type3A_72, %add3A_47, %dot_general3A {dimension_numbers = #tpu.dot_dimension_numbers<[1], [0], [0], [1], [0, 0, 1, 1], [], []>, transpose_lhs_hint = false} : vector<64x1000xf32>, vector<1000x128xf32>, vector<64x128xf32> -> vector<64x128xf32>
      %add3A_77 = arith.addf %get3A_75, %dot_general3A_76 : vector<64x128xf32>
      %swap3A_78 = arith.constant 0 : index
      %swap3A_79 = arith.constant 0 : index
      %swap3A_80 = vector.load %arg14[%swap3A_78, %swap3A_79] : memref<64x128xf32, #tpu.memory_space<vmem>>, vector<64x128xf32>
      tpu.vector_store %arg14[%swap3A_78, %swap3A_79], %add3A_77 {strides = array<i32>} : memref<64x128xf32, #tpu.memory_space<vmem>>, vector<64x128xf32>,
    } else {
    }
    return
  }
  func.func @transform_0(%arg0: i32, %arg1: i32) -> (i32, i32, i32) {
    %eq3A = arith.constant 0 : i32
    %eq3A_0 = arith.cmpi eq, %arg0, %eq3A : i32
    %convert_element_type3A = arith.extui %eq3A_0 : i1 to i32
    %mul3A = arith.muli %arg1, %convert_element_type3A : i32
    %c0_i32 = arith.constant 0 : i32
    %c0_i32_1 = arith.constant 0 : i32
    %c0_i32_2 = arith.constant 0 : i32
    return %c0_i32, %mul3A, %c0_i32_1 : i32, i32, i32
  }
  func.func @transform_1(%arg0: i32, %arg1: i32) -> (i32, i32) {
    %c0_i32 = arith.constant 0 : i32
    %c0_i32_0 = arith.constant 0 : i32
    %c0_i32_1 = arith.constant 0 : i32
    return %c0_i32, %c0_i32_0 : i32, i32
  }
  func.func @transform_2(%arg0: i32, %arg1: i32) -> (i32, i32) {
    %c0_i32 = arith.constant 0 : i32
    %c0_i32_0 = arith.constant 0 : i32
    %c0_i32_1 = arith.constant 0 : i32
    return %c0_i32, %c0_i32_0 : i32, i32
  }
  func.func @transform_3(%arg0: i32, %arg1: i32) -> (i32, i32) {
    %c0_i32 = arith.constant 0 : i32
    %c0_i32_0 = arith.constant 0 : i32
    %c0_i32_1 = arith.constant 0 : i32
    return %c0_i32, %c0_i32_0 : i32, i32
  }
  func.func @transform_4(%arg0: i32, %arg1: i32) -> (i32, i32) {
    %c0_i32 = arith.constant 0 : i32
    %c0_i32_0 = arith.constant 0 : i32
    %c0_i32_1 = arith.constant 0 : i32
    return %c0_i32, %c0_i32_0 : i32, i32
  }
  func.func @transform_5(%arg0: i32, %arg1: i32) -> (i32, i32) {
    %c0_i32 = arith.constant 0 : i32
    %c0_i32_0 = arith.constant 0 : i32
    %c0_i32_1 = arith.constant 0 : i32
    return %c0_i32, %c0_i32_0 : i32, i32
  }
  func.func @transform_6(%arg0: i32, %arg1: i32) -> (i32, i32) {
    %c0_i32 = arith.constant 0 : i32
    %c0_i32_0 = arith.constant 0 : i32
    %c0_i32_1 = arith.constant 0 : i32
    return %c0_i32, %c0_i32_0 : i32, i32
  }
  func.func @transform_7(%arg0: i32, %arg1: i32) -> (i32, i32) {
    %c0_i32 = arith.constant 0 : i32
    %c0_i32_0 = arith.constant 0 : i32
    %c0_i32_1 = arith.constant 0 : i32
    return %c0_i32, %c0_i32_0 : i32, i32
  }
  func.func @transform_8(%arg0: i32, %arg1: i32) -> (i32, i32) {
    %c0_i32 = arith.constant 0 : i32
    %c0_i32_0 = arith.constant 0 : i32
    %c0_i32_1 = arith.constant 0 : i32
    return %c0_i32, %c0_i32_0 : i32, i32
  }
  func.func @transform_9(%arg0: i32, %arg1: i32) -> (i32, i32, i32) {
    %eq3A = arith.constant 2 : i32
    %eq3A_0 = arith.cmpi eq, %arg0, %eq3A : i32
    %convert_element_type3A = arith.extui %eq3A_0 : i1 to i32
    %mul3A = arith.muli %arg1, %convert_element_type3A : i32
    %c0_i32 = arith.constant 0 : i32
    %c0_i32_1 = arith.constant 0 : i32
    %c0_i32_2 = arith.constant 0 : i32
    return %mul3A, %c0_i32, %c0_i32_1 : i32, i32, i32
  }
  func.func @transform_10(%arg0: i32, %arg1: i32) -> (i32, i32) {
    %eq3A = arith.constant 2 : i32
    %eq3A_0 = arith.cmpi eq, %arg0, %eq3A : i32
    %convert_element_type3A = arith.extui %eq3A_0 : i1 to i32
    %mul3A = arith.muli %arg1, %convert_element_type3A : i32
    %c0_i32 = arith.constant 0 : i32
    %c0_i32_1 = arith.constant 0 : i32
    return %mul3A, %c0_i32 : i32, i32
  }
  func.func @transform_11(%arg0: i32, %arg1: i32) -> (i32, i32, i32) {
    %eq3A = arith.constant 2 : i32
    %eq3A_0 = arith.cmpi eq, %arg0, %eq3A : i32
    %convert_element_type3A = arith.extui %eq3A_0 : i1 to i32
    %mul3A = arith.muli %arg1, %convert_element_type3A : i32
    %c0_i32 = arith.constant 0 : i32
    %c0_i32_1 = arith.constant 0 : i32
    %c0_i32_2 = arith.constant 0 : i32
    return %c0_i32, %mul3A, %c0_i32_1 : i32, i32, i32
  }
  func.func @transform_12(%arg0: i32, %arg1: i32) -> (i32, i32) {
    %c0_i32 = arith.constant 0 : i32
    %c0_i32_0 = arith.constant 0 : i32
    %c0_i32_1 = arith.constant 0 : i32
    return %c0_i32, %c0_i32_0 : i32, i32
  }
}

</mosaic_0001>

<sc_bundles>
// kernel: kernel.6.cloned.1.call-start
scs
__scs_entry_jumppad:
0x0: {  	(pc) =	sbr.rel $0x88, $3  }
0x1: {  	(tag) =	ssettag $0x0;
	lr =	simm.s32 $0x1  }
0x2: {  	[smem:$0x3F8E] =	sst lr;
	_ =	strace $0xD0000000  }
0x3: {  	_ = 	snop  }
0x4: {  	_ = 	snop  }
0x5: {  	_ = 	snop  }
0x6: {  	_ = 	snop  }
0x7: {  	_ = 	snop  }
__scs_overlays_trampoline_lowered:
0x8: {  	[smem:$0x3F9D] =	sst s0  }
0x9: {  	[smem:$0x3F9E] =	sst s1  }
0xa: {  	[smem:$0x3F9F] =	sst s2  }
0xb: {  	[smem:$0x3FA0] =	sst s3  }
0xc: {  	[smem:$0x3FA1] =	sst s4  }
0xd: {  	[smem:$0x3FA2] =	sst s5  }
0xe: {  	[smem:$0x3FA3] =	sst s6  }
0xf: {  	[smem:$0x3FA4] =	sst s7  }
0x10: {  	[smem:$0x3FA5] =	sst s8  }
0x11: {  	[smem:$0x3FA6] =	sst s9;
	s0 =	simm.s32 @!p0 $0x0  }
0x12: {  	s1 =	sld [smem:$0x3F8C];
	s0 =	simm.s32 @p0 $0x1  }
0x13: {  	[smem:$0x3FA7] =	sst s0;
	s0 =	simm.s32 @!p1 $0x0  }
0x14: {  	s2 =	sld [smem:$0x3F8B];
	s0 =	simm.s32 @p1 $0x1  }
0x15: {  	[smem:$0x3FA8] =	sst s0;
	s0 =	simm.s32 @!p2 $0x0  }
0x16: {  	s3 =	sld [smem:$0x3FDB];
	s0 =	simm.s32 @p2 $0x1  }
0x17: {  	s4 =	simm.s32 $0x1BF5;
	[smem:$0x3FAA] =	sst s0  }
0x18: {  	s0 =	sld [smem:$0x3F8D];
	_ =	swait.ge [sflag:s4], $0x0  }
0x19: {  	s7 =	sld [smem:$0x3F8E]  }
0x1a: {  	s8 =	sadd.s32 $0xFFFFE003, lr  }
0x1b: {  	s9 =	sadd.s32 $0xFFFFFEF7, lr;
	s5 =	simm.s32 $0xFFFFFFFF;
	p2 =	slt.u32 s8, $0xFFFFF086  }
0x1c: {  	p1 =	slt.u32 s9, $0xF7A;
	s5 =	simm.s32 @!p2 $0x0  }
0x1d: {  	s5 =	simm.s32 @p1 $0x1;
	p0 =	seq.s32 s7, s2  }
0x1e: {  	s7 =	smul.u32 @!p0 $0xF7A, s2;
	p2 =	seq.s32 @!p0 s5, $0x0  }
0x1f: {  	s9 =	smul.u32 $0xF7A, s1;
	s8 =	simm.s32 @!p0 $0x1BF5;
	p2 =	por !p2, p0  }
0x20: {  	[sflag:s8] =	ssyncset.s32 @!p0 $0xFFFFF086;
	s6 =	sadd.s32 @!p0 s3, s7;
	s7 =	simm.s32 @!p0 $0x108  }
0x21: {  	s3 =	sadd.s32 s3, s9;
	s6 =	sadd.s32 @!p0 $0x88, s6;
	s7 =	simm.s32 @p2 $0x1082  }
0x22: {  	[simem:s7], [sflag:s8] =	dma.local @!p0 [hbm:s6], $0xF7A  }
0x23: {  	s9 =	sor.u32 $0xD0000000, s2;
	s6 =	simm.s32 $0x108;
	_ =	swait.ge @!p0 [sflag:s8], $0x0  }
0x24: {  	s3 =	sadd.s32 $0x88, s3;
	s6 =	simm.s32 @!p1 $0x1082;
	[sflag:s4] =	ssyncset.s32 $0xFFFFF086  }
0x25: {  	[simem:s6], [sflag:s4] =	dma.local [hbm:s3], $0xF7A  }
0x26: {  	[smem:$0x3F8E] =	sst s1;
	(tag) =	ssettag s2;
	_ =	strace s9  }
0x27: {  	s1 =	sld [smem:$0x3F9E]  }
0x28: {  	s2 =	sld [smem:$0x3F9F]  }
0x29: {  	s4 =	sld [smem:$0x3FA1]  }
0x2a: {  	p0 =	seq.s32 s5, $0x0;
	s5 =	sld [smem:$0x3FA2]  }
0x2b: {  	s6 =	sld [smem:$0x3FA3]  }
0x2c: {  	s7 =	sld [smem:$0x3FA4]  }
0x2d: {  	s3 =	simm.s32 $0x108;
	s8 =	sld [smem:$0x3FA5]  }
0x2e: {  	s3 =	simm.s32 @!p0 $0x1082;
	s9 =	sld [smem:$0x3FA6]  }
0x2f: {  	lr =	sadd.s32 s0, s3;
	s0 =	sld [smem:$0x3F9D]  }
0x30: {  	s3 =	sld [smem:$0x3FA0]  }
0x31: {  	[smem:$0x3FA9] =	sst s10  }
0x32: {  	s10 =	sld [smem:$0x3FA7];
	_ =	sdelay $0x3  }
0x33: {  	p0 =	seq.s32 s10, $0x1;
	s10 =	sld [smem:$0x3FA9];
	_ =	sdelay $0x3  }
0x34: {  	[smem:$0x3FA9] =	sst s10  }
0x35: {  	s10 =	sld [smem:$0x3FA8];
	_ =	sdelay $0x3  }
0x36: {  	p1 =	seq.s32 s10, $0x1;
	s10 =	sld [smem:$0x3FA9];
	_ =	sdelay $0x3  }
0x37: {  	[smem:$0x3FA9] =	sst s10  }
0x38: {  	s10 =	sld [smem:$0x3FAA]  }
0x39: {  	_ = 	snop;
	(pc) =	sbr.ind lr, $3  }
0x3a: {  	_ = 	snop  }
0x3b: {  	_ = 	snop  }
0x3c: {  	p2 =	seq.s32 s10, $0x1;
	s10 =	sld [smem:$0x3FA9]  }
0x3d: {  	_ =	shalt  }
0x3e: {  	_ =	shalt  }
0x3f: {  	_ =	shalt  }
0x40: {  	_ =	shalt  }
0x41: {  	_ =	shalt  }
0x42: {  	_ =	shalt  }
0x43: {  	_ =	shalt  }
0x44: {  	_ =	shalt  }
0x45: {  	_ =	shalt  }
0x46: {  	_ =	shalt  }
0x47: {  	_ =	shalt  }
0x48: {  	_ =	shalt  }
0x49: {  	_ =	shalt  }
0x4a: {  	_ =	shalt  }
0x4b: {  	_ =	shalt  }
0x4c: {  	_ =	shalt  }
0x4d: {  	_ =	shalt  }
0x4e: {  	_ =	shalt  }
0x4f: {  	_ =	shalt  }
0x50: {  	_ =	shalt  }
0x51: {  	_ =	shalt  }
0x52: {  	_ =	shalt  }
0x53: {  	_ =	shalt  }
0x54: {  	_ =	shalt  }
0x55: {  	_ =	shalt  }
0x56: {  	_ =	shalt  }
0x57: {  	_ =	shalt  }
0x58: {  	_ =	shalt  }
0x59: {  	_ =	shalt  }
0x5a: {  	_ =	shalt  }
0x5b: {  	_ =	shalt  }
0x5c: {  	_ =	shalt  }
0x5d: {  	_ =	shalt  }
0x5e: {  	_ =	shalt  }
0x5f: {  	_ =	shalt  }
0x60: {  	_ =	shalt  }
0x61: {  	_ =	shalt  }
0x62: {  	_ =	shalt  }
0x63: {  	_ =	shalt  }
0x64: {  	_ =	shalt  }
0x65: {  	_ =	shalt  }
0x66: {  	_ =	shalt  }
0x67: {  	_ =	shalt  }
0x68: {  	_ =	shalt  }
0x69: {  	_ =	shalt  }
0x6a: {  	_ =	shalt  }
0x6b: {  	_ =	shalt  }
0x6c: {  	_ =	shalt  }
0x6d: {  	_ =	shalt  }
0x6e: {  	_ =	shalt  }
0x6f: {  	_ =	shalt  }
0x70: {  	_ =	shalt  }
0x71: {  	_ =	shalt  }
0x72: {  	_ =	shalt  }
0x73: {  	_ =	shalt  }
0x74: {  	_ =	shalt  }
0x75: {  	_ =	shalt  }
0x76: {  	_ =	shalt  }
0x77: {  	_ =	shalt  }
0x78: {  	_ =	shalt  }
0x79: {  	_ =	shalt  }
0x7a: {  	_ =	shalt  }
0x7b: {  	_ =	shalt  }
0x7c: {  	_ =	shalt  }
0x7d: {  	_ =	shalt  }
0x7e: {  	_ =	shalt  }
0x7f: {  	_ =	shalt  }
0x80: {  	_ =	shalt  }
0x81: {  	_ =	shalt  }
0x82: {  	_ =	shalt  }
0x83: {  	_ =	shalt  }
0x84: {  	_ =	shalt  }
0x85: {  	_ =	shalt  }
0x86: {  	_ =	shalt  }
0x87: {  	_ =	shalt  }
.Lfunc_end0:
.L_simem_size_0:
called_computation_lowered:
.L_overlay_start_0:
0x88: {  	s2 =	sld [smem:$0x3FD9]  }
0x89: {  	s3 =	sld [smem:$0x3FFE];
	_ =	sdelay $0x1  }
0x8a: {  	s1 =	srdreg.scid  }
0x8b: {  	s0 =	sand.u32 $0x1, s1  }
0x8c: {  	s14 =	sshll.u32 s0, $0xA;
	s2 =	sadd.s32 s3, s2  }
0x8d: {  	s2 =	sadd.s32 s2, s14  }
0x8e: {  	[smem:$0x3FB5] =	sst s2  }
0x8f: {  	_ = 	snop  }
0x90: {  	s2 =	sld [smem:$0x3FD0];
	_ =	sdelay $0x2  }
0x91: {  	s15 =	simm.s32 $0xA;
	s4 =	simm.s32 $0x10  }
0x92: {  	[smem:s4], [sflag:s15] =	dma.local [hbm:s2], $0x1  }
0x93: {  	_ =	swait.eq [sflag:s15], $0x1  }
0x94: {  	[sflag:s15] =	ssyncset.done $0x0  }
0x95: {  	[sflag:s15] =	ssyncadd.s32 $0xFFFFFFFF  }
0x96: {  	s16 =	sld [smem:$0x10];
	(tm) =	ssettm $0x1  }
0x97: {  	s17 =	sld [smem:$0x3FFB];
	_ =	sdelay $0x3  }
0x98: {  	_ =	strace s17  }
0x99: {  	s3 =	sld [smem:$0x3FFC];
	_ =	sdelay $0x3  }
0x9a: {  	_ =	strace s3  }
0x9b: {  	s3 =	sld [smem:$0x3FFD];
	_ =	sdelay $0x3  }
0x9c: {  	_ =	strace s3  }
0x9d: {  	_ =	strace $0x8FFFFFFF  }
0x9e: {  	s18 =	sld [smem:$0x3FDB];
	_ =	sdelay $0x1  }
0x9f: {  	s19 =	simm.s32 $_scs_section_size  }
0xa0: {  	s5 =	simm.s32 $_size__tile_overlayer_lowered;
	s6 =	simm.s32 $_tile_overlayer_lowered  }
0xa1: {  	s22 =	simm.s32 $0x1BFF;
	s21 =	sshll.u32 s6, $0x1;
	s3 =	sadd.s32 s19, s18  }
0xa2: {  	s7 =	simm.s32 $0x0;
	s20 =	sshll.u32 s5, $0x1;
	s5 =	sadd.s32 s21, s3  }
0xa3: {  	[timem:s7], [sflag:s22] =	dma.local [hbm:s5], s20  }
0xa4: {  	_ =	swait.ge [sflag:s22], s20  }
0xa5: {  	s4 =	ssub.s32 $0x0, s20;
	[sflag:s22] =	ssyncset.done $0x0  }
0xa6: {  	[sflag:s22] =	ssyncadd.s32 s4;
	_ =	sdelay $0x1  }
0xa7: {  	s23 =	simm.s32 $0x1B8B  }
0xa8: {  	_ =	swait.ge [sflag:s23], $0x1  }
0xa9: {  	[sflag:s23] =	ssyncset.done $0x0  }
0xaa: {  	s25 =	simm.s32 $0x1B8E;
	s24 =	sld [smem:$0x3FFE];
	[sflag:s23] =	ssyncadd.s32 $0xFFFFFFFF  }
0xab: {  	s26 =	simm.s32 $execute0_lowered;
	[smem:$0x3FD2] =	sst s25  }
0xac: {  	s5 =	sshll.u32 s26, $0x1;
	_ =	strace $0x80000046;
	[dreg:$0x1] =	wrdreg $0xFFFFFFFF  }
0xad: {  	s28 =	simm.s32 $_size_execute0_lowered;
	s3 =	sadd.s32 s3, s5;
	[dreg:$0x0] =	wrdreg $0x0  }
0xae: {  	s5 =	sshll.u32 s28, $0x1;
	[dreg:$0x2] =	wrdreg s3  }
0xaf: {  	[dreg:$0x3] =	wrdreg s5  }
0xb0: {  	[dreg:$0x4] =	wrdreg $0xC0  }
0xb1: {  	_ =	task [dreg:s7], $0x5FFFF  }
0xb2: {  	[dreg:$0x1] =	wrdreg $0xFFFFFFFF  }
0xb3: {  	[dreg:$0x0] =	wrdreg $0x60  }
0xb4: {  	[dreg:$0x2] =	wrdreg s16  }
0xb5: {  	[dreg:$0x3] =	wrdreg s24  }
0xb6: {  	[dreg:$0x4] =	wrdreg $0xA5000  }
0xb7: {  	[dreg:$0x5] =	wrdreg $0x141800  }
0xb8: {  	[dreg:$0x6] =	wrdreg $0x9  }
0xb9: {  	_ =	task.clear_ibuf [dreg:s7], $0x7FFFF;
	_ =	strace $0x90000046  }
0xba: {  	s29 =	simm.s32 $0x9;
	_ =	strace $0x80000048  }
0xbb: {  	_ =	swait.ge [sflag:s29], $0x1  }
0xbc: {  	[sflag:s29] =	ssyncadd.s32 $0xFFFFFFFF  }
0xbd: {  	_ =	strace $0x90000048  }
0xbe: {  	_ =	sfence  }
0xbf: {  	s30 =	sld [smem:$0x0];
	_ =	sdelay $0x2  }
0xc0: {  	s31 =	sshll.u32 s1, $0xD;
	s1 =	sshrl.u32 s1, $0x2  }
0xc1: {  	s3 =	sand.u32 $0x4000, s31;
	s1 =	sadd.s32 s1, s30  }
0xc2: {  	s0 =	sor.u32 s3, s0;
	s1 =	sshll.u32 s1, $0x11  }
0xc3: {  	s0 =	sor.u32 s1, s0  }
0xc4: {  	s0 =	sadd.s32 $0x8F2B, s0  }
0xc5: {  	[sflag:s0] =	ssyncadd.remote.s32 $0x1  }
0xc6: {  	_ =	sfence.sel $0xFFFF  }
0xc7: {  	[dreg:$0x0] =	wrdreg $0xFFFFFFFF;
	(pc) =	sbr.abs _section_cstart, $3  }
0xc8: {  	[dreg:$0x1] =	wrdreg $0xFFFFFFFF  }
0xc9: {  	_ =	task.clear_ibuf [dreg:s7], $0x2FFFF;
	_ =	strace $0x9FFFFFFF  }
0xca: {  	(tm) =	ssettm $0x7FFFFFFF  }
0xcb: {  	_ =	shalt  }
tec
execute0_lowered:
.L_overlay_start_1:
0x0: {  	(tag) =	ssettag $0x1  }
0x1: {  	s4 =	stileid.u32  }
0x2: {  	s7 =	smul.u32 $0xA00, s4  }
0x3: {  	s0 =	rddreg [dreg:$0x0];
	s8 =	smul.u32 $0x5000, s4  }
0x4: {  	s5 =	srdreg.scid;
	s9 =	smul.u32 $0x6400, s4  }
0x5: {  	s1 =	rddreg [dreg:$0x1];
	s5 =	sand.u32 $0x1, s5;
	s20 =	smul.u32 $0x320, s4  }
0x6: {  	s2 =	rddreg [dreg:$0x2];
	s12 =	sor.u32 $0x10, s4;
	s18 =	smul.u32 $0x13880, s5  }
0x7: {  	s3 =	rddreg [dreg:$0x3];
	s6 =	simm.s32 $0x0;
	s14 =	smul.u32 $0x6400, s12  }
0x8: {  	s30 =	simm.s32 $0xB;
	s19 =	sor.u32 $0x20, s4;
	s12 =	smul.u32 $0x320, s12  }
0x9: {  	[smem:$0x7FF] =	sst s6;
	s23 =	sor.u32 $0x30, s4;
	s22 =	smul.u32 $0x320, s19  }
0xa: {  	s10 =	sadd.s32 $0xCE00, s1;
	s16 =	sor.u32 $0x40, s4;
	s24 =	smul.u32 $0x6400, s23  }
0xb: {  	_ =	strace $0x80000047;
	s5 =	ssub.s32 $0x2, s5;
	s17 =	smul.u32 $0x320, s16  }
0xc: {  	s11 =	sadd.s32 s7, s1;
	s13 =	sshrl.u32 s5, $0x1;
	s21 =	sshrl.u32 s8, $0x3  }
0xd: {  	s8 =	smul.u32 $0x6400, s19;
	s15 =	sshrl.u32 s9, $0x2;
	s19 =	sor.u32 $0x60, s4  }
0xe: {  	[dreg:$0x5] =	wrdreg s20;
	s1 =	sadd.s32 s18, s1;
	s5 =	ssub.s32 s5, s13  }
0xf: {  	s6 =	sadd.s32 s0, s18;
	s21 =	sadd.s32 s10, s21;
	s13 =	smul.u32 $0x320, s23  }
0x10: {  	s9 =	sadd.s32 s15, s2;
	s18 =	sor.u32 $0x50, s4;
	s26 =	smul.u32 $0x320, s19  }
0x11: {  	s1 =	sadd.s32 $0x16E00, s1;
	s5 =	smax.u32 s5, $0x1;
	[dreg:$0x6] =	wrdreg s21  }
0x12: {  	p0 =	sgt.u32 s19, $0x63;
	[dreg:$0x7] =	wrdreg s5;
	s12 =	sadd.s32 s1, s12  }
0x13: {  	s25 =	smul.u32 $0x320, s18;
	s0 =	sadd.s32 s1, s22;
	[dreg:$0x8] =	wrdreg s12  }
0x14: {  	s8 =	sshrl.u32 s8, $0x2;
	s28 =	sadd.s32 s1, s13;
	[dreg:$0x9] =	wrdreg s0  }
0x15: {  	s29 =	sadd.s32 s1, s17;
	s13 =	smul.u32 $0x6400, s18;
	[dreg:$0xa] =	wrdreg s28  }
0x16: {  	s5 =	sshrl.u32 s24, $0x2;
	s17 =	sadd.s32 s8, s2;
	[dreg:$0xb] =	wrdreg s29  }
0x17: {  	s24 =	sadd.s32 $0x2E00, s11;
	s8 =	simm.s32 $0x7;
	[dreg:$0x10] =	wrdreg s17  }
0x18: {  	s0 =	sadd.s32 s7, s10;
	s31 =	sadd.s32 s1, s25;
	[dreg:$0x15] =	wrdreg s24  }
0x19: {  	s7 =	sadd.s32 s1, s26;
	s1 =	sadd.s32 s1, s20;
	[dreg:$0xc] =	wrdreg s31  }
0x1a: {  	s10 =	smul.u32 $0x6400, s16;
	s12 =	sshrl.u32 s14, $0x2;
	[dreg:$0xd] =	wrdreg s7  }
0x1b: {  	s14 =	smul.u32 $0x6400, s19;
	s18 =	sadd.s32 s5, s2;
	[dreg:$0xe] =	wrdreg s1  }
0x1c: {  	s25 =	sadd.s32 $0x2E40, s11;
	s26 =	sadd.s32 $0x2E80, s11;
	[dreg:$0x11] =	wrdreg s18  }
0x1d: {  	s28 =	sadd.s32 $0x2EC0, s11;
	s29 =	sadd.s32 $0x40, s21;
	[dreg:$0x16] =	wrdreg s25  }
0x1e: {  	s11 =	simm.s32 $0x80;
	s17 =	simm.s32 $0x4;
	[dreg:$0x17] =	wrdreg s26  }
0x1f: {  	s24 =	simm.s32 $0x9;
	s16 =	sadd.s32 s12, s2;
	[dreg:$0x18] =	wrdreg s28  }
0x20: {  	s19 =	sshrl.u32 s13, $0x2;
	s0 =	sadd.s32 $0xC0, s0;
	[dreg:$0x1a] =	wrdreg s29  }
0x21: {  	s31 =	sadd.s32 $0x80, s21;
	s12 =	simm.s32 $0xC00;
	s13 =	simm.s32 $0x2C00  }
0x22: {  	s7 =	simm.s32 $0x5;
	s21 =	simm.s32 $0x6;
	[dreg:$0xf] =	wrdreg s16  }
0x23: {  	s26 =	simm.s32 $0xA;
	s1 =	sshrl.u32 s10, $0x2;
	[dreg:$0x19] =	wrdreg s0  }
0x24: {  	s20 =	sshrl.u32 s14, $0x2;
	s22 =	sadd.s32 s19, s2;
	[dreg:$0x1b] =	wrdreg s31  }
0x25: {  	s14 =	simm.s32 $0x4C00;
	s1 =	sadd.s32 s1, s2;
	[dreg:$0x13] =	wrdreg s22  }
0x26: {  	s16 =	simm.s32 $0x6C00;
	s23 =	sadd.s32 s20, s2;
	[dreg:$0x12] =	wrdreg s1  }
0x27: {  	s19 =	simm.s32 $0x0;
	s20 =	simm.s32 $0x8;
	[dreg:$0x14] =	wrdreg s23  }
0x28: {  	s23 =	sadd.s32 s15, s3;
	s1 =	simm.s32 $0xD;
	s15 =	simm.s32 $0xC  }
.LBB2_1:
0x29: {  	s4 =	stileid.u32  }
0x2a: {  	s18 =	rddreg [dreg:$0x5];
	p1 =	sgt.u32 s4, $0x63  }
0x2b: {  	s0 =	sadd.s32 @!p1 s18, s6  }
0x2c: {  	s5 =	simm.s32 @!p1 $0x0;
	s10 =	simm.s32 @!p1 $0x8C00;
	s22 =	simm.s32 @!p1 $0xD  }
0x2d: {  	[tilespmem:s10], [sflag:$0xD] =	stream.linear.gather @!p1 [hbm4b:s0+s5], $0x1900, $0x38;
	[tilespmem:$0x1DDC0] =	vst v63  }
0x2e: {  	_ =	swait.ge @!p1 [sflag:s22], $0x1900  }
0x2f: {  	[sflag:s22] =	ssyncset.done @!p1 $0x0  }
0x30: {  	s0 =	sadd.s32 @!p1 $0x0, s9;
	[sflag:s22] =	ssyncadd.s32 @!p1 $0xFFFFE700  }
0x31: {  	[spmem:s0] =	stream.linear.scatter @!p1 [tilespmem:s10], [sflag:$0xD], $0x1900, $0x38;
	[tilespmem:$0x1DDC0] =	vst v63  }
0x32: {  	p2 =	por p1, p1;
	_ =	swait.ge @!p1 [sflag:s22], $0x1900  }
0x33: {  	[sflag:s22] =	ssyncset.done @!p2 $0x0  }
0x34: {  	s5 =	sadd.s32 @!p1 $0x0, s23;
	s25 =	simm.s32 @!p2 $0xC;
	[sflag:s22] =	ssyncadd.s32 @!p2 $0xFFFFE700  }
0x35: {  	[spmem:s5] =	stream.linear.scatter @!p2 [tilespmem:s10], [sflag:$0xC], $0x1900, $0x38;
	[tilespmem:$0x1DDC0] =	vst v63  }
0x36: {  	s0 =	simm.s32 $0x64000;
	s22 =	sadd.s32 $0x3200, s18;
	s10 =	sadd.s32 $0x10, s4  }
0x37: {  	s5 =	simm.s32 $0xC8000;
	p1 =	sgt.u32 s10, $0x63;
	_ =	swait.ge @!p2 [sflag:s25], $0x1900  }
.LBB2_2:
0x38: {  	s28 =	sadd.s32 @!p1 s22, s6  }
0x39: {  	s29 =	simm.s32 @!p1 $0x0;
	[sflag:s25] =	ssyncset.done @!p2 $0x0;
	s18 =	smov.u32 s5  }
0x3a: {  	s4 =	simm.s32 @!p1 $0x8C00;
	s31 =	simm.s32 @!p1 $0xD;
	[sflag:s25] =	ssyncadd.s32 @!p2 $0xFFFFE700  }
0x3b: {  	[tilespmem:s4], [sflag:$0xD] =	stream.linear.gather @!p1 [hbm4b:s28+s29], $0x1900, $0x38;
	[tilespmem:$0x1DDC0] =	vst v63  }
0x3c: {  	s5 =	sadd.s32 $0x64000, s5;
	s0 =	sshra.s32 @!p1 s0, $0x2;
	_ =	swait.ge @!p1 [sflag:s31], $0x1900  }
0x3d: {  	s25 =	sadd.s32 @!p1 s0, s9;
	s28 =	sadd.s32 @!p1 s0, s23;
	[sflag:s31] =	ssyncset.done @!p1 $0x0  }
0x3e: {  	p3 =	sne.s32 s5, $0x2BC000;
	s0 =	smov.u32 s18;
	[sflag:s31] =	ssyncadd.s32 @!p1 $0xFFFFE700  }
0x3f: {  	[spmem:s25] =	stream.linear.scatter @!p1 [tilespmem:s4], [sflag:$0xD], $0x1900, $0x38;
	[tilespmem:$0x1DDC0] =	vst v63  }
.Ltmp0:
0x40: {  	p2 =	por p1, p1;
	_ =	swait.ge @!p1 [sflag:s31], $0x1900;
	(pc) =	sbr.rel @p3 .LBB2_2-.Ltmp0, $4  }
0x41: {  	[sflag:s31] =	ssyncset.done @!p2 $0x0  }
0x42: {  	s10 =	sadd.s32 $0x10, s10;
	s25 =	simm.s32 @!p2 $0xC;
	[sflag:s31] =	ssyncadd.s32 @!p2 $0xFFFFE700  }
0x43: {  	[spmem:s28] =	stream.linear.scatter @!p2 [tilespmem:s4], [sflag:$0xC], $0x1900, $0x38;
	[tilespmem:$0x1DDC0] =	vst v63  }
0x44: {  	s22 =	sadd.s32 $0x3200, s22;
	p1 =	sgt.u32 s10, $0x63;
	_ =	swait.ge @!p2 [sflag:s25], $0x1900  }
0x45: {  	s4 =	sadd.s32 @!p1 s22, s6;
	s5 =	simm.s32 @!p1 $0x0;
	[sflag:s25] =	ssyncset.done @!p2 $0x0  }
0x46: {  	s10 =	simm.s32 @!p1 $0x8C00;
	s18 =	simm.s32 @!p1 $0xD;
	[sflag:s25] =	ssyncadd.s32 @!p2 $0xFFFFE700  }
0x47: {  	[tilespmem:s10], [sflag:$0xD] =	stream.linear.gather @!p1 [hbm4b:s4+s5], $0x1900, $0x38;
	[tilespmem:$0x1DDC0] =	vst v63  }
0x48: {  	_ =	swait.ge @!p1 [sflag:s18], $0x1900  }
0x49: {  	s0 =	sshra.s32 @!p1 s0, $0x2;
	[sflag:s18] =	ssyncset.done @!p1 $0x0  }
0x4a: {  	s4 =	sadd.s32 @!p1 s0, s9;
	[sflag:s18] =	ssyncadd.s32 @!p1 $0xFFFFE700  }
0x4b: {  	[spmem:s4] =	stream.linear.scatter @!p1 [tilespmem:s10], [sflag:$0xD], $0x1900, $0x38;
	[tilespmem:$0x1DDC0] =	vst v63  }
0x4c: {  	p2 =	por p1, p1;
	_ =	swait.ge @!p1 [sflag:s18], $0x1900  }
0x4d: {  	[sflag:s18] =	ssyncset.done @!p2 $0x0  }
0x4e: {  	s0 =	sadd.s32 @!p1 s0, s23;
	s4 =	simm.s32 @!p2 $0xC;
	[sflag:s18] =	ssyncadd.s32 @!p2 $0xFFFFE700  }
0x4f: {  	[spmem:s0] =	stream.linear.scatter @!p2 [tilespmem:s10], [sflag:$0xC], $0x1900, $0x38;
	[tilespmem:$0x1DDC0] =	vst v63  }
0x50: {  	_ =	swait.ge @!p2 [sflag:s4], $0x1900  }
0x51: {  	[sflag:s4] =	ssyncset.done @!p2 $0x0  }
0x52: {  	[sflag:s4] =	ssyncadd.s32 @!p2 $0xFFFFE700  }
0x53: {  	[bflag:$0x0] =	sbarrier.arrive $0xFFFF  }
0x54: {  	s0 =	simm.s32 $0x0;
	s10 =	rddreg [dreg:$0x6]  }
0x55: {  	[tilespmem:s0], [sflag:$0x1] =	stream.linear.gather [hbm4b:s10+s0], $0x200, $0x38;
	[tilespmem:$0x1DDC0] =	vst v63  }
0x56: {  	s5 =	simm.s32 $0x600;
	s18 =	rddreg [dreg:$0x15]  }
0x57: {  	[tilespmem:s5], [sflag:$0x1] =	stream.linear.gather [hbm4b:s18+s0], $0x200, $0x38;
	[tilespmem:$0x1DDC0] =	vst v63  }
0x58: {  	s22 =	rddreg [dreg:$0x1a];
	s10 =	simm.s32 $0x200  }
0x59: {  	[tilespmem:s10], [sflag:$0x2] =	stream.linear.gather [hbm4b:s22+s0], $0x200, $0x38;
	[tilespmem:$0x1DDC0] =	vst v63  }
0x5a: {  	s31 =	simm.s32 $0x800;
	s25 =	rddreg [dreg:$0x16]  }
0x5b: {  	[tilespmem:s31], [sflag:$0x2] =	stream.linear.gather [hbm4b:s25+s0], $0x200, $0x38;
	[tilespmem:$0x1DDC0] =	vst v63  }
0x5c: {  	s18 =	rddreg [dreg:$0x1b];
	s22 =	simm.s32 $0x400  }
0x5d: {  	[tilespmem:s22], [sflag:$0x3] =	stream.linear.gather [hbm4b:s18+s0], $0x200, $0x38;
	[tilespmem:$0x1DDC0] =	vst v63  }
0x5e: {  	s25 =	rddreg [dreg:$0x17];
	s31 =	simm.s32 $0xA00;
	s22 =	simm.s32 $0x1  }
0x5f: {  	[tilespmem:s31], [sflag:$0x3] =	stream.linear.gather [hbm4b:s25+s0], $0x200, $0x38;
	[tilespmem:$0x1DDC0] =	vst v63  }
0x60: {  	_ =	swait.ge [sflag:s22], $0x200  }
0x61: {  	[sflag:s22] =	ssyncset.done $0x0  }
0x62: {  	[sflag:s22] =	ssyncadd.s32 $0xFFFFFE00  }
0x63: {  	_ =	swait.ge [sflag:s22], $0x200  }
0x64: {  	[sflag:s22] =	ssyncset.done $0x0  }
0x65: {  	[sflag:s22] =	ssyncadd.s32 $0xFFFFFE00  }
0x66: {  	[tilespmem:s12], [sflag:$0x4] =	stream.indirect.gather [spmem:s3], $0x40, s0, s11, $0xb8;
	[tilespmem:$0x1DDC0] =	vst v63  }
0x67: {  	_ = 	snop  }
0x68: {  	[tilespmem:s13], [sflag:$0x5] =	stream.indirect.gather [spmem:s3], $0x40, s11, s11, $0xb8;
	[tilespmem:$0x1DDC0] =	vst v63  }
0x69: {  	s25 =	simm.s32 $0x100  }
0x6a: {  	[tilespmem:s14], [sflag:$0x6] =	stream.indirect.gather [spmem:s3], $0x40, s25, s11, $0xb8;
	[tilespmem:$0x1DDC0] =	vst v63  }
0x6b: {  	s31 =	simm.s32 $0x180  }
0x6c: {  	[tilespmem:s16], [sflag:$0x7] =	stream.indirect.gather [spmem:s3], $0x40, s31, s11, $0xb8;
	[tilespmem:$0x1DDC0] =	vst v63  }
0x6d: {  	_ =	swait.ge [sflag:s17], $0x2000  }
0x6e: {  	[sflag:s17] =	ssyncset.done $0x0  }
0x6f: {  	s4 =	simm.s32 $0x2;
	[sflag:s17] =	ssyncadd.s32 $0xFFFFE000  }
0x70: {  	[spmem:s2] =	stream.indirect.scatter.add.f32 [tilespmem:s12], [sflag:$0x8], $0x40, s5, s11, $0xb8;
	[tilespmem:$0x1DDC0] =	vst v63  }
0x71: {  	_ =	swait.ge [sflag:s4], $0x200  }
0x72: {  	[sflag:s4] =	ssyncset.done $0x0  }
0x73: {  	[sflag:s4] =	ssyncadd.s32 $0xFFFFFE00  }
0x74: {  	_ =	swait.ge [sflag:s4], $0x200  }
0x75: {  	[sflag:s4] =	ssyncset.done $0x0  }
0x76: {  	[sflag:s4] =	ssyncadd.s32 $0xFFFFFE00  }
0x77: {  	_ =	swait.ge [sflag:s7], $0x2000  }
0x78: {  	[sflag:s7] =	ssyncset.done $0x0  }
0x79: {  	s5 =	simm.s32 $0x680;
	[sflag:s7] =	ssyncadd.s32 $0xFFFFE000  }
0x7a: {  	[spmem:s2] =	stream.indirect.scatter.add.f32 [tilespmem:s13], [sflag:$0x9], $0x40, s5, s11, $0xb8;
	[tilespmem:$0x1DDC0] =	vst v63  }
0x7b: {  	_ =	swait.ge [sflag:s20], $0x2000  }
0x7c: {  	[sflag:s20] =	ssyncset.done $0x0  }
0x7d: {  	[sflag:s20] =	ssyncadd.s32 $0xFFFFE000  }
0x7e: {  	[tilespmem:s12], [sflag:$0x4] =	stream.indirect.gather [spmem:s3], $0x40, s10, s11, $0xb8;
	[tilespmem:$0x1DDC0] =	vst v63  }
0x7f: {  	_ =	swait.ge [sflag:s21], $0x2000  }
0x80: {  	[sflag:s21] =	ssyncset.done $0x0  }
0x81: {  	s0 =	simm.s32 $0x3;
	s10 =	simm.s32 $0x700;
	[sflag:s21] =	ssyncadd.s32 $0xFFFFE000  }
0x82: {  	[spmem:s2] =	stream.indirect.scatter.add.f32 [tilespmem:s14], [sflag:$0xA], $0x40, s10, s11, $0xb8;
	[tilespmem:$0x1DDC0] =	vst v63  }
0x83: {  	s25 =	smul.u32 $0xAB, s0;
	_ =	swait.ge [sflag:s24], $0x2000  }
0x84: {  	p1 =	por $0x0, $0x0;
	s18 =	simm.s32 $0x280;
	[sflag:s24] =	ssyncset.done $0x0  }
0x85: {  	s22 =	simm.s32 $0x780;
	s10 =	sadd.s32 $0xFFFFFEAA, s25;
	[sflag:s24] =	ssyncadd.s32 $0xFFFFE000  }
0x86: {  	[tilespmem:s13], [sflag:$0x5] =	stream.indirect.gather [spmem:s3], $0x40, s18, s11, $0xb8;
	[tilespmem:$0x1DDC0] =	vst v63  }
0x87: {  	s0 =	smul.u32 @!p1 $0xAB, s0;
	s5 =	sshrl.u32 s10, $0x9;
	_ =	swait.ge [sflag:s8], $0x2000  }
0x88: {  	s31 =	simm.s32 $0x300;
	s5 =	sand.u32 $0x7F, s5;
	[sflag:s8] =	ssyncset.done $0x0  }
0x89: {  	s0 =	sshrl.u32 @!p1 s0, $0x9;
	s5 =	smul.u32 $0x3, s5;
	[sflag:s8] =	ssyncadd.s32 $0xFFFFE000  }
0x8a: {  	[spmem:s2] =	stream.indirect.scatter.add.f32 [tilespmem:s16], [sflag:$0xB], $0x40, s22, s11, $0xb8;
	[tilespmem:$0x1DDC0] =	vst v63  }
0x8b: {  	s0 =	sand.u32 @!p1 $0x7F, s0;
	s4 =	sadd.s32 $0xFFFFFF55, s25;
	_ =	swait.ge [sflag:s26], $0x2000  }
0x8c: {  	s4 =	sshrl.u32 s4, $0x9;
	s5 =	ssub.s32 $0x3, s5;
	[sflag:s26] =	ssyncset.done $0x0  }
0x8d: {  	s4 =	sand.u32 $0x7F, s4;
	s5 =	sadd.s32 $0xFFFFFFFE, s5;
	[sflag:s26] =	ssyncadd.s32 $0xFFFFE000  }
0x8e: {  	[tilespmem:s14], [sflag:$0x6] =	stream.indirect.gather [spmem:s3], $0x40, s31, s11, $0xb8;
	[tilespmem:$0x1DDC0] =	vst v63  }
0x8f: {  	s4 =	smul.u32 $0x3, s4;
	s5 =	sand.u32 $0xFF, s5;
	_ =	swait.ge [sflag:s17], $0x2000  }
0x90: {  	s0 =	smul.u32 @!p1 $0x3, s0;
	s22 =	sshll.u32 s5, $0x9;
	[sflag:s17] =	ssyncset.done $0x0  }
0x91: {  	s4 =	sxor.u32 $0xFFFFFFFF, s4;
	s5 =	sadd.s32 $0x600, s22;
	[sflag:s17] =	ssyncadd.s32 $0xFFFFE000  }
0x92: {  	[spmem:s2] =	stream.indirect.scatter.add.f32 [tilespmem:s12], [sflag:$0x8], $0x40, s5, s11, $0xb8;
	[tilespmem:$0x1DDC0] =	vst v63  }
0x93: {  	s0 =	ssub.s32 @!p1 $0x3, s0;
	s4 =	sadd.s32 $0x3, s4;
	_ =	swait.ge [sflag:s30], $0x2000  }
0x94: {  	s0 =	sand.u32 @!p1 $0xFF, s0;
	s4 =	sand.u32 $0xFF, s4;
	[sflag:s30] =	ssyncset.done $0x0  }
0x95: {  	s10 =	simm.s32 @!p1 $0x0;
	s18 =	sor.u32 $0x180, s22;
	[sflag:s30] =	ssyncadd.s32 $0xFFFFE000  }
0x96: {  	[tilespmem:s16], [sflag:$0x7] =	stream.indirect.gather [spmem:s3], $0x40, s18, s11, $0xb8;
	[tilespmem:$0x1DDC0] =	vst v63  }
0x97: {  	s5 =	sadd.s32 @!p1 $0x1, s0;
	s0 =	sshll.u32 @!p1 s0, $0x9;
	s31 =	rddreg [dreg:$0x19]  }
0x98: {  	[tilespmem:s0], [sflag:s5] =	stream.linear.gather @!p1 [hbm4b:s31+s10], $0x200, $0x38;
	[tilespmem:$0x1DDC0] =	vst v63  }
0x99: {  	s25 =	sadd.s32 $0x1, s4;
	s28 =	rddreg [dreg:$0x18];
	s0 =	sadd.s32 @!p1 $0x600, s0  }
0x9a: {  	[tilespmem:s0], [sflag:s5] =	stream.linear.gather @!p1 [hbm4b:s28+s10], $0x200, $0x38;
	[tilespmem:$0x1DDC0] =	vst v63  }
0x9b: {  	_ =	swait.ge [sflag:s25], $0x200  }
0x9c: {  	[sflag:s25] =	ssyncset.done $0x0  }
0x9d: {  	[sflag:s25] =	ssyncadd.s32 $0xFFFFFE00  }
0x9e: {  	_ =	swait.ge [sflag:s25], $0x200  }
0x9f: {  	[sflag:s25] =	ssyncset.done $0x0  }
0xa0: {  	[sflag:s25] =	ssyncadd.s32 $0xFFFFFE00  }
0xa1: {  	_ =	swait.ge [sflag:s7], $0x2000  }
0xa2: {  	[sflag:s7] =	ssyncset.done $0x0  }
0xa3: {  	s25 =	sadd.s32 $0x680, s22;
	[sflag:s7] =	ssyncadd.s32 $0xFFFFE000  }
0xa4: {  	[spmem:s2] =	stream.indirect.scatter.add.f32 [tilespmem:s13], [sflag:$0x9], $0x40, s25, s11, $0xb8;
	[tilespmem:$0x1DDC0] =	vst v63  }
0xa5: {  	_ =	swait.ge [sflag:s20], $0x2000  }
0xa6: {  	[sflag:s20] =	ssyncset.done $0x0  }
0xa7: {  	s10 =	sshll.u32 s4, $0x9;
	[sflag:s20] =	ssyncadd.s32 $0xFFFFE000  }
0xa8: {  	[tilespmem:s12], [sflag:$0x4] =	stream.indirect.gather [spmem:s3], $0x40, s10, s11, $0xb8;
	[tilespmem:$0x1DDC0] =	vst v63  }
0xa9: {  	s29 =	sadd.s32 $0x700, s22;
	_ =	swait.ge [sflag:s21], $0x2000  }
0xaa: {  	s0 =	sadd.s32 $0x40, s31;
	s25 =	simm.s32 $0x4;
	[sflag:s21] =	ssyncset.done $0x0  }
.LBB2_4:
0xab: {  	s4 =	smul.u32 $0xAB, s25  }
0xac: {  	[sflag:s21] =	ssyncadd.s32 $0xFFFFE000;
	s18 =	sor.u32 $0x80, s10;
	s5 =	smov.u32 s25  }
0xad: {  	[spmem:s2] =	stream.indirect.scatter.add.f32 [tilespmem:s14], [sflag:$0xA], $0x40, s29, s11, $0xb8;
	[tilespmem:$0x1DDC0] =	vst v63  }
0xae: {  	s29 =	sadd.s32 $0xFFFFFEAA, s4;
	s4 =	sadd.s32 $0xFFFFFF55, s4;
	_ =	swait.ge [sflag:s24], $0x2000  }
0xaf: {  	s29 =	sshrl.u32 s29, $0x9;
	s4 =	sshrl.u32 s4, $0x9;
	[sflag:s24] =	ssyncset.done $0x0  }
0xb0: {  	s29 =	sand.u32 $0x7F, s29;
	s4 =	sand.u32 $0x7F, s4;
	[sflag:s24] =	ssyncadd.s32 $0xFFFFE000  }
0xb1: {  	[tilespmem:s13], [sflag:$0x5] =	stream.indirect.gather [spmem:s3], $0x40, s18, s11, $0xb8;
	[tilespmem:$0x1DDC0] =	vst v63  }
0xb2: {  	s25 =	sadd.s32 $0x1, s25;
	s4 =	smul.u32 $0x3, s4;
	_ =	swait.ge [sflag:s8], $0x2000  }
0xb3: {  	s10 =	sor.u32 $0x100, s10;
	s18 =	smul.u32 $0x3, s29;
	[sflag:s8] =	ssyncset.done $0x0  }
0xb4: {  	s22 =	sadd.s32 $0x780, s22;
	s4 =	sxor.u32 $0xFFFFFFFF, s4;
	[sflag:s8] =	ssyncadd.s32 $0xFFFFE000  }
0xb5: {  	[spmem:s2] =	stream.indirect.scatter.add.f32 [tilespmem:s16], [sflag:$0xB], $0x40, s22, s11, $0xb8;
	[tilespmem:$0x1DDC0] =	vst v63  }
0xb6: {  	s18 =	ssub.s32 s5, s18;
	s4 =	sadd.s32 s5, s4;
	_ =	swait.ge [sflag:s26], $0x2000  }
0xb7: {  	p2 =	seq.s32 s5, $0x28;
	s18 =	sadd.s32 $0xFFFFFFFE, s18;
	[sflag:s26] =	ssyncset.done $0x0  }
0xb8: {  	s29 =	smul.u32 @!p2 $0xAB, s5;
	s18 =	sand.u32 $0xFF, s18;
	[sflag:s26] =	ssyncadd.s32 $0xFFFFE000  }
0xb9: {  	[tilespmem:s14], [sflag:$0x6] =	stream.indirect.gather [spmem:s3], $0x40, s10, s11, $0xb8;
	[tilespmem:$0x1DDC0] =	vst v63  }
0xba: {  	s22 =	sshll.u32 s18, $0x9;
	s10 =	sand.u32 $0xFF, s4;
	_ =	swait.ge [sflag:s17], $0x2000  }
0xbb: {  	s4 =	sshrl.u32 @!p2 s29, $0x9;
	s29 =	sadd.s32 $0x700, s22;
	[sflag:s17] =	ssyncset.done $0x0  }
0xbc: {  	s18 =	sadd.s32 $0x600, s22;
	s4 =	sand.u32 @!p2 $0x7F, s4;
	[sflag:s17] =	ssyncadd.s32 $0xFFFFE000  }
0xbd: {  	[spmem:s2] =	stream.indirect.scatter.add.f32 [tilespmem:s12], [sflag:$0x8], $0x40, s18, s11, $0xb8;
	[tilespmem:$0x1DDC0] =	vst v63  }
0xbe: {  	p1 =	sne.s32 s25, $0x29;
	s4 =	smul.u32 @!p2 $0x3, s4;
	_ =	swait.ge [sflag:s30], $0x2000  }
0xbf: {  	s28 =	sadd.s32 $0x40, s28;
	[sflag:s30] =	ssyncset.done $0x0  }
0xc0: {  	s18 =	sor.u32 $0x180, s22;
	s4 =	ssub.s32 @!p2 s5, s4;
	[sflag:s30] =	ssyncadd.s32 $0xFFFFE000  }
0xc1: {  	[tilespmem:s16], [sflag:$0x7] =	stream.indirect.gather [spmem:s3], $0x40, s18, s11, $0xb8;
	[tilespmem:$0x1DDC0] =	vst v63  }
0xc2: {  	s4 =	sand.u32 @!p2 $0xFF, s4  }
0xc3: {  	s5 =	sadd.s32 @!p2 $0x1, s4;
	s4 =	sshll.u32 @!p2 s4, $0x9;
	s18 =	simm.s32 @!p2 $0x0  }
0xc4: {  	[tilespmem:s4], [sflag:s5] =	stream.linear.gather @!p2 [hbm4b:s0+s18], $0x200, $0x38;
	[tilespmem:$0x1DDC0] =	vst v63  }
0xc5: {  	s31 =	sadd.s32 $0x1, s10;
	s4 =	sadd.s32 @!p2 $0x600, s4  }
0xc6: {  	[tilespmem:s4], [sflag:s5] =	stream.linear.gather @!p2 [hbm4b:s28+s18], $0x200, $0x38;
	[tilespmem:$0x1DDC0] =	vst v63  }
0xc7: {  	_ =	swait.ge [sflag:s31], $0x200  }
0xc8: {  	[sflag:s31] =	ssyncset.done $0x0  }
0xc9: {  	[sflag:s31] =	ssyncadd.s32 $0xFFFFFE00  }
0xca: {  	_ =	swait.ge [sflag:s31], $0x200  }
0xcb: {  	[sflag:s31] =	ssyncset.done $0x0  }
0xcc: {  	[sflag:s31] =	ssyncadd.s32 $0xFFFFFE00  }
0xcd: {  	_ =	swait.ge [sflag:s7], $0x2000  }
0xce: {  	[sflag:s7] =	ssyncset.done $0x0  }
0xcf: {  	s4 =	sadd.s32 $0x680, s22;
	[sflag:s7] =	ssyncadd.s32 $0xFFFFE000  }
0xd0: {  	[spmem:s2] =	stream.indirect.scatter.add.f32 [tilespmem:s13], [sflag:$0x9], $0x40, s4, s11, $0xb8;
	[tilespmem:$0x1DDC0] =	vst v63  }
0xd1: {  	_ =	swait.ge [sflag:s20], $0x2000  }
.Ltmp1:
0xd2: {  	[sflag:s20] =	ssyncset.done $0x0;
	(pc) =	sbr.rel @p1 .LBB2_4-.Ltmp1, $4  }
0xd3: {  	s10 =	sshll.u32 s10, $0x9;
	[sflag:s20] =	ssyncadd.s32 $0xFFFFE000  }
0xd4: {  	[tilespmem:s12], [sflag:$0x4] =	stream.indirect.gather [spmem:s3], $0x40, s10, s11, $0xb8;
	[tilespmem:$0x1DDC0] =	vst v63  }
0xd5: {  	_ =	swait.ge [sflag:s21], $0x2000  }
0xd6: {  	s0 =	sadd.s32 $0x40, s0;
	[sflag:s21] =	ssyncset.done $0x0  }
0xd7: {  	[sflag:s21] =	ssyncadd.s32 $0xFFFFE000  }
0xd8: {  	[spmem:s2] =	stream.indirect.scatter.add.f32 [tilespmem:s14], [sflag:$0xA], $0x40, s29, s11, $0xb8;
	[tilespmem:$0x1DDC0] =	vst v63  }
0xd9: {  	_ =	swait.ge [sflag:s24], $0x2000  }
0xda: {  	[sflag:s24] =	ssyncset.done $0x0  }
0xdb: {  	s0 =	sor.u32 $0x80, s10;
	[sflag:s24] =	ssyncadd.s32 $0xFFFFE000  }
0xdc: {  	[tilespmem:s13], [sflag:$0x5] =	stream.indirect.gather [spmem:s3], $0x40, s0, s11, $0xb8;
	[tilespmem:$0x1DDC0] =	vst v63  }
0xdd: {  	_ =	swait.ge [sflag:s8], $0x2000  }
0xde: {  	[sflag:s8] =	ssyncset.done $0x0  }
0xdf: {  	s29 =	sadd.s32 $0x780, s22;
	[sflag:s8] =	ssyncadd.s32 $0xFFFFE000  }
0xe0: {  	[spmem:s2] =	stream.indirect.scatter.add.f32 [tilespmem:s16], [sflag:$0xB], $0x40, s29, s11, $0xb8;
	[tilespmem:$0x1DDC0] =	vst v63  }
0xe1: {  	_ =	swait.ge [sflag:s26], $0x2000  }
0xe2: {  	[sflag:s26] =	ssyncset.done $0x0  }
0xe3: {  	s31 =	sor.u32 $0x100, s10;
	[sflag:s26] =	ssyncadd.s32 $0xFFFFE000  }
0xe4: {  	[tilespmem:s14], [sflag:$0x6] =	stream.indirect.gather [spmem:s3], $0x40, s31, s11, $0xb8;
	[tilespmem:$0x1DDC0] =	vst v63  }
0xe5: {  	_ =	swait.ge [sflag:s17], $0x2000  }
0xe6: {  	[sflag:s17] =	ssyncset.done $0x0  }
0xe7: {  	s4 =	simm.s32 $0x600;
	[sflag:s17] =	ssyncadd.s32 $0xFFFFE000  }
0xe8: {  	[spmem:s2] =	stream.indirect.scatter.add.f32 [tilespmem:s12], [sflag:$0x8], $0x40, s4, s11, $0xb8;
	[tilespmem:$0x1DDC0] =	vst v63  }
0xe9: {  	_ =	swait.ge [sflag:s30], $0x2000  }
0xea: {  	[sflag:s30] =	ssyncset.done $0x0  }
0xeb: {  	s5 =	simm.s32 $0x180;
	[sflag:s30] =	ssyncadd.s32 $0xFFFFE000  }
0xec: {  	[tilespmem:s16], [sflag:$0x7] =	stream.indirect.gather [spmem:s3], $0x40, s5, s11, $0xb8;
	[tilespmem:$0x1DDC0] =	vst v63  }
0xed: {  	_ =	swait.ge [sflag:s7], $0x2000  }
0xee: {  	[sflag:s7] =	ssyncset.done $0x0  }
0xef: {  	s10 =	simm.s32 $0x680;
	[sflag:s7] =	ssyncadd.s32 $0xFFFFE000  }
0xf0: {  	[spmem:s2] =	stream.indirect.scatter.add.f32 [tilespmem:s13], [sflag:$0x9], $0x40, s10, s11, $0xb8;
	[tilespmem:$0x1DDC0] =	vst v63  }
0xf1: {  	_ =	swait.ge [sflag:s21], $0x2000  }
0xf2: {  	[sflag:s21] =	ssyncset.done $0x0  }
0xf3: {  	s18 =	simm.s32 $0x700;
	[sflag:s21] =	ssyncadd.s32 $0xFFFFE000  }
0xf4: {  	[spmem:s2] =	stream.indirect.scatter.add.f32 [tilespmem:s14], [sflag:$0xA], $0x40, s18, s11, $0xb8;
	[tilespmem:$0x1DDC0] =	vst v63  }
0xf5: {  	_ =	swait.ge [sflag:s8], $0x2000  }
0xf6: {  	[sflag:s8] =	ssyncset.done $0x0  }
0xf7: {  	s22 =	simm.s32 $0x780;
	[sflag:s8] =	ssyncadd.s32 $0xFFFFE000  }
0xf8: {  	[spmem:s2] =	stream.indirect.scatter.add.f32 [tilespmem:s16], [sflag:$0xB], $0x40, s22, s11, $0xb8;
	[tilespmem:$0x1DDC0] =	vst v63  }
0xf9: {  	_ =	swait.ge [sflag:s20], $0x2000  }
0xfa: {  	[sflag:s20] =	ssyncset.done $0x0  }
0xfb: {  	[sflag:s20] =	ssyncadd.s32 $0xFFFFE000  }
0xfc: {  	_ =	swait.ge [sflag:s24], $0x2000  }
0xfd: {  	[sflag:s24] =	ssyncset.done $0x0  }
0xfe: {  	[sflag:s24] =	ssyncadd.s32 $0xFFFFE000  }
0xff: {  	_ =	swait.ge [sflag:s26], $0x2000  }
0x100: {  	[sflag:s26] =	ssyncset.done $0x0  }
0x101: {  	[sflag:s26] =	ssyncadd.s32 $0xFFFFE000  }
0x102: {  	_ =	swait.ge [sflag:s30], $0x2000  }
0x103: {  	[sflag:s30] =	ssyncset.done $0x0  }
0x104: {  	[sflag:s30] =	ssyncadd.s32 $0xFFFFE000  }
0x105: {  	s5 =	simm.s32 $0x8C00;
	[bflag:$0x0] =	sbarrier.arrive $0xFFFF  }
0x106: {  	[tilespmem:s5], [sflag:$0xD] =	stream.linear.gather [spmem:s9], $0x1900, $0x38;
	[tilespmem:$0x1DDC0] =	vst v63  }
0x107: {  	_ =	swait.ge [sflag:s1], $0x1900  }
0x108: {  	[sflag:s1] =	ssyncset.done $0x0  }
0x109: {  	s0 =	simm.s32 $0x0;
	s4 =	rddreg [dreg:$0xe];
	[sflag:s1] =	ssyncadd.s32 $0xFFFFE700  }
0x10a: {  	[hbm4b:s4+s0] =	stream.linear.scatter [tilespmem:s5], [sflag:$0xC], $0x1900, $0x38;
	[tilespmem:$0x1DDC0] =	vst v63  }
0x10b: {  	_ =	swait.ge [sflag:s15], $0x1900  }
0x10c: {  	[sflag:s15] =	ssyncset.done $0x0  }
0x10d: {  	s25 =	rddreg [dreg:$0xf];
	[sflag:s15] =	ssyncadd.s32 $0xFFFFE700  }
0x10e: {  	[tilespmem:s5], [sflag:$0xD] =	stream.linear.gather [spmem:s25], $0x1900, $0x38;
	[tilespmem:$0x1DDC0] =	vst v63  }
0x10f: {  	_ =	swait.ge [sflag:s1], $0x1900  }
0x110: {  	[sflag:s1] =	ssyncset.done $0x0  }
0x111: {  	s28 =	rddreg [dreg:$0x8];
	[sflag:s1] =	ssyncadd.s32 $0xFFFFE700  }
0x112: {  	[hbm4b:s28+s0] =	stream.linear.scatter [tilespmem:s5], [sflag:$0xC], $0x1900, $0x38;
	[tilespmem:$0x1DDC0] =	vst v63  }
0x113: {  	_ =	swait.ge [sflag:s15], $0x1900  }
0x114: {  	[sflag:s15] =	ssyncset.done $0x0  }
0x115: {  	s29 =	rddreg [dreg:$0x10];
	[sflag:s15] =	ssyncadd.s32 $0xFFFFE700  }
0x116: {  	[tilespmem:s5], [sflag:$0xD] =	stream.linear.gather [spmem:s29], $0x1900, $0x38;
	[tilespmem:$0x1DDC0] =	vst v63  }
0x117: {  	_ =	swait.ge [sflag:s1], $0x1900  }
0x118: {  	[sflag:s1] =	ssyncset.done $0x0  }
0x119: {  	s31 =	rddreg [dreg:$0x9];
	[sflag:s1] =	ssyncadd.s32 $0xFFFFE700  }
0x11a: {  	[hbm4b:s31+s0] =	stream.linear.scatter [tilespmem:s5], [sflag:$0xC], $0x1900, $0x38;
	[tilespmem:$0x1DDC0] =	vst v63  }
0x11b: {  	_ =	swait.ge [sflag:s15], $0x1900  }
0x11c: {  	[sflag:s15] =	ssyncset.done $0x0  }
0x11d: {  	s10 =	rddreg [dreg:$0x11];
	[sflag:s15] =	ssyncadd.s32 $0xFFFFE700  }
0x11e: {  	[tilespmem:s5], [sflag:$0xD] =	stream.linear.gather [spmem:s10], $0x1900, $0x38;
	[tilespmem:$0x1DDC0] =	vst v63  }
0x11f: {  	_ =	swait.ge [sflag:s1], $0x1900  }
0x120: {  	[sflag:s1] =	ssyncset.done $0x0  }
0x121: {  	s18 =	rddreg [dreg:$0xa];
	[sflag:s1] =	ssyncadd.s32 $0xFFFFE700  }
0x122: {  	[hbm4b:s18+s0] =	stream.linear.scatter [tilespmem:s5], [sflag:$0xC], $0x1900, $0x38;
	[tilespmem:$0x1DDC0] =	vst v63  }
0x123: {  	_ =	swait.ge [sflag:s15], $0x1900  }
0x124: {  	[sflag:s15] =	ssyncset.done $0x0  }
0x125: {  	s22 =	rddreg [dreg:$0x12];
	[sflag:s15] =	ssyncadd.s32 $0xFFFFE700  }
0x126: {  	[tilespmem:s5], [sflag:$0xD] =	stream.linear.gather [spmem:s22], $0x1900, $0x38;
	[tilespmem:$0x1DDC0] =	vst v63  }
0x127: {  	_ =	swait.ge [sflag:s1], $0x1900  }
0x128: {  	[sflag:s1] =	ssyncset.done $0x0  }
0x129: {  	s25 =	rddreg [dreg:$0xb];
	[sflag:s1] =	ssyncadd.s32 $0xFFFFE700  }
0x12a: {  	[hbm4b:s25+s0] =	stream.linear.scatter [tilespmem:s5], [sflag:$0xC], $0x1900, $0x38;
	[tilespmem:$0x1DDC0] =	vst v63  }
0x12b: {  	_ =	swait.ge [sflag:s15], $0x1900  }
0x12c: {  	[sflag:s15] =	ssyncset.done $0x0  }
0x12d: {  	s28 =	rddreg [dreg:$0x13];
	[sflag:s15] =	ssyncadd.s32 $0xFFFFE700  }
0x12e: {  	[tilespmem:s5], [sflag:$0xD] =	stream.linear.gather [spmem:s28], $0x1900, $0x38;
	[tilespmem:$0x1DDC0] =	vst v63  }
0x12f: {  	_ =	swait.ge [sflag:s1], $0x1900  }
0x130: {  	[sflag:s1] =	ssyncset.done $0x0  }
0x131: {  	s29 =	rddreg [dreg:$0xc];
	[sflag:s1] =	ssyncadd.s32 $0xFFFFE700  }
0x132: {  	[hbm4b:s29+s0] =	stream.linear.scatter [tilespmem:s5], [sflag:$0xC], $0x1900, $0x38;
	[tilespmem:$0x1DDC0] =	vst v63  }
0x133: {  	_ =	swait.ge [sflag:s15], $0x1900  }
0x134: {  	[sflag:s15] =	ssyncset.done $0x0  }
0x135: {  	s0 =	simm.s32 @!p0 $0x8C00;
	s4 =	rddreg [dreg:$0x14];
	[sflag:s15] =	ssyncadd.s32 $0xFFFFE700  }
0x136: {  	[tilespmem:s0], [sflag:$0xD] =	stream.linear.gather @!p0 [spmem:s4], $0x1900, $0x38;
	[tilespmem:$0x1DDC0] =	vst v63  }
0x137: {  	s4 =	simm.s32 @!p0 $0xD  }
0x138: {  	_ =	swait.ge @!p0 [sflag:s4], $0x1900  }
0x139: {  	[sflag:s4] =	ssyncset.done @!p0 $0x0  }
0x13a: {  	s5 =	rddreg [dreg:$0xd];
	[sflag:s4] =	ssyncadd.s32 @!p0 $0xFFFFE700;
	s4 =	simm.s32 @!p0 $0x0  }
0x13b: {  	[hbm4b:s5+s4] =	stream.linear.scatter @!p0 [tilespmem:s0], [sflag:$0xC], $0x1900, $0x38;
	[tilespmem:$0x1DDC0] =	vst v63  }
0x13c: {  	s0 =	simm.s32 @!p0 $0xC  }
0x13d: {  	_ =	swait.ge @!p0 [sflag:s0], $0x1900  }
0x13e: {  	s19 =	sadd.s32 $0x1, s19;
	s31 =	rddreg [dreg:$0x7]  }
0x13f: {  	p1 =	sne.s32 s19, s31  }
.Ltmp2:
0x140: {  	_ = 	snop;
	(pc) =	sbr.rel @p1 .LBB2_1-.Ltmp2, $3  }
0x141: {  	_ =	sdelay $0x1  }
0x142: {  	[sflag:s0] =	ssyncset.done @!p0 $0x0  }
0x143: {  	[sflag:s0] =	ssyncadd.s32 @!p0 $0xFFFFE700  }
0x144: {  	_ =	sfence.sel $0x180000  }
0x145: {  	[bflag:$0x0] =	sbarrier.arrive $0xFFFF  }
0x146: {  	_ =	strace $0x90000047  }
0x147: {  	s0 =	stileid.u32;
	[bflag:$0x2] =	sbarrier.arrive $0xFFFF  }
0x148: {  	p0 =	sne.s32 s0, $0x0;
	s0 =	rddreg [dreg:$0x4]  }
0x149: {  	s0 =	sadd.s32 @!p0 $0x100000, s0  }
0x14a: {  	[sflag:s0] =	ssyncadd.tile.s32 @!p0 $0x1;
	_ =	shalt  }
.Lfunc_end2:
_tile_overlayer_lowered:
.L_overlay_start_2:
0x14b: {  	(tag) =	ssettag $0x2  }
0x14c: {  	s0 =	rddreg [dreg:$0x0];
	s2 =	stileid.u32  }
0x14d: {  	s1 =	rddreg [dreg:$0x1];
	p0 =	sne.s32 s2, $0x0  }
0x14e: {  	s3 =	rddreg [dreg:$0x2];
	[bflag:$0x3] =	sbarrier.arrive $0xFFFF;
	s2 =	simm.s32 @!p0 $0x1C0C  }
0x14f: {  	[timem:s3], [sflag:s2] =	dma.local @!p0 [hbm:s0], s1  }
0x150: {  	s0 =	simm.s32 @!p0 $0xC  }
0x151: {  	_ =	swait.ge @!p0 [sflag:s0], s1  }
0x152: {  	s1 =	ssub.s32 @!p0 $0x0, s1;
	[sflag:s0] =	ssyncset.done @!p0 $0x0  }
0x153: {  	[sflag:s0] =	ssyncadd.s32 @!p0 s1  }
0x154: {  	[bflag:$0x3] =	sbarrier.arrive $0xFFFF  }
0x155: {  	_ =	shalt  }

// kernel: kernel.9.cloned.1.call-start
scs
__scs_entry_jumppad:
0x0: {  	(pc) =	sbr.rel $0x88, $3  }
0x1: {  	(tag) =	ssettag $0x0;
	lr =	simm.s32 $0x1  }
0x2: {  	[smem:$0x3F8E] =	sst lr;
	_ =	strace $0xD0000000  }
0x3: {  	_ = 	snop  }
0x4: {  	_ = 	snop  }
0x5: {  	_ = 	snop  }
0x6: {  	_ = 	snop  }
0x7: {  	_ = 	snop  }
__scs_overlays_trampoline_lowered:
0x8: {  	[smem:$0x3F9D] =	sst s0  }
0x9: {  	[smem:$0x3F9E] =	sst s1  }
0xa: {  	[smem:$0x3F9F] =	sst s2  }
0xb: {  	[smem:$0x3FA0] =	sst s3  }
0xc: {  	[smem:$0x3FA1] =	sst s4  }
0xd: {  	[smem:$0x3FA2] =	sst s5  }
0xe: {  	[smem:$0x3FA3] =	sst s6  }
0xf: {  	[smem:$0x3FA4] =	sst s7  }
0x10: {  	[smem:$0x3FA5] =	sst s8  }
0x11: {  	[smem:$0x3FA6] =	sst s9;
	s0 =	simm.s32 @!p0 $0x0  }
0x12: {  	s1 =	sld [smem:$0x3F8C];
	s0 =	simm.s32 @p0 $0x1  }
0x13: {  	[smem:$0x3FA7] =	sst s0;
	s0 =	simm.s32 @!p1 $0x0  }
0x14: {  	s2 =	sld [smem:$0x3F8B];
	s0 =	simm.s32 @p1 $0x1  }
0x15: {  	[smem:$0x3FA8] =	sst s0;
	s0 =	simm.s32 @!p2 $0x0  }
0x16: {  	s3 =	sld [smem:$0x3FDB];
	s0 =	simm.s32 @p2 $0x1  }
0x17: {  	s4 =	simm.s32 $0x1BF5;
	[smem:$0x3FAA] =	sst s0  }
0x18: {  	s0 =	sld [smem:$0x3F8D];
	_ =	swait.ge [sflag:s4], $0x0  }
0x19: {  	s7 =	sld [smem:$0x3F8E]  }
0x1a: {  	s8 =	sadd.s32 $0xFFFFE003, lr  }
0x1b: {  	s9 =	sadd.s32 $0xFFFFFEF7, lr;
	s5 =	simm.s32 $0xFFFFFFFF;
	p2 =	slt.u32 s8, $0xFFFFF086  }
0x1c: {  	p1 =	slt.u32 s9, $0xF7A;
	s5 =	simm.s32 @!p2 $0x0  }
0x1d: {  	s5 =	simm.s32 @p1 $0x1;
	p0 =	seq.s32 s7, s2  }
0x1e: {  	s7 =	smul.u32 @!p0 $0xF7A, s2;
	p2 =	seq.s32 @!p0 s5, $0x0  }
0x1f: {  	s9 =	smul.u32 $0xF7A, s1;
	s8 =	simm.s32 @!p0 $0x1BF5;
	p2 =	por !p2, p0  }
0x20: {  	[sflag:s8] =	ssyncset.s32 @!p0 $0xFFFFF086;
	s6 =	sadd.s32 @!p0 s3, s7;
	s7 =	simm.s32 @!p0 $0x108  }
0x21: {  	s3 =	sadd.s32 s3, s9;
	s6 =	sadd.s32 @!p0 $0x88, s6;
	s7 =	simm.s32 @p2 $0x1082  }
0x22: {  	[simem:s7], [sflag:s8] =	dma.local @!p0 [hbm:s6], $0xF7A  }
0x23: {  	s9 =	sor.u32 $0xD0000000, s2;
	s6 =	simm.s32 $0x108;
	_ =	swait.ge @!p0 [sflag:s8], $0x0  }
0x24: {  	s3 =	sadd.s32 $0x88, s3;
	s6 =	simm.s32 @!p1 $0x1082;
	[sflag:s4] =	ssyncset.s32 $0xFFFFF086  }
0x25: {  	[simem:s6], [sflag:s4] =	dma.local [hbm:s3], $0xF7A  }
0x26: {  	[smem:$0x3F8E] =	sst s1;
	(tag) =	ssettag s2;
	_ =	strace s9  }
0x27: {  	s1 =	sld [smem:$0x3F9E]  }
0x28: {  	s2 =	sld [smem:$0x3F9F]  }
0x29: {  	s4 =	sld [smem:$0x3FA1]  }
0x2a: {  	p0 =	seq.s32 s5, $0x0;
	s5 =	sld [smem:$0x3FA2]  }
0x2b: {  	s6 =	sld [smem:$0x3FA3]  }
0x2c: {  	s7 =	sld [smem:$0x3FA4]  }
0x2d: {  	s3 =	simm.s32 $0x108;
	s8 =	sld [smem:$0x3FA5]  }
0x2e: {  	s3 =	simm.s32 @!p0 $0x1082;
	s9 =	sld [smem:$0x3FA6]  }
0x2f: {  	lr =	sadd.s32 s0, s3;
	s0 =	sld [smem:$0x3F9D]  }
0x30: {  	s3 =	sld [smem:$0x3FA0]  }
0x31: {  	[smem:$0x3FA9] =	sst s10  }
0x32: {  	s10 =	sld [smem:$0x3FA7];
	_ =	sdelay $0x3  }
0x33: {  	p0 =	seq.s32 s10, $0x1;
	s10 =	sld [smem:$0x3FA9];
	_ =	sdelay $0x3  }
0x34: {  	[smem:$0x3FA9] =	sst s10  }
0x35: {  	s10 =	sld [smem:$0x3FA8];
	_ =	sdelay $0x3  }
0x36: {  	p1 =	seq.s32 s10, $0x1;
	s10 =	sld [smem:$0x3FA9];
	_ =	sdelay $0x3  }
0x37: {  	[smem:$0x3FA9] =	sst s10  }
0x38: {  	s10 =	sld [smem:$0x3FAA]  }
0x39: {  	_ = 	snop;
	(pc) =	sbr.ind lr, $3  }
0x3a: {  	_ = 	snop  }
0x3b: {  	_ = 	snop  }
0x3c: {  	p2 =	seq.s32 s10, $0x1;
	s10 =	sld [smem:$0x3FA9]  }
0x3d: {  	_ =	shalt  }
0x3e: {  	_ =	shalt  }
0x3f: {  	_ =	shalt  }
0x40: {  	_ =	shalt  }
0x41: {  	_ =	shalt  }
0x42: {  	_ =	shalt  }
0x43: {  	_ =	shalt  }
0x44: {  	_ =	shalt  }
0x45: {  	_ =	shalt  }
0x46: {  	_ =	shalt  }
0x47: {  	_ =	shalt  }
0x48: {  	_ =	shalt  }
0x49: {  	_ =	shalt  }
0x4a: {  	_ =	shalt  }
0x4b: {  	_ =	shalt  }
0x4c: {  	_ =	shalt  }
0x4d: {  	_ =	shalt  }
0x4e: {  	_ =	shalt  }
0x4f: {  	_ =	shalt  }
0x50: {  	_ =	shalt  }
0x51: {  	_ =	shalt  }
0x52: {  	_ =	shalt  }
0x53: {  	_ =	shalt  }
0x54: {  	_ =	shalt  }
0x55: {  	_ =	shalt  }
0x56: {  	_ =	shalt  }
0x57: {  	_ =	shalt  }
0x58: {  	_ =	shalt  }
0x59: {  	_ =	shalt  }
0x5a: {  	_ =	shalt  }
0x5b: {  	_ =	shalt  }
0x5c: {  	_ =	shalt  }
0x5d: {  	_ =	shalt  }
0x5e: {  	_ =	shalt  }
0x5f: {  	_ =	shalt  }
0x60: {  	_ =	shalt  }
0x61: {  	_ =	shalt  }
0x62: {  	_ =	shalt  }
0x63: {  	_ =	shalt  }
0x64: {  	_ =	shalt  }
0x65: {  	_ =	shalt  }
0x66: {  	_ =	shalt  }
0x67: {  	_ =	shalt  }
0x68: {  	_ =	shalt  }
0x69: {  	_ =	shalt  }
0x6a: {  	_ =	shalt  }
0x6b: {  	_ =	shalt  }
0x6c: {  	_ =	shalt  }
0x6d: {  	_ =	shalt  }
0x6e: {  	_ =	shalt  }
0x6f: {  	_ =	shalt  }
0x70: {  	_ =	shalt  }
0x71: {  	_ =	shalt  }
0x72: {  	_ =	shalt  }
0x73: {  	_ =	shalt  }
0x74: {  	_ =	shalt  }
0x75: {  	_ =	shalt  }
0x76: {  	_ =	shalt  }
0x77: {  	_ =	shalt  }
0x78: {  	_ =	shalt  }
0x79: {  	_ =	shalt  }
0x7a: {  	_ =	shalt  }
0x7b: {  	_ =	shalt  }
0x7c: {  	_ =	shalt  }
0x7d: {  	_ =	shalt  }
0x7e: {  	_ =	shalt  }
0x7f: {  	_ =	shalt  }
0x80: {  	_ =	shalt  }
0x81: {  	_ =	shalt  }
0x82: {  	_ =	shalt  }
0x83: {  	_ =	shalt  }
0x84: {  	_ =	shalt  }
0x85: {  	_ =	shalt  }
0x86: {  	_ =	shalt  }
0x87: {  	_ =	shalt  }
.Lfunc_end0:
.L_simem_size_0:
called_computation.1_lowered:
.L_overlay_start_0:
0x88: {  	s2 =	sld [smem:$0x3FD9]  }
0x89: {  	s3 =	sld [smem:$0x3FFE];
	_ =	sdelay $0x1  }
0x8a: {  	s1 =	srdreg.scid  }
0x8b: {  	s0 =	sand.u32 $0x1, s1  }
0x8c: {  	s14 =	sshll.u32 s0, $0xA;
	s2 =	sadd.s32 s3, s2  }
0x8d: {  	s2 =	sadd.s32 s2, s14  }
0x8e: {  	[smem:$0x3FB5] =	sst s2  }
0x8f: {  	_ = 	snop  }
0x90: {  	s2 =	sld [smem:$0x3FD0];
	_ =	sdelay $0x2  }
0x91: {  	s15 =	simm.s32 $0xA;
	s4 =	simm.s32 $0x10  }
0x92: {  	[smem:s4], [sflag:s15] =	dma.local [hbm:s2], $0x1  }
0x93: {  	_ =	swait.eq [sflag:s15], $0x1  }
0x94: {  	[sflag:s15] =	ssyncset.done $0x0  }
0x95: {  	[sflag:s15] =	ssyncadd.s32 $0xFFFFFFFF  }
0x96: {  	s16 =	sld [smem:$0x10];
	(tm) =	ssettm $0x1  }
0x97: {  	s17 =	sld [smem:$0x3FFB];
	_ =	sdelay $0x3  }
0x98: {  	_ =	strace s17  }
0x99: {  	s3 =	sld [smem:$0x3FFC];
	_ =	sdelay $0x3  }
0x9a: {  	_ =	strace s3  }
0x9b: {  	s3 =	sld [smem:$0x3FFD];
	_ =	sdelay $0x3  }
0x9c: {  	_ =	strace s3  }
0x9d: {  	_ =	strace $0x8FFFFFFF  }
0x9e: {  	s18 =	sld [smem:$0x3FDB];
	_ =	sdelay $0x1  }
0x9f: {  	s19 =	simm.s32 $_scs_section_size  }
0xa0: {  	s5 =	simm.s32 $_size__tile_overlayer_lowered;
	s6 =	simm.s32 $_tile_overlayer_lowered  }
0xa1: {  	s22 =	simm.s32 $0x1BFF;
	s21 =	sshll.u32 s6, $0x1;
	s3 =	sadd.s32 s19, s18  }
0xa2: {  	s7 =	simm.s32 $0x0;
	s20 =	sshll.u32 s5, $0x1;
	s5 =	sadd.s32 s21, s3  }
0xa3: {  	[timem:s7], [sflag:s22] =	dma.local [hbm:s5], s20  }
0xa4: {  	_ =	swait.ge [sflag:s22], s20  }
0xa5: {  	s4 =	ssub.s32 $0x0, s20;
	[sflag:s22] =	ssyncset.done $0x0  }
0xa6: {  	[sflag:s22] =	ssyncadd.s32 s4;
	_ =	sdelay $0x1  }
0xa7: {  	s23 =	simm.s32 $0x1B8B  }
0xa8: {  	_ =	swait.ge [sflag:s23], $0x1  }
0xa9: {  	[sflag:s23] =	ssyncset.done $0x0  }
0xaa: {  	s25 =	simm.s32 $0x1B8E;
	s24 =	sld [smem:$0x3FFE];
	[sflag:s23] =	ssyncadd.s32 $0xFFFFFFFF  }
0xab: {  	s26 =	simm.s32 $execute0_lowered;
	[smem:$0x3FD2] =	sst s25  }
0xac: {  	s5 =	sshll.u32 s26, $0x1;
	_ =	strace $0x80000049;
	[dreg:$0x1] =	wrdreg $0xFFFFFFFF  }
0xad: {  	s28 =	simm.s32 $_size_execute0_lowered;
	s3 =	sadd.s32 s3, s5;
	[dreg:$0x0] =	wrdreg $0x0  }
0xae: {  	s5 =	sshll.u32 s28, $0x1;
	[dreg:$0x2] =	wrdreg s3  }
0xaf: {  	[dreg:$0x3] =	wrdreg s5  }
0xb0: {  	[dreg:$0x4] =	wrdreg $0xC0  }
0xb1: {  	_ =	task [dreg:s7], $0x5FFFF  }
0xb2: {  	[dreg:$0x1] =	wrdreg $0xFFFFFFFF  }
0xb3: {  	[dreg:$0x0] =	wrdreg $0x60  }
0xb4: {  	[dreg:$0x2] =	wrdreg s16  }
0xb5: {  	[dreg:$0x3] =	wrdreg s24  }
0xb6: {  	[dreg:$0x4] =	wrdreg $0xA5000  }
0xb7: {  	[dreg:$0x5] =	wrdreg $0x141800  }
0xb8: {  	[dreg:$0x6] =	wrdreg $0x9  }
0xb9: {  	_ =	task.clear_ibuf [dreg:s7], $0x7FFFF;
	_ =	strace $0x90000049  }
0xba: {  	s29 =	simm.s32 $0x9;
	_ =	strace $0x8000004B  }
0xbb: {  	_ =	swait.ge [sflag:s29], $0x1  }
0xbc: {  	[sflag:s29] =	ssyncadd.s32 $0xFFFFFFFF  }
0xbd: {  	_ =	strace $0x9000004B  }
0xbe: {  	_ =	sfence  }
0xbf: {  	s30 =	sld [smem:$0x0];
	_ =	sdelay $0x2  }
0xc0: {  	s31 =	sshll.u32 s1, $0xD;
	s1 =	sshrl.u32 s1, $0x2  }
0xc1: {  	s3 =	sand.u32 $0x4000, s31;
	s1 =	sadd.s32 s1, s30  }
0xc2: {  	s0 =	sor.u32 s3, s0;
	s1 =	sshll.u32 s1, $0x11  }
0xc3: {  	s0 =	sor.u32 s1, s0  }
0xc4: {  	s0 =	sadd.s32 $0x8F2B, s0  }
0xc5: {  	[sflag:s0] =	ssyncadd.remote.s32 $0x1  }
0xc6: {  	_ =	sfence.sel $0xFFFF  }
0xc7: {  	[dreg:$0x0] =	wrdreg $0xFFFFFFFF;
	(pc) =	sbr.abs _section_cstart, $3  }
0xc8: {  	[dreg:$0x1] =	wrdreg $0xFFFFFFFF  }
0xc9: {  	_ =	task.clear_ibuf [dreg:s7], $0x2FFFF;
	_ =	strace $0x9FFFFFFF  }
0xca: {  	(tm) =	ssettm $0x7FFFFFFF  }
0xcb: {  	_ =	shalt  }
tec
execute0_lowered:
.L_overlay_start_1:
0x0: {  	(tag) =	ssettag $0x1  }
0x1: {  	s4 =	stileid.u32  }
0x2: {  	s7 =	smul.u32 $0xA00, s4  }
0x3: {  	s0 =	rddreg [dreg:$0x0];
	s8 =	smul.u32 $0x5000, s4  }
0x4: {  	s5 =	srdreg.scid;
	s9 =	smul.u32 $0x6400, s4  }
0x5: {  	s1 =	rddreg [dreg:$0x1];
	s5 =	sand.u32 $0x1, s5;
	s20 =	smul.u32 $0x320, s4  }
0x6: {  	s2 =	rddreg [dreg:$0x2];
	s12 =	sor.u32 $0x10, s4;
	s18 =	smul.u32 $0x13880, s5  }
0x7: {  	s3 =	rddreg [dreg:$0x3];
	s6 =	simm.s32 $0x0;
	s14 =	smul.u32 $0x6400, s12  }
0x8: {  	s30 =	simm.s32 $0xB;
	s19 =	sor.u32 $0x20, s4;
	s12 =	smul.u32 $0x320, s12  }
0x9: {  	[smem:$0x7FF] =	sst s6;
	s23 =	sor.u32 $0x30, s4;
	s22 =	smul.u32 $0x320, s19  }
0xa: {  	s10 =	sadd.s32 $0xCE00, s1;
	s16 =	sor.u32 $0x40, s4;
	s24 =	smul.u32 $0x6400, s23  }
0xb: {  	_ =	strace $0x8000004A;
	s5 =	ssub.s32 $0x2, s5;
	s17 =	smul.u32 $0x320, s16  }
0xc: {  	s11 =	sadd.s32 s7, s1;
	s13 =	sshrl.u32 s5, $0x1;
	s21 =	sshrl.u32 s8, $0x3  }
0xd: {  	s8 =	smul.u32 $0x6400, s19;
	s15 =	sshrl.u32 s9, $0x2;
	s19 =	sor.u32 $0x60, s4  }
0xe: {  	[dreg:$0x5] =	wrdreg s20;
	s1 =	sadd.s32 s18, s1;
	s5 =	ssub.s32 s5, s13  }
0xf: {  	s6 =	sadd.s32 s0, s18;
	s21 =	sadd.s32 s10, s21;
	s13 =	smul.u32 $0x320, s23  }
0x10: {  	s9 =	sadd.s32 s15, s2;
	s18 =	sor.u32 $0x50, s4;
	s26 =	smul.u32 $0x320, s19  }
0x11: {  	s1 =	sadd.s32 $0x16E00, s1;
	s5 =	smax.u32 s5, $0x1;
	[dreg:$0x6] =	wrdreg s21  }
0x12: {  	p0 =	sgt.u32 s19, $0x63;
	[dreg:$0x7] =	wrdreg s5;
	s12 =	sadd.s32 s1, s12  }
0x13: {  	s25 =	smul.u32 $0x320, s18;
	s0 =	sadd.s32 s1, s22;
	[dreg:$0x8] =	wrdreg s12  }
0x14: {  	s8 =	sshrl.u32 s8, $0x2;
	s28 =	sadd.s32 s1, s13;
	[dreg:$0x9] =	wrdreg s0  }
0x15: {  	s29 =	sadd.s32 s1, s17;
	s13 =	smul.u32 $0x6400, s18;
	[dreg:$0xa] =	wrdreg s28  }
0x16: {  	s5 =	sshrl.u32 s24, $0x2;
	s17 =	sadd.s32 s8, s2;
	[dreg:$0xb] =	wrdreg s29  }
0x17: {  	s24 =	sadd.s32 $0x2E00, s11;
	s8 =	simm.s32 $0x7;
	[dreg:$0x10] =	wrdreg s17  }
0x18: {  	s0 =	sadd.s32 s7, s10;
	s31 =	sadd.s32 s1, s25;
	[dreg:$0x15] =	wrdreg s24  }
0x19: {  	s7 =	sadd.s32 s1, s26;
	s1 =	sadd.s32 s1, s20;
	[dreg:$0xc] =	wrdreg s31  }
0x1a: {  	s10 =	smul.u32 $0x6400, s16;
	s12 =	sshrl.u32 s14, $0x2;
	[dreg:$0xd] =	wrdreg s7  }
0x1b: {  	s14 =	smul.u32 $0x6400, s19;
	s18 =	sadd.s32 s5, s2;
	[dreg:$0xe] =	wrdreg s1  }
0x1c: {  	s25 =	sadd.s32 $0x2E40, s11;
	s26 =	sadd.s32 $0x2E80, s11;
	[dreg:$0x11] =	wrdreg s18  }
0x1d: {  	s28 =	sadd.s32 $0x2EC0, s11;
	s29 =	sadd.s32 $0x40, s21;
	[dreg:$0x16] =	wrdreg s25  }
0x1e: {  	s11 =	simm.s32 $0x80;
	s17 =	simm.s32 $0x4;
	[dreg:$0x17] =	wrdreg s26  }
0x1f: {  	s24 =	simm.s32 $0x9;
	s16 =	sadd.s32 s12, s2;
	[dreg:$0x18] =	wrdreg s28  }
0x20: {  	s19 =	sshrl.u32 s13, $0x2;
	s0 =	sadd.s32 $0xC0, s0;
	[dreg:$0x1a] =	wrdreg s29  }
0x21: {  	s31 =	sadd.s32 $0x80, s21;
	s12 =	simm.s32 $0xC00;
	s13 =	simm.s32 $0x2C00  }
0x22: {  	s7 =	simm.s32 $0x5;
	s21 =	simm.s32 $0x6;
	[dreg:$0xf] =	wrdreg s16  }
0x23: {  	s26 =	simm.s32 $0xA;
	s1 =	sshrl.u32 s10, $0x2;
	[dreg:$0x19] =	wrdreg s0  }
0x24: {  	s20 =	sshrl.u32 s14, $0x2;
	s22 =	sadd.s32 s19, s2;
	[dreg:$0x1b] =	wrdreg s31  }
0x25: {  	s14 =	simm.s32 $0x4C00;
	s1 =	sadd.s32 s1, s2;
	[dreg:$0x13] =	wrdreg s22  }
0x26: {  	s16 =	simm.s32 $0x6C00;
	s23 =	sadd.s32 s20, s2;
	[dreg:$0x12] =	wrdreg s1  }
0x27: {  	s19 =	simm.s32 $0x0;
	s20 =	simm.s32 $0x8;
	[dreg:$0x14] =	wrdreg s23  }
0x28: {  	s23 =	sadd.s32 s15, s3;
	s1 =	simm.s32 $0xD;
	s15 =	simm.s32 $0xC  }
.LBB2_1:
0x29: {  	s4 =	stileid.u32  }
0x2a: {  	s18 =	rddreg [dreg:$0x5];
	p1 =	sgt.u32 s4, $0x63  }
0x2b: {  	s0 =	sadd.s32 @!p1 s18, s6  }
0x2c: {  	s5 =	simm.s32 @!p1 $0x0;
	s10 =	simm.s32 @!p1 $0x8C00;
	s22 =	simm.s32 @!p1 $0xD  }
0x2d: {  	[tilespmem:s10], [sflag:$0xD] =	stream.linear.gather @!p1 [hbm4b:s0+s5], $0x1900, $0x38;
	[tilespmem:$0x1DDC0] =	vst v63  }
0x2e: {  	_ =	swait.ge @!p1 [sflag:s22], $0x1900  }
0x2f: {  	[sflag:s22] =	ssyncset.done @!p1 $0x0  }
0x30: {  	s0 =	sadd.s32 @!p1 $0x0, s9;
	[sflag:s22] =	ssyncadd.s32 @!p1 $0xFFFFE700  }
0x31: {  	[spmem:s0] =	stream.linear.scatter @!p1 [tilespmem:s10], [sflag:$0xD], $0x1900, $0x38;
	[tilespmem:$0x1DDC0] =	vst v63  }
0x32: {  	p2 =	por p1, p1;
	_ =	swait.ge @!p1 [sflag:s22], $0x1900  }
0x33: {  	[sflag:s22] =	ssyncset.done @!p2 $0x0  }
0x34: {  	s5 =	sadd.s32 @!p1 $0x0, s23;
	s25 =	simm.s32 @!p2 $0xC;
	[sflag:s22] =	ssyncadd.s32 @!p2 $0xFFFFE700  }
0x35: {  	[spmem:s5] =	stream.linear.scatter @!p2 [tilespmem:s10], [sflag:$0xC], $0x1900, $0x38;
	[tilespmem:$0x1DDC0] =	vst v63  }
0x36: {  	s0 =	simm.s32 $0x64000;
	s22 =	sadd.s32 $0x3200, s18;
	s10 =	sadd.s32 $0x10, s4  }
0x37: {  	s5 =	simm.s32 $0xC8000;
	p1 =	sgt.u32 s10, $0x63;
	_ =	swait.ge @!p2 [sflag:s25], $0x1900  }
.LBB2_2:
0x38: {  	s28 =	sadd.s32 @!p1 s22, s6  }
0x39: {  	s29 =	simm.s32 @!p1 $0x0;
	[sflag:s25] =	ssyncset.done @!p2 $0x0;
	s18 =	smov.u32 s5  }
0x3a: {  	s4 =	simm.s32 @!p1 $0x8C00;
	s31 =	simm.s32 @!p1 $0xD;
	[sflag:s25] =	ssyncadd.s32 @!p2 $0xFFFFE700  }
0x3b: {  	[tilespmem:s4], [sflag:$0xD] =	stream.linear.gather @!p1 [hbm4b:s28+s29], $0x1900, $0x38;
	[tilespmem:$0x1DDC0] =	vst v63  }
0x3c: {  	s5 =	sadd.s32 $0x64000, s5;
	s0 =	sshra.s32 @!p1 s0, $0x2;
	_ =	swait.ge @!p1 [sflag:s31], $0x1900  }
0x3d: {  	s25 =	sadd.s32 @!p1 s0, s9;
	s28 =	sadd.s32 @!p1 s0, s23;
	[sflag:s31] =	ssyncset.done @!p1 $0x0  }
0x3e: {  	p3 =	sne.s32 s5, $0x2BC000;
	s0 =	smov.u32 s18;
	[sflag:s31] =	ssyncadd.s32 @!p1 $0xFFFFE700  }
0x3f: {  	[spmem:s25] =	stream.linear.scatter @!p1 [tilespmem:s4], [sflag:$0xD], $0x1900, $0x38;
	[tilespmem:$0x1DDC0] =	vst v63  }
.Ltmp0:
0x40: {  	p2 =	por p1, p1;
	_ =	swait.ge @!p1 [sflag:s31], $0x1900;
	(pc) =	sbr.rel @p3 .LBB2_2-.Ltmp0, $4  }
0x41: {  	[sflag:s31] =	ssyncset.done @!p2 $0x0  }
0x42: {  	s10 =	sadd.s32 $0x10, s10;
	s25 =	simm.s32 @!p2 $0xC;
	[sflag:s31] =	ssyncadd.s32 @!p2 $0xFFFFE700  }
0x43: {  	[spmem:s28] =	stream.linear.scatter @!p2 [tilespmem:s4], [sflag:$0xC], $0x1900, $0x38;
	[tilespmem:$0x1DDC0] =	vst v63  }
0x44: {  	s22 =	sadd.s32 $0x3200, s22;
	p1 =	sgt.u32 s10, $0x63;
	_ =	swait.ge @!p2 [sflag:s25], $0x1900  }
0x45: {  	s4 =	sadd.s32 @!p1 s22, s6;
	s5 =	simm.s32 @!p1 $0x0;
	[sflag:s25] =	ssyncset.done @!p2 $0x0  }
0x46: {  	s10 =	simm.s32 @!p1 $0x8C00;
	s18 =	simm.s32 @!p1 $0xD;
	[sflag:s25] =	ssyncadd.s32 @!p2 $0xFFFFE700  }
0x47: {  	[tilespmem:s10], [sflag:$0xD] =	stream.linear.gather @!p1 [hbm4b:s4+s5], $0x1900, $0x38;
	[tilespmem:$0x1DDC0] =	vst v63  }
0x48: {  	_ =	swait.ge @!p1 [sflag:s18], $0x1900  }
0x49: {  	s0 =	sshra.s32 @!p1 s0, $0x2;
	[sflag:s18] =	ssyncset.done @!p1 $0x0  }
0x4a: {  	s4 =	sadd.s32 @!p1 s0, s9;
	[sflag:s18] =	ssyncadd.s32 @!p1 $0xFFFFE700  }
0x4b: {  	[spmem:s4] =	stream.linear.scatter @!p1 [tilespmem:s10], [sflag:$0xD], $0x1900, $0x38;
	[tilespmem:$0x1DDC0] =	vst v63  }
0x4c: {  	p2 =	por p1, p1;
	_ =	swait.ge @!p1 [sflag:s18], $0x1900  }
0x4d: {  	[sflag:s18] =	ssyncset.done @!p2 $0x0  }
0x4e: {  	s0 =	sadd.s32 @!p1 s0, s23;
	s4 =	simm.s32 @!p2 $0xC;
	[sflag:s18] =	ssyncadd.s32 @!p2 $0xFFFFE700  }
0x4f: {  	[spmem:s0] =	stream.linear.scatter @!p2 [tilespmem:s10], [sflag:$0xC], $0x1900, $0x38;
	[tilespmem:$0x1DDC0] =	vst v63  }
0x50: {  	_ =	swait.ge @!p2 [sflag:s4], $0x1900  }
0x51: {  	[sflag:s4] =	ssyncset.done @!p2 $0x0  }
0x52: {  	[sflag:s4] =	ssyncadd.s32 @!p2 $0xFFFFE700  }
0x53: {  	[bflag:$0x0] =	sbarrier.arrive $0xFFFF  }
0x54: {  	s0 =	simm.s32 $0x0;
	s10 =	rddreg [dreg:$0x6]  }
0x55: {  	[tilespmem:s0], [sflag:$0x1] =	stream.linear.gather [hbm4b:s10+s0], $0x200, $0x38;
	[tilespmem:$0x1DDC0] =	vst v63  }
0x56: {  	s5 =	simm.s32 $0x600;
	s18 =	rddreg [dreg:$0x15]  }
0x57: {  	[tilespmem:s5], [sflag:$0x1] =	stream.linear.gather [hbm4b:s18+s0], $0x200, $0x38;
	[tilespmem:$0x1DDC0] =	vst v63  }
0x58: {  	s22 =	rddreg [dreg:$0x1a];
	s10 =	simm.s32 $0x200  }
0x59: {  	[tilespmem:s10], [sflag:$0x2] =	stream.linear.gather [hbm4b:s22+s0], $0x200, $0x38;
	[tilespmem:$0x1DDC0] =	vst v63  }
0x5a: {  	s31 =	simm.s32 $0x800;
	s25 =	rddreg [dreg:$0x16]  }
0x5b: {  	[tilespmem:s31], [sflag:$0x2] =	stream.linear.gather [hbm4b:s25+s0], $0x200, $0x38;
	[tilespmem:$0x1DDC0] =	vst v63  }
0x5c: {  	s18 =	rddreg [dreg:$0x1b];
	s22 =	simm.s32 $0x400  }
0x5d: {  	[tilespmem:s22], [sflag:$0x3] =	stream.linear.gather [hbm4b:s18+s0], $0x200, $0x38;
	[tilespmem:$0x1DDC0] =	vst v63  }
0x5e: {  	s25 =	rddreg [dreg:$0x17];
	s31 =	simm.s32 $0xA00;
	s22 =	simm.s32 $0x1  }
0x5f: {  	[tilespmem:s31], [sflag:$0x3] =	stream.linear.gather [hbm4b:s25+s0], $0x200, $0x38;
	[tilespmem:$0x1DDC0] =	vst v63  }
0x60: {  	_ =	swait.ge [sflag:s22], $0x200  }
0x61: {  	[sflag:s22] =	ssyncset.done $0x0  }
0x62: {  	[sflag:s22] =	ssyncadd.s32 $0xFFFFFE00  }
0x63: {  	_ =	swait.ge [sflag:s22], $0x200  }
0x64: {  	[sflag:s22] =	ssyncset.done $0x0  }
0x65: {  	[sflag:s22] =	ssyncadd.s32 $0xFFFFFE00  }
0x66: {  	[tilespmem:s12], [sflag:$0x4] =	stream.indirect.gather [spmem:s3], $0x40, s0, s11, $0xb8;
	[tilespmem:$0x1DDC0] =	vst v63  }
0x67: {  	_ = 	snop  }
0x68: {  	[tilespmem:s13], [sflag:$0x5] =	stream.indirect.gather [spmem:s3], $0x40, s11, s11, $0xb8;
	[tilespmem:$0x1DDC0] =	vst v63  }
0x69: {  	s25 =	simm.s32 $0x100  }
0x6a: {  	[tilespmem:s14], [sflag:$0x6] =	stream.indirect.gather [spmem:s3], $0x40, s25, s11, $0xb8;
	[tilespmem:$0x1DDC0] =	vst v63  }
0x6b: {  	s31 =	simm.s32 $0x180  }
0x6c: {  	[tilespmem:s16], [sflag:$0x7] =	stream.indirect.gather [spmem:s3], $0x40, s31, s11, $0xb8;
	[tilespmem:$0x1DDC0] =	vst v63  }
0x6d: {  	_ =	swait.ge [sflag:s17], $0x2000  }
0x6e: {  	[sflag:s17] =	ssyncset.done $0x0  }
0x6f: {  	s4 =	simm.s32 $0x2;
	[sflag:s17] =	ssyncadd.s32 $0xFFFFE000  }
0x70: {  	[spmem:s2] =	stream.indirect.scatter.add.f32 [tilespmem:s12], [sflag:$0x8], $0x40, s5, s11, $0xb8;
	[tilespmem:$0x1DDC0] =	vst v63  }
0x71: {  	_ =	swait.ge [sflag:s4], $0x200  }
0x72: {  	[sflag:s4] =	ssyncset.done $0x0  }
0x73: {  	[sflag:s4] =	ssyncadd.s32 $0xFFFFFE00  }
0x74: {  	_ =	swait.ge [sflag:s4], $0x200  }
0x75: {  	[sflag:s4] =	ssyncset.done $0x0  }
0x76: {  	[sflag:s4] =	ssyncadd.s32 $0xFFFFFE00  }
0x77: {  	_ =	swait.ge [sflag:s7], $0x2000  }
0x78: {  	[sflag:s7] =	ssyncset.done $0x0  }
0x79: {  	s5 =	simm.s32 $0x680;
	[sflag:s7] =	ssyncadd.s32 $0xFFFFE000  }
0x7a: {  	[spmem:s2] =	stream.indirect.scatter.add.f32 [tilespmem:s13], [sflag:$0x9], $0x40, s5, s11, $0xb8;
	[tilespmem:$0x1DDC0] =	vst v63  }
0x7b: {  	_ =	swait.ge [sflag:s20], $0x2000  }
0x7c: {  	[sflag:s20] =	ssyncset.done $0x0  }
0x7d: {  	[sflag:s20] =	ssyncadd.s32 $0xFFFFE000  }
0x7e: {  	[tilespmem:s12], [sflag:$0x4] =	stream.indirect.gather [spmem:s3], $0x40, s10, s11, $0xb8;
	[tilespmem:$0x1DDC0] =	vst v63  }
0x7f: {  	_ =	swait.ge [sflag:s21], $0x2000  }
0x80: {  	[sflag:s21] =	ssyncset.done $0x0  }
0x81: {  	s0 =	simm.s32 $0x3;
	s10 =	simm.s32 $0x700;
	[sflag:s21] =	ssyncadd.s32 $0xFFFFE000  }
0x82: {  	[spmem:s2] =	stream.indirect.scatter.add.f32 [tilespmem:s14], [sflag:$0xA], $0x40, s10, s11, $0xb8;
	[tilespmem:$0x1DDC0] =	vst v63  }
0x83: {  	s25 =	smul.u32 $0xAB, s0;
	_ =	swait.ge [sflag:s24], $0x2000  }
0x84: {  	p1 =	por $0x0, $0x0;
	s18 =	simm.s32 $0x280;
	[sflag:s24] =	ssyncset.done $0x0  }
0x85: {  	s22 =	simm.s32 $0x780;
	s10 =	sadd.s32 $0xFFFFFEAA, s25;
	[sflag:s24] =	ssyncadd.s32 $0xFFFFE000  }
0x86: {  	[tilespmem:s13], [sflag:$0x5] =	stream.indirect.gather [spmem:s3], $0x40, s18, s11, $0xb8;
	[tilespmem:$0x1DDC0] =	vst v63  }
0x87: {  	s0 =	smul.u32 @!p1 $0xAB, s0;
	s5 =	sshrl.u32 s10, $0x9;
	_ =	swait.ge [sflag:s8], $0x2000  }
0x88: {  	s31 =	simm.s32 $0x300;
	s5 =	sand.u32 $0x7F, s5;
	[sflag:s8] =	ssyncset.done $0x0  }
0x89: {  	s0 =	sshrl.u32 @!p1 s0, $0x9;
	s5 =	smul.u32 $0x3, s5;
	[sflag:s8] =	ssyncadd.s32 $0xFFFFE000  }
0x8a: {  	[spmem:s2] =	stream.indirect.scatter.add.f32 [tilespmem:s16], [sflag:$0xB], $0x40, s22, s11, $0xb8;
	[tilespmem:$0x1DDC0] =	vst v63  }
0x8b: {  	s0 =	sand.u32 @!p1 $0x7F, s0;
	s4 =	sadd.s32 $0xFFFFFF55, s25;
	_ =	swait.ge [sflag:s26], $0x2000  }
0x8c: {  	s4 =	sshrl.u32 s4, $0x9;
	s5 =	ssub.s32 $0x3, s5;
	[sflag:s26] =	ssyncset.done $0x0  }
0x8d: {  	s4 =	sand.u32 $0x7F, s4;
	s5 =	sadd.s32 $0xFFFFFFFE, s5;
	[sflag:s26] =	ssyncadd.s32 $0xFFFFE000  }
0x8e: {  	[tilespmem:s14], [sflag:$0x6] =	stream.indirect.gather [spmem:s3], $0x40, s31, s11, $0xb8;
	[tilespmem:$0x1DDC0] =	vst v63  }
0x8f: {  	s4 =	smul.u32 $0x3, s4;
	s5 =	sand.u32 $0xFF, s5;
	_ =	swait.ge [sflag:s17], $0x2000  }
0x90: {  	s0 =	smul.u32 @!p1 $0x3, s0;
	s22 =	sshll.u32 s5, $0x9;
	[sflag:s17] =	ssyncset.done $0x0  }
0x91: {  	s4 =	sxor.u32 $0xFFFFFFFF, s4;
	s5 =	sadd.s32 $0x600, s22;
	[sflag:s17] =	ssyncadd.s32 $0xFFFFE000  }
0x92: {  	[spmem:s2] =	stream.indirect.scatter.add.f32 [tilespmem:s12], [sflag:$0x8], $0x40, s5, s11, $0xb8;
	[tilespmem:$0x1DDC0] =	vst v63  }
0x93: {  	s0 =	ssub.s32 @!p1 $0x3, s0;
	s4 =	sadd.s32 $0x3, s4;
	_ =	swait.ge [sflag:s30], $0x2000  }
0x94: {  	s0 =	sand.u32 @!p1 $0xFF, s0;
	s4 =	sand.u32 $0xFF, s4;
	[sflag:s30] =	ssyncset.done $0x0  }
0x95: {  	s10 =	simm.s32 @!p1 $0x0;
	s18 =	sor.u32 $0x180, s22;
	[sflag:s30] =	ssyncadd.s32 $0xFFFFE000  }
0x96: {  	[tilespmem:s16], [sflag:$0x7] =	stream.indirect.gather [spmem:s3], $0x40, s18, s11, $0xb8;
	[tilespmem:$0x1DDC0] =	vst v63  }
0x97: {  	s5 =	sadd.s32 @!p1 $0x1, s0;
	s0 =	sshll.u32 @!p1 s0, $0x9;
	s31 =	rddreg [dreg:$0x19]  }
0x98: {  	[tilespmem:s0], [sflag:s5] =	stream.linear.gather @!p1 [hbm4b:s31+s10], $0x200, $0x38;
	[tilespmem:$0x1DDC0] =	vst v63  }
0x99: {  	s25 =	sadd.s32 $0x1, s4;
	s28 =	rddreg [dreg:$0x18];
	s0 =	sadd.s32 @!p1 $0x600, s0  }
0x9a: {  	[tilespmem:s0], [sflag:s5] =	stream.linear.gather @!p1 [hbm4b:s28+s10], $0x200, $0x38;
	[tilespmem:$0x1DDC0] =	vst v63  }
0x9b: {  	_ =	swait.ge [sflag:s25], $0x200  }
0x9c: {  	[sflag:s25] =	ssyncset.done $0x0  }
0x9d: {  	[sflag:s25] =	ssyncadd.s32 $0xFFFFFE00  }
0x9e: {  	_ =	swait.ge [sflag:s25], $0x200  }
0x9f: {  	[sflag:s25] =	ssyncset.done $0x0  }
0xa0: {  	[sflag:s25] =	ssyncadd.s32 $0xFFFFFE00  }
0xa1: {  	_ =	swait.ge [sflag:s7], $0x2000  }
0xa2: {  	[sflag:s7] =	ssyncset.done $0x0  }
0xa3: {  	s25 =	sadd.s32 $0x680, s22;
	[sflag:s7] =	ssyncadd.s32 $0xFFFFE000  }
0xa4: {  	[spmem:s2] =	stream.indirect.scatter.add.f32 [tilespmem:s13], [sflag:$0x9], $0x40, s25, s11, $0xb8;
	[tilespmem:$0x1DDC0] =	vst v63  }
0xa5: {  	_ =	swait.ge [sflag:s20], $0x2000  }
0xa6: {  	[sflag:s20] =	ssyncset.done $0x0  }
0xa7: {  	s10 =	sshll.u32 s4, $0x9;
	[sflag:s20] =	ssyncadd.s32 $0xFFFFE000  }
0xa8: {  	[tilespmem:s12], [sflag:$0x4] =	stream.indirect.gather [spmem:s3], $0x40, s10, s11, $0xb8;
	[tilespmem:$0x1DDC0] =	vst v63  }
0xa9: {  	s29 =	sadd.s32 $0x700, s22;
	_ =	swait.ge [sflag:s21], $0x2000  }
0xaa: {  	s0 =	sadd.s32 $0x40, s31;
	s25 =	simm.s32 $0x4;
	[sflag:s21] =	ssyncset.done $0x0  }
.LBB2_4:
0xab: {  	s4 =	smul.u32 $0xAB, s25  }
0xac: {  	[sflag:s21] =	ssyncadd.s32 $0xFFFFE000;
	s18 =	sor.u32 $0x80, s10;
	s5 =	smov.u32 s25  }
0xad: {  	[spmem:s2] =	stream.indirect.scatter.add.f32 [tilespmem:s14], [sflag:$0xA], $0x40, s29, s11, $0xb8;
	[tilespmem:$0x1DDC0] =	vst v63  }
0xae: {  	s29 =	sadd.s32 $0xFFFFFEAA, s4;
	s4 =	sadd.s32 $0xFFFFFF55, s4;
	_ =	swait.ge [sflag:s24], $0x2000  }
0xaf: {  	s29 =	sshrl.u32 s29, $0x9;
	s4 =	sshrl.u32 s4, $0x9;
	[sflag:s24] =	ssyncset.done $0x0  }
0xb0: {  	s29 =	sand.u32 $0x7F, s29;
	s4 =	sand.u32 $0x7F, s4;
	[sflag:s24] =	ssyncadd.s32 $0xFFFFE000  }
0xb1: {  	[tilespmem:s13], [sflag:$0x5] =	stream.indirect.gather [spmem:s3], $0x40, s18, s11, $0xb8;
	[tilespmem:$0x1DDC0] =	vst v63  }
0xb2: {  	s25 =	sadd.s32 $0x1, s25;
	s4 =	smul.u32 $0x3, s4;
	_ =	swait.ge [sflag:s8], $0x2000  }
0xb3: {  	s10 =	sor.u32 $0x100, s10;
	s18 =	smul.u32 $0x3, s29;
	[sflag:s8] =	ssyncset.done $0x0  }
0xb4: {  	s22 =	sadd.s32 $0x780, s22;
	s4 =	sxor.u32 $0xFFFFFFFF, s4;
	[sflag:s8] =	ssyncadd.s32 $0xFFFFE000  }
0xb5: {  	[spmem:s2] =	stream.indirect.scatter.add.f32 [tilespmem:s16], [sflag:$0xB], $0x40, s22, s11, $0xb8;
	[tilespmem:$0x1DDC0] =	vst v63  }
0xb6: {  	s18 =	ssub.s32 s5, s18;
	s4 =	sadd.s32 s5, s4;
	_ =	swait.ge [sflag:s26], $0x2000  }
0xb7: {  	p2 =	seq.s32 s5, $0x28;
	s18 =	sadd.s32 $0xFFFFFFFE, s18;
	[sflag:s26] =	ssyncset.done $0x0  }
0xb8: {  	s29 =	smul.u32 @!p2 $0xAB, s5;
	s18 =	sand.u32 $0xFF, s18;
	[sflag:s26] =	ssyncadd.s32 $0xFFFFE000  }
0xb9: {  	[tilespmem:s14], [sflag:$0x6] =	stream.indirect.gather [spmem:s3], $0x40, s10, s11, $0xb8;
	[tilespmem:$0x1DDC0] =	vst v63  }
0xba: {  	s22 =	sshll.u32 s18, $0x9;
	s10 =	sand.u32 $0xFF, s4;
	_ =	swait.ge [sflag:s17], $0x2000  }
0xbb: {  	s4 =	sshrl.u32 @!p2 s29, $0x9;
	s29 =	sadd.s32 $0x700, s22;
	[sflag:s17] =	ssyncset.done $0x0  }
0xbc: {  	s18 =	sadd.s32 $0x600, s22;
	s4 =	sand.u32 @!p2 $0x7F, s4;
	[sflag:s17] =	ssyncadd.s32 $0xFFFFE000  }
0xbd: {  	[spmem:s2] =	stream.indirect.scatter.add.f32 [tilespmem:s12], [sflag:$0x8], $0x40, s18, s11, $0xb8;
	[tilespmem:$0x1DDC0] =	vst v63  }
0xbe: {  	p1 =	sne.s32 s25, $0x29;
	s4 =	smul.u32 @!p2 $0x3, s4;
	_ =	swait.ge [sflag:s30], $0x2000  }
0xbf: {  	s28 =	sadd.s32 $0x40, s28;
	[sflag:s30] =	ssyncset.done $0x0  }
0xc0: {  	s18 =	sor.u32 $0x180, s22;
	s4 =	ssub.s32 @!p2 s5, s4;
	[sflag:s30] =	ssyncadd.s32 $0xFFFFE000  }
0xc1: {  	[tilespmem:s16], [sflag:$0x7] =	stream.indirect.gather [spmem:s3], $0x40, s18, s11, $0xb8;
	[tilespmem:$0x1DDC0] =	vst v63  }
0xc2: {  	s4 =	sand.u32 @!p2 $0xFF, s4  }
0xc3: {  	s5 =	sadd.s32 @!p2 $0x1, s4;
	s4 =	sshll.u32 @!p2 s4, $0x9;
	s18 =	simm.s32 @!p2 $0x0  }
0xc4: {  	[tilespmem:s4], [sflag:s5] =	stream.linear.gather @!p2 [hbm4b:s0+s18], $0x200, $0x38;
	[tilespmem:$0x1DDC0] =	vst v63  }
0xc5: {  	s31 =	sadd.s32 $0x1, s10;
	s4 =	sadd.s32 @!p2 $0x600, s4  }
0xc6: {  	[tilespmem:s4], [sflag:s5] =	stream.linear.gather @!p2 [hbm4b:s28+s18], $0x200, $0x38;
	[tilespmem:$0x1DDC0] =	vst v63  }
0xc7: {  	_ =	swait.ge [sflag:s31], $0x200  }
0xc8: {  	[sflag:s31] =	ssyncset.done $0x0  }
0xc9: {  	[sflag:s31] =	ssyncadd.s32 $0xFFFFFE00  }
0xca: {  	_ =	swait.ge [sflag:s31], $0x200  }
0xcb: {  	[sflag:s31] =	ssyncset.done $0x0  }
0xcc: {  	[sflag:s31] =	ssyncadd.s32 $0xFFFFFE00  }
0xcd: {  	_ =	swait.ge [sflag:s7], $0x2000  }
0xce: {  	[sflag:s7] =	ssyncset.done $0x0  }
0xcf: {  	s4 =	sadd.s32 $0x680, s22;
	[sflag:s7] =	ssyncadd.s32 $0xFFFFE000  }
0xd0: {  	[spmem:s2] =	stream.indirect.scatter.add.f32 [tilespmem:s13], [sflag:$0x9], $0x40, s4, s11, $0xb8;
	[tilespmem:$0x1DDC0] =	vst v63  }
0xd1: {  	_ =	swait.ge [sflag:s20], $0x2000  }
.Ltmp1:
0xd2: {  	[sflag:s20] =	ssyncset.done $0x0;
	(pc) =	sbr.rel @p1 .LBB2_4-.Ltmp1, $4  }
0xd3: {  	s10 =	sshll.u32 s10, $0x9;
	[sflag:s20] =	ssyncadd.s32 $0xFFFFE000  }
0xd4: {  	[tilespmem:s12], [sflag:$0x4] =	stream.indirect.gather [spmem:s3], $0x40, s10, s11, $0xb8;
	[tilespmem:$0x1DDC0] =	vst v63  }
0xd5: {  	_ =	swait.ge [sflag:s21], $0x2000  }
0xd6: {  	s0 =	sadd.s32 $0x40, s0;
	[sflag:s21] =	ssyncset.done $0x0  }
0xd7: {  	[sflag:s21] =	ssyncadd.s32 $0xFFFFE000  }
0xd8: {  	[spmem:s2] =	stream.indirect.scatter.add.f32 [tilespmem:s14], [sflag:$0xA], $0x40, s29, s11, $0xb8;
	[tilespmem:$0x1DDC0] =	vst v63  }
0xd9: {  	_ =	swait.ge [sflag:s24], $0x2000  }
0xda: {  	[sflag:s24] =	ssyncset.done $0x0  }
0xdb: {  	s0 =	sor.u32 $0x80, s10;
	[sflag:s24] =	ssyncadd.s32 $0xFFFFE000  }
0xdc: {  	[tilespmem:s13], [sflag:$0x5] =	stream.indirect.gather [spmem:s3], $0x40, s0, s11, $0xb8;
	[tilespmem:$0x1DDC0] =	vst v63  }
0xdd: {  	_ =	swait.ge [sflag:s8], $0x2000  }
0xde: {  	[sflag:s8] =	ssyncset.done $0x0  }
0xdf: {  	s29 =	sadd.s32 $0x780, s22;
	[sflag:s8] =	ssyncadd.s32 $0xFFFFE000  }
0xe0: {  	[spmem:s2] =	stream.indirect.scatter.add.f32 [tilespmem:s16], [sflag:$0xB], $0x40, s29, s11, $0xb8;
	[tilespmem:$0x1DDC0] =	vst v63  }
0xe1: {  	_ =	swait.ge [sflag:s26], $0x2000  }
0xe2: {  	[sflag:s26] =	ssyncset.done $0x0  }
0xe3: {  	s31 =	sor.u32 $0x100, s10;
	[sflag:s26] =	ssyncadd.s32 $0xFFFFE000  }
0xe4: {  	[tilespmem:s14], [sflag:$0x6] =	stream.indirect.gather [spmem:s3], $0x40, s31, s11, $0xb8;
	[tilespmem:$0x1DDC0] =	vst v63  }
0xe5: {  	_ =	swait.ge [sflag:s17], $0x2000  }
0xe6: {  	[sflag:s17] =	ssyncset.done $0x0  }
0xe7: {  	s4 =	simm.s32 $0x600;
	[sflag:s17] =	ssyncadd.s32 $0xFFFFE000  }
0xe8: {  	[spmem:s2] =	stream.indirect.scatter.add.f32 [tilespmem:s12], [sflag:$0x8], $0x40, s4, s11, $0xb8;
	[tilespmem:$0x1DDC0] =	vst v63  }
0xe9: {  	_ =	swait.ge [sflag:s30], $0x2000  }
0xea: {  	[sflag:s30] =	ssyncset.done $0x0  }
0xeb: {  	s5 =	simm.s32 $0x180;
	[sflag:s30] =	ssyncadd.s32 $0xFFFFE000  }
0xec: {  	[tilespmem:s16], [sflag:$0x7] =	stream.indirect.gather [spmem:s3], $0x40, s5, s11, $0xb8;
	[tilespmem:$0x1DDC0] =	vst v63  }
0xed: {  	_ =	swait.ge [sflag:s7], $0x2000  }
0xee: {  	[sflag:s7] =	ssyncset.done $0x0  }
0xef: {  	s10 =	simm.s32 $0x680;
	[sflag:s7] =	ssyncadd.s32 $0xFFFFE000  }
0xf0: {  	[spmem:s2] =	stream.indirect.scatter.add.f32 [tilespmem:s13], [sflag:$0x9], $0x40, s10, s11, $0xb8;
	[tilespmem:$0x1DDC0] =	vst v63  }
0xf1: {  	_ =	swait.ge [sflag:s21], $0x2000  }
0xf2: {  	[sflag:s21] =	ssyncset.done $0x0  }
0xf3: {  	s18 =	simm.s32 $0x700;
	[sflag:s21] =	ssyncadd.s32 $0xFFFFE000  }
0xf4: {  	[spmem:s2] =	stream.indirect.scatter.add.f32 [tilespmem:s14], [sflag:$0xA], $0x40, s18, s11, $0xb8;
	[tilespmem:$0x1DDC0] =	vst v63  }
0xf5: {  	_ =	swait.ge [sflag:s8], $0x2000  }
0xf6: {  	[sflag:s8] =	ssyncset.done $0x0  }
0xf7: {  	s22 =	simm.s32 $0x780;
	[sflag:s8] =	ssyncadd.s32 $0xFFFFE000  }
0xf8: {  	[spmem:s2] =	stream.indirect.scatter.add.f32 [tilespmem:s16], [sflag:$0xB], $0x40, s22, s11, $0xb8;
	[tilespmem:$0x1DDC0] =	vst v63  }
0xf9: {  	_ =	swait.ge [sflag:s20], $0x2000  }
0xfa: {  	[sflag:s20] =	ssyncset.done $0x0  }
0xfb: {  	[sflag:s20] =	ssyncadd.s32 $0xFFFFE000  }
0xfc: {  	_ =	swait.ge [sflag:s24], $0x2000  }
0xfd: {  	[sflag:s24] =	ssyncset.done $0x0  }
0xfe: {  	[sflag:s24] =	ssyncadd.s32 $0xFFFFE000  }
0xff: {  	_ =	swait.ge [sflag:s26], $0x2000  }
0x100: {  	[sflag:s26] =	ssyncset.done $0x0  }
0x101: {  	[sflag:s26] =	ssyncadd.s32 $0xFFFFE000  }
0x102: {  	_ =	swait.ge [sflag:s30], $0x2000  }
0x103: {  	[sflag:s30] =	ssyncset.done $0x0  }
0x104: {  	[sflag:s30] =	ssyncadd.s32 $0xFFFFE000  }
0x105: {  	s5 =	simm.s32 $0x8C00;
	[bflag:$0x0] =	sbarrier.arrive $0xFFFF  }
0x106: {  	[tilespmem:s5], [sflag:$0xD] =	stream.linear.gather [spmem:s9], $0x1900, $0x38;
	[tilespmem:$0x1DDC0] =	vst v63  }
0x107: {  	_ =	swait.ge [sflag:s1], $0x1900  }
0x108: {  	[sflag:s1] =	ssyncset.done $0x0  }
0x109: {  	s0 =	simm.s32 $0x0;
	s4 =	rddreg [dreg:$0xe];
	[sflag:s1] =	ssyncadd.s32 $0xFFFFE700  }
0x10a: {  	[hbm4b:s4+s0] =	stream.linear.scatter [tilespmem:s5], [sflag:$0xC], $0x1900, $0x38;
	[tilespmem:$0x1DDC0] =	vst v63  }
0x10b: {  	_ =	swait.ge [sflag:s15], $0x1900  }
0x10c: {  	[sflag:s15] =	ssyncset.done $0x0  }
0x10d: {  	s25 =	rddreg [dreg:$0xf];
	[sflag:s15] =	ssyncadd.s32 $0xFFFFE700  }
0x10e: {  	[tilespmem:s5], [sflag:$0xD] =	stream.linear.gather [spmem:s25], $0x1900, $0x38;
	[tilespmem:$0x1DDC0] =	vst v63  }
0x10f: {  	_ =	swait.ge [sflag:s1], $0x1900  }
0x110: {  	[sflag:s1] =	ssyncset.done $0x0  }
0x111: {  	s28 =	rddreg [dreg:$0x8];
	[sflag:s1] =	ssyncadd.s32 $0xFFFFE700  }
0x112: {  	[hbm4b:s28+s0] =	stream.linear.scatter [tilespmem:s5], [sflag:$0xC], $0x1900, $0x38;
	[tilespmem:$0x1DDC0] =	vst v63  }
0x113: {  	_ =	swait.ge [sflag:s15], $0x1900  }
0x114: {  	[sflag:s15] =	ssyncset.done $0x0  }
0x115: {  	s29 =	rddreg [dreg:$0x10];
	[sflag:s15] =	ssyncadd.s32 $0xFFFFE700  }
0x116: {  	[tilespmem:s5], [sflag:$0xD] =	stream.linear.gather [spmem:s29], $0x1900, $0x38;
	[tilespmem:$0x1DDC0] =	vst v63  }
0x117: {  	_ =	swait.ge [sflag:s1], $0x1900  }
0x118: {  	[sflag:s1] =	ssyncset.done $0x0  }
0x119: {  	s31 =	rddreg [dreg:$0x9];
	[sflag:s1] =	ssyncadd.s32 $0xFFFFE700  }
0x11a: {  	[hbm4b:s31+s0] =	stream.linear.scatter [tilespmem:s5], [sflag:$0xC], $0x1900, $0x38;
	[tilespmem:$0x1DDC0] =	vst v63  }
0x11b: {  	_ =	swait.ge [sflag:s15], $0x1900  }
0x11c: {  	[sflag:s15] =	ssyncset.done $0x0  }
0x11d: {  	s10 =	rddreg [dreg:$0x11];
	[sflag:s15] =	ssyncadd.s32 $0xFFFFE700  }
0x11e: {  	[tilespmem:s5], [sflag:$0xD] =	stream.linear.gather [spmem:s10], $0x1900, $0x38;
	[tilespmem:$0x1DDC0] =	vst v63  }
0x11f: {  	_ =	swait.ge [sflag:s1], $0x1900  }
0x120: {  	[sflag:s1] =	ssyncset.done $0x0  }
0x121: {  	s18 =	rddreg [dreg:$0xa];
	[sflag:s1] =	ssyncadd.s32 $0xFFFFE700  }
0x122: {  	[hbm4b:s18+s0] =	stream.linear.scatter [tilespmem:s5], [sflag:$0xC], $0x1900, $0x38;
	[tilespmem:$0x1DDC0] =	vst v63  }
0x123: {  	_ =	swait.ge [sflag:s15], $0x1900  }
0x124: {  	[sflag:s15] =	ssyncset.done $0x0  }
0x125: {  	s22 =	rddreg [dreg:$0x12];
	[sflag:s15] =	ssyncadd.s32 $0xFFFFE700  }
0x126: {  	[tilespmem:s5], [sflag:$0xD] =	stream.linear.gather [spmem:s22], $0x1900, $0x38;
	[tilespmem:$0x1DDC0] =	vst v63  }
0x127: {  	_ =	swait.ge [sflag:s1], $0x1900  }
0x128: {  	[sflag:s1] =	ssyncset.done $0x0  }
0x129: {  	s25 =	rddreg [dreg:$0xb];
	[sflag:s1] =	ssyncadd.s32 $0xFFFFE700  }
0x12a: {  	[hbm4b:s25+s0] =	stream.linear.scatter [tilespmem:s5], [sflag:$0xC], $0x1900, $0x38;
	[tilespmem:$0x1DDC0] =	vst v63  }
0x12b: {  	_ =	swait.ge [sflag:s15], $0x1900  }
0x12c: {  	[sflag:s15] =	ssyncset.done $0x0  }
0x12d: {  	s28 =	rddreg [dreg:$0x13];
	[sflag:s15] =	ssyncadd.s32 $0xFFFFE700  }
0x12e: {  	[tilespmem:s5], [sflag:$0xD] =	stream.linear.gather [spmem:s28], $0x1900, $0x38;
	[tilespmem:$0x1DDC0] =	vst v63  }
0x12f: {  	_ =	swait.ge [sflag:s1], $0x1900  }
0x130: {  	[sflag:s1] =	ssyncset.done $0x0  }
0x131: {  	s29 =	rddreg [dreg:$0xc];
	[sflag:s1] =	ssyncadd.s32 $0xFFFFE700  }
0x132: {  	[hbm4b:s29+s0] =	stream.linear.scatter [tilespmem:s5], [sflag:$0xC], $0x1900, $0x38;
	[tilespmem:$0x1DDC0] =	vst v63  }
0x133: {  	_ =	swait.ge [sflag:s15], $0x1900  }
0x134: {  	[sflag:s15] =	ssyncset.done $0x0  }
0x135: {  	s0 =	simm.s32 @!p0 $0x8C00;
	s4 =	rddreg [dreg:$0x14];
	[sflag:s15] =	ssyncadd.s32 $0xFFFFE700  }
0x136: {  	[tilespmem:s0], [sflag:$0xD] =	stream.linear.gather @!p0 [spmem:s4], $0x1900, $0x38;
	[tilespmem:$0x1DDC0] =	vst v63  }
0x137: {  	s4 =	simm.s32 @!p0 $0xD  }
0x138: {  	_ =	swait.ge @!p0 [sflag:s4], $0x1900  }
0x139: {  	[sflag:s4] =	ssyncset.done @!p0 $0x0  }
0x13a: {  	s5 =	rddreg [dreg:$0xd];
	[sflag:s4] =	ssyncadd.s32 @!p0 $0xFFFFE700;
	s4 =	simm.s32 @!p0 $0x0  }
0x13b: {  	[hbm4b:s5+s4] =	stream.linear.scatter @!p0 [tilespmem:s0], [sflag:$0xC], $0x1900, $0x38;
	[tilespmem:$0x1DDC0] =	vst v63  }
0x13c: {  	s0 =	simm.s32 @!p0 $0xC  }
0x13d: {  	_ =	swait.ge @!p0 [sflag:s0], $0x1900  }
0x13e: {  	s19 =	sadd.s32 $0x1, s19;
	s31 =	rddreg [dreg:$0x7]  }
0x13f: {  	p1 =	sne.s32 s19, s31  }
.Ltmp2:
0x140: {  	_ = 	snop;
	(pc) =	sbr.rel @p1 .LBB2_1-.Ltmp2, $3  }
0x141: {  	_ =	sdelay $0x1  }
0x142: {  	[sflag:s0] =	ssyncset.done @!p0 $0x0  }
0x143: {  	[sflag:s0] =	ssyncadd.s32 @!p0 $0xFFFFE700  }
0x144: {  	_ =	sfence.sel $0x180000  }
0x145: {  	[bflag:$0x0] =	sbarrier.arrive $0xFFFF  }
0x146: {  	_ =	strace $0x9000004A  }
0x147: {  	s0 =	stileid.u32;
	[bflag:$0x2] =	sbarrier.arrive $0xFFFF  }
0x148: {  	p0 =	sne.s32 s0, $0x0;
	s0 =	rddreg [dreg:$0x4]  }
0x149: {  	s0 =	sadd.s32 @!p0 $0x100000, s0  }
0x14a: {  	[sflag:s0] =	ssyncadd.tile.s32 @!p0 $0x1;
	_ =	shalt  }
.Lfunc_end2:
_tile_overlayer_lowered:
.L_overlay_start_2:
0x14b: {  	(tag) =	ssettag $0x2  }
0x14c: {  	s0 =	rddreg [dreg:$0x0];
	s2 =	stileid.u32  }
0x14d: {  	s1 =	rddreg [dreg:$0x1];
	p0 =	sne.s32 s2, $0x0  }
0x14e: {  	s3 =	rddreg [dreg:$0x2];
	[bflag:$0x3] =	sbarrier.arrive $0xFFFF;
	s2 =	simm.s32 @!p0 $0x1C0C  }
0x14f: {  	[timem:s3], [sflag:s2] =	dma.local @!p0 [hbm:s0], s1  }
0x150: {  	s0 =	simm.s32 @!p0 $0xC  }
0x151: {  	_ =	swait.ge @!p0 [sflag:s0], s1  }
0x152: {  	s1 =	ssub.s32 @!p0 $0x0, s1;
	[sflag:s0] =	ssyncset.done @!p0 $0x0  }
0x153: {  	[sflag:s0] =	ssyncadd.s32 @!p0 s1  }
0x154: {  	[bflag:$0x3] =	sbarrier.arrive $0xFFFF  }
0x155: {  	_ =	shalt  }

</sc_bundles>
